<compile_context>
chip_gen: v7x
topology: tpu7x:2x2x1
jax: 0.10.2.dev20260603
libtpu: 0.0.44.dev20260713+nightly
codegen_flags: <defaults>
</compile_context>

<pallas_src>
import functools

import jax
import jax.numpy as jnp
from jax import lax
from jax.experimental import pallas as pl
from jax.experimental.pallas import tpu as pltpu
from jax.experimental.pallas import tpu_sc as plsc

BATCH = 16384
EMBED_DIM = 64
ENT_ROWS = 100000
NUM_CORES = 2
NUM_SUBCORES = 16
NUM_WORKERS = NUM_CORES * NUM_SUBCORES
ROWS_PER_WORKER = BATCH // NUM_WORKERS
CHUNK = 256
LANES = 16


def _sc_score(heads, rels, tails, ent, rcat, out,
              hidx, ridx, tidx, hrows, trows, rrows, scores, sem):
    wid = lax.axis_index("s") * NUM_CORES + lax.axis_index("c")
    wbase = wid * ROWS_PER_WORKER
    for chunk in range(ROWS_PER_WORKER // CHUNK):
        off = wbase + chunk * CHUNK
        pltpu.sync_copy(heads.at[pl.ds(off, CHUNK)], hidx)
        pltpu.sync_copy(rels.at[pl.ds(off, CHUNK)], ridx)
        pltpu.sync_copy(tails.at[pl.ds(off, CHUNK)], tidx)
        cps = [
            pltpu.async_copy(ent.at[hidx], hrows, sem),
            pltpu.async_copy(ent.at[tidx], trows, sem),
            pltpu.async_copy(rcat.at[ridx], rrows, sem),
        ]
        for cp in cps:
            cp.wait()
        for g in range(CHUNK // LANES):
            rows = lax.iota(jnp.int32, LANES) + g * LANES

            def dim_step(j, acc, rows=rows):
                jcol = jnp.full((LANES,), j, dtype=jnp.int32)
                b = plsc.load_gather(rrows, [rows, jcol])
                d = plsc.load_gather(rrows, [rows, jcol + EMBED_DIM])
                h = plsc.load_gather(hrows, [rows, jcol])
                t = plsc.load_gather(trows, [rows, jcol])
                dd = jnp.maximum(jnp.abs(d), 1e-6)
                lo = b - dd
                hi = b + dd
                zero = jnp.zeros((LANES,), jnp.float32)
                return (acc
                        + jnp.maximum(lo - h, zero) + jnp.maximum(h - hi, zero)
                        + jnp.maximum(lo - t, zero) + jnp.maximum(t - hi, zero))

            acc = lax.fori_loop(0, EMBED_DIM, dim_step,
                                jnp.zeros((LANES,), jnp.float32))
            scores[pl.ds(g * LANES, LANES)] = -acc
        pltpu.sync_copy(scores, out.at[pl.ds(off, CHUNK)])


@jax.jit
def _launch(heads, rels, tails, ent, rcat):
    mesh = plsc.VectorSubcoreMesh(core_axis_name="c", subcore_axis_name="s")
    k = pl.kernel(
        _sc_score,
        out_type=jax.ShapeDtypeStruct((BATCH,), jnp.float32),
        mesh=mesh,
        compiler_params=pltpu.CompilerParams(
            needs_layout_passes=False, use_tc_tiling_on_sc=False,
            disable_bounds_checks=True),
        scratch_types=[
            pltpu.VMEM((CHUNK,), jnp.int32),
            pltpu.VMEM((CHUNK,), jnp.int32),
            pltpu.VMEM((CHUNK,), jnp.int32),
            pltpu.VMEM((CHUNK, EMBED_DIM), jnp.float32),
            pltpu.VMEM((CHUNK, EMBED_DIM), jnp.float32),
            pltpu.VMEM((CHUNK, 2 * EMBED_DIM), jnp.float32),
            pltpu.VMEM((CHUNK,), jnp.float32),
            pltpu.SemaphoreType.DMA,
        ],
    )
    return k(heads, rels, tails, ent, rcat)


def kernel(triples, entity_embeddings, relation_base, relation_delta):
    heads = triples[:, 0]
    rels = triples[:, 1]
    tails = triples[:, 2]
    ent_used = entity_embeddings[:ENT_ROWS]
    rel_cat = jnp.concatenate([relation_base, relation_delta], axis=1)
    return _launch(heads, rels, tails, ent_used, rel_cat)

# --- scband reference (transcript-rebuilt; emitter-appended) ---
"""Pipeline reference for scband-simple-continual-model-52716428591216 (READ-ONLY COPY).

The authoritative reference and input builder live on the scoring server;
editing this copy changes nothing except your own understanding.
"""

import jax, jax.numpy as jnp
import numpy as np

NUM_ENTITIES = 1000000
NUM_RELATIONS = 100000
EMBED_DIM = 64
BATCH = 16384


def setup_inputs(seed: int = 0) -> dict:
    key = jax.random.key(seed)
    k1, k2, k3, k4 = jax.random.split(key, 4)
    triples = jax.random.randint(k1, (BATCH, 3), 0, NUM_RELATIONS, dtype=jnp.int32)
    # xavier-uniform-like init for entity embeddings and relation base
    ent_bound = float(np.sqrt(6.0 / (NUM_ENTITIES + EMBED_DIM)))
    rel_bound = float(np.sqrt(6.0 / (NUM_RELATIONS + EMBED_DIM)))
    entity_embeddings = jax.random.uniform(k2, (NUM_ENTITIES, EMBED_DIM), minval=-ent_bound, maxval=ent_bound, dtype=jnp.float32)
    relation_base = jax.random.uniform(k3, (NUM_RELATIONS, EMBED_DIM), minval=-rel_bound, maxval=rel_bound, dtype=jnp.float32)
    relation_delta = jax.random.uniform(k4, (NUM_RELATIONS, EMBED_DIM), minval=0.01, maxval=0.1, dtype=jnp.float32)
    return {
        "triples": triples,
        "entity_embeddings": entity_embeddings,
        "relation_base": relation_base,
        "relation_delta": relation_delta,
    }


def _point_to_box_distance(points, lower, upper):
    dist_to_lower = jnp.clip(lower - points, 0.0, None)
    dist_to_upper = jnp.clip(points - upper, 0.0, None)
    return jnp.sum(dist_to_lower + dist_to_upper, axis=-1)


def reference(triples, entity_embeddings, relation_base, relation_delta):
    heads = triples[:, 0]
    relations = triples[:, 1]
    tails = triples[:, 2]
    head_emb = jnp.take(entity_embeddings, heads, axis=0)
    tail_emb = jnp.take(entity_embeddings, tails, axis=0)
    base = jnp.take(relation_base, relations, axis=0)
    delta = jnp.abs(jnp.take(relation_delta, relations, axis=0))
    delta = jnp.clip(delta, 1e-06, None)
    lower_bounds = base - delta
    upper_bounds = base + delta
    head_distance = _point_to_box_distance(head_emb, lower_bounds, upper_bounds)
    tail_distance = _point_to_box_distance(tail_emb, lower_bounds, upper_bounds)
    total_distance = head_distance + tail_distance
    scores = -total_distance
    return scores

if __name__ == "__main__":
    import jax
    _d = setup_inputs()
    print(jax.jit(kernel)(*tuple(_d.values())))

</pallas_src>

<mosaic_0001>
#map = affine_map<(d0, d1) -> (0)>
#map1 = affine_map<(d0, d1) -> (0, 0)>
module attributes {stable_mosaic.version = 14 : i64} {
  func.func @_sc_score(%arg0: i32, %arg1: i32, %arg2: memref<16384xi32, #tpu.memory_space<hbm>>, %arg3: memref<16384xi32, #tpu.memory_space<hbm>>, %arg4: memref<16384xi32, #tpu.memory_space<hbm>>, %arg5: memref<100000x64xf32, #tpu.memory_space<hbm>>, %arg6: memref<100000x128xf32, #tpu.memory_space<hbm>>, %arg7: memref<16384xf32, #tpu.memory_space<hbm>>, %arg8: memref<256xi32, #tpu.memory_space<vmem>>, %arg9: memref<256xi32, #tpu.memory_space<vmem>>, %arg10: memref<256xi32, #tpu.memory_space<vmem>>, %arg11: memref<256x64xf32, #tpu.memory_space<vmem>>, %arg12: memref<256x64xf32, #tpu.memory_space<vmem>>, %arg13: memref<256x128xf32, #tpu.memory_space<vmem>>, %arg14: memref<256xf32, #tpu.memory_space<vmem>>, %arg15: memref<!tpu.dma_semaphore, #tpu.memory_space<semaphore_mem>>) attributes {dimension_semantics = [#tpu.dimension_semantics<core_parallel>, #tpu.dimension_semantics<subcore_parallel>], iteration_bounds = array<i64: 2, 16>, scalar_prefetch = 0 : i64, scratch_operands = 8 : i64, tpu.core_type = #tpu.core_type<sc_vector_subcore>, window_params = [{transform_indices = #map}, {transform_indices = #map}, {transform_indices = #map}, {transform_indices = #map1}, {transform_indices = #map1}, {transform_indices = #map}]} {
    %mul3A = arith.constant 2 : i32
    %mul3A_0 = arith.muli %arg1, %mul3A : i32
    %add3A = arith.addi %mul3A_0, %arg0 : i32
    %mul3A_1 = arith.constant 512 : i32
    %mul3A_2 = arith.muli %add3A, %mul3A_1 : i32
    %add3A_3 = arith.constant 0 : i32
    %add3A_4 = arith.addi %mul3A_2, %add3A_3 : i32
    "tpu.region"() ({
      %run_scoped3A = tpu.sem_alloc : memref<!tpu.dma_semaphore, #tpu.memory_space<semaphore_mem>>
      %dma_start3A_580 = tpu.memref_slice %arg2[%add3A_4] : memref<16384xi32, #tpu.memory_space<hbm>> -> memref<256xi32, #tpu.memory_space<hbm>>
      %dma_start3A_581 = tpu.memref_slice %arg2[%add3A_4] : memref<16384xi32, #tpu.memory_space<hbm>> -> memref<256xi32, #tpu.memory_space<hbm>>
      tpu.enqueue_dma source(%dma_start3A_581 : memref<256xi32, #tpu.memory_space<hbm>>) target(%arg8 : memref<256xi32, #tpu.memory_space<vmem>>) target_semaphore(%run_scoped3A : memref<!tpu.dma_semaphore, #tpu.memory_space<semaphore_mem>>)
      %dma_wait3A_582 = tpu.memref_slice %arg2[%add3A_4] : memref<16384xi32, #tpu.memory_space<hbm>> -> memref<256xi32, #tpu.memory_space<hbm>>
      %dma_wait3A_583 = tpu.memref_slice %arg2[%add3A_4] : memref<16384xi32, #tpu.memory_space<hbm>> -> memref<256xi32, #tpu.memory_space<hbm>>
      tpu.wait_dma2 semaphore(%run_scoped3A : memref<!tpu.dma_semaphore, #tpu.memory_space<semaphore_mem>>) src(%dma_wait3A_583 : memref<256xi32, #tpu.memory_space<hbm>>) dst(%arg8 : memref<256xi32, #tpu.memory_space<vmem>>)
      tpu.yield
    }) : () -> ()
    "tpu.region"() ({
      %run_scoped3A = tpu.sem_alloc : memref<!tpu.dma_semaphore, #tpu.memory_space<semaphore_mem>>
      %dma_start3A_580 = tpu.memref_slice %arg3[%add3A_4] : memref<16384xi32, #tpu.memory_space<hbm>> -> memref<256xi32, #tpu.memory_space<hbm>>
      %dma_start3A_581 = tpu.memref_slice %arg3[%add3A_4] : memref<16384xi32, #tpu.memory_space<hbm>> -> memref<256xi32, #tpu.memory_space<hbm>>
      tpu.enqueue_dma source(%dma_start3A_581 : memref<256xi32, #tpu.memory_space<hbm>>) target(%arg9 : memref<256xi32, #tpu.memory_space<vmem>>) target_semaphore(%run_scoped3A : memref<!tpu.dma_semaphore, #tpu.memory_space<semaphore_mem>>)
      %dma_wait3A_582 = tpu.memref_slice %arg3[%add3A_4] : memref<16384xi32, #tpu.memory_space<hbm>> -> memref<256xi32, #tpu.memory_space<hbm>>
      %dma_wait3A_583 = tpu.memref_slice %arg3[%add3A_4] : memref<16384xi32, #tpu.memory_space<hbm>> -> memref<256xi32, #tpu.memory_space<hbm>>
      tpu.wait_dma2 semaphore(%run_scoped3A : memref<!tpu.dma_semaphore, #tpu.memory_space<semaphore_mem>>) src(%dma_wait3A_583 : memref<256xi32, #tpu.memory_space<hbm>>) dst(%arg9 : memref<256xi32, #tpu.memory_space<vmem>>)
      tpu.yield
    }) : () -> ()
    "tpu.region"() ({
      %run_scoped3A = tpu.sem_alloc : memref<!tpu.dma_semaphore, #tpu.memory_space<semaphore_mem>>
      %dma_start3A_580 = tpu.memref_slice %arg4[%add3A_4] : memref<16384xi32, #tpu.memory_space<hbm>> -> memref<256xi32, #tpu.memory_space<hbm>>
      %dma_start3A_581 = tpu.memref_slice %arg4[%add3A_4] : memref<16384xi32, #tpu.memory_space<hbm>> -> memref<256xi32, #tpu.memory_space<hbm>>
      tpu.enqueue_dma source(%dma_start3A_581 : memref<256xi32, #tpu.memory_space<hbm>>) target(%arg10 : memref<256xi32, #tpu.memory_space<vmem>>) target_semaphore(%run_scoped3A : memref<!tpu.dma_semaphore, #tpu.memory_space<semaphore_mem>>)
      %dma_wait3A_582 = tpu.memref_slice %arg4[%add3A_4] : memref<16384xi32, #tpu.memory_space<hbm>> -> memref<256xi32, #tpu.memory_space<hbm>>
      %dma_wait3A_583 = tpu.memref_slice %arg4[%add3A_4] : memref<16384xi32, #tpu.memory_space<hbm>> -> memref<256xi32, #tpu.memory_space<hbm>>
      tpu.wait_dma2 semaphore(%run_scoped3A : memref<!tpu.dma_semaphore, #tpu.memory_space<semaphore_mem>>) src(%dma_wait3A_583 : memref<256xi32, #tpu.memory_space<hbm>>) dst(%arg10 : memref<256xi32, #tpu.memory_space<vmem>>)
      tpu.yield
    }) : () -> ()
    %dma_start3A = arith.constant 0 : i32
    %dma_start3A_5 = arith.constant 0 : i32
    %dma_start3A_6 = tpu.memref_slice %arg5[%dma_start3A, %dma_start3A_5] : memref<100000x64xf32, #tpu.memory_space<hbm>> -> memref<100000x64xf32, #tpu.memory_space<hbm>>
    tpu.enqueue_indirect_dma source(%dma_start3A_6 : memref<100000x64xf32, #tpu.memory_space<hbm>>) target(%arg11 : memref<256x64xf32, #tpu.memory_space<vmem>>) offsets(%arg8 : memref<256xi32, #tpu.memory_space<vmem>>) semaphore(%arg15 : memref<!tpu.dma_semaphore, #tpu.memory_space<semaphore_mem>>)
    %dma_start3A_7 = arith.constant 0 : i32
    %dma_start3A_8 = arith.constant 0 : i32
    %dma_start3A_9 = tpu.memref_slice %arg5[%dma_start3A_7, %dma_start3A_8] : memref<100000x64xf32, #tpu.memory_space<hbm>> -> memref<100000x64xf32, #tpu.memory_space<hbm>>
    tpu.enqueue_indirect_dma source(%dma_start3A_9 : memref<100000x64xf32, #tpu.memory_space<hbm>>) target(%arg12 : memref<256x64xf32, #tpu.memory_space<vmem>>) offsets(%arg10 : memref<256xi32, #tpu.memory_space<vmem>>) semaphore(%arg15 : memref<!tpu.dma_semaphore, #tpu.memory_space<semaphore_mem>>)
    %dma_start3A_10 = arith.constant 0 : i32
    %dma_start3A_11 = arith.constant 0 : i32
    %dma_start3A_12 = tpu.memref_slice %arg6[%dma_start3A_10, %dma_start3A_11] : memref<100000x128xf32, #tpu.memory_space<hbm>> -> memref<100000x128xf32, #tpu.memory_space<hbm>>
    tpu.enqueue_indirect_dma source(%dma_start3A_12 : memref<100000x128xf32, #tpu.memory_space<hbm>>) target(%arg13 : memref<256x128xf32, #tpu.memory_space<vmem>>) offsets(%arg9 : memref<256xi32, #tpu.memory_space<vmem>>) semaphore(%arg15 : memref<!tpu.dma_semaphore, #tpu.memory_space<semaphore_mem>>)
    %dma_wait3A = arith.constant 0 : i32
    %dma_wait3A_13 = arith.constant 0 : i32
    %dma_wait3A_14 = tpu.memref_slice %arg5[%dma_wait3A, %dma_wait3A_13] : memref<100000x64xf32, #tpu.memory_space<hbm>> -> memref<100000x64xf32, #tpu.memory_space<hbm>>
    tpu.wait_indirect_dma semaphore(%arg15 : memref<!tpu.dma_semaphore, #tpu.memory_space<semaphore_mem>>) src(%dma_wait3A_14 : memref<100000x64xf32, #tpu.memory_space<hbm>>) dst(%arg11 : memref<256x64xf32, #tpu.memory_space<vmem>>)
    %dma_wait3A_15 = arith.constant 0 : i32
    %dma_wait3A_16 = arith.constant 0 : i32
    %dma_wait3A_17 = tpu.memref_slice %arg5[%dma_wait3A_15, %dma_wait3A_16] : memref<100000x64xf32, #tpu.memory_space<hbm>> -> memref<100000x64xf32, #tpu.memory_space<hbm>>
    tpu.wait_indirect_dma semaphore(%arg15 : memref<!tpu.dma_semaphore, #tpu.memory_space<semaphore_mem>>) src(%dma_wait3A_17 : memref<100000x64xf32, #tpu.memory_space<hbm>>) dst(%arg12 : memref<256x64xf32, #tpu.memory_space<vmem>>)
    %dma_wait3A_18 = arith.constant 0 : i32
    %dma_wait3A_19 = arith.constant 0 : i32
    %dma_wait3A_20 = tpu.memref_slice %arg6[%dma_wait3A_18, %dma_wait3A_19] : memref<100000x128xf32, #tpu.memory_space<hbm>> -> memref<100000x128xf32, #tpu.memory_space<hbm>>
    tpu.wait_indirect_dma semaphore(%arg15 : memref<!tpu.dma_semaphore, #tpu.memory_space<semaphore_mem>>) src(%dma_wait3A_20 : memref<100000x128xf32, #tpu.memory_space<hbm>>) dst(%arg13 : memref<256x128xf32, #tpu.memory_space<vmem>>)
    %iota3A = tpu.iota {dimensions = array<i32: 0>} : vector<16xi32>
    %add3A_21 = arith.constant 0 : i32
    %add3A_22 = vector.broadcast %add3A_21 : i32 to vector<16xi32>
    %add3A_23 = arith.addi %iota3A, %add3A_22 : vector<16xi32>
    %broadcast_in_dim3A = arith.constant 0.000000e+00 : f32
    %broadcast_in_dim3A_24 = vector.broadcast %broadcast_in_dim3A : f32 to vector<16xf32>
    %scan3A = arith.constant 0 : i32
    %scan3A_25 = arith.constant 64 : i32
    %scan3A_26 = arith.addi %scan3A, %scan3A_25 : i32
    %scan3A_27 = arith.constant 1 : i32
    %scan3A_28 = scf.for %scan3A_580 = %scan3A to %scan3A_26 step %scan3A_27 iter_args(%scan3A_581 = %broadcast_in_dim3A_24) -> (vector<16xf32>)  : i32 {
      %broadcast_in_dim3A_582 = vector.broadcast %scan3A_580 : i32 to vector<16xi32>
      %gather3A = tpu.vector_load_idx %arg13[%add3A_23, %broadcast_in_dim3A_582] : memref<256x128xf32, #tpu.memory_space<vmem>>[vector<16xi32>, vector<16xi32>], vector<16xf32>,
      %add3A_583 = arith.constant 64 : i32
      %add3A_584 = vector.broadcast %add3A_583 : i32 to vector<16xi32>
      %add3A_585 = arith.addi %broadcast_in_dim3A_582, %add3A_584 : vector<16xi32>
      %gather3A_586 = tpu.vector_load_idx %arg13[%add3A_23, %add3A_585] : memref<256x128xf32, #tpu.memory_space<vmem>>[vector<16xi32>, vector<16xi32>], vector<16xf32>,
      %gather3A_587 = tpu.vector_load_idx %arg11[%add3A_23, %broadcast_in_dim3A_582] : memref<256x64xf32, #tpu.memory_space<vmem>>[vector<16xi32>, vector<16xi32>], vector<16xf32>,
      %gather3A_588 = tpu.vector_load_idx %arg12[%add3A_23, %broadcast_in_dim3A_582] : memref<256x64xf32, #tpu.memory_space<vmem>>[vector<16xi32>, vector<16xi32>], vector<16xf32>,
      %abs3A = math.absf %gather3A_586 : vector<16xf32>
      %max3A = arith.constant 9.99999997E-7 : f32
      %max3A_589 = vector.broadcast %max3A : f32 to vector<16xf32>
      %max3A_590 = arith.maximumf %abs3A, %max3A_589 : vector<16xf32>
      %sub3A = arith.subf %gather3A, %max3A_590 : vector<16xf32>
      %add3A_591 = arith.addf %gather3A, %max3A_590 : vector<16xf32>
      %broadcast_in_dim3A_592 = arith.constant 0.000000e+00 : f32
      %broadcast_in_dim3A_593 = vector.broadcast %broadcast_in_dim3A_592 : f32 to vector<16xf32>
      %sub3A_594 = arith.subf %sub3A, %gather3A_587 : vector<16xf32>
      %max3A_595 = arith.maximumf %sub3A_594, %broadcast_in_dim3A_593 : vector<16xf32>
      %add3A_596 = arith.addf %scan3A_581, %max3A_595 : vector<16xf32>
      %sub3A_597 = arith.subf %gather3A_587, %add3A_591 : vector<16xf32>
      %max3A_598 = arith.maximumf %sub3A_597, %broadcast_in_dim3A_593 : vector<16xf32>
      %add3A_599 = arith.addf %add3A_596, %max3A_598 : vector<16xf32>
      %sub3A_600 = arith.subf %sub3A, %gather3A_588 : vector<16xf32>
      %max3A_601 = arith.maximumf %sub3A_600, %broadcast_in_dim3A_593 : vector<16xf32>
      %add3A_602 = arith.addf %add3A_599, %max3A_601 : vector<16xf32>
      %sub3A_603 = arith.subf %gather3A_588, %add3A_591 : vector<16xf32>
      %max3A_604 = arith.maximumf %sub3A_603, %broadcast_in_dim3A_593 : vector<16xf32>
      %add3A_605 = arith.addf %add3A_602, %max3A_604 : vector<16xf32>
      scf.yield %add3A_605 : vector<16xf32>
    }
    %scan3A_29 = arith.constant 64 : i32
    %neg3A = arith.constant 0.000000e+00 : f32
    %neg3A_30 = vector.broadcast %neg3A : f32 to vector<16xf32>
    %neg3A_31 = arith.subf %neg3A_30, %scan3A_28 : vector<16xf32>
    %swap3A = arith.constant 0 : index
    %swap3A_32 = tpu.vector_load %arg14[%swap3A] {strides = array<i32>} : memref<256xf32, #tpu.memory_space<vmem>>, vector<16xf32>,
    tpu.vector_store %arg14[%swap3A], %neg3A_31 {strides = array<i32>} : memref<256xf32, #tpu.memory_space<vmem>>, vector<16xf32>,
    %iota3A_33 = tpu.iota {dimensions = array<i32: 0>} : vector<16xi32>
    %add3A_34 = arith.constant 16 : i32
    %add3A_35 = vector.broadcast %add3A_34 : i32 to vector<16xi32>
    %add3A_36 = arith.addi %iota3A_33, %add3A_35 : vector<16xi32>
    %broadcast_in_dim3A_37 = arith.constant 0.000000e+00 : f32
    %broadcast_in_dim3A_38 = vector.broadcast %broadcast_in_dim3A_37 : f32 to vector<16xf32>
    %scan3A_39 = arith.constant 0 : i32
    %scan3A_40 = arith.constant 64 : i32
    %scan3A_41 = arith.addi %scan3A_39, %scan3A_40 : i32
    %scan3A_42 = arith.constant 1 : i32
    %scan3A_43 = scf.for %scan3A_580 = %scan3A_39 to %scan3A_41 step %scan3A_42 iter_args(%scan3A_581 = %broadcast_in_dim3A_38) -> (vector<16xf32>)  : i32 {
      %broadcast_in_dim3A_582 = vector.broadcast %scan3A_580 : i32 to vector<16xi32>
      %gather3A = tpu.vector_load_idx %arg13[%add3A_36, %broadcast_in_dim3A_582] : memref<256x128xf32, #tpu.memory_space<vmem>>[vector<16xi32>, vector<16xi32>], vector<16xf32>,
      %add3A_583 = arith.constant 64 : i32
      %add3A_584 = vector.broadcast %add3A_583 : i32 to vector<16xi32>
      %add3A_585 = arith.addi %broadcast_in_dim3A_582, %add3A_584 : vector<16xi32>
      %gather3A_586 = tpu.vector_load_idx %arg13[%add3A_36, %add3A_585] : memref<256x128xf32, #tpu.memory_space<vmem>>[vector<16xi32>, vector<16xi32>], vector<16xf32>,
      %gather3A_587 = tpu.vector_load_idx %arg11[%add3A_36, %broadcast_in_dim3A_582] : memref<256x64xf32, #tpu.memory_space<vmem>>[vector<16xi32>, vector<16xi32>], vector<16xf32>,
      %gather3A_588 = tpu.vector_load_idx %arg12[%add3A_36, %broadcast_in_dim3A_582] : memref<256x64xf32, #tpu.memory_space<vmem>>[vector<16xi32>, vector<16xi32>], vector<16xf32>,
      %abs3A = math.absf %gather3A_586 : vector<16xf32>
      %max3A = arith.constant 9.99999997E-7 : f32
      %max3A_589 = vector.broadcast %max3A : f32 to vector<16xf32>
      %max3A_590 = arith.maximumf %abs3A, %max3A_589 : vector<16xf32>
      %sub3A = arith.subf %gather3A, %max3A_590 : vector<16xf32>
      %add3A_591 = arith.addf %gather3A, %max3A_590 : vector<16xf32>
      %broadcast_in_dim3A_592 = arith.constant 0.000000e+00 : f32
      %broadcast_in_dim3A_593 = vector.broadcast %broadcast_in_dim3A_592 : f32 to vector<16xf32>
      %sub3A_594 = arith.subf %sub3A, %gather3A_587 : vector<16xf32>
      %max3A_595 = arith.maximumf %sub3A_594, %broadcast_in_dim3A_593 : vector<16xf32>
      %add3A_596 = arith.addf %scan3A_581, %max3A_595 : vector<16xf32>
      %sub3A_597 = arith.subf %gather3A_587, %add3A_591 : vector<16xf32>
      %max3A_598 = arith.maximumf %sub3A_597, %broadcast_in_dim3A_593 : vector<16xf32>
      %add3A_599 = arith.addf %add3A_596, %max3A_598 : vector<16xf32>
      %sub3A_600 = arith.subf %sub3A, %gather3A_588 : vector<16xf32>
      %max3A_601 = arith.maximumf %sub3A_600, %broadcast_in_dim3A_593 : vector<16xf32>
      %add3A_602 = arith.addf %add3A_599, %max3A_601 : vector<16xf32>
      %sub3A_603 = arith.subf %gather3A_588, %add3A_591 : vector<16xf32>
      %max3A_604 = arith.maximumf %sub3A_603, %broadcast_in_dim3A_593 : vector<16xf32>
      %add3A_605 = arith.addf %add3A_602, %max3A_604 : vector<16xf32>
      scf.yield %add3A_605 : vector<16xf32>
    }
    %scan3A_44 = arith.constant 64 : i32
    %neg3A_45 = arith.constant 0.000000e+00 : f32
    %neg3A_46 = vector.broadcast %neg3A_45 : f32 to vector<16xf32>
    %neg3A_47 = arith.subf %neg3A_46, %scan3A_43 : vector<16xf32>
    %swap3A_48 = arith.constant 16 : index
    %swap3A_49 = tpu.vector_load %arg14[%swap3A_48] {strides = array<i32>} : memref<256xf32, #tpu.memory_space<vmem>>, vector<16xf32>,
    tpu.vector_store %arg14[%swap3A_48], %neg3A_47 {strides = array<i32>} : memref<256xf32, #tpu.memory_space<vmem>>, vector<16xf32>,
    %iota3A_50 = tpu.iota {dimensions = array<i32: 0>} : vector<16xi32>
    %add3A_51 = arith.constant 32 : i32
    %add3A_52 = vector.broadcast %add3A_51 : i32 to vector<16xi32>
    %add3A_53 = arith.addi %iota3A_50, %add3A_52 : vector<16xi32>
    %broadcast_in_dim3A_54 = arith.constant 0.000000e+00 : f32
    %broadcast_in_dim3A_55 = vector.broadcast %broadcast_in_dim3A_54 : f32 to vector<16xf32>
    %scan3A_56 = arith.constant 0 : i32
    %scan3A_57 = arith.constant 64 : i32
    %scan3A_58 = arith.addi %scan3A_56, %scan3A_57 : i32
    %scan3A_59 = arith.constant 1 : i32
    %scan3A_60 = scf.for %scan3A_580 = %scan3A_56 to %scan3A_58 step %scan3A_59 iter_args(%scan3A_581 = %broadcast_in_dim3A_55) -> (vector<16xf32>)  : i32 {
      %broadcast_in_dim3A_582 = vector.broadcast %scan3A_580 : i32 to vector<16xi32>
      %gather3A = tpu.vector_load_idx %arg13[%add3A_53, %broadcast_in_dim3A_582] : memref<256x128xf32, #tpu.memory_space<vmem>>[vector<16xi32>, vector<16xi32>], vector<16xf32>,
      %add3A_583 = arith.constant 64 : i32
      %add3A_584 = vector.broadcast %add3A_583 : i32 to vector<16xi32>
      %add3A_585 = arith.addi %broadcast_in_dim3A_582, %add3A_584 : vector<16xi32>
      %gather3A_586 = tpu.vector_load_idx %arg13[%add3A_53, %add3A_585] : memref<256x128xf32, #tpu.memory_space<vmem>>[vector<16xi32>, vector<16xi32>], vector<16xf32>,
      %gather3A_587 = tpu.vector_load_idx %arg11[%add3A_53, %broadcast_in_dim3A_582] : memref<256x64xf32, #tpu.memory_space<vmem>>[vector<16xi32>, vector<16xi32>], vector<16xf32>,
      %gather3A_588 = tpu.vector_load_idx %arg12[%add3A_53, %broadcast_in_dim3A_582] : memref<256x64xf32, #tpu.memory_space<vmem>>[vector<16xi32>, vector<16xi32>], vector<16xf32>,
      %abs3A = math.absf %gather3A_586 : vector<16xf32>
      %max3A = arith.constant 9.99999997E-7 : f32
      %max3A_589 = vector.broadcast %max3A : f32 to vector<16xf32>
      %max3A_590 = arith.maximumf %abs3A, %max3A_589 : vector<16xf32>
      %sub3A = arith.subf %gather3A, %max3A_590 : vector<16xf32>
      %add3A_591 = arith.addf %gather3A, %max3A_590 : vector<16xf32>
      %broadcast_in_dim3A_592 = arith.constant 0.000000e+00 : f32
      %broadcast_in_dim3A_593 = vector.broadcast %broadcast_in_dim3A_592 : f32 to vector<16xf32>
      %sub3A_594 = arith.subf %sub3A, %gather3A_587 : vector<16xf32>
      %max3A_595 = arith.maximumf %sub3A_594, %broadcast_in_dim3A_593 : vector<16xf32>
      %add3A_596 = arith.addf %scan3A_581, %max3A_595 : vector<16xf32>
      %sub3A_597 = arith.subf %gather3A_587, %add3A_591 : vector<16xf32>
      %max3A_598 = arith.maximumf %sub3A_597, %broadcast_in_dim3A_593 : vector<16xf32>
      %add3A_599 = arith.addf %add3A_596, %max3A_598 : vector<16xf32>
      %sub3A_600 = arith.subf %sub3A, %gather3A_588 : vector<16xf32>
      %max3A_601 = arith.maximumf %sub3A_600, %broadcast_in_dim3A_593 : vector<16xf32>
      %add3A_602 = arith.addf %add3A_599, %max3A_601 : vector<16xf32>
      %sub3A_603 = arith.subf %gather3A_588, %add3A_591 : vector<16xf32>
      %max3A_604 = arith.maximumf %sub3A_603, %broadcast_in_dim3A_593 : vector<16xf32>
      %add3A_605 = arith.addf %add3A_602, %max3A_604 : vector<16xf32>
      scf.yield %add3A_605 : vector<16xf32>
    }
    %scan3A_61 = arith.constant 64 : i32
    %neg3A_62 = arith.constant 0.000000e+00 : f32
    %neg3A_63 = vector.broadcast %neg3A_62 : f32 to vector<16xf32>
    %neg3A_64 = arith.subf %neg3A_63, %scan3A_60 : vector<16xf32>
    %swap3A_65 = arith.constant 32 : index
    %swap3A_66 = tpu.vector_load %arg14[%swap3A_65] {strides = array<i32>} : memref<256xf32, #tpu.memory_space<vmem>>, vector<16xf32>,
    tpu.vector_store %arg14[%swap3A_65], %neg3A_64 {strides = array<i32>} : memref<256xf32, #tpu.memory_space<vmem>>, vector<16xf32>,
    %iota3A_67 = tpu.iota {dimensions = array<i32: 0>} : vector<16xi32>
    %add3A_68 = arith.constant 48 : i32
    %add3A_69 = vector.broadcast %add3A_68 : i32 to vector<16xi32>
    %add3A_70 = arith.addi %iota3A_67, %add3A_69 : vector<16xi32>
    %broadcast_in_dim3A_71 = arith.constant 0.000000e+00 : f32
    %broadcast_in_dim3A_72 = vector.broadcast %broadcast_in_dim3A_71 : f32 to vector<16xf32>
    %scan3A_73 = arith.constant 0 : i32
    %scan3A_74 = arith.constant 64 : i32
    %scan3A_75 = arith.addi %scan3A_73, %scan3A_74 : i32
    %scan3A_76 = arith.constant 1 : i32
    %scan3A_77 = scf.for %scan3A_580 = %scan3A_73 to %scan3A_75 step %scan3A_76 iter_args(%scan3A_581 = %broadcast_in_dim3A_72) -> (vector<16xf32>)  : i32 {
      %broadcast_in_dim3A_582 = vector.broadcast %scan3A_580 : i32 to vector<16xi32>
      %gather3A = tpu.vector_load_idx %arg13[%add3A_70, %broadcast_in_dim3A_582] : memref<256x128xf32, #tpu.memory_space<vmem>>[vector<16xi32>, vector<16xi32>], vector<16xf32>,
      %add3A_583 = arith.constant 64 : i32
      %add3A_584 = vector.broadcast %add3A_583 : i32 to vector<16xi32>
      %add3A_585 = arith.addi %broadcast_in_dim3A_582, %add3A_584 : vector<16xi32>
      %gather3A_586 = tpu.vector_load_idx %arg13[%add3A_70, %add3A_585] : memref<256x128xf32, #tpu.memory_space<vmem>>[vector<16xi32>, vector<16xi32>], vector<16xf32>,
      %gather3A_587 = tpu.vector_load_idx %arg11[%add3A_70, %broadcast_in_dim3A_582] : memref<256x64xf32, #tpu.memory_space<vmem>>[vector<16xi32>, vector<16xi32>], vector<16xf32>,
      %gather3A_588 = tpu.vector_load_idx %arg12[%add3A_70, %broadcast_in_dim3A_582] : memref<256x64xf32, #tpu.memory_space<vmem>>[vector<16xi32>, vector<16xi32>], vector<16xf32>,
      %abs3A = math.absf %gather3A_586 : vector<16xf32>
      %max3A = arith.constant 9.99999997E-7 : f32
      %max3A_589 = vector.broadcast %max3A : f32 to vector<16xf32>
      %max3A_590 = arith.maximumf %abs3A, %max3A_589 : vector<16xf32>
      %sub3A = arith.subf %gather3A, %max3A_590 : vector<16xf32>
      %add3A_591 = arith.addf %gather3A, %max3A_590 : vector<16xf32>
      %broadcast_in_dim3A_592 = arith.constant 0.000000e+00 : f32
      %broadcast_in_dim3A_593 = vector.broadcast %broadcast_in_dim3A_592 : f32 to vector<16xf32>
      %sub3A_594 = arith.subf %sub3A, %gather3A_587 : vector<16xf32>
      %max3A_595 = arith.maximumf %sub3A_594, %broadcast_in_dim3A_593 : vector<16xf32>
      %add3A_596 = arith.addf %scan3A_581, %max3A_595 : vector<16xf32>
      %sub3A_597 = arith.subf %gather3A_587, %add3A_591 : vector<16xf32>
      %max3A_598 = arith.maximumf %sub3A_597, %broadcast_in_dim3A_593 : vector<16xf32>
      %add3A_599 = arith.addf %add3A_596, %max3A_598 : vector<16xf32>
      %sub3A_600 = arith.subf %sub3A, %gather3A_588 : vector<16xf32>
      %max3A_601 = arith.maximumf %sub3A_600, %broadcast_in_dim3A_593 : vector<16xf32>
      %add3A_602 = arith.addf %add3A_599, %max3A_601 : vector<16xf32>
      %sub3A_603 = arith.subf %gather3A_588, %add3A_591 : vector<16xf32>
      %max3A_604 = arith.maximumf %sub3A_603, %broadcast_in_dim3A_593 : vector<16xf32>
      %add3A_605 = arith.addf %add3A_602, %max3A_604 : vector<16xf32>
      scf.yield %add3A_605 : vector<16xf32>
    }
    %scan3A_78 = arith.constant 64 : i32
    %neg3A_79 = arith.constant 0.000000e+00 : f32
    %neg3A_80 = vector.broadcast %neg3A_79 : f32 to vector<16xf32>
    %neg3A_81 = arith.subf %neg3A_80, %scan3A_77 : vector<16xf32>
    %swap3A_82 = arith.constant 48 : index
    %swap3A_83 = tpu.vector_load %arg14[%swap3A_82] {strides = array<i32>} : memref<256xf32, #tpu.memory_space<vmem>>, vector<16xf32>,
    tpu.vector_store %arg14[%swap3A_82], %neg3A_81 {strides = array<i32>} : memref<256xf32, #tpu.memory_space<vmem>>, vector<16xf32>,
    %iota3A_84 = tpu.iota {dimensions = array<i32: 0>} : vector<16xi32>
    %add3A_85 = arith.constant 64 : i32
    %add3A_86 = vector.broadcast %add3A_85 : i32 to vector<16xi32>
    %add3A_87 = arith.addi %iota3A_84, %add3A_86 : vector<16xi32>
    %broadcast_in_dim3A_88 = arith.constant 0.000000e+00 : f32
    %broadcast_in_dim3A_89 = vector.broadcast %broadcast_in_dim3A_88 : f32 to vector<16xf32>
    %scan3A_90 = arith.constant 0 : i32
    %scan3A_91 = arith.constant 64 : i32
    %scan3A_92 = arith.addi %scan3A_90, %scan3A_91 : i32
    %scan3A_93 = arith.constant 1 : i32
    %scan3A_94 = scf.for %scan3A_580 = %scan3A_90 to %scan3A_92 step %scan3A_93 iter_args(%scan3A_581 = %broadcast_in_dim3A_89) -> (vector<16xf32>)  : i32 {
      %broadcast_in_dim3A_582 = vector.broadcast %scan3A_580 : i32 to vector<16xi32>
      %gather3A = tpu.vector_load_idx %arg13[%add3A_87, %broadcast_in_dim3A_582] : memref<256x128xf32, #tpu.memory_space<vmem>>[vector<16xi32>, vector<16xi32>], vector<16xf32>,
      %add3A_583 = arith.constant 64 : i32
      %add3A_584 = vector.broadcast %add3A_583 : i32 to vector<16xi32>
      %add3A_585 = arith.addi %broadcast_in_dim3A_582, %add3A_584 : vector<16xi32>
      %gather3A_586 = tpu.vector_load_idx %arg13[%add3A_87, %add3A_585] : memref<256x128xf32, #tpu.memory_space<vmem>>[vector<16xi32>, vector<16xi32>], vector<16xf32>,
      %gather3A_587 = tpu.vector_load_idx %arg11[%add3A_87, %broadcast_in_dim3A_582] : memref<256x64xf32, #tpu.memory_space<vmem>>[vector<16xi32>, vector<16xi32>], vector<16xf32>,
      %gather3A_588 = tpu.vector_load_idx %arg12[%add3A_87, %broadcast_in_dim3A_582] : memref<256x64xf32, #tpu.memory_space<vmem>>[vector<16xi32>, vector<16xi32>], vector<16xf32>,
      %abs3A = math.absf %gather3A_586 : vector<16xf32>
      %max3A = arith.constant 9.99999997E-7 : f32
      %max3A_589 = vector.broadcast %max3A : f32 to vector<16xf32>
      %max3A_590 = arith.maximumf %abs3A, %max3A_589 : vector<16xf32>
      %sub3A = arith.subf %gather3A, %max3A_590 : vector<16xf32>
      %add3A_591 = arith.addf %gather3A, %max3A_590 : vector<16xf32>
      %broadcast_in_dim3A_592 = arith.constant 0.000000e+00 : f32
      %broadcast_in_dim3A_593 = vector.broadcast %broadcast_in_dim3A_592 : f32 to vector<16xf32>
      %sub3A_594 = arith.subf %sub3A, %gather3A_587 : vector<16xf32>
      %max3A_595 = arith.maximumf %sub3A_594, %broadcast_in_dim3A_593 : vector<16xf32>
      %add3A_596 = arith.addf %scan3A_581, %max3A_595 : vector<16xf32>
      %sub3A_597 = arith.subf %gather3A_587, %add3A_591 : vector<16xf32>
      %max3A_598 = arith.maximumf %sub3A_597, %broadcast_in_dim3A_593 : vector<16xf32>
      %add3A_599 = arith.addf %add3A_596, %max3A_598 : vector<16xf32>
      %sub3A_600 = arith.subf %sub3A, %gather3A_588 : vector<16xf32>
      %max3A_601 = arith.maximumf %sub3A_600, %broadcast_in_dim3A_593 : vector<16xf32>
      %add3A_602 = arith.addf %add3A_599, %max3A_601 : vector<16xf32>
      %sub3A_603 = arith.subf %gather3A_588, %add3A_591 : vector<16xf32>
      %max3A_604 = arith.maximumf %sub3A_603, %broadcast_in_dim3A_593 : vector<16xf32>
      %add3A_605 = arith.addf %add3A_602, %max3A_604 : vector<16xf32>
      scf.yield %add3A_605 : vector<16xf32>
    }
    %scan3A_95 = arith.constant 64 : i32
    %neg3A_96 = arith.constant 0.000000e+00 : f32
    %neg3A_97 = vector.broadcast %neg3A_96 : f32 to vector<16xf32>
    %neg3A_98 = arith.subf %neg3A_97, %scan3A_94 : vector<16xf32>
    %swap3A_99 = arith.constant 64 : index
    %swap3A_100 = tpu.vector_load %arg14[%swap3A_99] {strides = array<i32>} : memref<256xf32, #tpu.memory_space<vmem>>, vector<16xf32>,
    tpu.vector_store %arg14[%swap3A_99], %neg3A_98 {strides = array<i32>} : memref<256xf32, #tpu.memory_space<vmem>>, vector<16xf32>,
    %iota3A_101 = tpu.iota {dimensions = array<i32: 0>} : vector<16xi32>
    %add3A_102 = arith.constant 80 : i32
    %add3A_103 = vector.broadcast %add3A_102 : i32 to vector<16xi32>
    %add3A_104 = arith.addi %iota3A_101, %add3A_103 : vector<16xi32>
    %broadcast_in_dim3A_105 = arith.constant 0.000000e+00 : f32
    %broadcast_in_dim3A_106 = vector.broadcast %broadcast_in_dim3A_105 : f32 to vector<16xf32>
    %scan3A_107 = arith.constant 0 : i32
    %scan3A_108 = arith.constant 64 : i32
    %scan3A_109 = arith.addi %scan3A_107, %scan3A_108 : i32
    %scan3A_110 = arith.constant 1 : i32
    %scan3A_111 = scf.for %scan3A_580 = %scan3A_107 to %scan3A_109 step %scan3A_110 iter_args(%scan3A_581 = %broadcast_in_dim3A_106) -> (vector<16xf32>)  : i32 {
      %broadcast_in_dim3A_582 = vector.broadcast %scan3A_580 : i32 to vector<16xi32>
      %gather3A = tpu.vector_load_idx %arg13[%add3A_104, %broadcast_in_dim3A_582] : memref<256x128xf32, #tpu.memory_space<vmem>>[vector<16xi32>, vector<16xi32>], vector<16xf32>,
      %add3A_583 = arith.constant 64 : i32
      %add3A_584 = vector.broadcast %add3A_583 : i32 to vector<16xi32>
      %add3A_585 = arith.addi %broadcast_in_dim3A_582, %add3A_584 : vector<16xi32>
      %gather3A_586 = tpu.vector_load_idx %arg13[%add3A_104, %add3A_585] : memref<256x128xf32, #tpu.memory_space<vmem>>[vector<16xi32>, vector<16xi32>], vector<16xf32>,
      %gather3A_587 = tpu.vector_load_idx %arg11[%add3A_104, %broadcast_in_dim3A_582] : memref<256x64xf32, #tpu.memory_space<vmem>>[vector<16xi32>, vector<16xi32>], vector<16xf32>,
      %gather3A_588 = tpu.vector_load_idx %arg12[%add3A_104, %broadcast_in_dim3A_582] : memref<256x64xf32, #tpu.memory_space<vmem>>[vector<16xi32>, vector<16xi32>], vector<16xf32>,
      %abs3A = math.absf %gather3A_586 : vector<16xf32>
      %max3A = arith.constant 9.99999997E-7 : f32
      %max3A_589 = vector.broadcast %max3A : f32 to vector<16xf32>
      %max3A_590 = arith.maximumf %abs3A, %max3A_589 : vector<16xf32>
      %sub3A = arith.subf %gather3A, %max3A_590 : vector<16xf32>
      %add3A_591 = arith.addf %gather3A, %max3A_590 : vector<16xf32>
      %broadcast_in_dim3A_592 = arith.constant 0.000000e+00 : f32
      %broadcast_in_dim3A_593 = vector.broadcast %broadcast_in_dim3A_592 : f32 to vector<16xf32>
      %sub3A_594 = arith.subf %sub3A, %gather3A_587 : vector<16xf32>
      %max3A_595 = arith.maximumf %sub3A_594, %broadcast_in_dim3A_593 : vector<16xf32>
      %add3A_596 = arith.addf %scan3A_581, %max3A_595 : vector<16xf32>
      %sub3A_597 = arith.subf %gather3A_587, %add3A_591 : vector<16xf32>
      %max3A_598 = arith.maximumf %sub3A_597, %broadcast_in_dim3A_593 : vector<16xf32>
      %add3A_599 = arith.addf %add3A_596, %max3A_598 : vector<16xf32>
      %sub3A_600 = arith.subf %sub3A, %gather3A_588 : vector<16xf32>
      %max3A_601 = arith.maximumf %sub3A_600, %broadcast_in_dim3A_593 : vector<16xf32>
      %add3A_602 = arith.addf %add3A_599, %max3A_601 : vector<16xf32>
      %sub3A_603 = arith.subf %gather3A_588, %add3A_591 : vector<16xf32>
      %max3A_604 = arith.maximumf %sub3A_603, %broadcast_in_dim3A_593 : vector<16xf32>
      %add3A_605 = arith.addf %add3A_602, %max3A_604 : vector<16xf32>
      scf.yield %add3A_605 : vector<16xf32>
    }
    %scan3A_112 = arith.constant 64 : i32
    %neg3A_113 = arith.constant 0.000000e+00 : f32
    %neg3A_114 = vector.broadcast %neg3A_113 : f32 to vector<16xf32>
    %neg3A_115 = arith.subf %neg3A_114, %scan3A_111 : vector<16xf32>
    %swap3A_116 = arith.constant 80 : index
    %swap3A_117 = tpu.vector_load %arg14[%swap3A_116] {strides = array<i32>} : memref<256xf32, #tpu.memory_space<vmem>>, vector<16xf32>,
    tpu.vector_store %arg14[%swap3A_116], %neg3A_115 {strides = array<i32>} : memref<256xf32, #tpu.memory_space<vmem>>, vector<16xf32>,
    %iota3A_118 = tpu.iota {dimensions = array<i32: 0>} : vector<16xi32>
    %add3A_119 = arith.constant 96 : i32
    %add3A_120 = vector.broadcast %add3A_119 : i32 to vector<16xi32>
    %add3A_121 = arith.addi %iota3A_118, %add3A_120 : vector<16xi32>
    %broadcast_in_dim3A_122 = arith.constant 0.000000e+00 : f32
    %broadcast_in_dim3A_123 = vector.broadcast %broadcast_in_dim3A_122 : f32 to vector<16xf32>
    %scan3A_124 = arith.constant 0 : i32
    %scan3A_125 = arith.constant 64 : i32
    %scan3A_126 = arith.addi %scan3A_124, %scan3A_125 : i32
    %scan3A_127 = arith.constant 1 : i32
    %scan3A_128 = scf.for %scan3A_580 = %scan3A_124 to %scan3A_126 step %scan3A_127 iter_args(%scan3A_581 = %broadcast_in_dim3A_123) -> (vector<16xf32>)  : i32 {
      %broadcast_in_dim3A_582 = vector.broadcast %scan3A_580 : i32 to vector<16xi32>
      %gather3A = tpu.vector_load_idx %arg13[%add3A_121, %broadcast_in_dim3A_582] : memref<256x128xf32, #tpu.memory_space<vmem>>[vector<16xi32>, vector<16xi32>], vector<16xf32>,
      %add3A_583 = arith.constant 64 : i32
      %add3A_584 = vector.broadcast %add3A_583 : i32 to vector<16xi32>
      %add3A_585 = arith.addi %broadcast_in_dim3A_582, %add3A_584 : vector<16xi32>
      %gather3A_586 = tpu.vector_load_idx %arg13[%add3A_121, %add3A_585] : memref<256x128xf32, #tpu.memory_space<vmem>>[vector<16xi32>, vector<16xi32>], vector<16xf32>,
      %gather3A_587 = tpu.vector_load_idx %arg11[%add3A_121, %broadcast_in_dim3A_582] : memref<256x64xf32, #tpu.memory_space<vmem>>[vector<16xi32>, vector<16xi32>], vector<16xf32>,
      %gather3A_588 = tpu.vector_load_idx %arg12[%add3A_121, %broadcast_in_dim3A_582] : memref<256x64xf32, #tpu.memory_space<vmem>>[vector<16xi32>, vector<16xi32>], vector<16xf32>,
      %abs3A = math.absf %gather3A_586 : vector<16xf32>
      %max3A = arith.constant 9.99999997E-7 : f32
      %max3A_589 = vector.broadcast %max3A : f32 to vector<16xf32>
      %max3A_590 = arith.maximumf %abs3A, %max3A_589 : vector<16xf32>
      %sub3A = arith.subf %gather3A, %max3A_590 : vector<16xf32>
      %add3A_591 = arith.addf %gather3A, %max3A_590 : vector<16xf32>
      %broadcast_in_dim3A_592 = arith.constant 0.000000e+00 : f32
      %broadcast_in_dim3A_593 = vector.broadcast %broadcast_in_dim3A_592 : f32 to vector<16xf32>
      %sub3A_594 = arith.subf %sub3A, %gather3A_587 : vector<16xf32>
      %max3A_595 = arith.maximumf %sub3A_594, %broadcast_in_dim3A_593 : vector<16xf32>
      %add3A_596 = arith.addf %scan3A_581, %max3A_595 : vector<16xf32>
      %sub3A_597 = arith.subf %gather3A_587, %add3A_591 : vector<16xf32>
      %max3A_598 = arith.maximumf %sub3A_597, %broadcast_in_dim3A_593 : vector<16xf32>
      %add3A_599 = arith.addf %add3A_596, %max3A_598 : vector<16xf32>
      %sub3A_600 = arith.subf %sub3A, %gather3A_588 : vector<16xf32>
      %max3A_601 = arith.maximumf %sub3A_600, %broadcast_in_dim3A_593 : vector<16xf32>
      %add3A_602 = arith.addf %add3A_599, %max3A_601 : vector<16xf32>
      %sub3A_603 = arith.subf %gather3A_588, %add3A_591 : vector<16xf32>
      %max3A_604 = arith.maximumf %sub3A_603, %broadcast_in_dim3A_593 : vector<16xf32>
      %add3A_605 = arith.addf %add3A_602, %max3A_604 : vector<16xf32>
      scf.yield %add3A_605 : vector<16xf32>
    }
    %scan3A_129 = arith.constant 64 : i32
    %neg3A_130 = arith.constant 0.000000e+00 : f32
    %neg3A_131 = vector.broadcast %neg3A_130 : f32 to vector<16xf32>
    %neg3A_132 = arith.subf %neg3A_131, %scan3A_128 : vector<16xf32>
    %swap3A_133 = arith.constant 96 : index
    %swap3A_134 = tpu.vector_load %arg14[%swap3A_133] {strides = array<i32>} : memref<256xf32, #tpu.memory_space<vmem>>, vector<16xf32>,
    tpu.vector_store %arg14[%swap3A_133], %neg3A_132 {strides = array<i32>} : memref<256xf32, #tpu.memory_space<vmem>>, vector<16xf32>,
    %iota3A_135 = tpu.iota {dimensions = array<i32: 0>} : vector<16xi32>
    %add3A_136 = arith.constant 112 : i32
    %add3A_137 = vector.broadcast %add3A_136 : i32 to vector<16xi32>
    %add3A_138 = arith.addi %iota3A_135, %add3A_137 : vector<16xi32>
    %broadcast_in_dim3A_139 = arith.constant 0.000000e+00 : f32
    %broadcast_in_dim3A_140 = vector.broadcast %broadcast_in_dim3A_139 : f32 to vector<16xf32>
    %scan3A_141 = arith.constant 0 : i32
    %scan3A_142 = arith.constant 64 : i32
    %scan3A_143 = arith.addi %scan3A_141, %scan3A_142 : i32
    %scan3A_144 = arith.constant 1 : i32
    %scan3A_145 = scf.for %scan3A_580 = %scan3A_141 to %scan3A_143 step %scan3A_144 iter_args(%scan3A_581 = %broadcast_in_dim3A_140) -> (vector<16xf32>)  : i32 {
      %broadcast_in_dim3A_582 = vector.broadcast %scan3A_580 : i32 to vector<16xi32>
      %gather3A = tpu.vector_load_idx %arg13[%add3A_138, %broadcast_in_dim3A_582] : memref<256x128xf32, #tpu.memory_space<vmem>>[vector<16xi32>, vector<16xi32>], vector<16xf32>,
      %add3A_583 = arith.constant 64 : i32
      %add3A_584 = vector.broadcast %add3A_583 : i32 to vector<16xi32>
      %add3A_585 = arith.addi %broadcast_in_dim3A_582, %add3A_584 : vector<16xi32>
      %gather3A_586 = tpu.vector_load_idx %arg13[%add3A_138, %add3A_585] : memref<256x128xf32, #tpu.memory_space<vmem>>[vector<16xi32>, vector<16xi32>], vector<16xf32>,
      %gather3A_587 = tpu.vector_load_idx %arg11[%add3A_138, %broadcast_in_dim3A_582] : memref<256x64xf32, #tpu.memory_space<vmem>>[vector<16xi32>, vector<16xi32>], vector<16xf32>,
      %gather3A_588 = tpu.vector_load_idx %arg12[%add3A_138, %broadcast_in_dim3A_582] : memref<256x64xf32, #tpu.memory_space<vmem>>[vector<16xi32>, vector<16xi32>], vector<16xf32>,
      %abs3A = math.absf %gather3A_586 : vector<16xf32>
      %max3A = arith.constant 9.99999997E-7 : f32
      %max3A_589 = vector.broadcast %max3A : f32 to vector<16xf32>
      %max3A_590 = arith.maximumf %abs3A, %max3A_589 : vector<16xf32>
      %sub3A = arith.subf %gather3A, %max3A_590 : vector<16xf32>
      %add3A_591 = arith.addf %gather3A, %max3A_590 : vector<16xf32>
      %broadcast_in_dim3A_592 = arith.constant 0.000000e+00 : f32
      %broadcast_in_dim3A_593 = vector.broadcast %broadcast_in_dim3A_592 : f32 to vector<16xf32>
      %sub3A_594 = arith.subf %sub3A, %gather3A_587 : vector<16xf32>
      %max3A_595 = arith.maximumf %sub3A_594, %broadcast_in_dim3A_593 : vector<16xf32>
      %add3A_596 = arith.addf %scan3A_581, %max3A_595 : vector<16xf32>
      %sub3A_597 = arith.subf %gather3A_587, %add3A_591 : vector<16xf32>
      %max3A_598 = arith.maximumf %sub3A_597, %broadcast_in_dim3A_593 : vector<16xf32>
      %add3A_599 = arith.addf %add3A_596, %max3A_598 : vector<16xf32>
      %sub3A_600 = arith.subf %sub3A, %gather3A_588 : vector<16xf32>
      %max3A_601 = arith.maximumf %sub3A_600, %broadcast_in_dim3A_593 : vector<16xf32>
      %add3A_602 = arith.addf %add3A_599, %max3A_601 : vector<16xf32>
      %sub3A_603 = arith.subf %gather3A_588, %add3A_591 : vector<16xf32>
      %max3A_604 = arith.maximumf %sub3A_603, %broadcast_in_dim3A_593 : vector<16xf32>
      %add3A_605 = arith.addf %add3A_602, %max3A_604 : vector<16xf32>
      scf.yield %add3A_605 : vector<16xf32>
    }
    %scan3A_146 = arith.constant 64 : i32
    %neg3A_147 = arith.constant 0.000000e+00 : f32
    %neg3A_148 = vector.broadcast %neg3A_147 : f32 to vector<16xf32>
    %neg3A_149 = arith.subf %neg3A_148, %scan3A_145 : vector<16xf32>
    %swap3A_150 = arith.constant 112 : index
    %swap3A_151 = tpu.vector_load %arg14[%swap3A_150] {strides = array<i32>} : memref<256xf32, #tpu.memory_space<vmem>>, vector<16xf32>,
    tpu.vector_store %arg14[%swap3A_150], %neg3A_149 {strides = array<i32>} : memref<256xf32, #tpu.memory_space<vmem>>, vector<16xf32>,
    %iota3A_152 = tpu.iota {dimensions = array<i32: 0>} : vector<16xi32>
    %add3A_153 = arith.constant 128 : i32
    %add3A_154 = vector.broadcast %add3A_153 : i32 to vector<16xi32>
    %add3A_155 = arith.addi %iota3A_152, %add3A_154 : vector<16xi32>
    %broadcast_in_dim3A_156 = arith.constant 0.000000e+00 : f32
    %broadcast_in_dim3A_157 = vector.broadcast %broadcast_in_dim3A_156 : f32 to vector<16xf32>
    %scan3A_158 = arith.constant 0 : i32
    %scan3A_159 = arith.constant 64 : i32
    %scan3A_160 = arith.addi %scan3A_158, %scan3A_159 : i32
    %scan3A_161 = arith.constant 1 : i32
    %scan3A_162 = scf.for %scan3A_580 = %scan3A_158 to %scan3A_160 step %scan3A_161 iter_args(%scan3A_581 = %broadcast_in_dim3A_157) -> (vector<16xf32>)  : i32 {
      %broadcast_in_dim3A_582 = vector.broadcast %scan3A_580 : i32 to vector<16xi32>
      %gather3A = tpu.vector_load_idx %arg13[%add3A_155, %broadcast_in_dim3A_582] : memref<256x128xf32, #tpu.memory_space<vmem>>[vector<16xi32>, vector<16xi32>], vector<16xf32>,
      %add3A_583 = arith.constant 64 : i32
      %add3A_584 = vector.broadcast %add3A_583 : i32 to vector<16xi32>
      %add3A_585 = arith.addi %broadcast_in_dim3A_582, %add3A_584 : vector<16xi32>
      %gather3A_586 = tpu.vector_load_idx %arg13[%add3A_155, %add3A_585] : memref<256x128xf32, #tpu.memory_space<vmem>>[vector<16xi32>, vector<16xi32>], vector<16xf32>,
      %gather3A_587 = tpu.vector_load_idx %arg11[%add3A_155, %broadcast_in_dim3A_582] : memref<256x64xf32, #tpu.memory_space<vmem>>[vector<16xi32>, vector<16xi32>], vector<16xf32>,
      %gather3A_588 = tpu.vector_load_idx %arg12[%add3A_155, %broadcast_in_dim3A_582] : memref<256x64xf32, #tpu.memory_space<vmem>>[vector<16xi32>, vector<16xi32>], vector<16xf32>,
      %abs3A = math.absf %gather3A_586 : vector<16xf32>
      %max3A = arith.constant 9.99999997E-7 : f32
      %max3A_589 = vector.broadcast %max3A : f32 to vector<16xf32>
      %max3A_590 = arith.maximumf %abs3A, %max3A_589 : vector<16xf32>
      %sub3A = arith.subf %gather3A, %max3A_590 : vector<16xf32>
      %add3A_591 = arith.addf %gather3A, %max3A_590 : vector<16xf32>
      %broadcast_in_dim3A_592 = arith.constant 0.000000e+00 : f32
      %broadcast_in_dim3A_593 = vector.broadcast %broadcast_in_dim3A_592 : f32 to vector<16xf32>
      %sub3A_594 = arith.subf %sub3A, %gather3A_587 : vector<16xf32>
      %max3A_595 = arith.maximumf %sub3A_594, %broadcast_in_dim3A_593 : vector<16xf32>
      %add3A_596 = arith.addf %scan3A_581, %max3A_595 : vector<16xf32>
      %sub3A_597 = arith.subf %gather3A_587, %add3A_591 : vector<16xf32>
      %max3A_598 = arith.maximumf %sub3A_597, %broadcast_in_dim3A_593 : vector<16xf32>
      %add3A_599 = arith.addf %add3A_596, %max3A_598 : vector<16xf32>
      %sub3A_600 = arith.subf %sub3A, %gather3A_588 : vector<16xf32>
      %max3A_601 = arith.maximumf %sub3A_600, %broadcast_in_dim3A_593 : vector<16xf32>
      %add3A_602 = arith.addf %add3A_599, %max3A_601 : vector<16xf32>
      %sub3A_603 = arith.subf %gather3A_588, %add3A_591 : vector<16xf32>
      %max3A_604 = arith.maximumf %sub3A_603, %broadcast_in_dim3A_593 : vector<16xf32>
      %add3A_605 = arith.addf %add3A_602, %max3A_604 : vector<16xf32>
      scf.yield %add3A_605 : vector<16xf32>
    }
    %scan3A_163 = arith.constant 64 : i32
    %neg3A_164 = arith.constant 0.000000e+00 : f32
    %neg3A_165 = vector.broadcast %neg3A_164 : f32 to vector<16xf32>
    %neg3A_166 = arith.subf %neg3A_165, %scan3A_162 : vector<16xf32>
    %swap3A_167 = arith.constant 128 : index
    %swap3A_168 = tpu.vector_load %arg14[%swap3A_167] {strides = array<i32>} : memref<256xf32, #tpu.memory_space<vmem>>, vector<16xf32>,
    tpu.vector_store %arg14[%swap3A_167], %neg3A_166 {strides = array<i32>} : memref<256xf32, #tpu.memory_space<vmem>>, vector<16xf32>,
    %iota3A_169 = tpu.iota {dimensions = array<i32: 0>} : vector<16xi32>
    %add3A_170 = arith.constant 144 : i32
    %add3A_171 = vector.broadcast %add3A_170 : i32 to vector<16xi32>
    %add3A_172 = arith.addi %iota3A_169, %add3A_171 : vector<16xi32>
    %broadcast_in_dim3A_173 = arith.constant 0.000000e+00 : f32
    %broadcast_in_dim3A_174 = vector.broadcast %broadcast_in_dim3A_173 : f32 to vector<16xf32>
    %scan3A_175 = arith.constant 0 : i32
    %scan3A_176 = arith.constant 64 : i32
    %scan3A_177 = arith.addi %scan3A_175, %scan3A_176 : i32
    %scan3A_178 = arith.constant 1 : i32
    %scan3A_179 = scf.for %scan3A_580 = %scan3A_175 to %scan3A_177 step %scan3A_178 iter_args(%scan3A_581 = %broadcast_in_dim3A_174) -> (vector<16xf32>)  : i32 {
      %broadcast_in_dim3A_582 = vector.broadcast %scan3A_580 : i32 to vector<16xi32>
      %gather3A = tpu.vector_load_idx %arg13[%add3A_172, %broadcast_in_dim3A_582] : memref<256x128xf32, #tpu.memory_space<vmem>>[vector<16xi32>, vector<16xi32>], vector<16xf32>,
      %add3A_583 = arith.constant 64 : i32
      %add3A_584 = vector.broadcast %add3A_583 : i32 to vector<16xi32>
      %add3A_585 = arith.addi %broadcast_in_dim3A_582, %add3A_584 : vector<16xi32>
      %gather3A_586 = tpu.vector_load_idx %arg13[%add3A_172, %add3A_585] : memref<256x128xf32, #tpu.memory_space<vmem>>[vector<16xi32>, vector<16xi32>], vector<16xf32>,
      %gather3A_587 = tpu.vector_load_idx %arg11[%add3A_172, %broadcast_in_dim3A_582] : memref<256x64xf32, #tpu.memory_space<vmem>>[vector<16xi32>, vector<16xi32>], vector<16xf32>,
      %gather3A_588 = tpu.vector_load_idx %arg12[%add3A_172, %broadcast_in_dim3A_582] : memref<256x64xf32, #tpu.memory_space<vmem>>[vector<16xi32>, vector<16xi32>], vector<16xf32>,
      %abs3A = math.absf %gather3A_586 : vector<16xf32>
      %max3A = arith.constant 9.99999997E-7 : f32
      %max3A_589 = vector.broadcast %max3A : f32 to vector<16xf32>
      %max3A_590 = arith.maximumf %abs3A, %max3A_589 : vector<16xf32>
      %sub3A = arith.subf %gather3A, %max3A_590 : vector<16xf32>
      %add3A_591 = arith.addf %gather3A, %max3A_590 : vector<16xf32>
      %broadcast_in_dim3A_592 = arith.constant 0.000000e+00 : f32
      %broadcast_in_dim3A_593 = vector.broadcast %broadcast_in_dim3A_592 : f32 to vector<16xf32>
      %sub3A_594 = arith.subf %sub3A, %gather3A_587 : vector<16xf32>
      %max3A_595 = arith.maximumf %sub3A_594, %broadcast_in_dim3A_593 : vector<16xf32>
      %add3A_596 = arith.addf %scan3A_581, %max3A_595 : vector<16xf32>
      %sub3A_597 = arith.subf %gather3A_587, %add3A_591 : vector<16xf32>
      %max3A_598 = arith.maximumf %sub3A_597, %broadcast_in_dim3A_593 : vector<16xf32>
      %add3A_599 = arith.addf %add3A_596, %max3A_598 : vector<16xf32>
      %sub3A_600 = arith.subf %sub3A, %gather3A_588 : vector<16xf32>
      %max3A_601 = arith.maximumf %sub3A_600, %broadcast_in_dim3A_593 : vector<16xf32>
      %add3A_602 = arith.addf %add3A_599, %max3A_601 : vector<16xf32>
      %sub3A_603 = arith.subf %gather3A_588, %add3A_591 : vector<16xf32>
      %max3A_604 = arith.maximumf %sub3A_603, %broadcast_in_dim3A_593 : vector<16xf32>
      %add3A_605 = arith.addf %add3A_602, %max3A_604 : vector<16xf32>
      scf.yield %add3A_605 : vector<16xf32>
    }
    %scan3A_180 = arith.constant 64 : i32
    %neg3A_181 = arith.constant 0.000000e+00 : f32
    %neg3A_182 = vector.broadcast %neg3A_181 : f32 to vector<16xf32>
    %neg3A_183 = arith.subf %neg3A_182, %scan3A_179 : vector<16xf32>
    %swap3A_184 = arith.constant 144 : index
    %swap3A_185 = tpu.vector_load %arg14[%swap3A_184] {strides = array<i32>} : memref<256xf32, #tpu.memory_space<vmem>>, vector<16xf32>,
    tpu.vector_store %arg14[%swap3A_184], %neg3A_183 {strides = array<i32>} : memref<256xf32, #tpu.memory_space<vmem>>, vector<16xf32>,
    %iota3A_186 = tpu.iota {dimensions = array<i32: 0>} : vector<16xi32>
    %add3A_187 = arith.constant 160 : i32
    %add3A_188 = vector.broadcast %add3A_187 : i32 to vector<16xi32>
    %add3A_189 = arith.addi %iota3A_186, %add3A_188 : vector<16xi32>
    %broadcast_in_dim3A_190 = arith.constant 0.000000e+00 : f32
    %broadcast_in_dim3A_191 = vector.broadcast %broadcast_in_dim3A_190 : f32 to vector<16xf32>
    %scan3A_192 = arith.constant 0 : i32
    %scan3A_193 = arith.constant 64 : i32
    %scan3A_194 = arith.addi %scan3A_192, %scan3A_193 : i32
    %scan3A_195 = arith.constant 1 : i32
    %scan3A_196 = scf.for %scan3A_580 = %scan3A_192 to %scan3A_194 step %scan3A_195 iter_args(%scan3A_581 = %broadcast_in_dim3A_191) -> (vector<16xf32>)  : i32 {
      %broadcast_in_dim3A_582 = vector.broadcast %scan3A_580 : i32 to vector<16xi32>
      %gather3A = tpu.vector_load_idx %arg13[%add3A_189, %broadcast_in_dim3A_582] : memref<256x128xf32, #tpu.memory_space<vmem>>[vector<16xi32>, vector<16xi32>], vector<16xf32>,
      %add3A_583 = arith.constant 64 : i32
      %add3A_584 = vector.broadcast %add3A_583 : i32 to vector<16xi32>
      %add3A_585 = arith.addi %broadcast_in_dim3A_582, %add3A_584 : vector<16xi32>
      %gather3A_586 = tpu.vector_load_idx %arg13[%add3A_189, %add3A_585] : memref<256x128xf32, #tpu.memory_space<vmem>>[vector<16xi32>, vector<16xi32>], vector<16xf32>,
      %gather3A_587 = tpu.vector_load_idx %arg11[%add3A_189, %broadcast_in_dim3A_582] : memref<256x64xf32, #tpu.memory_space<vmem>>[vector<16xi32>, vector<16xi32>], vector<16xf32>,
      %gather3A_588 = tpu.vector_load_idx %arg12[%add3A_189, %broadcast_in_dim3A_582] : memref<256x64xf32, #tpu.memory_space<vmem>>[vector<16xi32>, vector<16xi32>], vector<16xf32>,
      %abs3A = math.absf %gather3A_586 : vector<16xf32>
      %max3A = arith.constant 9.99999997E-7 : f32
      %max3A_589 = vector.broadcast %max3A : f32 to vector<16xf32>
      %max3A_590 = arith.maximumf %abs3A, %max3A_589 : vector<16xf32>
      %sub3A = arith.subf %gather3A, %max3A_590 : vector<16xf32>
      %add3A_591 = arith.addf %gather3A, %max3A_590 : vector<16xf32>
      %broadcast_in_dim3A_592 = arith.constant 0.000000e+00 : f32
      %broadcast_in_dim3A_593 = vector.broadcast %broadcast_in_dim3A_592 : f32 to vector<16xf32>
      %sub3A_594 = arith.subf %sub3A, %gather3A_587 : vector<16xf32>
      %max3A_595 = arith.maximumf %sub3A_594, %broadcast_in_dim3A_593 : vector<16xf32>
      %add3A_596 = arith.addf %scan3A_581, %max3A_595 : vector<16xf32>
      %sub3A_597 = arith.subf %gather3A_587, %add3A_591 : vector<16xf32>
      %max3A_598 = arith.maximumf %sub3A_597, %broadcast_in_dim3A_593 : vector<16xf32>
      %add3A_599 = arith.addf %add3A_596, %max3A_598 : vector<16xf32>
      %sub3A_600 = arith.subf %sub3A, %gather3A_588 : vector<16xf32>
      %max3A_601 = arith.maximumf %sub3A_600, %broadcast_in_dim3A_593 : vector<16xf32>
      %add3A_602 = arith.addf %add3A_599, %max3A_601 : vector<16xf32>
      %sub3A_603 = arith.subf %gather3A_588, %add3A_591 : vector<16xf32>
      %max3A_604 = arith.maximumf %sub3A_603, %broadcast_in_dim3A_593 : vector<16xf32>
      %add3A_605 = arith.addf %add3A_602, %max3A_604 : vector<16xf32>
      scf.yield %add3A_605 : vector<16xf32>
    }
    %scan3A_197 = arith.constant 64 : i32
    %neg3A_198 = arith.constant 0.000000e+00 : f32
    %neg3A_199 = vector.broadcast %neg3A_198 : f32 to vector<16xf32>
    %neg3A_200 = arith.subf %neg3A_199, %scan3A_196 : vector<16xf32>
    %swap3A_201 = arith.constant 160 : index
    %swap3A_202 = tpu.vector_load %arg14[%swap3A_201] {strides = array<i32>} : memref<256xf32, #tpu.memory_space<vmem>>, vector<16xf32>,
    tpu.vector_store %arg14[%swap3A_201], %neg3A_200 {strides = array<i32>} : memref<256xf32, #tpu.memory_space<vmem>>, vector<16xf32>,
    %iota3A_203 = tpu.iota {dimensions = array<i32: 0>} : vector<16xi32>
    %add3A_204 = arith.constant 176 : i32
    %add3A_205 = vector.broadcast %add3A_204 : i32 to vector<16xi32>
    %add3A_206 = arith.addi %iota3A_203, %add3A_205 : vector<16xi32>
    %broadcast_in_dim3A_207 = arith.constant 0.000000e+00 : f32
    %broadcast_in_dim3A_208 = vector.broadcast %broadcast_in_dim3A_207 : f32 to vector<16xf32>
    %scan3A_209 = arith.constant 0 : i32
    %scan3A_210 = arith.constant 64 : i32
    %scan3A_211 = arith.addi %scan3A_209, %scan3A_210 : i32
    %scan3A_212 = arith.constant 1 : i32
    %scan3A_213 = scf.for %scan3A_580 = %scan3A_209 to %scan3A_211 step %scan3A_212 iter_args(%scan3A_581 = %broadcast_in_dim3A_208) -> (vector<16xf32>)  : i32 {
      %broadcast_in_dim3A_582 = vector.broadcast %scan3A_580 : i32 to vector<16xi32>
      %gather3A = tpu.vector_load_idx %arg13[%add3A_206, %broadcast_in_dim3A_582] : memref<256x128xf32, #tpu.memory_space<vmem>>[vector<16xi32>, vector<16xi32>], vector<16xf32>,
      %add3A_583 = arith.constant 64 : i32
      %add3A_584 = vector.broadcast %add3A_583 : i32 to vector<16xi32>
      %add3A_585 = arith.addi %broadcast_in_dim3A_582, %add3A_584 : vector<16xi32>
      %gather3A_586 = tpu.vector_load_idx %arg13[%add3A_206, %add3A_585] : memref<256x128xf32, #tpu.memory_space<vmem>>[vector<16xi32>, vector<16xi32>], vector<16xf32>,
      %gather3A_587 = tpu.vector_load_idx %arg11[%add3A_206, %broadcast_in_dim3A_582] : memref<256x64xf32, #tpu.memory_space<vmem>>[vector<16xi32>, vector<16xi32>], vector<16xf32>,
      %gather3A_588 = tpu.vector_load_idx %arg12[%add3A_206, %broadcast_in_dim3A_582] : memref<256x64xf32, #tpu.memory_space<vmem>>[vector<16xi32>, vector<16xi32>], vector<16xf32>,
      %abs3A = math.absf %gather3A_586 : vector<16xf32>
      %max3A = arith.constant 9.99999997E-7 : f32
      %max3A_589 = vector.broadcast %max3A : f32 to vector<16xf32>
      %max3A_590 = arith.maximumf %abs3A, %max3A_589 : vector<16xf32>
      %sub3A = arith.subf %gather3A, %max3A_590 : vector<16xf32>
      %add3A_591 = arith.addf %gather3A, %max3A_590 : vector<16xf32>
      %broadcast_in_dim3A_592 = arith.constant 0.000000e+00 : f32
      %broadcast_in_dim3A_593 = vector.broadcast %broadcast_in_dim3A_592 : f32 to vector<16xf32>
      %sub3A_594 = arith.subf %sub3A, %gather3A_587 : vector<16xf32>
      %max3A_595 = arith.maximumf %sub3A_594, %broadcast_in_dim3A_593 : vector<16xf32>
      %add3A_596 = arith.addf %scan3A_581, %max3A_595 : vector<16xf32>
      %sub3A_597 = arith.subf %gather3A_587, %add3A_591 : vector<16xf32>
      %max3A_598 = arith.maximumf %sub3A_597, %broadcast_in_dim3A_593 : vector<16xf32>
      %add3A_599 = arith.addf %add3A_596, %max3A_598 : vector<16xf32>
      %sub3A_600 = arith.subf %sub3A, %gather3A_588 : vector<16xf32>
      %max3A_601 = arith.maximumf %sub3A_600, %broadcast_in_dim3A_593 : vector<16xf32>
      %add3A_602 = arith.addf %add3A_599, %max3A_601 : vector<16xf32>
      %sub3A_603 = arith.subf %gather3A_588, %add3A_591 : vector<16xf32>
      %max3A_604 = arith.maximumf %sub3A_603, %broadcast_in_dim3A_593 : vector<16xf32>
      %add3A_605 = arith.addf %add3A_602, %max3A_604 : vector<16xf32>
      scf.yield %add3A_605 : vector<16xf32>
    }
    %scan3A_214 = arith.constant 64 : i32
    %neg3A_215 = arith.constant 0.000000e+00 : f32
    %neg3A_216 = vector.broadcast %neg3A_215 : f32 to vector<16xf32>
    %neg3A_217 = arith.subf %neg3A_216, %scan3A_213 : vector<16xf32>
    %swap3A_218 = arith.constant 176 : index
    %swap3A_219 = tpu.vector_load %arg14[%swap3A_218] {strides = array<i32>} : memref<256xf32, #tpu.memory_space<vmem>>, vector<16xf32>,
    tpu.vector_store %arg14[%swap3A_218], %neg3A_217 {strides = array<i32>} : memref<256xf32, #tpu.memory_space<vmem>>, vector<16xf32>,
    %iota3A_220 = tpu.iota {dimensions = array<i32: 0>} : vector<16xi32>
    %add3A_221 = arith.constant 192 : i32
    %add3A_222 = vector.broadcast %add3A_221 : i32 to vector<16xi32>
    %add3A_223 = arith.addi %iota3A_220, %add3A_222 : vector<16xi32>
    %broadcast_in_dim3A_224 = arith.constant 0.000000e+00 : f32
    %broadcast_in_dim3A_225 = vector.broadcast %broadcast_in_dim3A_224 : f32 to vector<16xf32>
    %scan3A_226 = arith.constant 0 : i32
    %scan3A_227 = arith.constant 64 : i32
    %scan3A_228 = arith.addi %scan3A_226, %scan3A_227 : i32
    %scan3A_229 = arith.constant 1 : i32
    %scan3A_230 = scf.for %scan3A_580 = %scan3A_226 to %scan3A_228 step %scan3A_229 iter_args(%scan3A_581 = %broadcast_in_dim3A_225) -> (vector<16xf32>)  : i32 {
      %broadcast_in_dim3A_582 = vector.broadcast %scan3A_580 : i32 to vector<16xi32>
      %gather3A = tpu.vector_load_idx %arg13[%add3A_223, %broadcast_in_dim3A_582] : memref<256x128xf32, #tpu.memory_space<vmem>>[vector<16xi32>, vector<16xi32>], vector<16xf32>,
      %add3A_583 = arith.constant 64 : i32
      %add3A_584 = vector.broadcast %add3A_583 : i32 to vector<16xi32>
      %add3A_585 = arith.addi %broadcast_in_dim3A_582, %add3A_584 : vector<16xi32>
      %gather3A_586 = tpu.vector_load_idx %arg13[%add3A_223, %add3A_585] : memref<256x128xf32, #tpu.memory_space<vmem>>[vector<16xi32>, vector<16xi32>], vector<16xf32>,
      %gather3A_587 = tpu.vector_load_idx %arg11[%add3A_223, %broadcast_in_dim3A_582] : memref<256x64xf32, #tpu.memory_space<vmem>>[vector<16xi32>, vector<16xi32>], vector<16xf32>,
      %gather3A_588 = tpu.vector_load_idx %arg12[%add3A_223, %broadcast_in_dim3A_582] : memref<256x64xf32, #tpu.memory_space<vmem>>[vector<16xi32>, vector<16xi32>], vector<16xf32>,
      %abs3A = math.absf %gather3A_586 : vector<16xf32>
      %max3A = arith.constant 9.99999997E-7 : f32
      %max3A_589 = vector.broadcast %max3A : f32 to vector<16xf32>
      %max3A_590 = arith.maximumf %abs3A, %max3A_589 : vector<16xf32>
      %sub3A = arith.subf %gather3A, %max3A_590 : vector<16xf32>
      %add3A_591 = arith.addf %gather3A, %max3A_590 : vector<16xf32>
      %broadcast_in_dim3A_592 = arith.constant 0.000000e+00 : f32
      %broadcast_in_dim3A_593 = vector.broadcast %broadcast_in_dim3A_592 : f32 to vector<16xf32>
      %sub3A_594 = arith.subf %sub3A, %gather3A_587 : vector<16xf32>
      %max3A_595 = arith.maximumf %sub3A_594, %broadcast_in_dim3A_593 : vector<16xf32>
      %add3A_596 = arith.addf %scan3A_581, %max3A_595 : vector<16xf32>
      %sub3A_597 = arith.subf %gather3A_587, %add3A_591 : vector<16xf32>
      %max3A_598 = arith.maximumf %sub3A_597, %broadcast_in_dim3A_593 : vector<16xf32>
      %add3A_599 = arith.addf %add3A_596, %max3A_598 : vector<16xf32>
      %sub3A_600 = arith.subf %sub3A, %gather3A_588 : vector<16xf32>
      %max3A_601 = arith.maximumf %sub3A_600, %broadcast_in_dim3A_593 : vector<16xf32>
      %add3A_602 = arith.addf %add3A_599, %max3A_601 : vector<16xf32>
      %sub3A_603 = arith.subf %gather3A_588, %add3A_591 : vector<16xf32>
      %max3A_604 = arith.maximumf %sub3A_603, %broadcast_in_dim3A_593 : vector<16xf32>
      %add3A_605 = arith.addf %add3A_602, %max3A_604 : vector<16xf32>
      scf.yield %add3A_605 : vector<16xf32>
    }
    %scan3A_231 = arith.constant 64 : i32
    %neg3A_232 = arith.constant 0.000000e+00 : f32
    %neg3A_233 = vector.broadcast %neg3A_232 : f32 to vector<16xf32>
    %neg3A_234 = arith.subf %neg3A_233, %scan3A_230 : vector<16xf32>
    %swap3A_235 = arith.constant 192 : index
    %swap3A_236 = tpu.vector_load %arg14[%swap3A_235] {strides = array<i32>} : memref<256xf32, #tpu.memory_space<vmem>>, vector<16xf32>,
    tpu.vector_store %arg14[%swap3A_235], %neg3A_234 {strides = array<i32>} : memref<256xf32, #tpu.memory_space<vmem>>, vector<16xf32>,
    %iota3A_237 = tpu.iota {dimensions = array<i32: 0>} : vector<16xi32>
    %add3A_238 = arith.constant 208 : i32
    %add3A_239 = vector.broadcast %add3A_238 : i32 to vector<16xi32>
    %add3A_240 = arith.addi %iota3A_237, %add3A_239 : vector<16xi32>
    %broadcast_in_dim3A_241 = arith.constant 0.000000e+00 : f32
    %broadcast_in_dim3A_242 = vector.broadcast %broadcast_in_dim3A_241 : f32 to vector<16xf32>
    %scan3A_243 = arith.constant 0 : i32
    %scan3A_244 = arith.constant 64 : i32
    %scan3A_245 = arith.addi %scan3A_243, %scan3A_244 : i32
    %scan3A_246 = arith.constant 1 : i32
    %scan3A_247 = scf.for %scan3A_580 = %scan3A_243 to %scan3A_245 step %scan3A_246 iter_args(%scan3A_581 = %broadcast_in_dim3A_242) -> (vector<16xf32>)  : i32 {
      %broadcast_in_dim3A_582 = vector.broadcast %scan3A_580 : i32 to vector<16xi32>
      %gather3A = tpu.vector_load_idx %arg13[%add3A_240, %broadcast_in_dim3A_582] : memref<256x128xf32, #tpu.memory_space<vmem>>[vector<16xi32>, vector<16xi32>], vector<16xf32>,
      %add3A_583 = arith.constant 64 : i32
      %add3A_584 = vector.broadcast %add3A_583 : i32 to vector<16xi32>
      %add3A_585 = arith.addi %broadcast_in_dim3A_582, %add3A_584 : vector<16xi32>
      %gather3A_586 = tpu.vector_load_idx %arg13[%add3A_240, %add3A_585] : memref<256x128xf32, #tpu.memory_space<vmem>>[vector<16xi32>, vector<16xi32>], vector<16xf32>,
      %gather3A_587 = tpu.vector_load_idx %arg11[%add3A_240, %broadcast_in_dim3A_582] : memref<256x64xf32, #tpu.memory_space<vmem>>[vector<16xi32>, vector<16xi32>], vector<16xf32>,
      %gather3A_588 = tpu.vector_load_idx %arg12[%add3A_240, %broadcast_in_dim3A_582] : memref<256x64xf32, #tpu.memory_space<vmem>>[vector<16xi32>, vector<16xi32>], vector<16xf32>,
      %abs3A = math.absf %gather3A_586 : vector<16xf32>
      %max3A = arith.constant 9.99999997E-7 : f32
      %max3A_589 = vector.broadcast %max3A : f32 to vector<16xf32>
      %max3A_590 = arith.maximumf %abs3A, %max3A_589 : vector<16xf32>
      %sub3A = arith.subf %gather3A, %max3A_590 : vector<16xf32>
      %add3A_591 = arith.addf %gather3A, %max3A_590 : vector<16xf32>
      %broadcast_in_dim3A_592 = arith.constant 0.000000e+00 : f32
      %broadcast_in_dim3A_593 = vector.broadcast %broadcast_in_dim3A_592 : f32 to vector<16xf32>
      %sub3A_594 = arith.subf %sub3A, %gather3A_587 : vector<16xf32>
      %max3A_595 = arith.maximumf %sub3A_594, %broadcast_in_dim3A_593 : vector<16xf32>
      %add3A_596 = arith.addf %scan3A_581, %max3A_595 : vector<16xf32>
      %sub3A_597 = arith.subf %gather3A_587, %add3A_591 : vector<16xf32>
      %max3A_598 = arith.maximumf %sub3A_597, %broadcast_in_dim3A_593 : vector<16xf32>
      %add3A_599 = arith.addf %add3A_596, %max3A_598 : vector<16xf32>
      %sub3A_600 = arith.subf %sub3A, %gather3A_588 : vector<16xf32>
      %max3A_601 = arith.maximumf %sub3A_600, %broadcast_in_dim3A_593 : vector<16xf32>
      %add3A_602 = arith.addf %add3A_599, %max3A_601 : vector<16xf32>
      %sub3A_603 = arith.subf %gather3A_588, %add3A_591 : vector<16xf32>
      %max3A_604 = arith.maximumf %sub3A_603, %broadcast_in_dim3A_593 : vector<16xf32>
      %add3A_605 = arith.addf %add3A_602, %max3A_604 : vector<16xf32>
      scf.yield %add3A_605 : vector<16xf32>
    }
    %scan3A_248 = arith.constant 64 : i32
    %neg3A_249 = arith.constant 0.000000e+00 : f32
    %neg3A_250 = vector.broadcast %neg3A_249 : f32 to vector<16xf32>
    %neg3A_251 = arith.subf %neg3A_250, %scan3A_247 : vector<16xf32>
    %swap3A_252 = arith.constant 208 : index
    %swap3A_253 = tpu.vector_load %arg14[%swap3A_252] {strides = array<i32>} : memref<256xf32, #tpu.memory_space<vmem>>, vector<16xf32>,
    tpu.vector_store %arg14[%swap3A_252], %neg3A_251 {strides = array<i32>} : memref<256xf32, #tpu.memory_space<vmem>>, vector<16xf32>,
    %iota3A_254 = tpu.iota {dimensions = array<i32: 0>} : vector<16xi32>
    %add3A_255 = arith.constant 224 : i32
    %add3A_256 = vector.broadcast %add3A_255 : i32 to vector<16xi32>
    %add3A_257 = arith.addi %iota3A_254, %add3A_256 : vector<16xi32>
    %broadcast_in_dim3A_258 = arith.constant 0.000000e+00 : f32
    %broadcast_in_dim3A_259 = vector.broadcast %broadcast_in_dim3A_258 : f32 to vector<16xf32>
    %scan3A_260 = arith.constant 0 : i32
    %scan3A_261 = arith.constant 64 : i32
    %scan3A_262 = arith.addi %scan3A_260, %scan3A_261 : i32
    %scan3A_263 = arith.constant 1 : i32
    %scan3A_264 = scf.for %scan3A_580 = %scan3A_260 to %scan3A_262 step %scan3A_263 iter_args(%scan3A_581 = %broadcast_in_dim3A_259) -> (vector<16xf32>)  : i32 {
      %broadcast_in_dim3A_582 = vector.broadcast %scan3A_580 : i32 to vector<16xi32>
      %gather3A = tpu.vector_load_idx %arg13[%add3A_257, %broadcast_in_dim3A_582] : memref<256x128xf32, #tpu.memory_space<vmem>>[vector<16xi32>, vector<16xi32>], vector<16xf32>,
      %add3A_583 = arith.constant 64 : i32
      %add3A_584 = vector.broadcast %add3A_583 : i32 to vector<16xi32>
      %add3A_585 = arith.addi %broadcast_in_dim3A_582, %add3A_584 : vector<16xi32>
      %gather3A_586 = tpu.vector_load_idx %arg13[%add3A_257, %add3A_585] : memref<256x128xf32, #tpu.memory_space<vmem>>[vector<16xi32>, vector<16xi32>], vector<16xf32>,
      %gather3A_587 = tpu.vector_load_idx %arg11[%add3A_257, %broadcast_in_dim3A_582] : memref<256x64xf32, #tpu.memory_space<vmem>>[vector<16xi32>, vector<16xi32>], vector<16xf32>,
      %gather3A_588 = tpu.vector_load_idx %arg12[%add3A_257, %broadcast_in_dim3A_582] : memref<256x64xf32, #tpu.memory_space<vmem>>[vector<16xi32>, vector<16xi32>], vector<16xf32>,
      %abs3A = math.absf %gather3A_586 : vector<16xf32>
      %max3A = arith.constant 9.99999997E-7 : f32
      %max3A_589 = vector.broadcast %max3A : f32 to vector<16xf32>
      %max3A_590 = arith.maximumf %abs3A, %max3A_589 : vector<16xf32>
      %sub3A = arith.subf %gather3A, %max3A_590 : vector<16xf32>
      %add3A_591 = arith.addf %gather3A, %max3A_590 : vector<16xf32>
      %broadcast_in_dim3A_592 = arith.constant 0.000000e+00 : f32
      %broadcast_in_dim3A_593 = vector.broadcast %broadcast_in_dim3A_592 : f32 to vector<16xf32>
      %sub3A_594 = arith.subf %sub3A, %gather3A_587 : vector<16xf32>
      %max3A_595 = arith.maximumf %sub3A_594, %broadcast_in_dim3A_593 : vector<16xf32>
      %add3A_596 = arith.addf %scan3A_581, %max3A_595 : vector<16xf32>
      %sub3A_597 = arith.subf %gather3A_587, %add3A_591 : vector<16xf32>
      %max3A_598 = arith.maximumf %sub3A_597, %broadcast_in_dim3A_593 : vector<16xf32>
      %add3A_599 = arith.addf %add3A_596, %max3A_598 : vector<16xf32>
      %sub3A_600 = arith.subf %sub3A, %gather3A_588 : vector<16xf32>
      %max3A_601 = arith.maximumf %sub3A_600, %broadcast_in_dim3A_593 : vector<16xf32>
      %add3A_602 = arith.addf %add3A_599, %max3A_601 : vector<16xf32>
      %sub3A_603 = arith.subf %gather3A_588, %add3A_591 : vector<16xf32>
      %max3A_604 = arith.maximumf %sub3A_603, %broadcast_in_dim3A_593 : vector<16xf32>
      %add3A_605 = arith.addf %add3A_602, %max3A_604 : vector<16xf32>
      scf.yield %add3A_605 : vector<16xf32>
    }
    %scan3A_265 = arith.constant 64 : i32
    %neg3A_266 = arith.constant 0.000000e+00 : f32
    %neg3A_267 = vector.broadcast %neg3A_266 : f32 to vector<16xf32>
    %neg3A_268 = arith.subf %neg3A_267, %scan3A_264 : vector<16xf32>
    %swap3A_269 = arith.constant 224 : index
    %swap3A_270 = tpu.vector_load %arg14[%swap3A_269] {strides = array<i32>} : memref<256xf32, #tpu.memory_space<vmem>>, vector<16xf32>,
    tpu.vector_store %arg14[%swap3A_269], %neg3A_268 {strides = array<i32>} : memref<256xf32, #tpu.memory_space<vmem>>, vector<16xf32>,
    %iota3A_271 = tpu.iota {dimensions = array<i32: 0>} : vector<16xi32>
    %add3A_272 = arith.constant 240 : i32
    %add3A_273 = vector.broadcast %add3A_272 : i32 to vector<16xi32>
    %add3A_274 = arith.addi %iota3A_271, %add3A_273 : vector<16xi32>
    %broadcast_in_dim3A_275 = arith.constant 0.000000e+00 : f32
    %broadcast_in_dim3A_276 = vector.broadcast %broadcast_in_dim3A_275 : f32 to vector<16xf32>
    %scan3A_277 = arith.constant 0 : i32
    %scan3A_278 = arith.constant 64 : i32
    %scan3A_279 = arith.addi %scan3A_277, %scan3A_278 : i32
    %scan3A_280 = arith.constant 1 : i32
    %scan3A_281 = scf.for %scan3A_580 = %scan3A_277 to %scan3A_279 step %scan3A_280 iter_args(%scan3A_581 = %broadcast_in_dim3A_276) -> (vector<16xf32>)  : i32 {
      %broadcast_in_dim3A_582 = vector.broadcast %scan3A_580 : i32 to vector<16xi32>
      %gather3A = tpu.vector_load_idx %arg13[%add3A_274, %broadcast_in_dim3A_582] : memref<256x128xf32, #tpu.memory_space<vmem>>[vector<16xi32>, vector<16xi32>], vector<16xf32>,
      %add3A_583 = arith.constant 64 : i32
      %add3A_584 = vector.broadcast %add3A_583 : i32 to vector<16xi32>
      %add3A_585 = arith.addi %broadcast_in_dim3A_582, %add3A_584 : vector<16xi32>
      %gather3A_586 = tpu.vector_load_idx %arg13[%add3A_274, %add3A_585] : memref<256x128xf32, #tpu.memory_space<vmem>>[vector<16xi32>, vector<16xi32>], vector<16xf32>,
      %gather3A_587 = tpu.vector_load_idx %arg11[%add3A_274, %broadcast_in_dim3A_582] : memref<256x64xf32, #tpu.memory_space<vmem>>[vector<16xi32>, vector<16xi32>], vector<16xf32>,
      %gather3A_588 = tpu.vector_load_idx %arg12[%add3A_274, %broadcast_in_dim3A_582] : memref<256x64xf32, #tpu.memory_space<vmem>>[vector<16xi32>, vector<16xi32>], vector<16xf32>,
      %abs3A = math.absf %gather3A_586 : vector<16xf32>
      %max3A = arith.constant 9.99999997E-7 : f32
      %max3A_589 = vector.broadcast %max3A : f32 to vector<16xf32>
      %max3A_590 = arith.maximumf %abs3A, %max3A_589 : vector<16xf32>
      %sub3A = arith.subf %gather3A, %max3A_590 : vector<16xf32>
      %add3A_591 = arith.addf %gather3A, %max3A_590 : vector<16xf32>
      %broadcast_in_dim3A_592 = arith.constant 0.000000e+00 : f32
      %broadcast_in_dim3A_593 = vector.broadcast %broadcast_in_dim3A_592 : f32 to vector<16xf32>
      %sub3A_594 = arith.subf %sub3A, %gather3A_587 : vector<16xf32>
      %max3A_595 = arith.maximumf %sub3A_594, %broadcast_in_dim3A_593 : vector<16xf32>
      %add3A_596 = arith.addf %scan3A_581, %max3A_595 : vector<16xf32>
      %sub3A_597 = arith.subf %gather3A_587, %add3A_591 : vector<16xf32>
      %max3A_598 = arith.maximumf %sub3A_597, %broadcast_in_dim3A_593 : vector<16xf32>
      %add3A_599 = arith.addf %add3A_596, %max3A_598 : vector<16xf32>
      %sub3A_600 = arith.subf %sub3A, %gather3A_588 : vector<16xf32>
      %max3A_601 = arith.maximumf %sub3A_600, %broadcast_in_dim3A_593 : vector<16xf32>
      %add3A_602 = arith.addf %add3A_599, %max3A_601 : vector<16xf32>
      %sub3A_603 = arith.subf %gather3A_588, %add3A_591 : vector<16xf32>
      %max3A_604 = arith.maximumf %sub3A_603, %broadcast_in_dim3A_593 : vector<16xf32>
      %add3A_605 = arith.addf %add3A_602, %max3A_604 : vector<16xf32>
      scf.yield %add3A_605 : vector<16xf32>
    }
    %scan3A_282 = arith.constant 64 : i32
    %neg3A_283 = arith.constant 0.000000e+00 : f32
    %neg3A_284 = vector.broadcast %neg3A_283 : f32 to vector<16xf32>
    %neg3A_285 = arith.subf %neg3A_284, %scan3A_281 : vector<16xf32>
    %swap3A_286 = arith.constant 240 : index
    %swap3A_287 = tpu.vector_load %arg14[%swap3A_286] {strides = array<i32>} : memref<256xf32, #tpu.memory_space<vmem>>, vector<16xf32>,
    tpu.vector_store %arg14[%swap3A_286], %neg3A_285 {strides = array<i32>} : memref<256xf32, #tpu.memory_space<vmem>>, vector<16xf32>,
    "tpu.region"() ({
      %run_scoped3A = tpu.sem_alloc : memref<!tpu.dma_semaphore, #tpu.memory_space<semaphore_mem>>
      %dma_start3A_580 = tpu.memref_slice %arg7[%add3A_4] : memref<16384xf32, #tpu.memory_space<hbm>> -> memref<256xf32, #tpu.memory_space<hbm>>
      %dma_start3A_581 = tpu.memref_slice %arg7[%add3A_4] : memref<16384xf32, #tpu.memory_space<hbm>> -> memref<256xf32, #tpu.memory_space<hbm>>
      tpu.enqueue_dma source(%arg14 : memref<256xf32, #tpu.memory_space<vmem>>) target(%dma_start3A_581 : memref<256xf32, #tpu.memory_space<hbm>>) target_semaphore(%run_scoped3A : memref<!tpu.dma_semaphore, #tpu.memory_space<semaphore_mem>>)
      %dma_wait3A_582 = tpu.memref_slice %arg7[%add3A_4] : memref<16384xf32, #tpu.memory_space<hbm>> -> memref<256xf32, #tpu.memory_space<hbm>>
      %dma_wait3A_583 = tpu.memref_slice %arg7[%add3A_4] : memref<16384xf32, #tpu.memory_space<hbm>> -> memref<256xf32, #tpu.memory_space<hbm>>
      tpu.wait_dma2 semaphore(%run_scoped3A : memref<!tpu.dma_semaphore, #tpu.memory_space<semaphore_mem>>) src(%arg14 : memref<256xf32, #tpu.memory_space<vmem>>) dst(%dma_wait3A_583 : memref<256xf32, #tpu.memory_space<hbm>>)
      tpu.yield
    }) : () -> ()
    %add3A_288 = arith.constant 256 : i32
    %add3A_289 = arith.addi %mul3A_2, %add3A_288 : i32
    "tpu.region"() ({
      %run_scoped3A = tpu.sem_alloc : memref<!tpu.dma_semaphore, #tpu.memory_space<semaphore_mem>>
      %dma_start3A_580 = tpu.memref_slice %arg2[%add3A_289] : memref<16384xi32, #tpu.memory_space<hbm>> -> memref<256xi32, #tpu.memory_space<hbm>>
      %dma_start3A_581 = tpu.memref_slice %arg2[%add3A_289] : memref<16384xi32, #tpu.memory_space<hbm>> -> memref<256xi32, #tpu.memory_space<hbm>>
      tpu.enqueue_dma source(%dma_start3A_581 : memref<256xi32, #tpu.memory_space<hbm>>) target(%arg8 : memref<256xi32, #tpu.memory_space<vmem>>) target_semaphore(%run_scoped3A : memref<!tpu.dma_semaphore, #tpu.memory_space<semaphore_mem>>)
      %dma_wait3A_582 = tpu.memref_slice %arg2[%add3A_289] : memref<16384xi32, #tpu.memory_space<hbm>> -> memref<256xi32, #tpu.memory_space<hbm>>
      %dma_wait3A_583 = tpu.memref_slice %arg2[%add3A_289] : memref<16384xi32, #tpu.memory_space<hbm>> -> memref<256xi32, #tpu.memory_space<hbm>>
      tpu.wait_dma2 semaphore(%run_scoped3A : memref<!tpu.dma_semaphore, #tpu.memory_space<semaphore_mem>>) src(%dma_wait3A_583 : memref<256xi32, #tpu.memory_space<hbm>>) dst(%arg8 : memref<256xi32, #tpu.memory_space<vmem>>)
      tpu.yield
    }) : () -> ()
    "tpu.region"() ({
      %run_scoped3A = tpu.sem_alloc : memref<!tpu.dma_semaphore, #tpu.memory_space<semaphore_mem>>
      %dma_start3A_580 = tpu.memref_slice %arg3[%add3A_289] : memref<16384xi32, #tpu.memory_space<hbm>> -> memref<256xi32, #tpu.memory_space<hbm>>
      %dma_start3A_581 = tpu.memref_slice %arg3[%add3A_289] : memref<16384xi32, #tpu.memory_space<hbm>> -> memref<256xi32, #tpu.memory_space<hbm>>
      tpu.enqueue_dma source(%dma_start3A_581 : memref<256xi32, #tpu.memory_space<hbm>>) target(%arg9 : memref<256xi32, #tpu.memory_space<vmem>>) target_semaphore(%run_scoped3A : memref<!tpu.dma_semaphore, #tpu.memory_space<semaphore_mem>>)
      %dma_wait3A_582 = tpu.memref_slice %arg3[%add3A_289] : memref<16384xi32, #tpu.memory_space<hbm>> -> memref<256xi32, #tpu.memory_space<hbm>>
      %dma_wait3A_583 = tpu.memref_slice %arg3[%add3A_289] : memref<16384xi32, #tpu.memory_space<hbm>> -> memref<256xi32, #tpu.memory_space<hbm>>
      tpu.wait_dma2 semaphore(%run_scoped3A : memref<!tpu.dma_semaphore, #tpu.memory_space<semaphore_mem>>) src(%dma_wait3A_583 : memref<256xi32, #tpu.memory_space<hbm>>) dst(%arg9 : memref<256xi32, #tpu.memory_space<vmem>>)
      tpu.yield
    }) : () -> ()
    "tpu.region"() ({
      %run_scoped3A = tpu.sem_alloc : memref<!tpu.dma_semaphore, #tpu.memory_space<semaphore_mem>>
      %dma_start3A_580 = tpu.memref_slice %arg4[%add3A_289] : memref<16384xi32, #tpu.memory_space<hbm>> -> memref<256xi32, #tpu.memory_space<hbm>>
      %dma_start3A_581 = tpu.memref_slice %arg4[%add3A_289] : memref<16384xi32, #tpu.memory_space<hbm>> -> memref<256xi32, #tpu.memory_space<hbm>>
      tpu.enqueue_dma source(%dma_start3A_581 : memref<256xi32, #tpu.memory_space<hbm>>) target(%arg10 : memref<256xi32, #tpu.memory_space<vmem>>) target_semaphore(%run_scoped3A : memref<!tpu.dma_semaphore, #tpu.memory_space<semaphore_mem>>)
      %dma_wait3A_582 = tpu.memref_slice %arg4[%add3A_289] : memref<16384xi32, #tpu.memory_space<hbm>> -> memref<256xi32, #tpu.memory_space<hbm>>
      %dma_wait3A_583 = tpu.memref_slice %arg4[%add3A_289] : memref<16384xi32, #tpu.memory_space<hbm>> -> memref<256xi32, #tpu.memory_space<hbm>>
      tpu.wait_dma2 semaphore(%run_scoped3A : memref<!tpu.dma_semaphore, #tpu.memory_space<semaphore_mem>>) src(%dma_wait3A_583 : memref<256xi32, #tpu.memory_space<hbm>>) dst(%arg10 : memref<256xi32, #tpu.memory_space<vmem>>)
      tpu.yield
    }) : () -> ()
    %dma_start3A_290 = arith.constant 0 : i32
    %dma_start3A_291 = arith.constant 0 : i32
    %dma_start3A_292 = tpu.memref_slice %arg5[%dma_start3A_290, %dma_start3A_291] : memref<100000x64xf32, #tpu.memory_space<hbm>> -> memref<100000x64xf32, #tpu.memory_space<hbm>>
    tpu.enqueue_indirect_dma source(%dma_start3A_292 : memref<100000x64xf32, #tpu.memory_space<hbm>>) target(%arg11 : memref<256x64xf32, #tpu.memory_space<vmem>>) offsets(%arg8 : memref<256xi32, #tpu.memory_space<vmem>>) semaphore(%arg15 : memref<!tpu.dma_semaphore, #tpu.memory_space<semaphore_mem>>)
    %dma_start3A_293 = arith.constant 0 : i32
    %dma_start3A_294 = arith.constant 0 : i32
    %dma_start3A_295 = tpu.memref_slice %arg5[%dma_start3A_293, %dma_start3A_294] : memref<100000x64xf32, #tpu.memory_space<hbm>> -> memref<100000x64xf32, #tpu.memory_space<hbm>>
    tpu.enqueue_indirect_dma source(%dma_start3A_295 : memref<100000x64xf32, #tpu.memory_space<hbm>>) target(%arg12 : memref<256x64xf32, #tpu.memory_space<vmem>>) offsets(%arg10 : memref<256xi32, #tpu.memory_space<vmem>>) semaphore(%arg15 : memref<!tpu.dma_semaphore, #tpu.memory_space<semaphore_mem>>)
    %dma_start3A_296 = arith.constant 0 : i32
    %dma_start3A_297 = arith.constant 0 : i32
    %dma_start3A_298 = tpu.memref_slice %arg6[%dma_start3A_296, %dma_start3A_297] : memref<100000x128xf32, #tpu.memory_space<hbm>> -> memref<100000x128xf32, #tpu.memory_space<hbm>>
    tpu.enqueue_indirect_dma source(%dma_start3A_298 : memref<100000x128xf32, #tpu.memory_space<hbm>>) target(%arg13 : memref<256x128xf32, #tpu.memory_space<vmem>>) offsets(%arg9 : memref<256xi32, #tpu.memory_space<vmem>>) semaphore(%arg15 : memref<!tpu.dma_semaphore, #tpu.memory_space<semaphore_mem>>)
    %dma_wait3A_299 = arith.constant 0 : i32
    %dma_wait3A_300 = arith.constant 0 : i32
    %dma_wait3A_301 = tpu.memref_slice %arg5[%dma_wait3A_299, %dma_wait3A_300] : memref<100000x64xf32, #tpu.memory_space<hbm>> -> memref<100000x64xf32, #tpu.memory_space<hbm>>
    tpu.wait_indirect_dma semaphore(%arg15 : memref<!tpu.dma_semaphore, #tpu.memory_space<semaphore_mem>>) src(%dma_wait3A_301 : memref<100000x64xf32, #tpu.memory_space<hbm>>) dst(%arg11 : memref<256x64xf32, #tpu.memory_space<vmem>>)
    %dma_wait3A_302 = arith.constant 0 : i32
    %dma_wait3A_303 = arith.constant 0 : i32
    %dma_wait3A_304 = tpu.memref_slice %arg5[%dma_wait3A_302, %dma_wait3A_303] : memref<100000x64xf32, #tpu.memory_space<hbm>> -> memref<100000x64xf32, #tpu.memory_space<hbm>>
    tpu.wait_indirect_dma semaphore(%arg15 : memref<!tpu.dma_semaphore, #tpu.memory_space<semaphore_mem>>) src(%dma_wait3A_304 : memref<100000x64xf32, #tpu.memory_space<hbm>>) dst(%arg12 : memref<256x64xf32, #tpu.memory_space<vmem>>)
    %dma_wait3A_305 = arith.constant 0 : i32
    %dma_wait3A_306 = arith.constant 0 : i32
    %dma_wait3A_307 = tpu.memref_slice %arg6[%dma_wait3A_305, %dma_wait3A_306] : memref<100000x128xf32, #tpu.memory_space<hbm>> -> memref<100000x128xf32, #tpu.memory_space<hbm>>
    tpu.wait_indirect_dma semaphore(%arg15 : memref<!tpu.dma_semaphore, #tpu.memory_space<semaphore_mem>>) src(%dma_wait3A_307 : memref<100000x128xf32, #tpu.memory_space<hbm>>) dst(%arg13 : memref<256x128xf32, #tpu.memory_space<vmem>>)
    %iota3A_308 = tpu.iota {dimensions = array<i32: 0>} : vector<16xi32>
    %add3A_309 = arith.constant 0 : i32
    %add3A_310 = vector.broadcast %add3A_309 : i32 to vector<16xi32>
    %add3A_311 = arith.addi %iota3A_308, %add3A_310 : vector<16xi32>
    %broadcast_in_dim3A_312 = arith.constant 0.000000e+00 : f32
    %broadcast_in_dim3A_313 = vector.broadcast %broadcast_in_dim3A_312 : f32 to vector<16xf32>
    %scan3A_314 = arith.constant 0 : i32
    %scan3A_315 = arith.constant 64 : i32
    %scan3A_316 = arith.addi %scan3A_314, %scan3A_315 : i32
    %scan3A_317 = arith.constant 1 : i32
    %scan3A_318 = scf.for %scan3A_580 = %scan3A_314 to %scan3A_316 step %scan3A_317 iter_args(%scan3A_581 = %broadcast_in_dim3A_313) -> (vector<16xf32>)  : i32 {
      %broadcast_in_dim3A_582 = vector.broadcast %scan3A_580 : i32 to vector<16xi32>
      %gather3A = tpu.vector_load_idx %arg13[%add3A_311, %broadcast_in_dim3A_582] : memref<256x128xf32, #tpu.memory_space<vmem>>[vector<16xi32>, vector<16xi32>], vector<16xf32>,
      %add3A_583 = arith.constant 64 : i32
      %add3A_584 = vector.broadcast %add3A_583 : i32 to vector<16xi32>
      %add3A_585 = arith.addi %broadcast_in_dim3A_582, %add3A_584 : vector<16xi32>
      %gather3A_586 = tpu.vector_load_idx %arg13[%add3A_311, %add3A_585] : memref<256x128xf32, #tpu.memory_space<vmem>>[vector<16xi32>, vector<16xi32>], vector<16xf32>,
      %gather3A_587 = tpu.vector_load_idx %arg11[%add3A_311, %broadcast_in_dim3A_582] : memref<256x64xf32, #tpu.memory_space<vmem>>[vector<16xi32>, vector<16xi32>], vector<16xf32>,
      %gather3A_588 = tpu.vector_load_idx %arg12[%add3A_311, %broadcast_in_dim3A_582] : memref<256x64xf32, #tpu.memory_space<vmem>>[vector<16xi32>, vector<16xi32>], vector<16xf32>,
      %abs3A = math.absf %gather3A_586 : vector<16xf32>
      %max3A = arith.constant 9.99999997E-7 : f32
      %max3A_589 = vector.broadcast %max3A : f32 to vector<16xf32>
      %max3A_590 = arith.maximumf %abs3A, %max3A_589 : vector<16xf32>
      %sub3A = arith.subf %gather3A, %max3A_590 : vector<16xf32>
      %add3A_591 = arith.addf %gather3A, %max3A_590 : vector<16xf32>
      %broadcast_in_dim3A_592 = arith.constant 0.000000e+00 : f32
      %broadcast_in_dim3A_593 = vector.broadcast %broadcast_in_dim3A_592 : f32 to vector<16xf32>
      %sub3A_594 = arith.subf %sub3A, %gather3A_587 : vector<16xf32>
      %max3A_595 = arith.maximumf %sub3A_594, %broadcast_in_dim3A_593 : vector<16xf32>
      %add3A_596 = arith.addf %scan3A_581, %max3A_595 : vector<16xf32>
      %sub3A_597 = arith.subf %gather3A_587, %add3A_591 : vector<16xf32>
      %max3A_598 = arith.maximumf %sub3A_597, %broadcast_in_dim3A_593 : vector<16xf32>
      %add3A_599 = arith.addf %add3A_596, %max3A_598 : vector<16xf32>
      %sub3A_600 = arith.subf %sub3A, %gather3A_588 : vector<16xf32>
      %max3A_601 = arith.maximumf %sub3A_600, %broadcast_in_dim3A_593 : vector<16xf32>
      %add3A_602 = arith.addf %add3A_599, %max3A_601 : vector<16xf32>
      %sub3A_603 = arith.subf %gather3A_588, %add3A_591 : vector<16xf32>
      %max3A_604 = arith.maximumf %sub3A_603, %broadcast_in_dim3A_593 : vector<16xf32>
      %add3A_605 = arith.addf %add3A_602, %max3A_604 : vector<16xf32>
      scf.yield %add3A_605 : vector<16xf32>
    }
    %scan3A_319 = arith.constant 64 : i32
    %neg3A_320 = arith.constant 0.000000e+00 : f32
    %neg3A_321 = vector.broadcast %neg3A_320 : f32 to vector<16xf32>
    %neg3A_322 = arith.subf %neg3A_321, %scan3A_318 : vector<16xf32>
    %swap3A_323 = arith.constant 0 : index
    %swap3A_324 = tpu.vector_load %arg14[%swap3A_323] {strides = array<i32>} : memref<256xf32, #tpu.memory_space<vmem>>, vector<16xf32>,
    tpu.vector_store %arg14[%swap3A_323], %neg3A_322 {strides = array<i32>} : memref<256xf32, #tpu.memory_space<vmem>>, vector<16xf32>,
    %iota3A_325 = tpu.iota {dimensions = array<i32: 0>} : vector<16xi32>
    %add3A_326 = arith.constant 16 : i32
    %add3A_327 = vector.broadcast %add3A_326 : i32 to vector<16xi32>
    %add3A_328 = arith.addi %iota3A_325, %add3A_327 : vector<16xi32>
    %broadcast_in_dim3A_329 = arith.constant 0.000000e+00 : f32
    %broadcast_in_dim3A_330 = vector.broadcast %broadcast_in_dim3A_329 : f32 to vector<16xf32>
    %scan3A_331 = arith.constant 0 : i32
    %scan3A_332 = arith.constant 64 : i32
    %scan3A_333 = arith.addi %scan3A_331, %scan3A_332 : i32
    %scan3A_334 = arith.constant 1 : i32
    %scan3A_335 = scf.for %scan3A_580 = %scan3A_331 to %scan3A_333 step %scan3A_334 iter_args(%scan3A_581 = %broadcast_in_dim3A_330) -> (vector<16xf32>)  : i32 {
      %broadcast_in_dim3A_582 = vector.broadcast %scan3A_580 : i32 to vector<16xi32>
      %gather3A = tpu.vector_load_idx %arg13[%add3A_328, %broadcast_in_dim3A_582] : memref<256x128xf32, #tpu.memory_space<vmem>>[vector<16xi32>, vector<16xi32>], vector<16xf32>,
      %add3A_583 = arith.constant 64 : i32
      %add3A_584 = vector.broadcast %add3A_583 : i32 to vector<16xi32>
      %add3A_585 = arith.addi %broadcast_in_dim3A_582, %add3A_584 : vector<16xi32>
      %gather3A_586 = tpu.vector_load_idx %arg13[%add3A_328, %add3A_585] : memref<256x128xf32, #tpu.memory_space<vmem>>[vector<16xi32>, vector<16xi32>], vector<16xf32>,
      %gather3A_587 = tpu.vector_load_idx %arg11[%add3A_328, %broadcast_in_dim3A_582] : memref<256x64xf32, #tpu.memory_space<vmem>>[vector<16xi32>, vector<16xi32>], vector<16xf32>,
      %gather3A_588 = tpu.vector_load_idx %arg12[%add3A_328, %broadcast_in_dim3A_582] : memref<256x64xf32, #tpu.memory_space<vmem>>[vector<16xi32>, vector<16xi32>], vector<16xf32>,
      %abs3A = math.absf %gather3A_586 : vector<16xf32>
      %max3A = arith.constant 9.99999997E-7 : f32
      %max3A_589 = vector.broadcast %max3A : f32 to vector<16xf32>
      %max3A_590 = arith.maximumf %abs3A, %max3A_589 : vector<16xf32>
      %sub3A = arith.subf %gather3A, %max3A_590 : vector<16xf32>
      %add3A_591 = arith.addf %gather3A, %max3A_590 : vector<16xf32>
      %broadcast_in_dim3A_592 = arith.constant 0.000000e+00 : f32
      %broadcast_in_dim3A_593 = vector.broadcast %broadcast_in_dim3A_592 : f32 to vector<16xf32>
      %sub3A_594 = arith.subf %sub3A, %gather3A_587 : vector<16xf32>
      %max3A_595 = arith.maximumf %sub3A_594, %broadcast_in_dim3A_593 : vector<16xf32>
      %add3A_596 = arith.addf %scan3A_581, %max3A_595 : vector<16xf32>
      %sub3A_597 = arith.subf %gather3A_587, %add3A_591 : vector<16xf32>
      %max3A_598 = arith.maximumf %sub3A_597, %broadcast_in_dim3A_593 : vector<16xf32>
      %add3A_599 = arith.addf %add3A_596, %max3A_598 : vector<16xf32>
      %sub3A_600 = arith.subf %sub3A, %gather3A_588 : vector<16xf32>
      %max3A_601 = arith.maximumf %sub3A_600, %broadcast_in_dim3A_593 : vector<16xf32>
      %add3A_602 = arith.addf %add3A_599, %max3A_601 : vector<16xf32>
      %sub3A_603 = arith.subf %gather3A_588, %add3A_591 : vector<16xf32>
      %max3A_604 = arith.maximumf %sub3A_603, %broadcast_in_dim3A_593 : vector<16xf32>
      %add3A_605 = arith.addf %add3A_602, %max3A_604 : vector<16xf32>
      scf.yield %add3A_605 : vector<16xf32>
    }
    %scan3A_336 = arith.constant 64 : i32
    %neg3A_337 = arith.constant 0.000000e+00 : f32
    %neg3A_338 = vector.broadcast %neg3A_337 : f32 to vector<16xf32>
    %neg3A_339 = arith.subf %neg3A_338, %scan3A_335 : vector<16xf32>
    %swap3A_340 = arith.constant 16 : index
    %swap3A_341 = tpu.vector_load %arg14[%swap3A_340] {strides = array<i32>} : memref<256xf32, #tpu.memory_space<vmem>>, vector<16xf32>,
    tpu.vector_store %arg14[%swap3A_340], %neg3A_339 {strides = array<i32>} : memref<256xf32, #tpu.memory_space<vmem>>, vector<16xf32>,
    %iota3A_342 = tpu.iota {dimensions = array<i32: 0>} : vector<16xi32>
    %add3A_343 = arith.constant 32 : i32
    %add3A_344 = vector.broadcast %add3A_343 : i32 to vector<16xi32>
    %add3A_345 = arith.addi %iota3A_342, %add3A_344 : vector<16xi32>
    %broadcast_in_dim3A_346 = arith.constant 0.000000e+00 : f32
    %broadcast_in_dim3A_347 = vector.broadcast %broadcast_in_dim3A_346 : f32 to vector<16xf32>
    %scan3A_348 = arith.constant 0 : i32
    %scan3A_349 = arith.constant 64 : i32
    %scan3A_350 = arith.addi %scan3A_348, %scan3A_349 : i32
    %scan3A_351 = arith.constant 1 : i32
    %scan3A_352 = scf.for %scan3A_580 = %scan3A_348 to %scan3A_350 step %scan3A_351 iter_args(%scan3A_581 = %broadcast_in_dim3A_347) -> (vector<16xf32>)  : i32 {
      %broadcast_in_dim3A_582 = vector.broadcast %scan3A_580 : i32 to vector<16xi32>
      %gather3A = tpu.vector_load_idx %arg13[%add3A_345, %broadcast_in_dim3A_582] : memref<256x128xf32, #tpu.memory_space<vmem>>[vector<16xi32>, vector<16xi32>], vector<16xf32>,
      %add3A_583 = arith.constant 64 : i32
      %add3A_584 = vector.broadcast %add3A_583 : i32 to vector<16xi32>
      %add3A_585 = arith.addi %broadcast_in_dim3A_582, %add3A_584 : vector<16xi32>
      %gather3A_586 = tpu.vector_load_idx %arg13[%add3A_345, %add3A_585] : memref<256x128xf32, #tpu.memory_space<vmem>>[vector<16xi32>, vector<16xi32>], vector<16xf32>,
      %gather3A_587 = tpu.vector_load_idx %arg11[%add3A_345, %broadcast_in_dim3A_582] : memref<256x64xf32, #tpu.memory_space<vmem>>[vector<16xi32>, vector<16xi32>], vector<16xf32>,
      %gather3A_588 = tpu.vector_load_idx %arg12[%add3A_345, %broadcast_in_dim3A_582] : memref<256x64xf32, #tpu.memory_space<vmem>>[vector<16xi32>, vector<16xi32>], vector<16xf32>,
      %abs3A = math.absf %gather3A_586 : vector<16xf32>
      %max3A = arith.constant 9.99999997E-7 : f32
      %max3A_589 = vector.broadcast %max3A : f32 to vector<16xf32>
      %max3A_590 = arith.maximumf %abs3A, %max3A_589 : vector<16xf32>
      %sub3A = arith.subf %gather3A, %max3A_590 : vector<16xf32>
      %add3A_591 = arith.addf %gather3A, %max3A_590 : vector<16xf32>
      %broadcast_in_dim3A_592 = arith.constant 0.000000e+00 : f32
      %broadcast_in_dim3A_593 = vector.broadcast %broadcast_in_dim3A_592 : f32 to vector<16xf32>
      %sub3A_594 = arith.subf %sub3A, %gather3A_587 : vector<16xf32>
      %max3A_595 = arith.maximumf %sub3A_594, %broadcast_in_dim3A_593 : vector<16xf32>
      %add3A_596 = arith.addf %scan3A_581, %max3A_595 : vector<16xf32>
      %sub3A_597 = arith.subf %gather3A_587, %add3A_591 : vector<16xf32>
      %max3A_598 = arith.maximumf %sub3A_597, %broadcast_in_dim3A_593 : vector<16xf32>
      %add3A_599 = arith.addf %add3A_596, %max3A_598 : vector<16xf32>
      %sub3A_600 = arith.subf %sub3A, %gather3A_588 : vector<16xf32>
      %max3A_601 = arith.maximumf %sub3A_600, %broadcast_in_dim3A_593 : vector<16xf32>
      %add3A_602 = arith.addf %add3A_599, %max3A_601 : vector<16xf32>
      %sub3A_603 = arith.subf %gather3A_588, %add3A_591 : vector<16xf32>
      %max3A_604 = arith.maximumf %sub3A_603, %broadcast_in_dim3A_593 : vector<16xf32>
      %add3A_605 = arith.addf %add3A_602, %max3A_604 : vector<16xf32>
      scf.yield %add3A_605 : vector<16xf32>
    }
    %scan3A_353 = arith.constant 64 : i32
    %neg3A_354 = arith.constant 0.000000e+00 : f32
    %neg3A_355 = vector.broadcast %neg3A_354 : f32 to vector<16xf32>
    %neg3A_356 = arith.subf %neg3A_355, %scan3A_352 : vector<16xf32>
    %swap3A_357 = arith.constant 32 : index
    %swap3A_358 = tpu.vector_load %arg14[%swap3A_357] {strides = array<i32>} : memref<256xf32, #tpu.memory_space<vmem>>, vector<16xf32>,
    tpu.vector_store %arg14[%swap3A_357], %neg3A_356 {strides = array<i32>} : memref<256xf32, #tpu.memory_space<vmem>>, vector<16xf32>,
    %iota3A_359 = tpu.iota {dimensions = array<i32: 0>} : vector<16xi32>
    %add3A_360 = arith.constant 48 : i32
    %add3A_361 = vector.broadcast %add3A_360 : i32 to vector<16xi32>
    %add3A_362 = arith.addi %iota3A_359, %add3A_361 : vector<16xi32>
    %broadcast_in_dim3A_363 = arith.constant 0.000000e+00 : f32
    %broadcast_in_dim3A_364 = vector.broadcast %broadcast_in_dim3A_363 : f32 to vector<16xf32>
    %scan3A_365 = arith.constant 0 : i32
    %scan3A_366 = arith.constant 64 : i32
    %scan3A_367 = arith.addi %scan3A_365, %scan3A_366 : i32
    %scan3A_368 = arith.constant 1 : i32
    %scan3A_369 = scf.for %scan3A_580 = %scan3A_365 to %scan3A_367 step %scan3A_368 iter_args(%scan3A_581 = %broadcast_in_dim3A_364) -> (vector<16xf32>)  : i32 {
      %broadcast_in_dim3A_582 = vector.broadcast %scan3A_580 : i32 to vector<16xi32>
      %gather3A = tpu.vector_load_idx %arg13[%add3A_362, %broadcast_in_dim3A_582] : memref<256x128xf32, #tpu.memory_space<vmem>>[vector<16xi32>, vector<16xi32>], vector<16xf32>,
      %add3A_583 = arith.constant 64 : i32
      %add3A_584 = vector.broadcast %add3A_583 : i32 to vector<16xi32>
      %add3A_585 = arith.addi %broadcast_in_dim3A_582, %add3A_584 : vector<16xi32>
      %gather3A_586 = tpu.vector_load_idx %arg13[%add3A_362, %add3A_585] : memref<256x128xf32, #tpu.memory_space<vmem>>[vector<16xi32>, vector<16xi32>], vector<16xf32>,
      %gather3A_587 = tpu.vector_load_idx %arg11[%add3A_362, %broadcast_in_dim3A_582] : memref<256x64xf32, #tpu.memory_space<vmem>>[vector<16xi32>, vector<16xi32>], vector<16xf32>,
      %gather3A_588 = tpu.vector_load_idx %arg12[%add3A_362, %broadcast_in_dim3A_582] : memref<256x64xf32, #tpu.memory_space<vmem>>[vector<16xi32>, vector<16xi32>], vector<16xf32>,
      %abs3A = math.absf %gather3A_586 : vector<16xf32>
      %max3A = arith.constant 9.99999997E-7 : f32
      %max3A_589 = vector.broadcast %max3A : f32 to vector<16xf32>
      %max3A_590 = arith.maximumf %abs3A, %max3A_589 : vector<16xf32>
      %sub3A = arith.subf %gather3A, %max3A_590 : vector<16xf32>
      %add3A_591 = arith.addf %gather3A, %max3A_590 : vector<16xf32>
      %broadcast_in_dim3A_592 = arith.constant 0.000000e+00 : f32
      %broadcast_in_dim3A_593 = vector.broadcast %broadcast_in_dim3A_592 : f32 to vector<16xf32>
      %sub3A_594 = arith.subf %sub3A, %gather3A_587 : vector<16xf32>
      %max3A_595 = arith.maximumf %sub3A_594, %broadcast_in_dim3A_593 : vector<16xf32>
      %add3A_596 = arith.addf %scan3A_581, %max3A_595 : vector<16xf32>
      %sub3A_597 = arith.subf %gather3A_587, %add3A_591 : vector<16xf32>
      %max3A_598 = arith.maximumf %sub3A_597, %broadcast_in_dim3A_593 : vector<16xf32>
      %add3A_599 = arith.addf %add3A_596, %max3A_598 : vector<16xf32>
      %sub3A_600 = arith.subf %sub3A, %gather3A_588 : vector<16xf32>
      %max3A_601 = arith.maximumf %sub3A_600, %broadcast_in_dim3A_593 : vector<16xf32>
      %add3A_602 = arith.addf %add3A_599, %max3A_601 : vector<16xf32>
      %sub3A_603 = arith.subf %gather3A_588, %add3A_591 : vector<16xf32>
      %max3A_604 = arith.maximumf %sub3A_603, %broadcast_in_dim3A_593 : vector<16xf32>
      %add3A_605 = arith.addf %add3A_602, %max3A_604 : vector<16xf32>
      scf.yield %add3A_605 : vector<16xf32>
    }
    %scan3A_370 = arith.constant 64 : i32
    %neg3A_371 = arith.constant 0.000000e+00 : f32
    %neg3A_372 = vector.broadcast %neg3A_371 : f32 to vector<16xf32>
    %neg3A_373 = arith.subf %neg3A_372, %scan3A_369 : vector<16xf32>
    %swap3A_374 = arith.constant 48 : index
    %swap3A_375 = tpu.vector_load %arg14[%swap3A_374] {strides = array<i32>} : memref<256xf32, #tpu.memory_space<vmem>>, vector<16xf32>,
    tpu.vector_store %arg14[%swap3A_374], %neg3A_373 {strides = array<i32>} : memref<256xf32, #tpu.memory_space<vmem>>, vector<16xf32>,
    %iota3A_376 = tpu.iota {dimensions = array<i32: 0>} : vector<16xi32>
    %add3A_377 = arith.constant 64 : i32
    %add3A_378 = vector.broadcast %add3A_377 : i32 to vector<16xi32>
    %add3A_379 = arith.addi %iota3A_376, %add3A_378 : vector<16xi32>
    %broadcast_in_dim3A_380 = arith.constant 0.000000e+00 : f32
    %broadcast_in_dim3A_381 = vector.broadcast %broadcast_in_dim3A_380 : f32 to vector<16xf32>
    %scan3A_382 = arith.constant 0 : i32
    %scan3A_383 = arith.constant 64 : i32
    %scan3A_384 = arith.addi %scan3A_382, %scan3A_383 : i32
    %scan3A_385 = arith.constant 1 : i32
    %scan3A_386 = scf.for %scan3A_580 = %scan3A_382 to %scan3A_384 step %scan3A_385 iter_args(%scan3A_581 = %broadcast_in_dim3A_381) -> (vector<16xf32>)  : i32 {
      %broadcast_in_dim3A_582 = vector.broadcast %scan3A_580 : i32 to vector<16xi32>
      %gather3A = tpu.vector_load_idx %arg13[%add3A_379, %broadcast_in_dim3A_582] : memref<256x128xf32, #tpu.memory_space<vmem>>[vector<16xi32>, vector<16xi32>], vector<16xf32>,
      %add3A_583 = arith.constant 64 : i32
      %add3A_584 = vector.broadcast %add3A_583 : i32 to vector<16xi32>
      %add3A_585 = arith.addi %broadcast_in_dim3A_582, %add3A_584 : vector<16xi32>
      %gather3A_586 = tpu.vector_load_idx %arg13[%add3A_379, %add3A_585] : memref<256x128xf32, #tpu.memory_space<vmem>>[vector<16xi32>, vector<16xi32>], vector<16xf32>,
      %gather3A_587 = tpu.vector_load_idx %arg11[%add3A_379, %broadcast_in_dim3A_582] : memref<256x64xf32, #tpu.memory_space<vmem>>[vector<16xi32>, vector<16xi32>], vector<16xf32>,
      %gather3A_588 = tpu.vector_load_idx %arg12[%add3A_379, %broadcast_in_dim3A_582] : memref<256x64xf32, #tpu.memory_space<vmem>>[vector<16xi32>, vector<16xi32>], vector<16xf32>,
      %abs3A = math.absf %gather3A_586 : vector<16xf32>
      %max3A = arith.constant 9.99999997E-7 : f32
      %max3A_589 = vector.broadcast %max3A : f32 to vector<16xf32>
      %max3A_590 = arith.maximumf %abs3A, %max3A_589 : vector<16xf32>
      %sub3A = arith.subf %gather3A, %max3A_590 : vector<16xf32>
      %add3A_591 = arith.addf %gather3A, %max3A_590 : vector<16xf32>
      %broadcast_in_dim3A_592 = arith.constant 0.000000e+00 : f32
      %broadcast_in_dim3A_593 = vector.broadcast %broadcast_in_dim3A_592 : f32 to vector<16xf32>
      %sub3A_594 = arith.subf %sub3A, %gather3A_587 : vector<16xf32>
      %max3A_595 = arith.maximumf %sub3A_594, %broadcast_in_dim3A_593 : vector<16xf32>
      %add3A_596 = arith.addf %scan3A_581, %max3A_595 : vector<16xf32>
      %sub3A_597 = arith.subf %gather3A_587, %add3A_591 : vector<16xf32>
      %max3A_598 = arith.maximumf %sub3A_597, %broadcast_in_dim3A_593 : vector<16xf32>
      %add3A_599 = arith.addf %add3A_596, %max3A_598 : vector<16xf32>
      %sub3A_600 = arith.subf %sub3A, %gather3A_588 : vector<16xf32>
      %max3A_601 = arith.maximumf %sub3A_600, %broadcast_in_dim3A_593 : vector<16xf32>
      %add3A_602 = arith.addf %add3A_599, %max3A_601 : vector<16xf32>
      %sub3A_603 = arith.subf %gather3A_588, %add3A_591 : vector<16xf32>
      %max3A_604 = arith.maximumf %sub3A_603, %broadcast_in_dim3A_593 : vector<16xf32>
      %add3A_605 = arith.addf %add3A_602, %max3A_604 : vector<16xf32>
      scf.yield %add3A_605 : vector<16xf32>
    }
    %scan3A_387 = arith.constant 64 : i32
    %neg3A_388 = arith.constant 0.000000e+00 : f32
    %neg3A_389 = vector.broadcast %neg3A_388 : f32 to vector<16xf32>
    %neg3A_390 = arith.subf %neg3A_389, %scan3A_386 : vector<16xf32>
    %swap3A_391 = arith.constant 64 : index
    %swap3A_392 = tpu.vector_load %arg14[%swap3A_391] {strides = array<i32>} : memref<256xf32, #tpu.memory_space<vmem>>, vector<16xf32>,
    tpu.vector_store %arg14[%swap3A_391], %neg3A_390 {strides = array<i32>} : memref<256xf32, #tpu.memory_space<vmem>>, vector<16xf32>,
    %iota3A_393 = tpu.iota {dimensions = array<i32: 0>} : vector<16xi32>
    %add3A_394 = arith.constant 80 : i32
    %add3A_395 = vector.broadcast %add3A_394 : i32 to vector<16xi32>
    %add3A_396 = arith.addi %iota3A_393, %add3A_395 : vector<16xi32>
    %broadcast_in_dim3A_397 = arith.constant 0.000000e+00 : f32
    %broadcast_in_dim3A_398 = vector.broadcast %broadcast_in_dim3A_397 : f32 to vector<16xf32>
    %scan3A_399 = arith.constant 0 : i32
    %scan3A_400 = arith.constant 64 : i32
    %scan3A_401 = arith.addi %scan3A_399, %scan3A_400 : i32
    %scan3A_402 = arith.constant 1 : i32
    %scan3A_403 = scf.for %scan3A_580 = %scan3A_399 to %scan3A_401 step %scan3A_402 iter_args(%scan3A_581 = %broadcast_in_dim3A_398) -> (vector<16xf32>)  : i32 {
      %broadcast_in_dim3A_582 = vector.broadcast %scan3A_580 : i32 to vector<16xi32>
      %gather3A = tpu.vector_load_idx %arg13[%add3A_396, %broadcast_in_dim3A_582] : memref<256x128xf32, #tpu.memory_space<vmem>>[vector<16xi32>, vector<16xi32>], vector<16xf32>,
      %add3A_583 = arith.constant 64 : i32
      %add3A_584 = vector.broadcast %add3A_583 : i32 to vector<16xi32>
      %add3A_585 = arith.addi %broadcast_in_dim3A_582, %add3A_584 : vector<16xi32>
      %gather3A_586 = tpu.vector_load_idx %arg13[%add3A_396, %add3A_585] : memref<256x128xf32, #tpu.memory_space<vmem>>[vector<16xi32>, vector<16xi32>], vector<16xf32>,
      %gather3A_587 = tpu.vector_load_idx %arg11[%add3A_396, %broadcast_in_dim3A_582] : memref<256x64xf32, #tpu.memory_space<vmem>>[vector<16xi32>, vector<16xi32>], vector<16xf32>,
      %gather3A_588 = tpu.vector_load_idx %arg12[%add3A_396, %broadcast_in_dim3A_582] : memref<256x64xf32, #tpu.memory_space<vmem>>[vector<16xi32>, vector<16xi32>], vector<16xf32>,
      %abs3A = math.absf %gather3A_586 : vector<16xf32>
      %max3A = arith.constant 9.99999997E-7 : f32
      %max3A_589 = vector.broadcast %max3A : f32 to vector<16xf32>
      %max3A_590 = arith.maximumf %abs3A, %max3A_589 : vector<16xf32>
      %sub3A = arith.subf %gather3A, %max3A_590 : vector<16xf32>
      %add3A_591 = arith.addf %gather3A, %max3A_590 : vector<16xf32>
      %broadcast_in_dim3A_592 = arith.constant 0.000000e+00 : f32
      %broadcast_in_dim3A_593 = vector.broadcast %broadcast_in_dim3A_592 : f32 to vector<16xf32>
      %sub3A_594 = arith.subf %sub3A, %gather3A_587 : vector<16xf32>
      %max3A_595 = arith.maximumf %sub3A_594, %broadcast_in_dim3A_593 : vector<16xf32>
      %add3A_596 = arith.addf %scan3A_581, %max3A_595 : vector<16xf32>
      %sub3A_597 = arith.subf %gather3A_587, %add3A_591 : vector<16xf32>
      %max3A_598 = arith.maximumf %sub3A_597, %broadcast_in_dim3A_593 : vector<16xf32>
      %add3A_599 = arith.addf %add3A_596, %max3A_598 : vector<16xf32>
      %sub3A_600 = arith.subf %sub3A, %gather3A_588 : vector<16xf32>
      %max3A_601 = arith.maximumf %sub3A_600, %broadcast_in_dim3A_593 : vector<16xf32>
      %add3A_602 = arith.addf %add3A_599, %max3A_601 : vector<16xf32>
      %sub3A_603 = arith.subf %gather3A_588, %add3A_591 : vector<16xf32>
      %max3A_604 = arith.maximumf %sub3A_603, %broadcast_in_dim3A_593 : vector<16xf32>
      %add3A_605 = arith.addf %add3A_602, %max3A_604 : vector<16xf32>
      scf.yield %add3A_605 : vector<16xf32>
    }
    %scan3A_404 = arith.constant 64 : i32
    %neg3A_405 = arith.constant 0.000000e+00 : f32
    %neg3A_406 = vector.broadcast %neg3A_405 : f32 to vector<16xf32>
    %neg3A_407 = arith.subf %neg3A_406, %scan3A_403 : vector<16xf32>
    %swap3A_408 = arith.constant 80 : index
    %swap3A_409 = tpu.vector_load %arg14[%swap3A_408] {strides = array<i32>} : memref<256xf32, #tpu.memory_space<vmem>>, vector<16xf32>,
    tpu.vector_store %arg14[%swap3A_408], %neg3A_407 {strides = array<i32>} : memref<256xf32, #tpu.memory_space<vmem>>, vector<16xf32>,
    %iota3A_410 = tpu.iota {dimensions = array<i32: 0>} : vector<16xi32>
    %add3A_411 = arith.constant 96 : i32
    %add3A_412 = vector.broadcast %add3A_411 : i32 to vector<16xi32>
    %add3A_413 = arith.addi %iota3A_410, %add3A_412 : vector<16xi32>
    %broadcast_in_dim3A_414 = arith.constant 0.000000e+00 : f32
    %broadcast_in_dim3A_415 = vector.broadcast %broadcast_in_dim3A_414 : f32 to vector<16xf32>
    %scan3A_416 = arith.constant 0 : i32
    %scan3A_417 = arith.constant 64 : i32
    %scan3A_418 = arith.addi %scan3A_416, %scan3A_417 : i32
    %scan3A_419 = arith.constant 1 : i32
    %scan3A_420 = scf.for %scan3A_580 = %scan3A_416 to %scan3A_418 step %scan3A_419 iter_args(%scan3A_581 = %broadcast_in_dim3A_415) -> (vector<16xf32>)  : i32 {
      %broadcast_in_dim3A_582 = vector.broadcast %scan3A_580 : i32 to vector<16xi32>
      %gather3A = tpu.vector_load_idx %arg13[%add3A_413, %broadcast_in_dim3A_582] : memref<256x128xf32, #tpu.memory_space<vmem>>[vector<16xi32>, vector<16xi32>], vector<16xf32>,
      %add3A_583 = arith.constant 64 : i32
      %add3A_584 = vector.broadcast %add3A_583 : i32 to vector<16xi32>
      %add3A_585 = arith.addi %broadcast_in_dim3A_582, %add3A_584 : vector<16xi32>
      %gather3A_586 = tpu.vector_load_idx %arg13[%add3A_413, %add3A_585] : memref<256x128xf32, #tpu.memory_space<vmem>>[vector<16xi32>, vector<16xi32>], vector<16xf32>,
      %gather3A_587 = tpu.vector_load_idx %arg11[%add3A_413, %broadcast_in_dim3A_582] : memref<256x64xf32, #tpu.memory_space<vmem>>[vector<16xi32>, vector<16xi32>], vector<16xf32>,
      %gather3A_588 = tpu.vector_load_idx %arg12[%add3A_413, %broadcast_in_dim3A_582] : memref<256x64xf32, #tpu.memory_space<vmem>>[vector<16xi32>, vector<16xi32>], vector<16xf32>,
      %abs3A = math.absf %gather3A_586 : vector<16xf32>
      %max3A = arith.constant 9.99999997E-7 : f32
      %max3A_589 = vector.broadcast %max3A : f32 to vector<16xf32>
      %max3A_590 = arith.maximumf %abs3A, %max3A_589 : vector<16xf32>
      %sub3A = arith.subf %gather3A, %max3A_590 : vector<16xf32>
      %add3A_591 = arith.addf %gather3A, %max3A_590 : vector<16xf32>
      %broadcast_in_dim3A_592 = arith.constant 0.000000e+00 : f32
      %broadcast_in_dim3A_593 = vector.broadcast %broadcast_in_dim3A_592 : f32 to vector<16xf32>
      %sub3A_594 = arith.subf %sub3A, %gather3A_587 : vector<16xf32>
      %max3A_595 = arith.maximumf %sub3A_594, %broadcast_in_dim3A_593 : vector<16xf32>
      %add3A_596 = arith.addf %scan3A_581, %max3A_595 : vector<16xf32>
      %sub3A_597 = arith.subf %gather3A_587, %add3A_591 : vector<16xf32>
      %max3A_598 = arith.maximumf %sub3A_597, %broadcast_in_dim3A_593 : vector<16xf32>
      %add3A_599 = arith.addf %add3A_596, %max3A_598 : vector<16xf32>
      %sub3A_600 = arith.subf %sub3A, %gather3A_588 : vector<16xf32>
      %max3A_601 = arith.maximumf %sub3A_600, %broadcast_in_dim3A_593 : vector<16xf32>
      %add3A_602 = arith.addf %add3A_599, %max3A_601 : vector<16xf32>
      %sub3A_603 = arith.subf %gather3A_588, %add3A_591 : vector<16xf32>
      %max3A_604 = arith.maximumf %sub3A_603, %broadcast_in_dim3A_593 : vector<16xf32>
      %add3A_605 = arith.addf %add3A_602, %max3A_604 : vector<16xf32>
      scf.yield %add3A_605 : vector<16xf32>
    }
    %scan3A_421 = arith.constant 64 : i32
    %neg3A_422 = arith.constant 0.000000e+00 : f32
    %neg3A_423 = vector.broadcast %neg3A_422 : f32 to vector<16xf32>
    %neg3A_424 = arith.subf %neg3A_423, %scan3A_420 : vector<16xf32>
    %swap3A_425 = arith.constant 96 : index
    %swap3A_426 = tpu.vector_load %arg14[%swap3A_425] {strides = array<i32>} : memref<256xf32, #tpu.memory_space<vmem>>, vector<16xf32>,
    tpu.vector_store %arg14[%swap3A_425], %neg3A_424 {strides = array<i32>} : memref<256xf32, #tpu.memory_space<vmem>>, vector<16xf32>,
    %iota3A_427 = tpu.iota {dimensions = array<i32: 0>} : vector<16xi32>
    %add3A_428 = arith.constant 112 : i32
    %add3A_429 = vector.broadcast %add3A_428 : i32 to vector<16xi32>
    %add3A_430 = arith.addi %iota3A_427, %add3A_429 : vector<16xi32>
    %broadcast_in_dim3A_431 = arith.constant 0.000000e+00 : f32
    %broadcast_in_dim3A_432 = vector.broadcast %broadcast_in_dim3A_431 : f32 to vector<16xf32>
    %scan3A_433 = arith.constant 0 : i32
    %scan3A_434 = arith.constant 64 : i32
    %scan3A_435 = arith.addi %scan3A_433, %scan3A_434 : i32
    %scan3A_436 = arith.constant 1 : i32
    %scan3A_437 = scf.for %scan3A_580 = %scan3A_433 to %scan3A_435 step %scan3A_436 iter_args(%scan3A_581 = %broadcast_in_dim3A_432) -> (vector<16xf32>)  : i32 {
      %broadcast_in_dim3A_582 = vector.broadcast %scan3A_580 : i32 to vector<16xi32>
      %gather3A = tpu.vector_load_idx %arg13[%add3A_430, %broadcast_in_dim3A_582] : memref<256x128xf32, #tpu.memory_space<vmem>>[vector<16xi32>, vector<16xi32>], vector<16xf32>,
      %add3A_583 = arith.constant 64 : i32
      %add3A_584 = vector.broadcast %add3A_583 : i32 to vector<16xi32>
      %add3A_585 = arith.addi %broadcast_in_dim3A_582, %add3A_584 : vector<16xi32>
      %gather3A_586 = tpu.vector_load_idx %arg13[%add3A_430, %add3A_585] : memref<256x128xf32, #tpu.memory_space<vmem>>[vector<16xi32>, vector<16xi32>], vector<16xf32>,
      %gather3A_587 = tpu.vector_load_idx %arg11[%add3A_430, %broadcast_in_dim3A_582] : memref<256x64xf32, #tpu.memory_space<vmem>>[vector<16xi32>, vector<16xi32>], vector<16xf32>,
      %gather3A_588 = tpu.vector_load_idx %arg12[%add3A_430, %broadcast_in_dim3A_582] : memref<256x64xf32, #tpu.memory_space<vmem>>[vector<16xi32>, vector<16xi32>], vector<16xf32>,
      %abs3A = math.absf %gather3A_586 : vector<16xf32>
      %max3A = arith.constant 9.99999997E-7 : f32
      %max3A_589 = vector.broadcast %max3A : f32 to vector<16xf32>
      %max3A_590 = arith.maximumf %abs3A, %max3A_589 : vector<16xf32>
      %sub3A = arith.subf %gather3A, %max3A_590 : vector<16xf32>
      %add3A_591 = arith.addf %gather3A, %max3A_590 : vector<16xf32>
      %broadcast_in_dim3A_592 = arith.constant 0.000000e+00 : f32
      %broadcast_in_dim3A_593 = vector.broadcast %broadcast_in_dim3A_592 : f32 to vector<16xf32>
      %sub3A_594 = arith.subf %sub3A, %gather3A_587 : vector<16xf32>
      %max3A_595 = arith.maximumf %sub3A_594, %broadcast_in_dim3A_593 : vector<16xf32>
      %add3A_596 = arith.addf %scan3A_581, %max3A_595 : vector<16xf32>
      %sub3A_597 = arith.subf %gather3A_587, %add3A_591 : vector<16xf32>
      %max3A_598 = arith.maximumf %sub3A_597, %broadcast_in_dim3A_593 : vector<16xf32>
      %add3A_599 = arith.addf %add3A_596, %max3A_598 : vector<16xf32>
      %sub3A_600 = arith.subf %sub3A, %gather3A_588 : vector<16xf32>
      %max3A_601 = arith.maximumf %sub3A_600, %broadcast_in_dim3A_593 : vector<16xf32>
      %add3A_602 = arith.addf %add3A_599, %max3A_601 : vector<16xf32>
      %sub3A_603 = arith.subf %gather3A_588, %add3A_591 : vector<16xf32>
      %max3A_604 = arith.maximumf %sub3A_603, %broadcast_in_dim3A_593 : vector<16xf32>
      %add3A_605 = arith.addf %add3A_602, %max3A_604 : vector<16xf32>
      scf.yield %add3A_605 : vector<16xf32>
    }
    %scan3A_438 = arith.constant 64 : i32
    %neg3A_439 = arith.constant 0.000000e+00 : f32
    %neg3A_440 = vector.broadcast %neg3A_439 : f32 to vector<16xf32>
    %neg3A_441 = arith.subf %neg3A_440, %scan3A_437 : vector<16xf32>
    %swap3A_442 = arith.constant 112 : index
    %swap3A_443 = tpu.vector_load %arg14[%swap3A_442] {strides = array<i32>} : memref<256xf32, #tpu.memory_space<vmem>>, vector<16xf32>,
    tpu.vector_store %arg14[%swap3A_442], %neg3A_441 {strides = array<i32>} : memref<256xf32, #tpu.memory_space<vmem>>, vector<16xf32>,
    %iota3A_444 = tpu.iota {dimensions = array<i32: 0>} : vector<16xi32>
    %add3A_445 = arith.constant 128 : i32
    %add3A_446 = vector.broadcast %add3A_445 : i32 to vector<16xi32>
    %add3A_447 = arith.addi %iota3A_444, %add3A_446 : vector<16xi32>
    %broadcast_in_dim3A_448 = arith.constant 0.000000e+00 : f32
    %broadcast_in_dim3A_449 = vector.broadcast %broadcast_in_dim3A_448 : f32 to vector<16xf32>
    %scan3A_450 = arith.constant 0 : i32
    %scan3A_451 = arith.constant 64 : i32
    %scan3A_452 = arith.addi %scan3A_450, %scan3A_451 : i32
    %scan3A_453 = arith.constant 1 : i32
    %scan3A_454 = scf.for %scan3A_580 = %scan3A_450 to %scan3A_452 step %scan3A_453 iter_args(%scan3A_581 = %broadcast_in_dim3A_449) -> (vector<16xf32>)  : i32 {
      %broadcast_in_dim3A_582 = vector.broadcast %scan3A_580 : i32 to vector<16xi32>
      %gather3A = tpu.vector_load_idx %arg13[%add3A_447, %broadcast_in_dim3A_582] : memref<256x128xf32, #tpu.memory_space<vmem>>[vector<16xi32>, vector<16xi32>], vector<16xf32>,
      %add3A_583 = arith.constant 64 : i32
      %add3A_584 = vector.broadcast %add3A_583 : i32 to vector<16xi32>
      %add3A_585 = arith.addi %broadcast_in_dim3A_582, %add3A_584 : vector<16xi32>
      %gather3A_586 = tpu.vector_load_idx %arg13[%add3A_447, %add3A_585] : memref<256x128xf32, #tpu.memory_space<vmem>>[vector<16xi32>, vector<16xi32>], vector<16xf32>,
      %gather3A_587 = tpu.vector_load_idx %arg11[%add3A_447, %broadcast_in_dim3A_582] : memref<256x64xf32, #tpu.memory_space<vmem>>[vector<16xi32>, vector<16xi32>], vector<16xf32>,
      %gather3A_588 = tpu.vector_load_idx %arg12[%add3A_447, %broadcast_in_dim3A_582] : memref<256x64xf32, #tpu.memory_space<vmem>>[vector<16xi32>, vector<16xi32>], vector<16xf32>,
      %abs3A = math.absf %gather3A_586 : vector<16xf32>
      %max3A = arith.constant 9.99999997E-7 : f32
      %max3A_589 = vector.broadcast %max3A : f32 to vector<16xf32>
      %max3A_590 = arith.maximumf %abs3A, %max3A_589 : vector<16xf32>
      %sub3A = arith.subf %gather3A, %max3A_590 : vector<16xf32>
      %add3A_591 = arith.addf %gather3A, %max3A_590 : vector<16xf32>
      %broadcast_in_dim3A_592 = arith.constant 0.000000e+00 : f32
      %broadcast_in_dim3A_593 = vector.broadcast %broadcast_in_dim3A_592 : f32 to vector<16xf32>
      %sub3A_594 = arith.subf %sub3A, %gather3A_587 : vector<16xf32>
      %max3A_595 = arith.maximumf %sub3A_594, %broadcast_in_dim3A_593 : vector<16xf32>
      %add3A_596 = arith.addf %scan3A_581, %max3A_595 : vector<16xf32>
      %sub3A_597 = arith.subf %gather3A_587, %add3A_591 : vector<16xf32>
      %max3A_598 = arith.maximumf %sub3A_597, %broadcast_in_dim3A_593 : vector<16xf32>
      %add3A_599 = arith.addf %add3A_596, %max3A_598 : vector<16xf32>
      %sub3A_600 = arith.subf %sub3A, %gather3A_588 : vector<16xf32>
      %max3A_601 = arith.maximumf %sub3A_600, %broadcast_in_dim3A_593 : vector<16xf32>
      %add3A_602 = arith.addf %add3A_599, %max3A_601 : vector<16xf32>
      %sub3A_603 = arith.subf %gather3A_588, %add3A_591 : vector<16xf32>
      %max3A_604 = arith.maximumf %sub3A_603, %broadcast_in_dim3A_593 : vector<16xf32>
      %add3A_605 = arith.addf %add3A_602, %max3A_604 : vector<16xf32>
      scf.yield %add3A_605 : vector<16xf32>
    }
    %scan3A_455 = arith.constant 64 : i32
    %neg3A_456 = arith.constant 0.000000e+00 : f32
    %neg3A_457 = vector.broadcast %neg3A_456 : f32 to vector<16xf32>
    %neg3A_458 = arith.subf %neg3A_457, %scan3A_454 : vector<16xf32>
    %swap3A_459 = arith.constant 128 : index
    %swap3A_460 = tpu.vector_load %arg14[%swap3A_459] {strides = array<i32>} : memref<256xf32, #tpu.memory_space<vmem>>, vector<16xf32>,
    tpu.vector_store %arg14[%swap3A_459], %neg3A_458 {strides = array<i32>} : memref<256xf32, #tpu.memory_space<vmem>>, vector<16xf32>,
    %iota3A_461 = tpu.iota {dimensions = array<i32: 0>} : vector<16xi32>
    %add3A_462 = arith.constant 144 : i32
    %add3A_463 = vector.broadcast %add3A_462 : i32 to vector<16xi32>
    %add3A_464 = arith.addi %iota3A_461, %add3A_463 : vector<16xi32>
    %broadcast_in_dim3A_465 = arith.constant 0.000000e+00 : f32
    %broadcast_in_dim3A_466 = vector.broadcast %broadcast_in_dim3A_465 : f32 to vector<16xf32>
    %scan3A_467 = arith.constant 0 : i32
    %scan3A_468 = arith.constant 64 : i32
    %scan3A_469 = arith.addi %scan3A_467, %scan3A_468 : i32
    %scan3A_470 = arith.constant 1 : i32
    %scan3A_471 = scf.for %scan3A_580 = %scan3A_467 to %scan3A_469 step %scan3A_470 iter_args(%scan3A_581 = %broadcast_in_dim3A_466) -> (vector<16xf32>)  : i32 {
      %broadcast_in_dim3A_582 = vector.broadcast %scan3A_580 : i32 to vector<16xi32>
      %gather3A = tpu.vector_load_idx %arg13[%add3A_464, %broadcast_in_dim3A_582] : memref<256x128xf32, #tpu.memory_space<vmem>>[vector<16xi32>, vector<16xi32>], vector<16xf32>,
      %add3A_583 = arith.constant 64 : i32
      %add3A_584 = vector.broadcast %add3A_583 : i32 to vector<16xi32>
      %add3A_585 = arith.addi %broadcast_in_dim3A_582, %add3A_584 : vector<16xi32>
      %gather3A_586 = tpu.vector_load_idx %arg13[%add3A_464, %add3A_585] : memref<256x128xf32, #tpu.memory_space<vmem>>[vector<16xi32>, vector<16xi32>], vector<16xf32>,
      %gather3A_587 = tpu.vector_load_idx %arg11[%add3A_464, %broadcast_in_dim3A_582] : memref<256x64xf32, #tpu.memory_space<vmem>>[vector<16xi32>, vector<16xi32>], vector<16xf32>,
      %gather3A_588 = tpu.vector_load_idx %arg12[%add3A_464, %broadcast_in_dim3A_582] : memref<256x64xf32, #tpu.memory_space<vmem>>[vector<16xi32>, vector<16xi32>], vector<16xf32>,
      %abs3A = math.absf %gather3A_586 : vector<16xf32>
      %max3A = arith.constant 9.99999997E-7 : f32
      %max3A_589 = vector.broadcast %max3A : f32 to vector<16xf32>
      %max3A_590 = arith.maximumf %abs3A, %max3A_589 : vector<16xf32>
      %sub3A = arith.subf %gather3A, %max3A_590 : vector<16xf32>
      %add3A_591 = arith.addf %gather3A, %max3A_590 : vector<16xf32>
      %broadcast_in_dim3A_592 = arith.constant 0.000000e+00 : f32
      %broadcast_in_dim3A_593 = vector.broadcast %broadcast_in_dim3A_592 : f32 to vector<16xf32>
      %sub3A_594 = arith.subf %sub3A, %gather3A_587 : vector<16xf32>
      %max3A_595 = arith.maximumf %sub3A_594, %broadcast_in_dim3A_593 : vector<16xf32>
      %add3A_596 = arith.addf %scan3A_581, %max3A_595 : vector<16xf32>
      %sub3A_597 = arith.subf %gather3A_587, %add3A_591 : vector<16xf32>
      %max3A_598 = arith.maximumf %sub3A_597, %broadcast_in_dim3A_593 : vector<16xf32>
      %add3A_599 = arith.addf %add3A_596, %max3A_598 : vector<16xf32>
      %sub3A_600 = arith.subf %sub3A, %gather3A_588 : vector<16xf32>
      %max3A_601 = arith.maximumf %sub3A_600, %broadcast_in_dim3A_593 : vector<16xf32>
      %add3A_602 = arith.addf %add3A_599, %max3A_601 : vector<16xf32>
      %sub3A_603 = arith.subf %gather3A_588, %add3A_591 : vector<16xf32>
      %max3A_604 = arith.maximumf %sub3A_603, %broadcast_in_dim3A_593 : vector<16xf32>
      %add3A_605 = arith.addf %add3A_602, %max3A_604 : vector<16xf32>
      scf.yield %add3A_605 : vector<16xf32>
    }
    %scan3A_472 = arith.constant 64 : i32
    %neg3A_473 = arith.constant 0.000000e+00 : f32
    %neg3A_474 = vector.broadcast %neg3A_473 : f32 to vector<16xf32>
    %neg3A_475 = arith.subf %neg3A_474, %scan3A_471 : vector<16xf32>
    %swap3A_476 = arith.constant 144 : index
    %swap3A_477 = tpu.vector_load %arg14[%swap3A_476] {strides = array<i32>} : memref<256xf32, #tpu.memory_space<vmem>>, vector<16xf32>,
    tpu.vector_store %arg14[%swap3A_476], %neg3A_475 {strides = array<i32>} : memref<256xf32, #tpu.memory_space<vmem>>, vector<16xf32>,
    %iota3A_478 = tpu.iota {dimensions = array<i32: 0>} : vector<16xi32>
    %add3A_479 = arith.constant 160 : i32
    %add3A_480 = vector.broadcast %add3A_479 : i32 to vector<16xi32>
    %add3A_481 = arith.addi %iota3A_478, %add3A_480 : vector<16xi32>
    %broadcast_in_dim3A_482 = arith.constant 0.000000e+00 : f32
    %broadcast_in_dim3A_483 = vector.broadcast %broadcast_in_dim3A_482 : f32 to vector<16xf32>
    %scan3A_484 = arith.constant 0 : i32
    %scan3A_485 = arith.constant 64 : i32
    %scan3A_486 = arith.addi %scan3A_484, %scan3A_485 : i32
    %scan3A_487 = arith.constant 1 : i32
    %scan3A_488 = scf.for %scan3A_580 = %scan3A_484 to %scan3A_486 step %scan3A_487 iter_args(%scan3A_581 = %broadcast_in_dim3A_483) -> (vector<16xf32>)  : i32 {
      %broadcast_in_dim3A_582 = vector.broadcast %scan3A_580 : i32 to vector<16xi32>
      %gather3A = tpu.vector_load_idx %arg13[%add3A_481, %broadcast_in_dim3A_582] : memref<256x128xf32, #tpu.memory_space<vmem>>[vector<16xi32>, vector<16xi32>], vector<16xf32>,
      %add3A_583 = arith.constant 64 : i32
      %add3A_584 = vector.broadcast %add3A_583 : i32 to vector<16xi32>
      %add3A_585 = arith.addi %broadcast_in_dim3A_582, %add3A_584 : vector<16xi32>
      %gather3A_586 = tpu.vector_load_idx %arg13[%add3A_481, %add3A_585] : memref<256x128xf32, #tpu.memory_space<vmem>>[vector<16xi32>, vector<16xi32>], vector<16xf32>,
      %gather3A_587 = tpu.vector_load_idx %arg11[%add3A_481, %broadcast_in_dim3A_582] : memref<256x64xf32, #tpu.memory_space<vmem>>[vector<16xi32>, vector<16xi32>], vector<16xf32>,
      %gather3A_588 = tpu.vector_load_idx %arg12[%add3A_481, %broadcast_in_dim3A_582] : memref<256x64xf32, #tpu.memory_space<vmem>>[vector<16xi32>, vector<16xi32>], vector<16xf32>,
      %abs3A = math.absf %gather3A_586 : vector<16xf32>
      %max3A = arith.constant 9.99999997E-7 : f32
      %max3A_589 = vector.broadcast %max3A : f32 to vector<16xf32>
      %max3A_590 = arith.maximumf %abs3A, %max3A_589 : vector<16xf32>
      %sub3A = arith.subf %gather3A, %max3A_590 : vector<16xf32>
      %add3A_591 = arith.addf %gather3A, %max3A_590 : vector<16xf32>
      %broadcast_in_dim3A_592 = arith.constant 0.000000e+00 : f32
      %broadcast_in_dim3A_593 = vector.broadcast %broadcast_in_dim3A_592 : f32 to vector<16xf32>
      %sub3A_594 = arith.subf %sub3A, %gather3A_587 : vector<16xf32>
      %max3A_595 = arith.maximumf %sub3A_594, %broadcast_in_dim3A_593 : vector<16xf32>
      %add3A_596 = arith.addf %scan3A_581, %max3A_595 : vector<16xf32>
      %sub3A_597 = arith.subf %gather3A_587, %add3A_591 : vector<16xf32>
      %max3A_598 = arith.maximumf %sub3A_597, %broadcast_in_dim3A_593 : vector<16xf32>
      %add3A_599 = arith.addf %add3A_596, %max3A_598 : vector<16xf32>
      %sub3A_600 = arith.subf %sub3A, %gather3A_588 : vector<16xf32>
      %max3A_601 = arith.maximumf %sub3A_600, %broadcast_in_dim3A_593 : vector<16xf32>
      %add3A_602 = arith.addf %add3A_599, %max3A_601 : vector<16xf32>
      %sub3A_603 = arith.subf %gather3A_588, %add3A_591 : vector<16xf32>
      %max3A_604 = arith.maximumf %sub3A_603, %broadcast_in_dim3A_593 : vector<16xf32>
      %add3A_605 = arith.addf %add3A_602, %max3A_604 : vector<16xf32>
      scf.yield %add3A_605 : vector<16xf32>
    }
    %scan3A_489 = arith.constant 64 : i32
    %neg3A_490 = arith.constant 0.000000e+00 : f32
    %neg3A_491 = vector.broadcast %neg3A_490 : f32 to vector<16xf32>
    %neg3A_492 = arith.subf %neg3A_491, %scan3A_488 : vector<16xf32>
    %swap3A_493 = arith.constant 160 : index
    %swap3A_494 = tpu.vector_load %arg14[%swap3A_493] {strides = array<i32>} : memref<256xf32, #tpu.memory_space<vmem>>, vector<16xf32>,
    tpu.vector_store %arg14[%swap3A_493], %neg3A_492 {strides = array<i32>} : memref<256xf32, #tpu.memory_space<vmem>>, vector<16xf32>,
    %iota3A_495 = tpu.iota {dimensions = array<i32: 0>} : vector<16xi32>
    %add3A_496 = arith.constant 176 : i32
    %add3A_497 = vector.broadcast %add3A_496 : i32 to vector<16xi32>
    %add3A_498 = arith.addi %iota3A_495, %add3A_497 : vector<16xi32>
    %broadcast_in_dim3A_499 = arith.constant 0.000000e+00 : f32
    %broadcast_in_dim3A_500 = vector.broadcast %broadcast_in_dim3A_499 : f32 to vector<16xf32>
    %scan3A_501 = arith.constant 0 : i32
    %scan3A_502 = arith.constant 64 : i32
    %scan3A_503 = arith.addi %scan3A_501, %scan3A_502 : i32
    %scan3A_504 = arith.constant 1 : i32
    %scan3A_505 = scf.for %scan3A_580 = %scan3A_501 to %scan3A_503 step %scan3A_504 iter_args(%scan3A_581 = %broadcast_in_dim3A_500) -> (vector<16xf32>)  : i32 {
      %broadcast_in_dim3A_582 = vector.broadcast %scan3A_580 : i32 to vector<16xi32>
      %gather3A = tpu.vector_load_idx %arg13[%add3A_498, %broadcast_in_dim3A_582] : memref<256x128xf32, #tpu.memory_space<vmem>>[vector<16xi32>, vector<16xi32>], vector<16xf32>,
      %add3A_583 = arith.constant 64 : i32
      %add3A_584 = vector.broadcast %add3A_583 : i32 to vector<16xi32>
      %add3A_585 = arith.addi %broadcast_in_dim3A_582, %add3A_584 : vector<16xi32>
      %gather3A_586 = tpu.vector_load_idx %arg13[%add3A_498, %add3A_585] : memref<256x128xf32, #tpu.memory_space<vmem>>[vector<16xi32>, vector<16xi32>], vector<16xf32>,
      %gather3A_587 = tpu.vector_load_idx %arg11[%add3A_498, %broadcast_in_dim3A_582] : memref<256x64xf32, #tpu.memory_space<vmem>>[vector<16xi32>, vector<16xi32>], vector<16xf32>,
      %gather3A_588 = tpu.vector_load_idx %arg12[%add3A_498, %broadcast_in_dim3A_582] : memref<256x64xf32, #tpu.memory_space<vmem>>[vector<16xi32>, vector<16xi32>], vector<16xf32>,
      %abs3A = math.absf %gather3A_586 : vector<16xf32>
      %max3A = arith.constant 9.99999997E-7 : f32
      %max3A_589 = vector.broadcast %max3A : f32 to vector<16xf32>
      %max3A_590 = arith.maximumf %abs3A, %max3A_589 : vector<16xf32>
      %sub3A = arith.subf %gather3A, %max3A_590 : vector<16xf32>
      %add3A_591 = arith.addf %gather3A, %max3A_590 : vector<16xf32>
      %broadcast_in_dim3A_592 = arith.constant 0.000000e+00 : f32
      %broadcast_in_dim3A_593 = vector.broadcast %broadcast_in_dim3A_592 : f32 to vector<16xf32>
      %sub3A_594 = arith.subf %sub3A, %gather3A_587 : vector<16xf32>
      %max3A_595 = arith.maximumf %sub3A_594, %broadcast_in_dim3A_593 : vector<16xf32>
      %add3A_596 = arith.addf %scan3A_581, %max3A_595 : vector<16xf32>
      %sub3A_597 = arith.subf %gather3A_587, %add3A_591 : vector<16xf32>
      %max3A_598 = arith.maximumf %sub3A_597, %broadcast_in_dim3A_593 : vector<16xf32>
      %add3A_599 = arith.addf %add3A_596, %max3A_598 : vector<16xf32>
      %sub3A_600 = arith.subf %sub3A, %gather3A_588 : vector<16xf32>
      %max3A_601 = arith.maximumf %sub3A_600, %broadcast_in_dim3A_593 : vector<16xf32>
      %add3A_602 = arith.addf %add3A_599, %max3A_601 : vector<16xf32>
      %sub3A_603 = arith.subf %gather3A_588, %add3A_591 : vector<16xf32>
      %max3A_604 = arith.maximumf %sub3A_603, %broadcast_in_dim3A_593 : vector<16xf32>
      %add3A_605 = arith.addf %add3A_602, %max3A_604 : vector<16xf32>
      scf.yield %add3A_605 : vector<16xf32>
    }
    %scan3A_506 = arith.constant 64 : i32
    %neg3A_507 = arith.constant 0.000000e+00 : f32
    %neg3A_508 = vector.broadcast %neg3A_507 : f32 to vector<16xf32>
    %neg3A_509 = arith.subf %neg3A_508, %scan3A_505 : vector<16xf32>
    %swap3A_510 = arith.constant 176 : index
    %swap3A_511 = tpu.vector_load %arg14[%swap3A_510] {strides = array<i32>} : memref<256xf32, #tpu.memory_space<vmem>>, vector<16xf32>,
    tpu.vector_store %arg14[%swap3A_510], %neg3A_509 {strides = array<i32>} : memref<256xf32, #tpu.memory_space<vmem>>, vector<16xf32>,
    %iota3A_512 = tpu.iota {dimensions = array<i32: 0>} : vector<16xi32>
    %add3A_513 = arith.constant 192 : i32
    %add3A_514 = vector.broadcast %add3A_513 : i32 to vector<16xi32>
    %add3A_515 = arith.addi %iota3A_512, %add3A_514 : vector<16xi32>
    %broadcast_in_dim3A_516 = arith.constant 0.000000e+00 : f32
    %broadcast_in_dim3A_517 = vector.broadcast %broadcast_in_dim3A_516 : f32 to vector<16xf32>
    %scan3A_518 = arith.constant 0 : i32
    %scan3A_519 = arith.constant 64 : i32
    %scan3A_520 = arith.addi %scan3A_518, %scan3A_519 : i32
    %scan3A_521 = arith.constant 1 : i32
    %scan3A_522 = scf.for %scan3A_580 = %scan3A_518 to %scan3A_520 step %scan3A_521 iter_args(%scan3A_581 = %broadcast_in_dim3A_517) -> (vector<16xf32>)  : i32 {
      %broadcast_in_dim3A_582 = vector.broadcast %scan3A_580 : i32 to vector<16xi32>
      %gather3A = tpu.vector_load_idx %arg13[%add3A_515, %broadcast_in_dim3A_582] : memref<256x128xf32, #tpu.memory_space<vmem>>[vector<16xi32>, vector<16xi32>], vector<16xf32>,
      %add3A_583 = arith.constant 64 : i32
      %add3A_584 = vector.broadcast %add3A_583 : i32 to vector<16xi32>
      %add3A_585 = arith.addi %broadcast_in_dim3A_582, %add3A_584 : vector<16xi32>
      %gather3A_586 = tpu.vector_load_idx %arg13[%add3A_515, %add3A_585] : memref<256x128xf32, #tpu.memory_space<vmem>>[vector<16xi32>, vector<16xi32>], vector<16xf32>,
      %gather3A_587 = tpu.vector_load_idx %arg11[%add3A_515, %broadcast_in_dim3A_582] : memref<256x64xf32, #tpu.memory_space<vmem>>[vector<16xi32>, vector<16xi32>], vector<16xf32>,
      %gather3A_588 = tpu.vector_load_idx %arg12[%add3A_515, %broadcast_in_dim3A_582] : memref<256x64xf32, #tpu.memory_space<vmem>>[vector<16xi32>, vector<16xi32>], vector<16xf32>,
      %abs3A = math.absf %gather3A_586 : vector<16xf32>
      %max3A = arith.constant 9.99999997E-7 : f32
      %max3A_589 = vector.broadcast %max3A : f32 to vector<16xf32>
      %max3A_590 = arith.maximumf %abs3A, %max3A_589 : vector<16xf32>
      %sub3A = arith.subf %gather3A, %max3A_590 : vector<16xf32>
      %add3A_591 = arith.addf %gather3A, %max3A_590 : vector<16xf32>
      %broadcast_in_dim3A_592 = arith.constant 0.000000e+00 : f32
      %broadcast_in_dim3A_593 = vector.broadcast %broadcast_in_dim3A_592 : f32 to vector<16xf32>
      %sub3A_594 = arith.subf %sub3A, %gather3A_587 : vector<16xf32>
      %max3A_595 = arith.maximumf %sub3A_594, %broadcast_in_dim3A_593 : vector<16xf32>
      %add3A_596 = arith.addf %scan3A_581, %max3A_595 : vector<16xf32>
      %sub3A_597 = arith.subf %gather3A_587, %add3A_591 : vector<16xf32>
      %max3A_598 = arith.maximumf %sub3A_597, %broadcast_in_dim3A_593 : vector<16xf32>
      %add3A_599 = arith.addf %add3A_596, %max3A_598 : vector<16xf32>
      %sub3A_600 = arith.subf %sub3A, %gather3A_588 : vector<16xf32>
      %max3A_601 = arith.maximumf %sub3A_600, %broadcast_in_dim3A_593 : vector<16xf32>
      %add3A_602 = arith.addf %add3A_599, %max3A_601 : vector<16xf32>
      %sub3A_603 = arith.subf %gather3A_588, %add3A_591 : vector<16xf32>
      %max3A_604 = arith.maximumf %sub3A_603, %broadcast_in_dim3A_593 : vector<16xf32>
      %add3A_605 = arith.addf %add3A_602, %max3A_604 : vector<16xf32>
      scf.yield %add3A_605 : vector<16xf32>
    }
    %scan3A_523 = arith.constant 64 : i32
    %neg3A_524 = arith.constant 0.000000e+00 : f32
    %neg3A_525 = vector.broadcast %neg3A_524 : f32 to vector<16xf32>
    %neg3A_526 = arith.subf %neg3A_525, %scan3A_522 : vector<16xf32>
    %swap3A_527 = arith.constant 192 : index
    %swap3A_528 = tpu.vector_load %arg14[%swap3A_527] {strides = array<i32>} : memref<256xf32, #tpu.memory_space<vmem>>, vector<16xf32>,
    tpu.vector_store %arg14[%swap3A_527], %neg3A_526 {strides = array<i32>} : memref<256xf32, #tpu.memory_space<vmem>>, vector<16xf32>,
    %iota3A_529 = tpu.iota {dimensions = array<i32: 0>} : vector<16xi32>
    %add3A_530 = arith.constant 208 : i32
    %add3A_531 = vector.broadcast %add3A_530 : i32 to vector<16xi32>
    %add3A_532 = arith.addi %iota3A_529, %add3A_531 : vector<16xi32>
    %broadcast_in_dim3A_533 = arith.constant 0.000000e+00 : f32
    %broadcast_in_dim3A_534 = vector.broadcast %broadcast_in_dim3A_533 : f32 to vector<16xf32>
    %scan3A_535 = arith.constant 0 : i32
    %scan3A_536 = arith.constant 64 : i32
    %scan3A_537 = arith.addi %scan3A_535, %scan3A_536 : i32
    %scan3A_538 = arith.constant 1 : i32
    %scan3A_539 = scf.for %scan3A_580 = %scan3A_535 to %scan3A_537 step %scan3A_538 iter_args(%scan3A_581 = %broadcast_in_dim3A_534) -> (vector<16xf32>)  : i32 {
      %broadcast_in_dim3A_582 = vector.broadcast %scan3A_580 : i32 to vector<16xi32>
      %gather3A = tpu.vector_load_idx %arg13[%add3A_532, %broadcast_in_dim3A_582] : memref<256x128xf32, #tpu.memory_space<vmem>>[vector<16xi32>, vector<16xi32>], vector<16xf32>,
      %add3A_583 = arith.constant 64 : i32
      %add3A_584 = vector.broadcast %add3A_583 : i32 to vector<16xi32>
      %add3A_585 = arith.addi %broadcast_in_dim3A_582, %add3A_584 : vector<16xi32>
      %gather3A_586 = tpu.vector_load_idx %arg13[%add3A_532, %add3A_585] : memref<256x128xf32, #tpu.memory_space<vmem>>[vector<16xi32>, vector<16xi32>], vector<16xf32>,
      %gather3A_587 = tpu.vector_load_idx %arg11[%add3A_532, %broadcast_in_dim3A_582] : memref<256x64xf32, #tpu.memory_space<vmem>>[vector<16xi32>, vector<16xi32>], vector<16xf32>,
      %gather3A_588 = tpu.vector_load_idx %arg12[%add3A_532, %broadcast_in_dim3A_582] : memref<256x64xf32, #tpu.memory_space<vmem>>[vector<16xi32>, vector<16xi32>], vector<16xf32>,
      %abs3A = math.absf %gather3A_586 : vector<16xf32>
      %max3A = arith.constant 9.99999997E-7 : f32
      %max3A_589 = vector.broadcast %max3A : f32 to vector<16xf32>
      %max3A_590 = arith.maximumf %abs3A, %max3A_589 : vector<16xf32>
      %sub3A = arith.subf %gather3A, %max3A_590 : vector<16xf32>
      %add3A_591 = arith.addf %gather3A, %max3A_590 : vector<16xf32>
      %broadcast_in_dim3A_592 = arith.constant 0.000000e+00 : f32
      %broadcast_in_dim3A_593 = vector.broadcast %broadcast_in_dim3A_592 : f32 to vector<16xf32>
      %sub3A_594 = arith.subf %sub3A, %gather3A_587 : vector<16xf32>
      %max3A_595 = arith.maximumf %sub3A_594, %broadcast_in_dim3A_593 : vector<16xf32>
      %add3A_596 = arith.addf %scan3A_581, %max3A_595 : vector<16xf32>
      %sub3A_597 = arith.subf %gather3A_587, %add3A_591 : vector<16xf32>
      %max3A_598 = arith.maximumf %sub3A_597, %broadcast_in_dim3A_593 : vector<16xf32>
      %add3A_599 = arith.addf %add3A_596, %max3A_598 : vector<16xf32>
      %sub3A_600 = arith.subf %sub3A, %gather3A_588 : vector<16xf32>
      %max3A_601 = arith.maximumf %sub3A_600, %broadcast_in_dim3A_593 : vector<16xf32>
      %add3A_602 = arith.addf %add3A_599, %max3A_601 : vector<16xf32>
      %sub3A_603 = arith.subf %gather3A_588, %add3A_591 : vector<16xf32>
      %max3A_604 = arith.maximumf %sub3A_603, %broadcast_in_dim3A_593 : vector<16xf32>
      %add3A_605 = arith.addf %add3A_602, %max3A_604 : vector<16xf32>
      scf.yield %add3A_605 : vector<16xf32>
    }
    %scan3A_540 = arith.constant 64 : i32
    %neg3A_541 = arith.constant 0.000000e+00 : f32
    %neg3A_542 = vector.broadcast %neg3A_541 : f32 to vector<16xf32>
    %neg3A_543 = arith.subf %neg3A_542, %scan3A_539 : vector<16xf32>
    %swap3A_544 = arith.constant 208 : index
    %swap3A_545 = tpu.vector_load %arg14[%swap3A_544] {strides = array<i32>} : memref<256xf32, #tpu.memory_space<vmem>>, vector<16xf32>,
    tpu.vector_store %arg14[%swap3A_544], %neg3A_543 {strides = array<i32>} : memref<256xf32, #tpu.memory_space<vmem>>, vector<16xf32>,
    %iota3A_546 = tpu.iota {dimensions = array<i32: 0>} : vector<16xi32>
    %add3A_547 = arith.constant 224 : i32
    %add3A_548 = vector.broadcast %add3A_547 : i32 to vector<16xi32>
    %add3A_549 = arith.addi %iota3A_546, %add3A_548 : vector<16xi32>
    %broadcast_in_dim3A_550 = arith.constant 0.000000e+00 : f32
    %broadcast_in_dim3A_551 = vector.broadcast %broadcast_in_dim3A_550 : f32 to vector<16xf32>
    %scan3A_552 = arith.constant 0 : i32
    %scan3A_553 = arith.constant 64 : i32
    %scan3A_554 = arith.addi %scan3A_552, %scan3A_553 : i32
    %scan3A_555 = arith.constant 1 : i32
    %scan3A_556 = scf.for %scan3A_580 = %scan3A_552 to %scan3A_554 step %scan3A_555 iter_args(%scan3A_581 = %broadcast_in_dim3A_551) -> (vector<16xf32>)  : i32 {
      %broadcast_in_dim3A_582 = vector.broadcast %scan3A_580 : i32 to vector<16xi32>
      %gather3A = tpu.vector_load_idx %arg13[%add3A_549, %broadcast_in_dim3A_582] : memref<256x128xf32, #tpu.memory_space<vmem>>[vector<16xi32>, vector<16xi32>], vector<16xf32>,
      %add3A_583 = arith.constant 64 : i32
      %add3A_584 = vector.broadcast %add3A_583 : i32 to vector<16xi32>
      %add3A_585 = arith.addi %broadcast_in_dim3A_582, %add3A_584 : vector<16xi32>
      %gather3A_586 = tpu.vector_load_idx %arg13[%add3A_549, %add3A_585] : memref<256x128xf32, #tpu.memory_space<vmem>>[vector<16xi32>, vector<16xi32>], vector<16xf32>,
      %gather3A_587 = tpu.vector_load_idx %arg11[%add3A_549, %broadcast_in_dim3A_582] : memref<256x64xf32, #tpu.memory_space<vmem>>[vector<16xi32>, vector<16xi32>], vector<16xf32>,
      %gather3A_588 = tpu.vector_load_idx %arg12[%add3A_549, %broadcast_in_dim3A_582] : memref<256x64xf32, #tpu.memory_space<vmem>>[vector<16xi32>, vector<16xi32>], vector<16xf32>,
      %abs3A = math.absf %gather3A_586 : vector<16xf32>
      %max3A = arith.constant 9.99999997E-7 : f32
      %max3A_589 = vector.broadcast %max3A : f32 to vector<16xf32>
      %max3A_590 = arith.maximumf %abs3A, %max3A_589 : vector<16xf32>
      %sub3A = arith.subf %gather3A, %max3A_590 : vector<16xf32>
      %add3A_591 = arith.addf %gather3A, %max3A_590 : vector<16xf32>
      %broadcast_in_dim3A_592 = arith.constant 0.000000e+00 : f32
      %broadcast_in_dim3A_593 = vector.broadcast %broadcast_in_dim3A_592 : f32 to vector<16xf32>
      %sub3A_594 = arith.subf %sub3A, %gather3A_587 : vector<16xf32>
      %max3A_595 = arith.maximumf %sub3A_594, %broadcast_in_dim3A_593 : vector<16xf32>
      %add3A_596 = arith.addf %scan3A_581, %max3A_595 : vector<16xf32>
      %sub3A_597 = arith.subf %gather3A_587, %add3A_591 : vector<16xf32>
      %max3A_598 = arith.maximumf %sub3A_597, %broadcast_in_dim3A_593 : vector<16xf32>
      %add3A_599 = arith.addf %add3A_596, %max3A_598 : vector<16xf32>
      %sub3A_600 = arith.subf %sub3A, %gather3A_588 : vector<16xf32>
      %max3A_601 = arith.maximumf %sub3A_600, %broadcast_in_dim3A_593 : vector<16xf32>
      %add3A_602 = arith.addf %add3A_599, %max3A_601 : vector<16xf32>
      %sub3A_603 = arith.subf %gather3A_588, %add3A_591 : vector<16xf32>
      %max3A_604 = arith.maximumf %sub3A_603, %broadcast_in_dim3A_593 : vector<16xf32>
      %add3A_605 = arith.addf %add3A_602, %max3A_604 : vector<16xf32>
      scf.yield %add3A_605 : vector<16xf32>
    }
    %scan3A_557 = arith.constant 64 : i32
    %neg3A_558 = arith.constant 0.000000e+00 : f32
    %neg3A_559 = vector.broadcast %neg3A_558 : f32 to vector<16xf32>
    %neg3A_560 = arith.subf %neg3A_559, %scan3A_556 : vector<16xf32>
    %swap3A_561 = arith.constant 224 : index
    %swap3A_562 = tpu.vector_load %arg14[%swap3A_561] {strides = array<i32>} : memref<256xf32, #tpu.memory_space<vmem>>, vector<16xf32>,
    tpu.vector_store %arg14[%swap3A_561], %neg3A_560 {strides = array<i32>} : memref<256xf32, #tpu.memory_space<vmem>>, vector<16xf32>,
    %iota3A_563 = tpu.iota {dimensions = array<i32: 0>} : vector<16xi32>
    %add3A_564 = arith.constant 240 : i32
    %add3A_565 = vector.broadcast %add3A_564 : i32 to vector<16xi32>
    %add3A_566 = arith.addi %iota3A_563, %add3A_565 : vector<16xi32>
    %broadcast_in_dim3A_567 = arith.constant 0.000000e+00 : f32
    %broadcast_in_dim3A_568 = vector.broadcast %broadcast_in_dim3A_567 : f32 to vector<16xf32>
    %scan3A_569 = arith.constant 0 : i32
    %scan3A_570 = arith.constant 64 : i32
    %scan3A_571 = arith.addi %scan3A_569, %scan3A_570 : i32
    %scan3A_572 = arith.constant 1 : i32
    %scan3A_573 = scf.for %scan3A_580 = %scan3A_569 to %scan3A_571 step %scan3A_572 iter_args(%scan3A_581 = %broadcast_in_dim3A_568) -> (vector<16xf32>)  : i32 {
      %broadcast_in_dim3A_582 = vector.broadcast %scan3A_580 : i32 to vector<16xi32>
      %gather3A = tpu.vector_load_idx %arg13[%add3A_566, %broadcast_in_dim3A_582] : memref<256x128xf32, #tpu.memory_space<vmem>>[vector<16xi32>, vector<16xi32>], vector<16xf32>,
      %add3A_583 = arith.constant 64 : i32
      %add3A_584 = vector.broadcast %add3A_583 : i32 to vector<16xi32>
      %add3A_585 = arith.addi %broadcast_in_dim3A_582, %add3A_584 : vector<16xi32>
      %gather3A_586 = tpu.vector_load_idx %arg13[%add3A_566, %add3A_585] : memref<256x128xf32, #tpu.memory_space<vmem>>[vector<16xi32>, vector<16xi32>], vector<16xf32>,
      %gather3A_587 = tpu.vector_load_idx %arg11[%add3A_566, %broadcast_in_dim3A_582] : memref<256x64xf32, #tpu.memory_space<vmem>>[vector<16xi32>, vector<16xi32>], vector<16xf32>,
      %gather3A_588 = tpu.vector_load_idx %arg12[%add3A_566, %broadcast_in_dim3A_582] : memref<256x64xf32, #tpu.memory_space<vmem>>[vector<16xi32>, vector<16xi32>], vector<16xf32>,
      %abs3A = math.absf %gather3A_586 : vector<16xf32>
      %max3A = arith.constant 9.99999997E-7 : f32
      %max3A_589 = vector.broadcast %max3A : f32 to vector<16xf32>
      %max3A_590 = arith.maximumf %abs3A, %max3A_589 : vector<16xf32>
      %sub3A = arith.subf %gather3A, %max3A_590 : vector<16xf32>
      %add3A_591 = arith.addf %gather3A, %max3A_590 : vector<16xf32>
      %broadcast_in_dim3A_592 = arith.constant 0.000000e+00 : f32
      %broadcast_in_dim3A_593 = vector.broadcast %broadcast_in_dim3A_592 : f32 to vector<16xf32>
      %sub3A_594 = arith.subf %sub3A, %gather3A_587 : vector<16xf32>
      %max3A_595 = arith.maximumf %sub3A_594, %broadcast_in_dim3A_593 : vector<16xf32>
      %add3A_596 = arith.addf %scan3A_581, %max3A_595 : vector<16xf32>
      %sub3A_597 = arith.subf %gather3A_587, %add3A_591 : vector<16xf32>
      %max3A_598 = arith.maximumf %sub3A_597, %broadcast_in_dim3A_593 : vector<16xf32>
      %add3A_599 = arith.addf %add3A_596, %max3A_598 : vector<16xf32>
      %sub3A_600 = arith.subf %sub3A, %gather3A_588 : vector<16xf32>
      %max3A_601 = arith.maximumf %sub3A_600, %broadcast_in_dim3A_593 : vector<16xf32>
      %add3A_602 = arith.addf %add3A_599, %max3A_601 : vector<16xf32>
      %sub3A_603 = arith.subf %gather3A_588, %add3A_591 : vector<16xf32>
      %max3A_604 = arith.maximumf %sub3A_603, %broadcast_in_dim3A_593 : vector<16xf32>
      %add3A_605 = arith.addf %add3A_602, %max3A_604 : vector<16xf32>
      scf.yield %add3A_605 : vector<16xf32>
    }
    %scan3A_574 = arith.constant 64 : i32
    %neg3A_575 = arith.constant 0.000000e+00 : f32
    %neg3A_576 = vector.broadcast %neg3A_575 : f32 to vector<16xf32>
    %neg3A_577 = arith.subf %neg3A_576, %scan3A_573 : vector<16xf32>
    %swap3A_578 = arith.constant 240 : index
    %swap3A_579 = tpu.vector_load %arg14[%swap3A_578] {strides = array<i32>} : memref<256xf32, #tpu.memory_space<vmem>>, vector<16xf32>,
    tpu.vector_store %arg14[%swap3A_578], %neg3A_577 {strides = array<i32>} : memref<256xf32, #tpu.memory_space<vmem>>, vector<16xf32>,
    "tpu.region"() ({
      %run_scoped3A = tpu.sem_alloc : memref<!tpu.dma_semaphore, #tpu.memory_space<semaphore_mem>>
      %dma_start3A_580 = tpu.memref_slice %arg7[%add3A_289] : memref<16384xf32, #tpu.memory_space<hbm>> -> memref<256xf32, #tpu.memory_space<hbm>>
      %dma_start3A_581 = tpu.memref_slice %arg7[%add3A_289] : memref<16384xf32, #tpu.memory_space<hbm>> -> memref<256xf32, #tpu.memory_space<hbm>>
      tpu.enqueue_dma source(%arg14 : memref<256xf32, #tpu.memory_space<vmem>>) target(%dma_start3A_581 : memref<256xf32, #tpu.memory_space<hbm>>) target_semaphore(%run_scoped3A : memref<!tpu.dma_semaphore, #tpu.memory_space<semaphore_mem>>)
      %dma_wait3A_582 = tpu.memref_slice %arg7[%add3A_289] : memref<16384xf32, #tpu.memory_space<hbm>> -> memref<256xf32, #tpu.memory_space<hbm>>
      %dma_wait3A_583 = tpu.memref_slice %arg7[%add3A_289] : memref<16384xf32, #tpu.memory_space<hbm>> -> memref<256xf32, #tpu.memory_space<hbm>>
      tpu.wait_dma2 semaphore(%run_scoped3A : memref<!tpu.dma_semaphore, #tpu.memory_space<semaphore_mem>>) src(%arg14 : memref<256xf32, #tpu.memory_space<vmem>>) dst(%dma_wait3A_583 : memref<256xf32, #tpu.memory_space<hbm>>)
      tpu.yield
    }) : () -> ()
    return
  }
}

</mosaic_0001>

<sc_bundles>
// kernel: _launch.3.cloned.1.call-start
scs
__scs_entry_jumppad:
0x0: {  	(pc) =	sbr.rel $0x88, $3  }
0x1: {  	(tag) =	ssettag $0x0;
	lr =	simm.s32 $0x1  }
0x2: {  	[smem:$0x3F9C] =	sst lr;
	_ =	strace $0xD0000000  }
0x3: {  	_ = 	snop  }
0x4: {  	_ = 	snop  }
0x5: {  	_ = 	snop  }
0x6: {  	_ = 	snop  }
0x7: {  	_ = 	snop  }
__scs_overlays_trampoline_lowered:
0x8: {  	[smem:$0x3FAB] =	sst s0  }
0x9: {  	[smem:$0x3FAC] =	sst s1  }
0xa: {  	[smem:$0x3FAD] =	sst s2  }
0xb: {  	[smem:$0x3FAE] =	sst s3  }
0xc: {  	[smem:$0x3FAF] =	sst s4  }
0xd: {  	[smem:$0x3FB0] =	sst s5  }
0xe: {  	[smem:$0x3FB1] =	sst s6  }
0xf: {  	[smem:$0x3FB2] =	sst s7  }
0x10: {  	[smem:$0x3FB3] =	sst s8  }
0x11: {  	[smem:$0x3FB4] =	sst s9;
	s0 =	simm.s32 @!p0 $0x0  }
0x12: {  	s1 =	sld [smem:$0x3F9A];
	s0 =	simm.s32 @p0 $0x1  }
0x13: {  	[smem:$0x3FB5] =	sst s0;
	s0 =	simm.s32 @!p1 $0x0  }
0x14: {  	s2 =	sld [smem:$0x3F99];
	s0 =	simm.s32 @p1 $0x1  }
0x15: {  	[smem:$0x3FB6] =	sst s0;
	s0 =	simm.s32 @!p2 $0x0  }
0x16: {  	s3 =	sld [smem:$0x3FDB];
	s0 =	simm.s32 @p2 $0x1  }
0x17: {  	s4 =	simm.s32 $0x1BF5;
	[smem:$0x3FB8] =	sst s0  }
0x18: {  	s0 =	sld [smem:$0x3F9B];
	_ =	swait.ge [sflag:s4], $0x0  }
0x19: {  	s7 =	sld [smem:$0x3F9C]  }
0x1a: {  	s8 =	sadd.s32 $0xFFFFE003, lr  }
0x1b: {  	s9 =	sadd.s32 $0xFFFFFEF7, lr;
	s5 =	simm.s32 $0xFFFFFFFF;
	p2 =	slt.u32 s8, $0xFFFFF086  }
0x1c: {  	p1 =	slt.u32 s9, $0xF7A;
	s5 =	simm.s32 @!p2 $0x0  }
0x1d: {  	s5 =	simm.s32 @p1 $0x1;
	p0 =	seq.s32 s7, s2  }
0x1e: {  	s7 =	smul.u32 @!p0 $0xF7A, s2;
	p2 =	seq.s32 @!p0 s5, $0x0  }
0x1f: {  	s9 =	smul.u32 $0xF7A, s1;
	s8 =	simm.s32 @!p0 $0x1BF5;
	p2 =	por !p2, p0  }
0x20: {  	[sflag:s8] =	ssyncset.s32 @!p0 $0xFFFFF086;
	s6 =	sadd.s32 @!p0 s3, s7;
	s7 =	simm.s32 @!p0 $0x108  }
0x21: {  	s3 =	sadd.s32 s3, s9;
	s6 =	sadd.s32 @!p0 $0x88, s6;
	s7 =	simm.s32 @p2 $0x1082  }
0x22: {  	[simem:s7], [sflag:s8] =	dma.local @!p0 [hbm:s6], $0xF7A  }
0x23: {  	s9 =	sor.u32 $0xD0000000, s2;
	s6 =	simm.s32 $0x108;
	_ =	swait.ge @!p0 [sflag:s8], $0x0  }
0x24: {  	s3 =	sadd.s32 $0x88, s3;
	s6 =	simm.s32 @!p1 $0x1082;
	[sflag:s4] =	ssyncset.s32 $0xFFFFF086  }
0x25: {  	[simem:s6], [sflag:s4] =	dma.local [hbm:s3], $0xF7A  }
0x26: {  	[smem:$0x3F9C] =	sst s1;
	(tag) =	ssettag s2;
	_ =	strace s9  }
0x27: {  	s1 =	sld [smem:$0x3FAC]  }
0x28: {  	s2 =	sld [smem:$0x3FAD]  }
0x29: {  	s4 =	sld [smem:$0x3FAF]  }
0x2a: {  	p0 =	seq.s32 s5, $0x0;
	s5 =	sld [smem:$0x3FB0]  }
0x2b: {  	s6 =	sld [smem:$0x3FB1]  }
0x2c: {  	s7 =	sld [smem:$0x3FB2]  }
0x2d: {  	s3 =	simm.s32 $0x108;
	s8 =	sld [smem:$0x3FB3]  }
0x2e: {  	s3 =	simm.s32 @!p0 $0x1082;
	s9 =	sld [smem:$0x3FB4]  }
0x2f: {  	lr =	sadd.s32 s0, s3;
	s0 =	sld [smem:$0x3FAB]  }
0x30: {  	s3 =	sld [smem:$0x3FAE]  }
0x31: {  	[smem:$0x3FB7] =	sst s10  }
0x32: {  	s10 =	sld [smem:$0x3FB5];
	_ =	sdelay $0x3  }
0x33: {  	p0 =	seq.s32 s10, $0x1;
	s10 =	sld [smem:$0x3FB7];
	_ =	sdelay $0x3  }
0x34: {  	[smem:$0x3FB7] =	sst s10  }
0x35: {  	s10 =	sld [smem:$0x3FB6];
	_ =	sdelay $0x3  }
0x36: {  	p1 =	seq.s32 s10, $0x1;
	s10 =	sld [smem:$0x3FB7];
	_ =	sdelay $0x3  }
0x37: {  	[smem:$0x3FB7] =	sst s10  }
0x38: {  	s10 =	sld [smem:$0x3FB8]  }
0x39: {  	_ = 	snop;
	(pc) =	sbr.ind lr, $3  }
0x3a: {  	_ = 	snop  }
0x3b: {  	_ = 	snop  }
0x3c: {  	p2 =	seq.s32 s10, $0x1;
	s10 =	sld [smem:$0x3FB7]  }
0x3d: {  	_ =	shalt  }
0x3e: {  	_ =	shalt  }
0x3f: {  	_ =	shalt  }
0x40: {  	_ =	shalt  }
0x41: {  	_ =	shalt  }
0x42: {  	_ =	shalt  }
0x43: {  	_ =	shalt  }
0x44: {  	_ =	shalt  }
0x45: {  	_ =	shalt  }
0x46: {  	_ =	shalt  }
0x47: {  	_ =	shalt  }
0x48: {  	_ =	shalt  }
0x49: {  	_ =	shalt  }
0x4a: {  	_ =	shalt  }
0x4b: {  	_ =	shalt  }
0x4c: {  	_ =	shalt  }
0x4d: {  	_ =	shalt  }
0x4e: {  	_ =	shalt  }
0x4f: {  	_ =	shalt  }
0x50: {  	_ =	shalt  }
0x51: {  	_ =	shalt  }
0x52: {  	_ =	shalt  }
0x53: {  	_ =	shalt  }
0x54: {  	_ =	shalt  }
0x55: {  	_ =	shalt  }
0x56: {  	_ =	shalt  }
0x57: {  	_ =	shalt  }
0x58: {  	_ =	shalt  }
0x59: {  	_ =	shalt  }
0x5a: {  	_ =	shalt  }
0x5b: {  	_ =	shalt  }
0x5c: {  	_ =	shalt  }
0x5d: {  	_ =	shalt  }
0x5e: {  	_ =	shalt  }
0x5f: {  	_ =	shalt  }
0x60: {  	_ =	shalt  }
0x61: {  	_ =	shalt  }
0x62: {  	_ =	shalt  }
0x63: {  	_ =	shalt  }
0x64: {  	_ =	shalt  }
0x65: {  	_ =	shalt  }
0x66: {  	_ =	shalt  }
0x67: {  	_ =	shalt  }
0x68: {  	_ =	shalt  }
0x69: {  	_ =	shalt  }
0x6a: {  	_ =	shalt  }
0x6b: {  	_ =	shalt  }
0x6c: {  	_ =	shalt  }
0x6d: {  	_ =	shalt  }
0x6e: {  	_ =	shalt  }
0x6f: {  	_ =	shalt  }
0x70: {  	_ =	shalt  }
0x71: {  	_ =	shalt  }
0x72: {  	_ =	shalt  }
0x73: {  	_ =	shalt  }
0x74: {  	_ =	shalt  }
0x75: {  	_ =	shalt  }
0x76: {  	_ =	shalt  }
0x77: {  	_ =	shalt  }
0x78: {  	_ =	shalt  }
0x79: {  	_ =	shalt  }
0x7a: {  	_ =	shalt  }
0x7b: {  	_ =	shalt  }
0x7c: {  	_ =	shalt  }
0x7d: {  	_ =	shalt  }
0x7e: {  	_ =	shalt  }
0x7f: {  	_ =	shalt  }
0x80: {  	_ =	shalt  }
0x81: {  	_ =	shalt  }
0x82: {  	_ =	shalt  }
0x83: {  	_ =	shalt  }
0x84: {  	_ =	shalt  }
0x85: {  	_ =	shalt  }
0x86: {  	_ =	shalt  }
0x87: {  	_ =	shalt  }
.Lfunc_end0:
.L_simem_size_0:
called_computation_lowered:
.L_overlay_start_0:
0x88: {  	s2 =	sld [smem:$0x3FD9]  }
0x89: {  	s3 =	sld [smem:$0x3FFE];
	_ =	sdelay $0x1  }
0x8a: {  	s1 =	srdreg.scid  }
0x8b: {  	s0 =	sand.u32 $0x1, s1  }
0x8c: {  	s17 =	sshll.u32 s0, $0xA;
	s2 =	sadd.s32 s3, s2  }
0x8d: {  	s2 =	sadd.s32 s2, s17  }
0x8e: {  	[smem:$0x3FC3] =	sst s2  }
0x8f: {  	_ = 	snop  }
0x90: {  	s2 =	sld [smem:$0x3FC9]  }
0x91: {  	s18 =	sld [smem:$0x3FC8]  }
0x92: {  	s4 =	sld [smem:$0x3FC7]  }
0x93: {  	s5 =	sld [smem:$0x3FC5]  }
0x94: {  	s6 =	sld [smem:$0x3FD0];
	(tm) =	ssettm $0x1  }
0x95: {  	s7 =	sld [smem:$0x3FFB];
	_ =	sdelay $0x3  }
0x96: {  	_ =	strace s7  }
0x97: {  	s7 =	sld [smem:$0x3FFC];
	_ =	sdelay $0x3  }
0x98: {  	_ =	strace s7  }
0x99: {  	s7 =	sld [smem:$0x3FFD];
	_ =	sdelay $0x3  }
0x9a: {  	_ =	strace s7  }
0x9b: {  	_ =	strace $0x8FFFFFFF  }
0x9c: {  	s19 =	sld [smem:$0x3FDB];
	_ =	sdelay $0x1  }
0x9d: {  	s8 =	simm.s32 $_scs_section_size  }
0x9e: {  	s9 =	simm.s32 $_size__tile_overlayer_lowered;
	s10 =	simm.s32 $_tile_overlayer_lowered  }
0x9f: {  	s22 =	simm.s32 $0x1BFF;
	s21 =	sshll.u32 s10, $0x1;
	s7 =	sadd.s32 s8, s19  }
0xa0: {  	s11 =	simm.s32 $0x0;
	s20 =	sshll.u32 s9, $0x1;
	s9 =	sadd.s32 s21, s7  }
0xa1: {  	[timem:s11], [sflag:s22] =	dma.local [hbm:s9], s20  }
0xa2: {  	_ =	swait.ge [sflag:s22], s20  }
0xa3: {  	s8 =	ssub.s32 $0x0, s20;
	[sflag:s22] =	ssyncset.done $0x0  }
0xa4: {  	[sflag:s22] =	ssyncadd.s32 s8;
	_ =	sdelay $0x1  }
0xa5: {  	s23 =	simm.s32 $0x1B8B  }
0xa6: {  	_ =	swait.ge [sflag:s23], $0x1  }
0xa7: {  	[sflag:s23] =	ssyncset.done $0x0  }
0xa8: {  	s25 =	simm.s32 $0x1B8E;
	s24 =	sld [smem:$0x3FFE];
	[sflag:s23] =	ssyncadd.s32 $0xFFFFFFFF  }
0xa9: {  	s26 =	simm.s32 $execute0_lowered;
	[smem:$0x3FD2] =	sst s25  }
0xaa: {  	s9 =	sshll.u32 s26, $0x1;
	_ =	strace $0x80000046;
	[dreg:$0x1] =	wrdreg $0xFFFFFFFF  }
0xab: {  	s28 =	simm.s32 $_size_execute0_lowered;
	s7 =	sadd.s32 s7, s9;
	[dreg:$0x0] =	wrdreg $0x0  }
0xac: {  	s9 =	sshll.u32 s28, $0x1;
	[dreg:$0x2] =	wrdreg s7  }
0xad: {  	[dreg:$0x3] =	wrdreg s9  }
0xae: {  	[dreg:$0x4] =	wrdreg $0xC0  }
0xaf: {  	_ =	task [dreg:s11], $0x5FFFF  }
0xb0: {  	[dreg:$0x1] =	wrdreg $0xFFFFFFFF  }
0xb1: {  	[dreg:$0x0] =	wrdreg $0x60  }
0xb2: {  	[dreg:$0x2] =	wrdreg s2  }
0xb3: {  	[dreg:$0x3] =	wrdreg s18  }
0xb4: {  	[dreg:$0x4] =	wrdreg s4  }
0xb5: {  	[dreg:$0x5] =	wrdreg s24  }
0xb6: {  	[dreg:$0x6] =	wrdreg s5  }
0xb7: {  	[dreg:$0x7] =	wrdreg s6  }
0xb8: {  	[dreg:$0x8] =	wrdreg $0x9  }
0xb9: {  	_ =	task.clear_ibuf [dreg:s11], $0x9FFFF;
	_ =	strace $0x90000046  }
0xba: {  	s29 =	simm.s32 $0x9;
	_ =	strace $0x80000048  }
0xbb: {  	_ =	swait.ge [sflag:s29], $0x1  }
0xbc: {  	[sflag:s29] =	ssyncadd.s32 $0xFFFFFFFF  }
0xbd: {  	_ =	strace $0x90000048  }
0xbe: {  	_ =	sfence  }
0xbf: {  	s30 =	sld [smem:$0x0];
	_ =	sdelay $0x2  }
0xc0: {  	s31 =	sshll.u32 s1, $0xD;
	s1 =	sshrl.u32 s1, $0x2  }
0xc1: {  	s3 =	sand.u32 $0x4000, s31;
	s1 =	sadd.s32 s1, s30  }
0xc2: {  	s0 =	sor.u32 s3, s0;
	s1 =	sshll.u32 s1, $0x11  }
0xc3: {  	s0 =	sor.u32 s1, s0  }
0xc4: {  	s0 =	sadd.s32 $0x8F2B, s0  }
0xc5: {  	[sflag:s0] =	ssyncadd.remote.s32 $0x1  }
0xc6: {  	_ =	sfence.sel $0xFFFF  }
0xc7: {  	[dreg:$0x0] =	wrdreg $0xFFFFFFFF;
	(pc) =	sbr.abs _section_cstart, $3  }
0xc8: {  	[dreg:$0x1] =	wrdreg $0xFFFFFFFF  }
0xc9: {  	_ =	task.clear_ibuf [dreg:s11], $0x2FFFF;
	_ =	strace $0x9FFFFFFF  }
0xca: {  	(tm) =	ssettm $0x7FFFFFFF  }
0xcb: {  	_ =	shalt  }
tec
execute0_lowered:
.L_overlay_start_1:
0x0: {  	(tag) =	ssettag $0x1  }
0x1: {  	s9 =	rddreg [dreg:$0x0]  }
0x2: {  	s10 =	rddreg [dreg:$0x1]  }
0x3: {  	s11 =	rddreg [dreg:$0x2]  }
0x4: {  	s4 =	rddreg [dreg:$0x3]  }
0x5: {  	s1 =	rddreg [dreg:$0x4]  }
0x6: {  	s12 =	rddreg [dreg:$0x5]  }
0x7: {  	s0 =	rddreg [dreg:$0x6];
	s3 =	simm.s32 $0x0;
	s5 =	srdreg.scid  }
0x8: {  	s2 =	stileid.u32;
	s16 =	simm.s32 $0x200;
	s17 =	simm.s32 $0x300  }
0x9: {  	v1 =	vlaneseq.u32;
	s18 =	simm.s32 $0x4300;
	s19 =	simm.s32 $0x8300;
	s20 =	simm.s32 $0x1  }
0xa: {  	s21 =	simm.s32 $0x10300;
	s22 =	simm.s32 $0x0;
	s5 =	sand.u32 $0x1, s5;
	v0 =	vmul.u32 $0x80, v1  }
0xb: {  	[smem:$0x7FF] =	sst s3;
	s7 =	sshll.u32 s2, $0x7;
	v1 =	vmul.u32 $0x40, v1;
	s6 =	ssub.s32 $0x2, s5  }
0xc: {  	s4 =	sadd.s32 $0x186E00, s4;
	s5 =	sshll.u32 s5, $0x6;
	s8 =	sshrl.u32 s6, $0x1;
	v2 =	vor.u32 $0x40, v0;
	v3 =	vor.u32 $0x800, v0  }
0xd: {  	_ =	strace $0x80000047;
	s13 =	sor.u32 s5, s7;
	v4 =	vor.u32 $0x840, v0;
	v5 =	vor.u32 $0x400, v1;
	v6 =	vor.u32 $0x1000, v0;
	s14 =	ssub.s32 s6, s8  }
0xe: {  	v7 =	vor.u32 $0x1040, v0;
	v8 =	vor.u32 $0x800, v1;
	v9 =	vor.u32 $0x1800, v0;
	s5 =	sadd.s32 s9, s13;
	s6 =	sadd.s32 s10, s13;
	s15 =	sor.u32 $0x20, s13  }
0xf: {  	v10 =	vor.u32 $0x1840, v0;
	v11 =	vor.u32 $0xC00, v1;
	v12 =	vor.u32 $0x2000, v0;
	s7 =	sadd.s32 s11, s13;
	s8 =	sadd.s32 s12, s13;
	s9 =	sadd.s32 s9, s15  }
0x10: {  	v13 =	vor.u32 $0x2040, v0;
	v14 =	vor.u32 $0x1000, v1;
	v15 =	vor.u32 $0x2800, v0;
	s10 =	sadd.s32 s10, s15;
	s11 =	sadd.s32 s11, s15;
	s12 =	sadd.s32 s12, s15  }
0x11: {  	v16 =	vor.u32 $0x2840, v0;
	v17 =	vor.u32 $0x1400, v1;
	v18 =	vor.u32 $0x3000, v0;
	s13 =	smax.u32 s14, $0x1;
	s14 =	simm.s32 $0x2;
	s15 =	simm.s32 $0x100  }
.LBB2_1:
0x12: {  	[tilespmem:s3], [sflag:$0x2] =	stream.linear.gather [hbm4b:s5+s3], $0x100, $0x38;
	[tilespmem:$0x10400] =	vst v63  }
0x13: {  	_ =	swait.ge [sflag:s14], $0x100  }
0x14: {  	[sflag:s14] =	ssyncset.done $0x0  }
0x15: {  	[sflag:s14] =	ssyncadd.s32 $0xFFFFFF00  }
0x16: {  	[tilespmem:s15], [sflag:$0x2] =	stream.linear.gather [hbm4b:s6+s3], $0x100, $0x38;
	[tilespmem:$0x10400] =	vst v63  }
0x17: {  	_ =	swait.ge [sflag:s14], $0x100  }
0x18: {  	[sflag:s14] =	ssyncset.done $0x0  }
0x19: {  	[sflag:s14] =	ssyncadd.s32 $0xFFFFFF00  }
0x1a: {  	[tilespmem:s16], [sflag:$0x2] =	stream.linear.gather [hbm4b:s7+s3], $0x100, $0x38;
	[tilespmem:$0x10400] =	vst v63  }
0x1b: {  	_ =	swait.ge [sflag:s14], $0x100  }
0x1c: {  	[sflag:s14] =	ssyncset.done $0x0  }
0x1d: {  	[sflag:s14] =	ssyncadd.s32 $0xFFFFFF00  }
0x1e: {  	[tilespmem:s17], [sflag:$0x1] =	stream.indirect.gather [hbm4b:s4+s15], $0x40, s3, s15, $0xb8;
	[tilespmem:$0x10400] =	vst v63  }
0x1f: {  	_ = 	snop  }
0x20: {  	[tilespmem:s18], [sflag:$0x1] =	stream.indirect.gather [hbm4b:s4+s15], $0x40, s16, s15, $0xb8;
	[tilespmem:$0x10400] =	vst v63  }
0x21: {  	_ = 	snop  }
0x22: {  	[tilespmem:s19], [sflag:$0x1] =	stream.indirect.gather [hbm4b:s1+s15], $0x80, s15, s15, $0xb8;
	[tilespmem:$0x10400] =	vst v63  }
0x23: {  	_ =	swait.ge [sflag:s20], $0x4000  }
0x24: {  	[sflag:s20] =	ssyncset.done $0x0  }
0x25: {  	[sflag:s20] =	ssyncadd.s32 $0xFFFFC000  }
0x26: {  	_ =	swait.ge [sflag:s20], $0x4000  }
0x27: {  	v19 =	vor.u32 s3, v2;
	v20 =	vmov s3;
	[sflag:s20] =	ssyncset.done $0x0  }
0x28: {  	v20 =	vand.u32 $0x3F, v20;
	[sflag:s20] =	ssyncadd.s32 $0xFFFFC000  }
0x29: {  	v21 =	vor.u32 v0, v20;
	_ =	swait.ge [sflag:s20], $0x8000  }
0x2a: {  	[sflag:s20] =	ssyncset.done $0x0  }
0x2b: {  	v20 =	vor.u32 v1, v20;
	[sflag:s20] =	ssyncadd.s32 $0xFFFF8000  }
0x2c: {  	v19 =	vld.idx.msk [tilespmem:v19+s19+$0x0], $0xffff  }
0x2d: {  	s23 =	simm.s32 $0x1  }
0x2e: {  	v22 =	vor.u32 s23, v2;
	v24 =	vld.idx.msk [tilespmem:v21+s19+$0x0], $0xffff;
	v21 =	vmov s23  }
0x2f: {  	v26 =	vand.u32 $0x3F, v21  }
0x30: {  	v21 =	vld.idx.msk [tilespmem:v20+s17+$0x0], $0xffff;
	v29 =	vor.u32 v0, v26  }
0x31: {  	v19 =	vand.u32 $0x7FFFFFFF, v19  }
0x32: {  	v27 =	vor.u32 v1, v26;
	v30 =	vmax.f32 v19, $9.999999970e-07  }
0x33: {  	v23 =	vld.idx.msk [tilespmem:v22+s19+$0x0], $0xffff;
	v25 =	vsub.f32 v24, v30  }
0x34: {  	s31 =	simm.s32 $0x2;
	v20 =	vld.idx.msk [tilespmem:v20+s18+$0x0], $0xffff  }
0x35: {  	v26 =	vor.u32 s31, v2;
	v19 =	vld.idx.msk [tilespmem:v29+s19+$0x0], $0xffff;
	v24 =	vadd.f32 v30, v24;
	v29 =	vsub.f32 v25, v21  }
0x36: {  	v28 =	vimm.f32 $0.0e+00;
	s23 =	simm.s32 $0x3;
	v22 =	vmov v27;
	v30 =	vmov s31  }
.LBB2_2:
0x37: {  	p0 =	sne.s32 s23, $0x3F;
	v30 =	vand.u32 $0x3F, v30;
	v29 =	vmax.f32 v29, $0.0e+00;
	v31 =	vsub.f32 v21, v24;
	v21 =	vld.idx.msk [tilespmem:v27+s17+$0x0], $0xffff  }
0x38: {  	v32 =	vor.u32 v0, v30;
	v28 =	vadd.f32 v29, v28  }
0x39: {  	v29 =	vand.u32 $0x7FFFFFFF, v23;
	v33 =	vsub.f32 v25, v20;
	v31 =	vmax.f32 v31, $0.0e+00  }
.Ltmp0:
0x3a: {  	v27 =	vor.u32 v1, v30;
	v29 =	vmax.f32 v29, $9.999999970e-07;
	v23 =	vld.idx.msk [tilespmem:v26+s19+$0x0], $0xffff;
	v28 =	vadd.f32 v28, v31;
	(pc) =	sbr.rel @p0 .LBB2_2-.Ltmp0, $4  }
0x3b: {  	v25 =	vsub.f32 v19, v29;
	v30 =	vmax.f32 v33, $0.0e+00;
	v31 =	vsub.f32 v20, v24;
	v20 =	vld.idx.msk [tilespmem:v22+s18+$0x0], $0xffff;
	v22 =	vmovc v27  }
0x3c: {  	v26 =	vor.u32 s23, v2;
	v28 =	vadd.f32 v28, v30  }
0x3d: {  	v24 =	vadd.f32 v29, v19;
	v29 =	vsub.f32 v25, v21;
	v31 =	vmax.f32 v31, $0.0e+00;
	v19 =	vld.idx.msk [tilespmem:v32+s19+$0x0], $0xffff  }
0x3e: {  	v30 =	vmov s23;
	s23 =	sadd.s32 $0x1, s23;
	v28 =	vadd.f32 v28, v31  }
0x3f: {  	_ =	sdelay $0x2  }
0x40: {  	v29 =	vmax.f32 v29, $0.0e+00;
	v21 =	vsub.f32 v21, v24  }
0x41: {  	v30 =	vand.u32 $0x3F, v30;
	v27 =	vld.idx.msk [tilespmem:v27+s17+$0x0], $0xffff;
	v23 =	vand.u32 $0x7FFFFFFF, v23;
	v28 =	vadd.f32 v29, v28  }
0x42: {  	v31 =	vor.u32 v0, v30;
	v25 =	vsub.f32 v25, v20;
	v21 =	vmax.f32 v21, $0.0e+00  }
0x43: {  	v29 =	vor.u32 v1, v30;
	v23 =	vmax.f32 v23, $9.999999970e-07;
	v21 =	vadd.f32 v28, v21  }
0x44: {  	v26 =	vld.idx.msk [tilespmem:v26+s19+$0x0], $0xffff;
	v20 =	vsub.f32 v20, v24;
	v28 =	vsub.f32 v19, v23;
	v25 =	vmax.f32 v25, $0.0e+00  }
0x45: {  	v22 =	vld.idx.msk [tilespmem:v22+s18+$0x0], $0xffff;
	v21 =	vadd.f32 v21, v25  }
0x46: {  	v19 =	vadd.f32 v23, v19;
	v20 =	vmax.f32 v20, $0.0e+00;
	v23 =	vsub.f32 v28, v27  }
0x47: {  	v24 =	vld.idx.msk [tilespmem:v31+s19+$0x0], $0xffff;
	v20 =	vadd.f32 v21, v20  }
0x48: {  	v21 =	vmax.f32 v23, $0.0e+00;
	v23 =	vsub.f32 v27, v19  }
0x49: {  	v25 =	vld.idx.msk [tilespmem:v29+s17+$0x0], $0xffff;
	v20 =	vadd.f32 v21, v20  }
0x4a: {  	v21 =	vand.u32 $0x7FFFFFFF, v26;
	v23 =	vmax.f32 v23, $0.0e+00;
	v26 =	vsub.f32 v28, v22  }
0x4b: {  	v21 =	vmax.f32 v21, $9.999999970e-07;
	v20 =	vadd.f32 v20, v23  }
0x4c: {  	v19 =	vsub.f32 v22, v19;
	v23 =	vsub.f32 v24, v21;
	v26 =	vmax.f32 v26, $0.0e+00  }
0x4d: {  	v22 =	vld.idx.msk [tilespmem:v29+s18+$0x0], $0xffff;
	v20 =	vadd.f32 v20, v26  }
0x4e: {  	v19 =	vmax.f32 v19, $0.0e+00;
	v21 =	vadd.f32 v21, v24;
	v24 =	vsub.f32 v23, v25  }
0x4f: {  	v19 =	vadd.f32 v20, v19  }
0x50: {  	v20 =	vmax.f32 v24, $0.0e+00;
	v24 =	vsub.f32 v25, v21  }
0x51: {  	v19 =	vadd.f32 v20, v19  }
0x52: {  	v23 =	vsub.f32 v23, v22;
	v20 =	vmax.f32 v24, $0.0e+00  }
0x53: {  	v19 =	vadd.f32 v19, v20  }
0x54: {  	v21 =	vsub.f32 v22, v21;
	v20 =	vmax.f32 v23, $0.0e+00  }
0x55: {  	v19 =	vadd.f32 v19, v20  }
0x56: {  	s23 =	simm.s32 $0x0;
	v20 =	vmax.f32 v21, $0.0e+00  }
0x57: {  	v21 =	vmov s23;
	v19 =	vadd.f32 v19, v20;
	v20 =	vor.u32 s23, v4  }
0x58: {  	v21 =	vand.u32 $0x3F, v21  }
0x59: {  	v22 =	vor.u32 v3, v21;
	v19 =	vsub.f32 $0.0e+00, v19;
	_ =	sdelay $0x1  }
0x5a: {  	[tilespmem:$0x10300] =	vst v19;
	v19 =	vor.u32 v5, v21  }
0x5b: {  	v20 =	vld.idx.msk [tilespmem:v20+s19+$0x0], $0xffff  }
0x5c: {  	s30 =	simm.s32 $0x1  }
0x5d: {  	v23 =	vor.u32 s30, v4;
	v21 =	vmov s30;
	v22 =	vld.idx.msk [tilespmem:v22+s19+$0x0], $0xffff  }
0x5e: {  	v24 =	vand.u32 $0x3F, v21  }
0x5f: {  	v29 =	vor.u32 v3, v24;
	v21 =	vld.idx.msk [tilespmem:v19+s17+$0x0], $0xffff  }
0x60: {  	v20 =	vand.u32 $0x7FFFFFFF, v20  }
0x61: {  	v27 =	vor.u32 v5, v24;
	v30 =	vmax.f32 v20, $9.999999970e-07  }
0x62: {  	v23 =	vld.idx.msk [tilespmem:v23+s19+$0x0], $0xffff;
	v25 =	vsub.f32 v22, v30  }
0x63: {  	s31 =	simm.s32 $0x2;
	v20 =	vld.idx.msk [tilespmem:v19+s18+$0x0], $0xffff  }
0x64: {  	v26 =	vor.u32 s31, v4;
	v19 =	vld.idx.msk [tilespmem:v29+s19+$0x0], $0xffff;
	v24 =	vadd.f32 v30, v22;
	v29 =	vsub.f32 v25, v21  }
0x65: {  	v28 =	vimm.f32 $0.0e+00;
	s23 =	simm.s32 $0x3;
	v30 =	vmov s31;
	v22 =	vmov v27  }
.LBB2_4:
0x66: {  	p0 =	sne.s32 s23, $0x3F;
	v30 =	vand.u32 $0x3F, v30;
	v29 =	vmax.f32 v29, $0.0e+00;
	v31 =	vsub.f32 v21, v24;
	v21 =	vld.idx.msk [tilespmem:v27+s17+$0x0], $0xffff  }
0x67: {  	v32 =	vor.u32 v3, v30;
	v28 =	vadd.f32 v29, v28  }
0x68: {  	v29 =	vand.u32 $0x7FFFFFFF, v23;
	v33 =	vsub.f32 v25, v20;
	v31 =	vmax.f32 v31, $0.0e+00  }
.Ltmp1:
0x69: {  	v27 =	vor.u32 v5, v30;
	v29 =	vmax.f32 v29, $9.999999970e-07;
	v23 =	vld.idx.msk [tilespmem:v26+s19+$0x0], $0xffff;
	v28 =	vadd.f32 v28, v31;
	(pc) =	sbr.rel @p0 .LBB2_4-.Ltmp1, $4  }
0x6a: {  	v25 =	vsub.f32 v19, v29;
	v30 =	vmax.f32 v33, $0.0e+00;
	v31 =	vsub.f32 v20, v24;
	v20 =	vld.idx.msk [tilespmem:v22+s18+$0x0], $0xffff;
	v22 =	vmovc v27  }
0x6b: {  	v26 =	vor.u32 s23, v4;
	v28 =	vadd.f32 v28, v30  }
0x6c: {  	v24 =	vadd.f32 v29, v19;
	v29 =	vsub.f32 v25, v21;
	v31 =	vmax.f32 v31, $0.0e+00;
	v19 =	vld.idx.msk [tilespmem:v32+s19+$0x0], $0xffff  }
0x6d: {  	v30 =	vmov s23;
	s23 =	sadd.s32 $0x1, s23;
	v28 =	vadd.f32 v28, v31  }
0x6e: {  	_ =	sdelay $0x2  }
0x6f: {  	v29 =	vmax.f32 v29, $0.0e+00;
	v21 =	vsub.f32 v21, v24  }
0x70: {  	v30 =	vand.u32 $0x3F, v30;
	v27 =	vld.idx.msk [tilespmem:v27+s17+$0x0], $0xffff;
	v23 =	vand.u32 $0x7FFFFFFF, v23;
	v28 =	vadd.f32 v29, v28  }
0x71: {  	v31 =	vor.u32 v3, v30;
	v25 =	vsub.f32 v25, v20;
	v21 =	vmax.f32 v21, $0.0e+00  }
0x72: {  	v29 =	vor.u32 v5, v30;
	v23 =	vmax.f32 v23, $9.999999970e-07;
	v21 =	vadd.f32 v28, v21  }
0x73: {  	v26 =	vld.idx.msk [tilespmem:v26+s19+$0x0], $0xffff;
	v20 =	vsub.f32 v20, v24;
	v28 =	vsub.f32 v19, v23;
	v25 =	vmax.f32 v25, $0.0e+00  }
0x74: {  	v22 =	vld.idx.msk [tilespmem:v22+s18+$0x0], $0xffff;
	v21 =	vadd.f32 v21, v25  }
0x75: {  	v19 =	vadd.f32 v23, v19;
	v20 =	vmax.f32 v20, $0.0e+00;
	v23 =	vsub.f32 v28, v27  }
0x76: {  	v24 =	vld.idx.msk [tilespmem:v31+s19+$0x0], $0xffff;
	v20 =	vadd.f32 v21, v20  }
0x77: {  	v21 =	vmax.f32 v23, $0.0e+00;
	v23 =	vsub.f32 v27, v19  }
0x78: {  	v25 =	vld.idx.msk [tilespmem:v29+s17+$0x0], $0xffff;
	v20 =	vadd.f32 v21, v20  }
0x79: {  	v21 =	vand.u32 $0x7FFFFFFF, v26;
	v23 =	vmax.f32 v23, $0.0e+00;
	v26 =	vsub.f32 v28, v22  }
0x7a: {  	v21 =	vmax.f32 v21, $9.999999970e-07;
	v20 =	vadd.f32 v20, v23  }
0x7b: {  	v19 =	vsub.f32 v22, v19;
	v23 =	vsub.f32 v24, v21;
	v26 =	vmax.f32 v26, $0.0e+00  }
0x7c: {  	v22 =	vld.idx.msk [tilespmem:v29+s18+$0x0], $0xffff;
	v20 =	vadd.f32 v20, v26  }
0x7d: {  	v19 =	vmax.f32 v19, $0.0e+00;
	v21 =	vadd.f32 v21, v24;
	v24 =	vsub.f32 v23, v25  }
0x7e: {  	v19 =	vadd.f32 v20, v19  }
0x7f: {  	v20 =	vmax.f32 v24, $0.0e+00;
	v24 =	vsub.f32 v25, v21  }
0x80: {  	v19 =	vadd.f32 v20, v19  }
0x81: {  	v23 =	vsub.f32 v23, v22;
	v20 =	vmax.f32 v24, $0.0e+00  }
0x82: {  	v19 =	vadd.f32 v19, v20  }
0x83: {  	v21 =	vsub.f32 v22, v21;
	v20 =	vmax.f32 v23, $0.0e+00  }
0x84: {  	v19 =	vadd.f32 v19, v20  }
0x85: {  	s23 =	simm.s32 $0x0;
	v20 =	vmax.f32 v21, $0.0e+00  }
0x86: {  	v21 =	vmov s23;
	v19 =	vadd.f32 v19, v20;
	v20 =	vor.u32 s23, v7  }
0x87: {  	v21 =	vand.u32 $0x3F, v21  }
0x88: {  	v22 =	vor.u32 v6, v21;
	v19 =	vsub.f32 $0.0e+00, v19;
	_ =	sdelay $0x1  }
0x89: {  	[tilespmem:$0x10310] =	vst v19;
	v19 =	vor.u32 v8, v21  }
0x8a: {  	v20 =	vld.idx.msk [tilespmem:v20+s19+$0x0], $0xffff  }
0x8b: {  	s30 =	simm.s32 $0x1  }
0x8c: {  	v23 =	vor.u32 s30, v7;
	v21 =	vmov s30;
	v22 =	vld.idx.msk [tilespmem:v22+s19+$0x0], $0xffff  }
0x8d: {  	v24 =	vand.u32 $0x3F, v21  }
0x8e: {  	v29 =	vor.u32 v6, v24;
	v21 =	vld.idx.msk [tilespmem:v19+s17+$0x0], $0xffff  }
0x8f: {  	v20 =	vand.u32 $0x7FFFFFFF, v20  }
0x90: {  	v27 =	vor.u32 v8, v24;
	v30 =	vmax.f32 v20, $9.999999970e-07  }
0x91: {  	v23 =	vld.idx.msk [tilespmem:v23+s19+$0x0], $0xffff;
	v25 =	vsub.f32 v22, v30  }
0x92: {  	s31 =	simm.s32 $0x2;
	v20 =	vld.idx.msk [tilespmem:v19+s18+$0x0], $0xffff  }
0x93: {  	v26 =	vor.u32 s31, v7;
	v19 =	vld.idx.msk [tilespmem:v29+s19+$0x0], $0xffff;
	v24 =	vadd.f32 v30, v22;
	v29 =	vsub.f32 v25, v21  }
0x94: {  	v28 =	vimm.f32 $0.0e+00;
	s23 =	simm.s32 $0x3;
	v30 =	vmov s31;
	v22 =	vmov v27  }
.LBB2_6:
0x95: {  	p0 =	sne.s32 s23, $0x3F;
	v30 =	vand.u32 $0x3F, v30;
	v29 =	vmax.f32 v29, $0.0e+00;
	v31 =	vsub.f32 v21, v24;
	v21 =	vld.idx.msk [tilespmem:v27+s17+$0x0], $0xffff  }
0x96: {  	v32 =	vor.u32 v6, v30;
	v28 =	vadd.f32 v29, v28  }
0x97: {  	v29 =	vand.u32 $0x7FFFFFFF, v23;
	v33 =	vsub.f32 v25, v20;
	v31 =	vmax.f32 v31, $0.0e+00  }
.Ltmp2:
0x98: {  	v27 =	vor.u32 v8, v30;
	v29 =	vmax.f32 v29, $9.999999970e-07;
	v23 =	vld.idx.msk [tilespmem:v26+s19+$0x0], $0xffff;
	v28 =	vadd.f32 v28, v31;
	(pc) =	sbr.rel @p0 .LBB2_6-.Ltmp2, $4  }
0x99: {  	v25 =	vsub.f32 v19, v29;
	v30 =	vmax.f32 v33, $0.0e+00;
	v31 =	vsub.f32 v20, v24;
	v20 =	vld.idx.msk [tilespmem:v22+s18+$0x0], $0xffff;
	v22 =	vmovc v27  }
0x9a: {  	v26 =	vor.u32 s23, v7;
	v28 =	vadd.f32 v28, v30  }
0x9b: {  	v24 =	vadd.f32 v29, v19;
	v29 =	vsub.f32 v25, v21;
	v31 =	vmax.f32 v31, $0.0e+00;
	v19 =	vld.idx.msk [tilespmem:v32+s19+$0x0], $0xffff  }
0x9c: {  	v30 =	vmov s23;
	s23 =	sadd.s32 $0x1, s23;
	v28 =	vadd.f32 v28, v31  }
0x9d: {  	_ =	sdelay $0x2  }
0x9e: {  	v29 =	vmax.f32 v29, $0.0e+00;
	v21 =	vsub.f32 v21, v24  }
0x9f: {  	v30 =	vand.u32 $0x3F, v30;
	v27 =	vld.idx.msk [tilespmem:v27+s17+$0x0], $0xffff;
	v23 =	vand.u32 $0x7FFFFFFF, v23;
	v28 =	vadd.f32 v29, v28  }
0xa0: {  	v31 =	vor.u32 v6, v30;
	v25 =	vsub.f32 v25, v20;
	v21 =	vmax.f32 v21, $0.0e+00  }
0xa1: {  	v29 =	vor.u32 v8, v30;
	v23 =	vmax.f32 v23, $9.999999970e-07;
	v21 =	vadd.f32 v28, v21  }
0xa2: {  	v26 =	vld.idx.msk [tilespmem:v26+s19+$0x0], $0xffff;
	v20 =	vsub.f32 v20, v24;
	v28 =	vsub.f32 v19, v23;
	v25 =	vmax.f32 v25, $0.0e+00  }
0xa3: {  	v22 =	vld.idx.msk [tilespmem:v22+s18+$0x0], $0xffff;
	v21 =	vadd.f32 v21, v25  }
0xa4: {  	v19 =	vadd.f32 v23, v19;
	v20 =	vmax.f32 v20, $0.0e+00;
	v23 =	vsub.f32 v28, v27  }
0xa5: {  	v24 =	vld.idx.msk [tilespmem:v31+s19+$0x0], $0xffff;
	v20 =	vadd.f32 v21, v20  }
0xa6: {  	v21 =	vmax.f32 v23, $0.0e+00;
	v23 =	vsub.f32 v27, v19  }
0xa7: {  	v25 =	vld.idx.msk [tilespmem:v29+s17+$0x0], $0xffff;
	v20 =	vadd.f32 v21, v20  }
0xa8: {  	v21 =	vand.u32 $0x7FFFFFFF, v26;
	v23 =	vmax.f32 v23, $0.0e+00;
	v26 =	vsub.f32 v28, v22  }
0xa9: {  	v21 =	vmax.f32 v21, $9.999999970e-07;
	v20 =	vadd.f32 v20, v23  }
0xaa: {  	v19 =	vsub.f32 v22, v19;
	v23 =	vsub.f32 v24, v21;
	v26 =	vmax.f32 v26, $0.0e+00  }
0xab: {  	v22 =	vld.idx.msk [tilespmem:v29+s18+$0x0], $0xffff;
	v20 =	vadd.f32 v20, v26  }
0xac: {  	v19 =	vmax.f32 v19, $0.0e+00;
	v21 =	vadd.f32 v21, v24;
	v24 =	vsub.f32 v23, v25  }
0xad: {  	v19 =	vadd.f32 v20, v19  }
0xae: {  	v20 =	vmax.f32 v24, $0.0e+00;
	v24 =	vsub.f32 v25, v21  }
0xaf: {  	v19 =	vadd.f32 v20, v19  }
0xb0: {  	v23 =	vsub.f32 v23, v22;
	v20 =	vmax.f32 v24, $0.0e+00  }
0xb1: {  	v19 =	vadd.f32 v19, v20  }
0xb2: {  	v21 =	vsub.f32 v22, v21;
	v20 =	vmax.f32 v23, $0.0e+00  }
0xb3: {  	v19 =	vadd.f32 v19, v20  }
0xb4: {  	s23 =	simm.s32 $0x0;
	v20 =	vmax.f32 v21, $0.0e+00  }
0xb5: {  	v21 =	vmov s23;
	v19 =	vadd.f32 v19, v20;
	v20 =	vor.u32 s23, v10  }
0xb6: {  	v21 =	vand.u32 $0x3F, v21  }
0xb7: {  	v22 =	vor.u32 v9, v21;
	v19 =	vsub.f32 $0.0e+00, v19;
	_ =	sdelay $0x1  }
0xb8: {  	[tilespmem:$0x10320] =	vst v19;
	v19 =	vor.u32 v11, v21  }
0xb9: {  	v20 =	vld.idx.msk [tilespmem:v20+s19+$0x0], $0xffff  }
0xba: {  	s30 =	simm.s32 $0x1  }
0xbb: {  	v23 =	vor.u32 s30, v10;
	v21 =	vmov s30;
	v22 =	vld.idx.msk [tilespmem:v22+s19+$0x0], $0xffff  }
0xbc: {  	v24 =	vand.u32 $0x3F, v21  }
0xbd: {  	v29 =	vor.u32 v9, v24;
	v21 =	vld.idx.msk [tilespmem:v19+s17+$0x0], $0xffff  }
0xbe: {  	v20 =	vand.u32 $0x7FFFFFFF, v20  }
0xbf: {  	v27 =	vor.u32 v11, v24;
	v30 =	vmax.f32 v20, $9.999999970e-07  }
0xc0: {  	v23 =	vld.idx.msk [tilespmem:v23+s19+$0x0], $0xffff;
	v25 =	vsub.f32 v22, v30  }
0xc1: {  	s31 =	simm.s32 $0x2;
	v20 =	vld.idx.msk [tilespmem:v19+s18+$0x0], $0xffff  }
0xc2: {  	v26 =	vor.u32 s31, v10;
	v19 =	vld.idx.msk [tilespmem:v29+s19+$0x0], $0xffff;
	v24 =	vadd.f32 v30, v22;
	v29 =	vsub.f32 v25, v21  }
0xc3: {  	v28 =	vimm.f32 $0.0e+00;
	s23 =	simm.s32 $0x3;
	v30 =	vmov s31;
	v22 =	vmov v27  }
.LBB2_8:
0xc4: {  	p0 =	sne.s32 s23, $0x3F;
	v30 =	vand.u32 $0x3F, v30;
	v29 =	vmax.f32 v29, $0.0e+00;
	v31 =	vsub.f32 v21, v24;
	v21 =	vld.idx.msk [tilespmem:v27+s17+$0x0], $0xffff  }
0xc5: {  	v32 =	vor.u32 v9, v30;
	v28 =	vadd.f32 v29, v28  }
0xc6: {  	v29 =	vand.u32 $0x7FFFFFFF, v23;
	v33 =	vsub.f32 v25, v20;
	v31 =	vmax.f32 v31, $0.0e+00  }
.Ltmp3:
0xc7: {  	v27 =	vor.u32 v11, v30;
	v29 =	vmax.f32 v29, $9.999999970e-07;
	v23 =	vld.idx.msk [tilespmem:v26+s19+$0x0], $0xffff;
	v28 =	vadd.f32 v28, v31;
	(pc) =	sbr.rel @p0 .LBB2_8-.Ltmp3, $4  }
0xc8: {  	v25 =	vsub.f32 v19, v29;
	v30 =	vmax.f32 v33, $0.0e+00;
	v31 =	vsub.f32 v20, v24;
	v20 =	vld.idx.msk [tilespmem:v22+s18+$0x0], $0xffff;
	v22 =	vmovc v27  }
0xc9: {  	v26 =	vor.u32 s23, v10;
	v28 =	vadd.f32 v28, v30  }
0xca: {  	v24 =	vadd.f32 v29, v19;
	v29 =	vsub.f32 v25, v21;
	v31 =	vmax.f32 v31, $0.0e+00;
	v19 =	vld.idx.msk [tilespmem:v32+s19+$0x0], $0xffff  }
0xcb: {  	v30 =	vmov s23;
	s23 =	sadd.s32 $0x1, s23;
	v28 =	vadd.f32 v28, v31  }
0xcc: {  	_ =	sdelay $0x2  }
0xcd: {  	v29 =	vmax.f32 v29, $0.0e+00;
	v21 =	vsub.f32 v21, v24  }
0xce: {  	v30 =	vand.u32 $0x3F, v30;
	v27 =	vld.idx.msk [tilespmem:v27+s17+$0x0], $0xffff;
	v23 =	vand.u32 $0x7FFFFFFF, v23;
	v28 =	vadd.f32 v29, v28  }
0xcf: {  	v31 =	vor.u32 v9, v30;
	v25 =	vsub.f32 v25, v20;
	v21 =	vmax.f32 v21, $0.0e+00  }
0xd0: {  	v29 =	vor.u32 v11, v30;
	v23 =	vmax.f32 v23, $9.999999970e-07;
	v21 =	vadd.f32 v28, v21  }
0xd1: {  	v26 =	vld.idx.msk [tilespmem:v26+s19+$0x0], $0xffff;
	v20 =	vsub.f32 v20, v24;
	v28 =	vsub.f32 v19, v23;
	v25 =	vmax.f32 v25, $0.0e+00  }
0xd2: {  	v22 =	vld.idx.msk [tilespmem:v22+s18+$0x0], $0xffff;
	v21 =	vadd.f32 v21, v25  }
0xd3: {  	v19 =	vadd.f32 v23, v19;
	v20 =	vmax.f32 v20, $0.0e+00;
	v23 =	vsub.f32 v28, v27  }
0xd4: {  	v24 =	vld.idx.msk [tilespmem:v31+s19+$0x0], $0xffff;
	v20 =	vadd.f32 v21, v20  }
0xd5: {  	v21 =	vmax.f32 v23, $0.0e+00;
	v23 =	vsub.f32 v27, v19  }
0xd6: {  	v25 =	vld.idx.msk [tilespmem:v29+s17+$0x0], $0xffff;
	v20 =	vadd.f32 v21, v20  }
0xd7: {  	v21 =	vand.u32 $0x7FFFFFFF, v26;
	v23 =	vmax.f32 v23, $0.0e+00;
	v26 =	vsub.f32 v28, v22  }
0xd8: {  	v21 =	vmax.f32 v21, $9.999999970e-07;
	v20 =	vadd.f32 v20, v23  }
0xd9: {  	v19 =	vsub.f32 v22, v19;
	v23 =	vsub.f32 v24, v21;
	v26 =	vmax.f32 v26, $0.0e+00  }
0xda: {  	v22 =	vld.idx.msk [tilespmem:v29+s18+$0x0], $0xffff;
	v20 =	vadd.f32 v20, v26  }
0xdb: {  	v19 =	vmax.f32 v19, $0.0e+00;
	v21 =	vadd.f32 v21, v24;
	v24 =	vsub.f32 v23, v25  }
0xdc: {  	v19 =	vadd.f32 v20, v19  }
0xdd: {  	v20 =	vmax.f32 v24, $0.0e+00;
	v24 =	vsub.f32 v25, v21  }
0xde: {  	v19 =	vadd.f32 v20, v19  }
0xdf: {  	v23 =	vsub.f32 v23, v22;
	v20 =	vmax.f32 v24, $0.0e+00  }
0xe0: {  	v19 =	vadd.f32 v19, v20  }
0xe1: {  	v21 =	vsub.f32 v22, v21;
	v20 =	vmax.f32 v23, $0.0e+00  }
0xe2: {  	v19 =	vadd.f32 v19, v20  }
0xe3: {  	s23 =	simm.s32 $0x0;
	v20 =	vmax.f32 v21, $0.0e+00  }
0xe4: {  	v21 =	vmov s23;
	v19 =	vadd.f32 v19, v20;
	v20 =	vor.u32 s23, v13  }
0xe5: {  	v21 =	vand.u32 $0x3F, v21  }
0xe6: {  	v22 =	vor.u32 v12, v21;
	v19 =	vsub.f32 $0.0e+00, v19;
	_ =	sdelay $0x1  }
0xe7: {  	[tilespmem:$0x10330] =	vst v19;
	v19 =	vor.u32 v14, v21  }
0xe8: {  	v20 =	vld.idx.msk [tilespmem:v20+s19+$0x0], $0xffff  }
0xe9: {  	s30 =	simm.s32 $0x1  }
0xea: {  	v23 =	vor.u32 s30, v13;
	v21 =	vmov s30;
	v22 =	vld.idx.msk [tilespmem:v22+s19+$0x0], $0xffff  }
0xeb: {  	v24 =	vand.u32 $0x3F, v21  }
0xec: {  	v29 =	vor.u32 v12, v24;
	v21 =	vld.idx.msk [tilespmem:v19+s17+$0x0], $0xffff  }
0xed: {  	v20 =	vand.u32 $0x7FFFFFFF, v20  }
0xee: {  	v27 =	vor.u32 v14, v24;
	v30 =	vmax.f32 v20, $9.999999970e-07  }
0xef: {  	v23 =	vld.idx.msk [tilespmem:v23+s19+$0x0], $0xffff;
	v25 =	vsub.f32 v22, v30  }
0xf0: {  	s31 =	simm.s32 $0x2;
	v20 =	vld.idx.msk [tilespmem:v19+s18+$0x0], $0xffff  }
0xf1: {  	v26 =	vor.u32 s31, v13;
	v19 =	vld.idx.msk [tilespmem:v29+s19+$0x0], $0xffff;
	v24 =	vadd.f32 v30, v22;
	v29 =	vsub.f32 v25, v21  }
0xf2: {  	v28 =	vimm.f32 $0.0e+00;
	s23 =	simm.s32 $0x3;
	v30 =	vmov s31;
	v22 =	vmov v27  }
.LBB2_10:
0xf3: {  	p0 =	sne.s32 s23, $0x3F;
	v30 =	vand.u32 $0x3F, v30;
	v29 =	vmax.f32 v29, $0.0e+00;
	v31 =	vsub.f32 v21, v24;
	v21 =	vld.idx.msk [tilespmem:v27+s17+$0x0], $0xffff  }
0xf4: {  	v32 =	vor.u32 v12, v30;
	v28 =	vadd.f32 v29, v28  }
0xf5: {  	v29 =	vand.u32 $0x7FFFFFFF, v23;
	v33 =	vsub.f32 v25, v20;
	v31 =	vmax.f32 v31, $0.0e+00  }
.Ltmp4:
0xf6: {  	v27 =	vor.u32 v14, v30;
	v29 =	vmax.f32 v29, $9.999999970e-07;
	v23 =	vld.idx.msk [tilespmem:v26+s19+$0x0], $0xffff;
	v28 =	vadd.f32 v28, v31;
	(pc) =	sbr.rel @p0 .LBB2_10-.Ltmp4, $4  }
0xf7: {  	v25 =	vsub.f32 v19, v29;
	v30 =	vmax.f32 v33, $0.0e+00;
	v31 =	vsub.f32 v20, v24;
	v20 =	vld.idx.msk [tilespmem:v22+s18+$0x0], $0xffff;
	v22 =	vmovc v27  }
0xf8: {  	v26 =	vor.u32 s23, v13;
	v28 =	vadd.f32 v28, v30  }
0xf9: {  	v24 =	vadd.f32 v29, v19;
	v29 =	vsub.f32 v25, v21;
	v31 =	vmax.f32 v31, $0.0e+00;
	v19 =	vld.idx.msk [tilespmem:v32+s19+$0x0], $0xffff  }
0xfa: {  	v30 =	vmov s23;
	s23 =	sadd.s32 $0x1, s23;
	v28 =	vadd.f32 v28, v31  }
0xfb: {  	_ =	sdelay $0x2  }
0xfc: {  	v29 =	vmax.f32 v29, $0.0e+00;
	v21 =	vsub.f32 v21, v24  }
0xfd: {  	v30 =	vand.u32 $0x3F, v30;
	v27 =	vld.idx.msk [tilespmem:v27+s17+$0x0], $0xffff;
	v23 =	vand.u32 $0x7FFFFFFF, v23;
	v28 =	vadd.f32 v29, v28  }
0xfe: {  	v31 =	vor.u32 v12, v30;
	v25 =	vsub.f32 v25, v20;
	v21 =	vmax.f32 v21, $0.0e+00  }
0xff: {  	v29 =	vor.u32 v14, v30;
	v23 =	vmax.f32 v23, $9.999999970e-07;
	v21 =	vadd.f32 v28, v21  }
0x100: {  	v26 =	vld.idx.msk [tilespmem:v26+s19+$0x0], $0xffff;
	v20 =	vsub.f32 v20, v24;
	v28 =	vsub.f32 v19, v23;
	v25 =	vmax.f32 v25, $0.0e+00  }
0x101: {  	v22 =	vld.idx.msk [tilespmem:v22+s18+$0x0], $0xffff;
	v21 =	vadd.f32 v21, v25  }
0x102: {  	v19 =	vadd.f32 v23, v19;
	v20 =	vmax.f32 v20, $0.0e+00;
	v23 =	vsub.f32 v28, v27  }
0x103: {  	v24 =	vld.idx.msk [tilespmem:v31+s19+$0x0], $0xffff;
	v20 =	vadd.f32 v21, v20  }
0x104: {  	v21 =	vmax.f32 v23, $0.0e+00;
	v23 =	vsub.f32 v27, v19  }
0x105: {  	v25 =	vld.idx.msk [tilespmem:v29+s17+$0x0], $0xffff;
	v20 =	vadd.f32 v21, v20  }
0x106: {  	v21 =	vand.u32 $0x7FFFFFFF, v26;
	v23 =	vmax.f32 v23, $0.0e+00;
	v26 =	vsub.f32 v28, v22  }
0x107: {  	v21 =	vmax.f32 v21, $9.999999970e-07;
	v20 =	vadd.f32 v20, v23  }
0x108: {  	v19 =	vsub.f32 v22, v19;
	v23 =	vsub.f32 v24, v21;
	v26 =	vmax.f32 v26, $0.0e+00  }
0x109: {  	v22 =	vld.idx.msk [tilespmem:v29+s18+$0x0], $0xffff;
	v20 =	vadd.f32 v20, v26  }
0x10a: {  	v19 =	vmax.f32 v19, $0.0e+00;
	v21 =	vadd.f32 v21, v24;
	v24 =	vsub.f32 v23, v25  }
0x10b: {  	v19 =	vadd.f32 v20, v19  }
0x10c: {  	v20 =	vmax.f32 v24, $0.0e+00;
	v24 =	vsub.f32 v25, v21  }
0x10d: {  	v19 =	vadd.f32 v20, v19  }
0x10e: {  	v23 =	vsub.f32 v23, v22;
	v20 =	vmax.f32 v24, $0.0e+00  }
0x10f: {  	v19 =	vadd.f32 v19, v20  }
0x110: {  	v21 =	vsub.f32 v22, v21;
	v20 =	vmax.f32 v23, $0.0e+00  }
0x111: {  	v19 =	vadd.f32 v19, v20  }
0x112: {  	s23 =	simm.s32 $0x0;
	v20 =	vmax.f32 v21, $0.0e+00  }
0x113: {  	v21 =	vmov s23;
	v19 =	vadd.f32 v19, v20;
	v20 =	vor.u32 s23, v16  }
0x114: {  	v21 =	vand.u32 $0x3F, v21  }
0x115: {  	v22 =	vor.u32 v15, v21;
	v19 =	vsub.f32 $0.0e+00, v19;
	_ =	sdelay $0x1  }
0x116: {  	[tilespmem:$0x10340] =	vst v19;
	v19 =	vor.u32 v17, v21  }
0x117: {  	v20 =	vld.idx.msk [tilespmem:v20+s19+$0x0], $0xffff  }
0x118: {  	s30 =	simm.s32 $0x1  }
0x119: {  	v23 =	vor.u32 s30, v16;
	v21 =	vmov s30;
	v22 =	vld.idx.msk [tilespmem:v22+s19+$0x0], $0xffff  }
0x11a: {  	v24 =	vand.u32 $0x3F, v21  }
0x11b: {  	v29 =	vor.u32 v15, v24;
	v21 =	vld.idx.msk [tilespmem:v19+s17+$0x0], $0xffff  }
0x11c: {  	v20 =	vand.u32 $0x7FFFFFFF, v20  }
0x11d: {  	v27 =	vor.u32 v17, v24;
	v30 =	vmax.f32 v20, $9.999999970e-07  }
0x11e: {  	v23 =	vld.idx.msk [tilespmem:v23+s19+$0x0], $0xffff;
	v25 =	vsub.f32 v22, v30  }
0x11f: {  	s31 =	simm.s32 $0x2;
	v20 =	vld.idx.msk [tilespmem:v19+s18+$0x0], $0xffff  }
0x120: {  	v26 =	vor.u32 s31, v16;
	v19 =	vld.idx.msk [tilespmem:v29+s19+$0x0], $0xffff;
	v24 =	vadd.f32 v30, v22;
	v29 =	vsub.f32 v25, v21  }
0x121: {  	v28 =	vimm.f32 $0.0e+00;
	s23 =	simm.s32 $0x3;
	v30 =	vmov s31;
	v22 =	vmov v27  }
.LBB2_12:
0x122: {  	p0 =	sne.s32 s23, $0x3F;
	v30 =	vand.u32 $0x3F, v30;
	v29 =	vmax.f32 v29, $0.0e+00;
	v31 =	vsub.f32 v21, v24;
	v21 =	vld.idx.msk [tilespmem:v27+s17+$0x0], $0xffff  }
0x123: {  	v32 =	vor.u32 v15, v30;
	v28 =	vadd.f32 v29, v28  }
0x124: {  	v29 =	vand.u32 $0x7FFFFFFF, v23;
	v33 =	vsub.f32 v25, v20;
	v31 =	vmax.f32 v31, $0.0e+00  }
.Ltmp5:
0x125: {  	v27 =	vor.u32 v17, v30;
	v29 =	vmax.f32 v29, $9.999999970e-07;
	v23 =	vld.idx.msk [tilespmem:v26+s19+$0x0], $0xffff;
	v28 =	vadd.f32 v28, v31;
	(pc) =	sbr.rel @p0 .LBB2_12-.Ltmp5, $4  }
0x126: {  	v25 =	vsub.f32 v19, v29;
	v30 =	vmax.f32 v33, $0.0e+00;
	v31 =	vsub.f32 v20, v24;
	v20 =	vld.idx.msk [tilespmem:v22+s18+$0x0], $0xffff;
	v22 =	vmovc v27  }
0x127: {  	v26 =	vor.u32 s23, v16;
	v28 =	vadd.f32 v28, v30  }
0x128: {  	v24 =	vadd.f32 v29, v19;
	v29 =	vsub.f32 v25, v21;
	v31 =	vmax.f32 v31, $0.0e+00;
	v19 =	vld.idx.msk [tilespmem:v32+s19+$0x0], $0xffff  }
0x129: {  	v30 =	vmov s23;
	s23 =	sadd.s32 $0x1, s23;
	v28 =	vadd.f32 v28, v31  }
0x12a: {  	_ =	sdelay $0x2  }
0x12b: {  	v29 =	vmax.f32 v29, $0.0e+00;
	v21 =	vsub.f32 v21, v24  }
0x12c: {  	v30 =	vand.u32 $0x3F, v30;
	v27 =	vld.idx.msk [tilespmem:v27+s17+$0x0], $0xffff;
	v23 =	vand.u32 $0x7FFFFFFF, v23;
	v28 =	vadd.f32 v29, v28  }
0x12d: {  	v31 =	vor.u32 v15, v30;
	v25 =	vsub.f32 v25, v20;
	v21 =	vmax.f32 v21, $0.0e+00  }
0x12e: {  	v29 =	vor.u32 v17, v30;
	v23 =	vmax.f32 v23, $9.999999970e-07;
	v21 =	vadd.f32 v28, v21  }
0x12f: {  	v26 =	vld.idx.msk [tilespmem:v26+s19+$0x0], $0xffff;
	v20 =	vsub.f32 v20, v24;
	v28 =	vsub.f32 v19, v23;
	v25 =	vmax.f32 v25, $0.0e+00  }
0x130: {  	v22 =	vld.idx.msk [tilespmem:v22+s18+$0x0], $0xffff;
	v21 =	vadd.f32 v21, v25  }
0x131: {  	v19 =	vadd.f32 v23, v19;
	v20 =	vmax.f32 v20, $0.0e+00;
	v23 =	vsub.f32 v28, v27  }
0x132: {  	v24 =	vld.idx.msk [tilespmem:v31+s19+$0x0], $0xffff;
	v20 =	vadd.f32 v21, v20  }
0x133: {  	v21 =	vmax.f32 v23, $0.0e+00;
	v23 =	vsub.f32 v27, v19  }
0x134: {  	v25 =	vld.idx.msk [tilespmem:v29+s17+$0x0], $0xffff;
	v20 =	vadd.f32 v21, v20  }
0x135: {  	v21 =	vand.u32 $0x7FFFFFFF, v26;
	v23 =	vmax.f32 v23, $0.0e+00;
	v26 =	vsub.f32 v28, v22  }
0x136: {  	v21 =	vmax.f32 v21, $9.999999970e-07;
	v20 =	vadd.f32 v20, v23  }
0x137: {  	v19 =	vsub.f32 v22, v19;
	v23 =	vsub.f32 v24, v21;
	v26 =	vmax.f32 v26, $0.0e+00  }
0x138: {  	v22 =	vld.idx.msk [tilespmem:v29+s18+$0x0], $0xffff;
	v20 =	vadd.f32 v20, v26  }
0x139: {  	v19 =	vmax.f32 v19, $0.0e+00;
	v21 =	vadd.f32 v21, v24;
	v24 =	vsub.f32 v23, v25  }
0x13a: {  	v19 =	vadd.f32 v20, v19  }
0x13b: {  	v20 =	vmax.f32 v24, $0.0e+00;
	v24 =	vsub.f32 v25, v21  }
0x13c: {  	v19 =	vadd.f32 v20, v19  }
0x13d: {  	v23 =	vsub.f32 v23, v22;
	v20 =	vmax.f32 v24, $0.0e+00  }
0x13e: {  	v19 =	vadd.f32 v19, v20  }
0x13f: {  	v21 =	vsub.f32 v22, v21;
	v20 =	vmax.f32 v23, $0.0e+00  }
0x140: {  	v19 =	vadd.f32 v19, v20  }
0x141: {  	s23 =	simm.s32 $0x0;
	v21 =	vmax.f32 v21, $0.0e+00;
	v20 =	vor.u32 $0x3040, v0  }
0x142: {  	v22 =	vmov s23;
	v19 =	vadd.f32 v19, v21;
	v21 =	vor.u32 s23, v20  }
0x143: {  	v22 =	vand.u32 $0x3F, v22  }
0x144: {  	v24 =	vor.u32 v18, v22;
	v23 =	vsub.f32 $0.0e+00, v19  }
0x145: {  	v19 =	vor.u32 $0x1800, v1  }
0x146: {  	v22 =	vor.u32 v19, v22;
	[tilespmem:$0x10350] =	vst v23  }
0x147: {  	v21 =	vld.idx.msk [tilespmem:v21+s19+$0x0], $0xffff  }
0x148: {  	s30 =	simm.s32 $0x1  }
0x149: {  	v23 =	vor.u32 s30, v20;
	v24 =	vld.idx.msk [tilespmem:v24+s19+$0x0], $0xffff  }
0x14a: {  	v25 =	vmov s30  }
0x14b: {  	v25 =	vand.u32 $0x3F, v25;
	v26 =	vld.idx.msk [tilespmem:v22+s17+$0x0], $0xffff  }
0x14c: {  	v27 =	vor.u32 v18, v25;
	v21 =	vand.u32 $0x7FFFFFFF, v21  }
0x14d: {  	v21 =	vmax.f32 v21, $9.999999970e-07  }
0x14e: {  	v28 =	vor.u32 v19, v25;
	v23 =	vld.idx.msk [tilespmem:v23+s19+$0x0], $0xffff;
	v25 =	vsub.f32 v24, v21  }
0x14f: {  	s31 =	simm.s32 $0x2;
	v22 =	vld.idx.msk [tilespmem:v22+s18+$0x0], $0xffff  }
0x150: {  	v31 =	vmov s31;
	v24 =	vadd.f32 v21, v24;
	v21 =	vsub.f32 v25, v26  }
0x151: {  	v31 =	vand.u32 $0x3F, v31;
	v30 =	vor.u32 s31, v20;
	v27 =	vld.idx.msk [tilespmem:v27+s19+$0x0], $0xffff  }
0x152: {  	v29 =	vimm.f32 $0.0e+00;
	v26 =	vsub.f32 v26, v24;
	v32 =	vmax.f32 v21, $0.0e+00  }
0x153: {  	v33 =	vor.u32 v18, v31;
	v23 =	vand.u32 $0x7FFFFFFF, v23;
	v21 =	vld.idx.msk [tilespmem:v28+s17+$0x0], $0xffff;
	v29 =	vadd.f32 v32, v29  }
0x154: {  	v63 =	vsub.f32 v25, v22;
	v24 =	vsub.f32 v22, v24;
	v26 =	vmax.f32 v26, $0.0e+00  }
0x155: {  	v34 =	vmax.f32 v23, $9.999999970e-07;
	v23 =	vadd.f32 v29, v26;
	v29 =	vor.u32 v19, v31  }
0x156: {  	s23 =	simm.s32 $0x3;
	v25 =	vld.idx.msk [tilespmem:v30+s19+$0x0], $0xffff;
	v30 =	vmax.f32 v63, $0.0e+00;
	v26 =	vsub.f32 v27, v34  }
0x157: {  	v22 =	vld.idx.msk [tilespmem:v28+s18+$0x0], $0xffff;
	v28 =	vor.u32 s23, v20;
	v30 =	vadd.f32 v23, v30  }
0x158: {  	s24 =	simm.s32 $0x4;
	v32 =	vmax.f32 v24, $0.0e+00;
	v27 =	vadd.f32 v34, v27;
	v24 =	vmovc v29;
	v23 =	vld.idx.msk [tilespmem:v33+s19+$0x0], $0xffff;
	v31 =	vsub.f32 v26, v21  }
.LBB2_14:
0x159: {  	p0 =	sne.s32 s24, $0x3F;
	v33 =	vmov s23;
	v30 =	vadd.f32 v30, v32;
	s23 =	smov.u32 s24  }
0x15a: {  	v32 =	vand.u32 $0x3F, v33;
	v31 =	vmax.f32 v31, $0.0e+00;
	v33 =	vsub.f32 v21, v27;
	v21 =	vld.idx.msk [tilespmem:v29+s17+$0x0], $0xffff  }
0x15b: {  	v34 =	vor.u32 v18, v32;
	v30 =	vadd.f32 v31, v30  }
.Ltmp6:
0x15c: {  	v31 =	vand.u32 $0x7FFFFFFF, v25;
	v35 =	vsub.f32 v26, v22;
	v33 =	vmax.f32 v33, $0.0e+00;
	(pc) =	sbr.rel @p0 .LBB2_14-.Ltmp6, $4  }
0x15d: {  	v29 =	vor.u32 v19, v32;
	v31 =	vmax.f32 v31, $9.999999970e-07;
	v25 =	vld.idx.msk [tilespmem:v28+s19+$0x0], $0xffff;
	v30 =	vadd.f32 v30, v33  }
0x15e: {  	v26 =	vsub.f32 v23, v31;
	v32 =	vmax.f32 v35, $0.0e+00;
	v33 =	vsub.f32 v22, v27;
	v22 =	vld.idx.msk [tilespmem:v24+s18+$0x0], $0xffff;
	v24 =	vmovc v29  }
0x15f: {  	v28 =	vor.u32 s24, v20;
	v30 =	vadd.f32 v30, v32  }
0x160: {  	s24 =	sadd.s32 $0x1, s24;
	v27 =	vadd.f32 v31, v23;
	v31 =	vsub.f32 v26, v21;
	v32 =	vmax.f32 v33, $0.0e+00;
	v23 =	vld.idx.msk [tilespmem:v34+s19+$0x0], $0xffff  }
0x161: {  	_ =	sdelay $0x1  }
0x162: {  	v30 =	vadd.f32 v30, v32  }
0x163: {  	v33 =	vmov s23;
	v31 =	vmax.f32 v31, $0.0e+00;
	v21 =	vsub.f32 v21, v27  }
0x164: {  	v29 =	vld.idx.msk [tilespmem:v29+s17+$0x0], $0xffff;
	v59 =	vand.u32 $0x3F, v33;
	v25 =	vand.u32 $0x7FFFFFFF, v25;
	v30 =	vadd.f32 v31, v30  }
0x165: {  	v33 =	vor.u32 v18, v59;
	v26 =	vsub.f32 v26, v22;
	v21 =	vmax.f32 v21, $0.0e+00  }
0x166: {  	v31 =	vor.u32 v19, v59;
	v25 =	vmax.f32 v25, $9.999999970e-07;
	v21 =	vadd.f32 v30, v21  }
0x167: {  	v28 =	vld.idx.msk [tilespmem:v28+s19+$0x0], $0xffff;
	v22 =	vsub.f32 v22, v27;
	v30 =	vsub.f32 v23, v25;
	v26 =	vmax.f32 v26, $0.0e+00  }
0x168: {  	v24 =	vld.idx.msk [tilespmem:v24+s18+$0x0], $0xffff;
	v21 =	vadd.f32 v21, v26  }
0x169: {  	v23 =	vadd.f32 v25, v23;
	v22 =	vmax.f32 v22, $0.0e+00;
	v25 =	vsub.f32 v30, v29  }
0x16a: {  	v26 =	vld.idx.msk [tilespmem:v33+s19+$0x0], $0xffff;
	v21 =	vadd.f32 v21, v22  }
0x16b: {  	v22 =	vmax.f32 v25, $0.0e+00;
	v25 =	vsub.f32 v29, v23  }
0x16c: {  	v27 =	vld.idx.msk [tilespmem:v31+s17+$0x0], $0xffff;
	v21 =	vadd.f32 v22, v21  }
0x16d: {  	v22 =	vand.u32 $0x7FFFFFFF, v28;
	v25 =	vmax.f32 v25, $0.0e+00;
	v28 =	vsub.f32 v30, v24  }
0x16e: {  	v22 =	vmax.f32 v22, $9.999999970e-07;
	v21 =	vadd.f32 v21, v25  }
0x16f: {  	v23 =	vsub.f32 v24, v23;
	v25 =	vsub.f32 v26, v22;
	v28 =	vmax.f32 v28, $0.0e+00  }
0x170: {  	v24 =	vld.idx.msk [tilespmem:v31+s18+$0x0], $0xffff;
	v21 =	vadd.f32 v21, v28  }
0x171: {  	v23 =	vmax.f32 v23, $0.0e+00;
	v22 =	vadd.f32 v22, v26;
	v26 =	vsub.f32 v25, v27  }
0x172: {  	v21 =	vadd.f32 v21, v23  }
0x173: {  	v23 =	vmax.f32 v26, $0.0e+00;
	v26 =	vsub.f32 v27, v22  }
0x174: {  	v21 =	vadd.f32 v23, v21  }
0x175: {  	v25 =	vsub.f32 v25, v24;
	v23 =	vmax.f32 v26, $0.0e+00  }
0x176: {  	v21 =	vadd.f32 v21, v23  }
0x177: {  	v22 =	vsub.f32 v24, v22;
	v23 =	vmax.f32 v25, $0.0e+00  }
0x178: {  	v21 =	vadd.f32 v21, v23  }
0x179: {  	s29 =	simm.s32 $0x0;
	v22 =	vmax.f32 v22, $0.0e+00;
	v23 =	vor.u32 $0x3840, v0  }
0x17a: {  	v25 =	vmov s29;
	v24 =	vor.u32 s29, v23;
	v21 =	vadd.f32 v21, v22  }
0x17b: {  	v25 =	vand.u32 $0x3F, v25;
	v22 =	vor.u32 $0x3800, v0  }
0x17c: {  	v27 =	vor.u32 v22, v25;
	v26 =	vsub.f32 $0.0e+00, v21  }
0x17d: {  	v21 =	vor.u32 $0x1C00, v1  }
0x17e: {  	v25 =	vor.u32 v21, v25;
	[tilespmem:$0x10360] =	vst v26  }
0x17f: {  	v24 =	vld.idx.msk [tilespmem:v24+s19+$0x0], $0xffff  }
0x180: {  	s30 =	simm.s32 $0x1  }
0x181: {  	v26 =	vor.u32 s30, v23;
	v27 =	vld.idx.msk [tilespmem:v27+s19+$0x0], $0xffff  }
0x182: {  	v28 =	vmov s30  }
0x183: {  	v28 =	vand.u32 $0x3F, v28;
	v29 =	vld.idx.msk [tilespmem:v25+s17+$0x0], $0xffff  }
0x184: {  	v30 =	vor.u32 v22, v28;
	v24 =	vand.u32 $0x7FFFFFFF, v24  }
0x185: {  	v24 =	vmax.f32 v24, $9.999999970e-07  }
0x186: {  	v31 =	vor.u32 v21, v28;
	v26 =	vld.idx.msk [tilespmem:v26+s19+$0x0], $0xffff;
	v28 =	vsub.f32 v27, v24  }
0x187: {  	v25 =	vld.idx.msk [tilespmem:v25+s18+$0x0], $0xffff  }
0x188: {  	s31 =	simm.s32 $0x2;
	v27 =	vadd.f32 v24, v27;
	v24 =	vsub.f32 v28, v29  }
0x189: {  	v60 =	vimm.f32 $0.0e+00;
	v34 =	vmov s31;
	v61 =	vor.u32 s31, v23;
	v30 =	vld.idx.msk [tilespmem:v30+s19+$0x0], $0xffff  }
0x18a: {  	v34 =	vand.u32 $0x3F, v34;
	v29 =	vsub.f32 v29, v27;
	v35 =	vmax.f32 v24, $0.0e+00  }
0x18b: {  	v36 =	vor.u32 v22, v34;
	v26 =	vand.u32 $0x7FFFFFFF, v26;
	v24 =	vld.idx.msk [tilespmem:v31+s17+$0x0], $0xffff;
	v32 =	vadd.f32 v35, v60  }
0x18c: {  	v62 =	vsub.f32 v28, v25;
	v27 =	vsub.f32 v25, v27;
	v29 =	vmax.f32 v29, $0.0e+00  }
0x18d: {  	v37 =	vmax.f32 v26, $9.999999970e-07;
	v26 =	vadd.f32 v32, v29;
	v32 =	vor.u32 v21, v34  }
0x18e: {  	s23 =	simm.s32 $0x3;
	v28 =	vld.idx.msk [tilespmem:v61+s19+$0x0], $0xffff;
	v63 =	vmax.f32 v62, $0.0e+00;
	v29 =	vsub.f32 v30, v37  }
0x18f: {  	v25 =	vld.idx.msk [tilespmem:v31+s18+$0x0], $0xffff;
	v31 =	vor.u32 s23, v23;
	v33 =	vadd.f32 v26, v63  }
0x190: {  	s24 =	simm.s32 $0x4;
	v35 =	vmax.f32 v27, $0.0e+00;
	v30 =	vadd.f32 v37, v30;
	v27 =	vmovc v32;
	v26 =	vld.idx.msk [tilespmem:v36+s19+$0x0], $0xffff;
	v34 =	vsub.f32 v29, v24  }
.LBB2_16:
0x191: {  	p0 =	sne.s32 s24, $0x3F;
	v36 =	vmov s23;
	v33 =	vadd.f32 v33, v35;
	s23 =	smov.u32 s24  }
0x192: {  	v35 =	vand.u32 $0x3F, v36;
	v34 =	vmax.f32 v34, $0.0e+00;
	v36 =	vsub.f32 v24, v30;
	v24 =	vld.idx.msk [tilespmem:v32+s17+$0x0], $0xffff  }
0x193: {  	v37 =	vor.u32 v22, v35;
	v33 =	vadd.f32 v34, v33  }
.Ltmp7:
0x194: {  	v34 =	vand.u32 $0x7FFFFFFF, v28;
	v38 =	vsub.f32 v29, v25;
	v36 =	vmax.f32 v36, $0.0e+00;
	(pc) =	sbr.rel @p0 .LBB2_16-.Ltmp7, $4  }
0x195: {  	v32 =	vor.u32 v21, v35;
	v34 =	vmax.f32 v34, $9.999999970e-07;
	v28 =	vld.idx.msk [tilespmem:v31+s19+$0x0], $0xffff;
	v33 =	vadd.f32 v33, v36  }
0x196: {  	v29 =	vsub.f32 v26, v34;
	v35 =	vmax.f32 v38, $0.0e+00;
	v36 =	vsub.f32 v25, v30;
	v25 =	vld.idx.msk [tilespmem:v27+s18+$0x0], $0xffff;
	v27 =	vmovc v32  }
0x197: {  	v31 =	vor.u32 s24, v23;
	v33 =	vadd.f32 v33, v35  }
0x198: {  	s24 =	sadd.s32 $0x1, s24;
	v30 =	vadd.f32 v34, v26;
	v34 =	vsub.f32 v29, v24;
	v35 =	vmax.f32 v36, $0.0e+00;
	v26 =	vld.idx.msk [tilespmem:v37+s19+$0x0], $0xffff  }
0x199: {  	_ =	sdelay $0x1  }
0x19a: {  	v33 =	vadd.f32 v33, v35  }
0x19b: {  	v36 =	vmov s23;
	v34 =	vmax.f32 v34, $0.0e+00;
	v24 =	vsub.f32 v24, v30  }
0x19c: {  	v32 =	vld.idx.msk [tilespmem:v32+s17+$0x0], $0xffff;
	v54 =	vand.u32 $0x3F, v36;
	v28 =	vand.u32 $0x7FFFFFFF, v28;
	v33 =	vadd.f32 v34, v33  }
0x19d: {  	v36 =	vor.u32 v22, v54;
	v29 =	vsub.f32 v29, v25;
	v24 =	vmax.f32 v24, $0.0e+00  }
0x19e: {  	v55 =	vor.u32 v21, v54;
	v28 =	vmax.f32 v28, $9.999999970e-07;
	v24 =	vadd.f32 v33, v24  }
0x19f: {  	v31 =	vld.idx.msk [tilespmem:v31+s19+$0x0], $0xffff;
	v25 =	vsub.f32 v25, v30;
	v56 =	vsub.f32 v26, v28;
	v29 =	vmax.f32 v29, $0.0e+00  }
0x1a0: {  	v27 =	vld.idx.msk [tilespmem:v27+s18+$0x0], $0xffff;
	v24 =	vadd.f32 v24, v29  }
0x1a1: {  	v26 =	vadd.f32 v28, v26;
	v25 =	vmax.f32 v25, $0.0e+00;
	v28 =	vsub.f32 v56, v32  }
0x1a2: {  	v29 =	vld.idx.msk [tilespmem:v36+s19+$0x0], $0xffff;
	v24 =	vadd.f32 v24, v25  }
0x1a3: {  	v25 =	vmax.f32 v28, $0.0e+00;
	v28 =	vsub.f32 v32, v26  }
0x1a4: {  	v30 =	vld.idx.msk [tilespmem:v55+s17+$0x0], $0xffff;
	v24 =	vadd.f32 v25, v24  }
0x1a5: {  	v25 =	vand.u32 $0x7FFFFFFF, v31;
	v28 =	vmax.f32 v28, $0.0e+00;
	v31 =	vsub.f32 v56, v27  }
0x1a6: {  	v25 =	vmax.f32 v25, $9.999999970e-07;
	v24 =	vadd.f32 v24, v28  }
0x1a7: {  	v26 =	vsub.f32 v27, v26;
	v28 =	vsub.f32 v29, v25;
	v31 =	vmax.f32 v31, $0.0e+00  }
0x1a8: {  	v27 =	vld.idx.msk [tilespmem:v55+s18+$0x0], $0xffff;
	v24 =	vadd.f32 v24, v31  }
0x1a9: {  	v26 =	vmax.f32 v26, $0.0e+00;
	v25 =	vadd.f32 v25, v29;
	v29 =	vsub.f32 v28, v30  }
0x1aa: {  	v24 =	vadd.f32 v24, v26  }
0x1ab: {  	v26 =	vmax.f32 v29, $0.0e+00;
	v29 =	vsub.f32 v30, v25  }
0x1ac: {  	v24 =	vadd.f32 v26, v24  }
0x1ad: {  	v28 =	vsub.f32 v28, v27;
	v26 =	vmax.f32 v29, $0.0e+00  }
0x1ae: {  	v24 =	vadd.f32 v24, v26  }
0x1af: {  	v25 =	vsub.f32 v27, v25;
	v26 =	vmax.f32 v28, $0.0e+00  }
0x1b0: {  	v24 =	vadd.f32 v24, v26  }
0x1b1: {  	s29 =	simm.s32 $0x0;
	v25 =	vmax.f32 v25, $0.0e+00;
	v26 =	vor.u32 $0x4040, v0  }
0x1b2: {  	v28 =	vmov s29;
	v27 =	vor.u32 s29, v26;
	v24 =	vadd.f32 v24, v25  }
0x1b3: {  	v28 =	vand.u32 $0x3F, v28;
	v25 =	vor.u32 $0x4000, v0  }
0x1b4: {  	v30 =	vor.u32 v25, v28;
	v29 =	vsub.f32 $0.0e+00, v24  }
0x1b5: {  	v24 =	vor.u32 $0x2000, v1  }
0x1b6: {  	v28 =	vor.u32 v24, v28;
	[tilespmem:$0x10370] =	vst v29  }
0x1b7: {  	v27 =	vld.idx.msk [tilespmem:v27+s19+$0x0], $0xffff  }
0x1b8: {  	s30 =	simm.s32 $0x1  }
0x1b9: {  	v29 =	vor.u32 s30, v26;
	v30 =	vld.idx.msk [tilespmem:v30+s19+$0x0], $0xffff  }
0x1ba: {  	v31 =	vmov s30  }
0x1bb: {  	v31 =	vand.u32 $0x3F, v31;
	v57 =	vld.idx.msk [tilespmem:v28+s17+$0x0], $0xffff  }
0x1bc: {  	v58 =	vor.u32 v25, v31;
	v27 =	vand.u32 $0x7FFFFFFF, v27  }
0x1bd: {  	v27 =	vmax.f32 v27, $9.999999970e-07  }
0x1be: {  	v59 =	vor.u32 v24, v31;
	v29 =	vld.idx.msk [tilespmem:v29+s19+$0x0], $0xffff;
	v31 =	vsub.f32 v30, v27  }
0x1bf: {  	v28 =	vld.idx.msk [tilespmem:v28+s18+$0x0], $0xffff  }
0x1c0: {  	s31 =	simm.s32 $0x2;
	v30 =	vadd.f32 v27, v30;
	v27 =	vsub.f32 v31, v57  }
0x1c1: {  	v60 =	vimm.f32 $0.0e+00;
	v37 =	vmov s31;
	v61 =	vor.u32 s31, v26;
	v33 =	vld.idx.msk [tilespmem:v58+s19+$0x0], $0xffff  }
0x1c2: {  	v37 =	vand.u32 $0x3F, v37;
	v32 =	vsub.f32 v57, v30;
	v38 =	vmax.f32 v27, $0.0e+00  }
0x1c3: {  	v39 =	vor.u32 v25, v37;
	v29 =	vand.u32 $0x7FFFFFFF, v29;
	v27 =	vld.idx.msk [tilespmem:v59+s17+$0x0], $0xffff;
	v35 =	vadd.f32 v38, v60  }
0x1c4: {  	v62 =	vsub.f32 v31, v28;
	v30 =	vsub.f32 v28, v30;
	v32 =	vmax.f32 v32, $0.0e+00  }
0x1c5: {  	v40 =	vmax.f32 v29, $9.999999970e-07;
	v29 =	vadd.f32 v35, v32;
	v35 =	vor.u32 v24, v37  }
0x1c6: {  	s23 =	simm.s32 $0x3;
	v31 =	vld.idx.msk [tilespmem:v61+s19+$0x0], $0xffff;
	v63 =	vmax.f32 v62, $0.0e+00;
	v32 =	vsub.f32 v33, v40  }
0x1c7: {  	v34 =	vor.u32 s23, v26;
	v28 =	vld.idx.msk [tilespmem:v59+s18+$0x0], $0xffff;
	v36 =	vadd.f32 v29, v63  }
0x1c8: {  	s24 =	simm.s32 $0x4;
	v38 =	vmax.f32 v30, $0.0e+00;
	v33 =	vadd.f32 v40, v33;
	v30 =	vmovc v35;
	v29 =	vld.idx.msk [tilespmem:v39+s19+$0x0], $0xffff;
	v37 =	vsub.f32 v32, v27  }
.LBB2_18:
0x1c9: {  	p0 =	sne.s32 s24, $0x3F;
	v39 =	vmov s23;
	v36 =	vadd.f32 v36, v38;
	s23 =	smov.u32 s24  }
0x1ca: {  	v38 =	vand.u32 $0x3F, v39;
	v37 =	vmax.f32 v37, $0.0e+00;
	v39 =	vsub.f32 v27, v33;
	v27 =	vld.idx.msk [tilespmem:v35+s17+$0x0], $0xffff  }
0x1cb: {  	v40 =	vor.u32 v25, v38;
	v36 =	vadd.f32 v37, v36  }
.Ltmp8:
0x1cc: {  	v37 =	vand.u32 $0x7FFFFFFF, v31;
	v41 =	vsub.f32 v32, v28;
	v39 =	vmax.f32 v39, $0.0e+00;
	(pc) =	sbr.rel @p0 .LBB2_18-.Ltmp8, $4  }
0x1cd: {  	v35 =	vor.u32 v24, v38;
	v37 =	vmax.f32 v37, $9.999999970e-07;
	v31 =	vld.idx.msk [tilespmem:v34+s19+$0x0], $0xffff;
	v36 =	vadd.f32 v36, v39  }
0x1ce: {  	v32 =	vsub.f32 v29, v37;
	v38 =	vmax.f32 v41, $0.0e+00;
	v39 =	vsub.f32 v28, v33;
	v28 =	vld.idx.msk [tilespmem:v30+s18+$0x0], $0xffff;
	v30 =	vmovc v35  }
0x1cf: {  	v34 =	vor.u32 s24, v26;
	v36 =	vadd.f32 v36, v38  }
0x1d0: {  	s24 =	sadd.s32 $0x1, s24;
	v33 =	vadd.f32 v37, v29;
	v37 =	vsub.f32 v32, v27;
	v38 =	vmax.f32 v39, $0.0e+00;
	v29 =	vld.idx.msk [tilespmem:v40+s19+$0x0], $0xffff  }
0x1d1: {  	_ =	sdelay $0x1  }
0x1d2: {  	v36 =	vadd.f32 v36, v38  }
0x1d3: {  	v39 =	vmov s23;
	v37 =	vmax.f32 v37, $0.0e+00;
	v27 =	vsub.f32 v27, v33  }
0x1d4: {  	v35 =	vld.idx.msk [tilespmem:v35+s17+$0x0], $0xffff;
	v43 =	vand.u32 $0x3F, v39;
	v31 =	vand.u32 $0x7FFFFFFF, v31;
	v36 =	vadd.f32 v37, v36  }
0x1d5: {  	v39 =	vor.u32 v25, v43;
	v32 =	vsub.f32 v32, v28;
	v27 =	vmax.f32 v27, $0.0e+00  }
0x1d6: {  	v44 =	vor.u32 v24, v43;
	v31 =	vmax.f32 v31, $9.999999970e-07;
	v27 =	vadd.f32 v36, v27  }
0x1d7: {  	v34 =	vld.idx.msk [tilespmem:v34+s19+$0x0], $0xffff;
	v28 =	vsub.f32 v28, v33;
	v45 =	vsub.f32 v29, v31;
	v32 =	vmax.f32 v32, $0.0e+00  }
0x1d8: {  	v30 =	vld.idx.msk [tilespmem:v30+s18+$0x0], $0xffff;
	v27 =	vadd.f32 v27, v32  }
0x1d9: {  	v29 =	vadd.f32 v31, v29;
	v28 =	vmax.f32 v28, $0.0e+00;
	v31 =	vsub.f32 v45, v35  }
0x1da: {  	v46 =	vld.idx.msk [tilespmem:v39+s19+$0x0], $0xffff;
	v27 =	vadd.f32 v27, v28  }
0x1db: {  	v28 =	vmax.f32 v31, $0.0e+00;
	v31 =	vsub.f32 v35, v29  }
0x1dc: {  	v47 =	vld.idx.msk [tilespmem:v44+s17+$0x0], $0xffff;
	v27 =	vadd.f32 v28, v27  }
0x1dd: {  	v48 =	vsub.f32 v45, v30;
	v28 =	vand.u32 $0x7FFFFFFF, v34;
	v31 =	vmax.f32 v31, $0.0e+00  }
0x1de: {  	v28 =	vmax.f32 v28, $9.999999970e-07;
	v27 =	vadd.f32 v27, v31  }
0x1df: {  	v29 =	vsub.f32 v30, v29;
	v34 =	vmax.f32 v48, $0.0e+00;
	v31 =	vsub.f32 v46, v28  }
0x1e0: {  	v30 =	vld.idx.msk [tilespmem:v44+s18+$0x0], $0xffff;
	v27 =	vadd.f32 v27, v34  }
0x1e1: {  	v29 =	vmax.f32 v29, $0.0e+00;
	v28 =	vadd.f32 v28, v46;
	v49 =	vsub.f32 v31, v47  }
0x1e2: {  	v27 =	vadd.f32 v27, v29  }
0x1e3: {  	v50 =	vsub.f32 v47, v28;
	v29 =	vmax.f32 v49, $0.0e+00  }
0x1e4: {  	v27 =	vadd.f32 v29, v27  }
0x1e5: {  	v31 =	vsub.f32 v31, v30;
	v29 =	vmax.f32 v50, $0.0e+00  }
0x1e6: {  	v27 =	vadd.f32 v27, v29  }
0x1e7: {  	v28 =	vsub.f32 v30, v28;
	v29 =	vmax.f32 v31, $0.0e+00  }
0x1e8: {  	v27 =	vadd.f32 v27, v29  }
0x1e9: {  	s29 =	simm.s32 $0x0;
	v28 =	vmax.f32 v28, $0.0e+00;
	v29 =	vor.u32 $0x4840, v0  }
0x1ea: {  	v31 =	vmov s29;
	v30 =	vor.u32 s29, v29;
	v27 =	vadd.f32 v27, v28  }
0x1eb: {  	v31 =	vand.u32 $0x3F, v31;
	v28 =	vor.u32 $0x4800, v0  }
0x1ec: {  	v52 =	vor.u32 v28, v31;
	v51 =	vsub.f32 $0.0e+00, v27  }
0x1ed: {  	v27 =	vor.u32 $0x2400, v1  }
0x1ee: {  	v31 =	vor.u32 v27, v31;
	[tilespmem:$0x10380] =	vst v51  }
0x1ef: {  	v30 =	vld.idx.msk [tilespmem:v30+s19+$0x0], $0xffff  }
0x1f0: {  	s30 =	simm.s32 $0x1  }
0x1f1: {  	v53 =	vor.u32 s30, v29;
	v33 =	vld.idx.msk [tilespmem:v52+s19+$0x0], $0xffff  }
0x1f2: {  	v54 =	vmov s30  }
0x1f3: {  	v34 =	vand.u32 $0x3F, v54;
	v55 =	vld.idx.msk [tilespmem:v31+s17+$0x0], $0xffff  }
0x1f4: {  	v56 =	vor.u32 v28, v34;
	v30 =	vand.u32 $0x7FFFFFFF, v30  }
0x1f5: {  	v30 =	vmax.f32 v30, $9.999999970e-07  }
0x1f6: {  	v57 =	vor.u32 v27, v34;
	v32 =	vld.idx.msk [tilespmem:v53+s19+$0x0], $0xffff;
	v58 =	vsub.f32 v33, v30  }
0x1f7: {  	v31 =	vld.idx.msk [tilespmem:v31+s18+$0x0], $0xffff  }
0x1f8: {  	s31 =	simm.s32 $0x2;
	v33 =	vadd.f32 v30, v33;
	v30 =	vsub.f32 v58, v55  }
0x1f9: {  	v59 =	vimm.f32 $0.0e+00;
	v40 =	vmov s31;
	v60 =	vor.u32 s31, v29;
	v36 =	vld.idx.msk [tilespmem:v56+s19+$0x0], $0xffff  }
0x1fa: {  	v40 =	vand.u32 $0x3F, v40;
	v35 =	vsub.f32 v55, v33;
	v41 =	vmax.f32 v30, $0.0e+00  }
0x1fb: {  	v42 =	vor.u32 v28, v40;
	v32 =	vand.u32 $0x7FFFFFFF, v32;
	v30 =	vld.idx.msk [tilespmem:v57+s17+$0x0], $0xffff;
	v38 =	vadd.f32 v41, v59  }
0x1fc: {  	v61 =	vsub.f32 v58, v31;
	v33 =	vsub.f32 v31, v33;
	v35 =	vmax.f32 v35, $0.0e+00  }
0x1fd: {  	v43 =	vmax.f32 v32, $9.999999970e-07;
	v62 =	vadd.f32 v38, v35;
	v38 =	vor.u32 v27, v40  }
0x1fe: {  	s23 =	simm.s32 $0x3;
	v34 =	vld.idx.msk [tilespmem:v60+s19+$0x0], $0xffff;
	v63 =	vmax.f32 v61, $0.0e+00;
	v35 =	vsub.f32 v36, v43  }
0x1ff: {  	v37 =	vor.u32 s23, v29;
	v31 =	vld.idx.msk [tilespmem:v57+s18+$0x0], $0xffff;
	v39 =	vadd.f32 v62, v63  }
0x200: {  	s24 =	simm.s32 $0x4;
	v32 =	vld.idx.msk [tilespmem:v42+s19+$0x0], $0xffff;
	v41 =	vmax.f32 v33, $0.0e+00;
	v36 =	vadd.f32 v43, v36;
	v33 =	vmovc v38;
	v40 =	vsub.f32 v35, v30  }
.LBB2_20:
0x201: {  	p0 =	sne.s32 s24, $0x3F;
	v42 =	vmov s23;
	v39 =	vadd.f32 v39, v41;
	s23 =	smov.u32 s24  }
0x202: {  	v41 =	vand.u32 $0x3F, v42;
	v40 =	vmax.f32 v40, $0.0e+00;
	v42 =	vsub.f32 v30, v36;
	v30 =	vld.idx.msk [tilespmem:v38+s17+$0x0], $0xffff  }
0x203: {  	v43 =	vor.u32 v28, v41;
	v39 =	vadd.f32 v40, v39  }
.Ltmp9:
0x204: {  	v40 =	vand.u32 $0x7FFFFFFF, v34;
	v44 =	vsub.f32 v35, v31;
	v42 =	vmax.f32 v42, $0.0e+00;
	(pc) =	sbr.rel @p0 .LBB2_20-.Ltmp9, $4  }
0x205: {  	v38 =	vor.u32 v27, v41;
	v40 =	vmax.f32 v40, $9.999999970e-07;
	v34 =	vld.idx.msk [tilespmem:v37+s19+$0x0], $0xffff;
	v39 =	vadd.f32 v39, v42  }
0x206: {  	v35 =	vsub.f32 v32, v40;
	v41 =	vmax.f32 v44, $0.0e+00;
	v42 =	vsub.f32 v31, v36;
	v31 =	vld.idx.msk [tilespmem:v33+s18+$0x0], $0xffff;
	v33 =	vmovc v38  }
0x207: {  	v37 =	vor.u32 s24, v29;
	v39 =	vadd.f32 v39, v41  }
0x208: {  	s24 =	sadd.s32 $0x1, s24;
	v36 =	vadd.f32 v40, v32;
	v40 =	vsub.f32 v35, v30;
	v41 =	vmax.f32 v42, $0.0e+00;
	v32 =	vld.idx.msk [tilespmem:v43+s19+$0x0], $0xffff  }
0x209: {  	_ =	sdelay $0x1  }
0x20a: {  	v39 =	vadd.f32 v39, v41  }
0x20b: {  	v42 =	vmov s23;
	v40 =	vmax.f32 v40, $0.0e+00;
	v30 =	vsub.f32 v30, v36  }
0x20c: {  	v38 =	vld.idx.msk [tilespmem:v38+s17+$0x0], $0xffff;
	v55 =	vand.u32 $0x3F, v42;
	v34 =	vand.u32 $0x7FFFFFFF, v34;
	v39 =	vadd.f32 v40, v39  }
0x20d: {  	v42 =	vor.u32 v28, v55;
	v35 =	vsub.f32 v35, v31;
	v30 =	vmax.f32 v30, $0.0e+00  }
0x20e: {  	v56 =	vor.u32 v27, v55;
	v34 =	vmax.f32 v34, $9.999999970e-07;
	v30 =	vadd.f32 v39, v30  }
0x20f: {  	v37 =	vld.idx.msk [tilespmem:v37+s19+$0x0], $0xffff;
	v31 =	vsub.f32 v31, v36;
	v57 =	vsub.f32 v32, v34;
	v35 =	vmax.f32 v35, $0.0e+00  }
0x210: {  	v33 =	vld.idx.msk [tilespmem:v33+s18+$0x0], $0xffff;
	v30 =	vadd.f32 v30, v35  }
0x211: {  	v58 =	vadd.f32 v34, v32;
	v31 =	vmax.f32 v31, $0.0e+00;
	v59 =	vsub.f32 v57, v38  }
0x212: {  	v60 =	vld.idx.msk [tilespmem:v42+s19+$0x0], $0xffff;
	v30 =	vadd.f32 v30, v31  }
0x213: {  	v61 =	vsub.f32 v38, v58;
	v31 =	vmax.f32 v59, $0.0e+00  }
0x214: {  	v62 =	vld.idx.msk [tilespmem:v56+s17+$0x0], $0xffff;
	v30 =	vadd.f32 v31, v30  }
0x215: {  	v63 =	vsub.f32 v57, v33;
	v34 =	vmax.f32 v61, $0.0e+00;
	v31 =	vand.u32 $0x7FFFFFFF, v37  }
0x216: {  	v31 =	vmax.f32 v31, $9.999999970e-07;
	v30 =	vadd.f32 v30, v34  }
0x217: {  	v32 =	vsub.f32 v33, v58;
	v37 =	vmax.f32 v63, $0.0e+00;
	v41 =	vsub.f32 v60, v31  }
0x218: {  	v42 =	vld.idx.msk [tilespmem:v56+s18+$0x0], $0xffff;
	v30 =	vadd.f32 v30, v37  }
0x219: {  	v32 =	vmax.f32 v32, $0.0e+00;
	v31 =	vadd.f32 v31, v60;
	v43 =	vsub.f32 v41, v62  }
0x21a: {  	v30 =	vadd.f32 v30, v32  }
0x21b: {  	v45 =	vsub.f32 v62, v31;
	v44 =	vmax.f32 v43, $0.0e+00  }
0x21c: {  	v30 =	vadd.f32 v44, v30  }
0x21d: {  	v34 =	vsub.f32 v41, v42;
	v46 =	vmax.f32 v45, $0.0e+00  }
0x21e: {  	v30 =	vadd.f32 v30, v46  }
0x21f: {  	v31 =	vsub.f32 v42, v31;
	v47 =	vmax.f32 v34, $0.0e+00  }
0x220: {  	v30 =	vadd.f32 v30, v47  }
0x221: {  	s29 =	simm.s32 $0x0;
	v31 =	vmax.f32 v31, $0.0e+00;
	v32 =	vor.u32 $0x5040, v0  }
0x222: {  	v49 =	vmov s29;
	v48 =	vor.u32 s29, v32;
	v30 =	vadd.f32 v30, v31  }
0x223: {  	v34 =	vand.u32 $0x3F, v49;
	v31 =	vor.u32 $0x5000, v0  }
0x224: {  	v51 =	vor.u32 v31, v34;
	v50 =	vsub.f32 $0.0e+00, v30  }
0x225: {  	v30 =	vor.u32 $0x2800, v1  }
0x226: {  	v34 =	vor.u32 v30, v34;
	[tilespmem:$0x10390] =	vst v50  }
0x227: {  	v33 =	vld.idx.msk [tilespmem:v48+s19+$0x0], $0xffff  }
0x228: {  	s30 =	simm.s32 $0x1  }
0x229: {  	v52 =	vor.u32 s30, v32;
	v36 =	vld.idx.msk [tilespmem:v51+s19+$0x0], $0xffff  }
0x22a: {  	v53 =	vmov s30  }
0x22b: {  	v37 =	vand.u32 $0x3F, v53;
	v54 =	vld.idx.msk [tilespmem:v34+s17+$0x0], $0xffff  }
0x22c: {  	v55 =	vor.u32 v31, v37;
	v33 =	vand.u32 $0x7FFFFFFF, v33  }
0x22d: {  	v33 =	vmax.f32 v33, $9.999999970e-07  }
0x22e: {  	v56 =	vor.u32 v30, v37;
	v35 =	vld.idx.msk [tilespmem:v52+s19+$0x0], $0xffff;
	v57 =	vsub.f32 v36, v33  }
0x22f: {  	v34 =	vld.idx.msk [tilespmem:v34+s18+$0x0], $0xffff  }
0x230: {  	s31 =	simm.s32 $0x2;
	v36 =	vadd.f32 v33, v36;
	v58 =	vsub.f32 v57, v54  }
0x231: {  	v59 =	vimm.f32 $0.0e+00;
	v43 =	vmov s31;
	v60 =	vor.u32 s31, v32;
	v39 =	vld.idx.msk [tilespmem:v55+s19+$0x0], $0xffff  }
0x232: {  	v43 =	vand.u32 $0x3F, v43;
	v38 =	vsub.f32 v54, v36;
	v44 =	vmax.f32 v58, $0.0e+00  }
0x233: {  	v45 =	vor.u32 v31, v43;
	v35 =	vand.u32 $0x7FFFFFFF, v35;
	v33 =	vld.idx.msk [tilespmem:v56+s17+$0x0], $0xffff;
	v41 =	vadd.f32 v44, v59  }
0x234: {  	v61 =	vsub.f32 v57, v34;
	v36 =	vsub.f32 v34, v36;
	v38 =	vmax.f32 v38, $0.0e+00  }
0x235: {  	v46 =	vmax.f32 v35, $9.999999970e-07;
	v62 =	vadd.f32 v41, v38;
	v41 =	vor.u32 v30, v43  }
0x236: {  	s23 =	simm.s32 $0x3;
	v37 =	vld.idx.msk [tilespmem:v60+s19+$0x0], $0xffff;
	v63 =	vmax.f32 v61, $0.0e+00;
	v38 =	vsub.f32 v39, v46  }
0x237: {  	v40 =	vor.u32 s23, v32;
	v34 =	vld.idx.msk [tilespmem:v56+s18+$0x0], $0xffff;
	v42 =	vadd.f32 v62, v63  }
0x238: {  	s24 =	simm.s32 $0x4;
	v35 =	vld.idx.msk [tilespmem:v45+s19+$0x0], $0xffff;
	v44 =	vmax.f32 v36, $0.0e+00;
	v39 =	vadd.f32 v46, v39;
	v36 =	vmovc v41;
	v43 =	vsub.f32 v38, v33  }
.LBB2_22:
0x239: {  	p0 =	sne.s32 s24, $0x3F;
	v45 =	vmov s23;
	v42 =	vadd.f32 v42, v44;
	s23 =	smov.u32 s24  }
0x23a: {  	v44 =	vand.u32 $0x3F, v45;
	v43 =	vmax.f32 v43, $0.0e+00;
	v45 =	vsub.f32 v33, v39;
	v33 =	vld.idx.msk [tilespmem:v41+s17+$0x0], $0xffff  }
0x23b: {  	v46 =	vor.u32 v31, v44;
	v42 =	vadd.f32 v43, v42  }
.Ltmp10:
0x23c: {  	v43 =	vand.u32 $0x7FFFFFFF, v37;
	v47 =	vsub.f32 v38, v34;
	v45 =	vmax.f32 v45, $0.0e+00;
	(pc) =	sbr.rel @p0 .LBB2_22-.Ltmp10, $4  }
0x23d: {  	v41 =	vor.u32 v30, v44;
	v43 =	vmax.f32 v43, $9.999999970e-07;
	v37 =	vld.idx.msk [tilespmem:v40+s19+$0x0], $0xffff;
	v42 =	vadd.f32 v42, v45  }
0x23e: {  	v38 =	vsub.f32 v35, v43;
	v44 =	vmax.f32 v47, $0.0e+00;
	v45 =	vsub.f32 v34, v39;
	v34 =	vld.idx.msk [tilespmem:v36+s18+$0x0], $0xffff;
	v36 =	vmovc v41  }
0x23f: {  	v40 =	vor.u32 s24, v32;
	v42 =	vadd.f32 v42, v44  }
0x240: {  	s24 =	sadd.s32 $0x1, s24;
	v39 =	vadd.f32 v43, v35;
	v43 =	vsub.f32 v38, v33;
	v44 =	vmax.f32 v45, $0.0e+00;
	v35 =	vld.idx.msk [tilespmem:v46+s19+$0x0], $0xffff  }
0x241: {  	_ =	sdelay $0x1  }
0x242: {  	v42 =	vadd.f32 v42, v44  }
0x243: {  	v45 =	vmov s23;
	v43 =	vmax.f32 v43, $0.0e+00;
	v33 =	vsub.f32 v33, v39  }
0x244: {  	v41 =	vld.idx.msk [tilespmem:v41+s17+$0x0], $0xffff;
	v51 =	vand.u32 $0x3F, v45;
	v37 =	vand.u32 $0x7FFFFFFF, v37;
	v42 =	vadd.f32 v43, v42  }
0x245: {  	v45 =	vor.u32 v31, v51;
	v38 =	vsub.f32 v38, v34;
	v33 =	vmax.f32 v33, $0.0e+00  }
0x246: {  	v52 =	vor.u32 v30, v51;
	v37 =	vmax.f32 v37, $9.999999970e-07;
	v33 =	vadd.f32 v42, v33  }
0x247: {  	v40 =	vld.idx.msk [tilespmem:v40+s19+$0x0], $0xffff;
	v54 =	vsub.f32 v34, v39;
	v53 =	vsub.f32 v35, v37;
	v38 =	vmax.f32 v38, $0.0e+00  }
0x248: {  	v36 =	vld.idx.msk [tilespmem:v36+s18+$0x0], $0xffff;
	v33 =	vadd.f32 v33, v38  }
0x249: {  	v55 =	vadd.f32 v37, v35;
	v34 =	vmax.f32 v54, $0.0e+00;
	v56 =	vsub.f32 v53, v41  }
0x24a: {  	v57 =	vld.idx.msk [tilespmem:v45+s19+$0x0], $0xffff;
	v33 =	vadd.f32 v33, v34  }
0x24b: {  	v59 =	vsub.f32 v41, v55;
	v58 =	vmax.f32 v56, $0.0e+00  }
0x24c: {  	v60 =	vld.idx.msk [tilespmem:v52+s17+$0x0], $0xffff;
	v33 =	vadd.f32 v58, v33  }
0x24d: {  	v61 =	vand.u32 $0x7FFFFFFF, v40;
	v62 =	vsub.f32 v53, v36;
	v37 =	vmax.f32 v59, $0.0e+00  }
0x24e: {  	v34 =	vmax.f32 v61, $9.999999970e-07;
	v33 =	vadd.f32 v33, v37  }
0x24f: {  	v35 =	vsub.f32 v36, v55;
	v40 =	vmax.f32 v62, $0.0e+00;
	v63 =	vsub.f32 v57, v34  }
0x250: {  	v42 =	vld.idx.msk [tilespmem:v52+s18+$0x0], $0xffff;
	v33 =	vadd.f32 v33, v40  }
0x251: {  	v35 =	vmax.f32 v35, $0.0e+00;
	v34 =	vadd.f32 v34, v57;
	v43 =	vsub.f32 v63, v60  }
0x252: {  	v33 =	vadd.f32 v33, v35  }
0x253: {  	v45 =	vsub.f32 v60, v34;
	v44 =	vmax.f32 v43, $0.0e+00  }
0x254: {  	v33 =	vadd.f32 v44, v33  }
0x255: {  	v37 =	vsub.f32 v63, v42;
	v46 =	vmax.f32 v45, $0.0e+00  }
0x256: {  	v33 =	vadd.f32 v33, v46  }
0x257: {  	v34 =	vsub.f32 v42, v34;
	v47 =	vmax.f32 v37, $0.0e+00  }
0x258: {  	v33 =	vadd.f32 v33, v47  }
0x259: {  	s29 =	simm.s32 $0x0;
	v34 =	vmax.f32 v34, $0.0e+00;
	v35 =	vor.u32 $0x5840, v0  }
0x25a: {  	v49 =	vmov s29;
	v48 =	vor.u32 s29, v35;
	v33 =	vadd.f32 v33, v34  }
0x25b: {  	v37 =	vand.u32 $0x3F, v49;
	v34 =	vor.u32 $0x5800, v0  }
0x25c: {  	v51 =	vor.u32 v34, v37;
	v50 =	vsub.f32 $0.0e+00, v33  }
0x25d: {  	v33 =	vor.u32 $0x2C00, v1  }
0x25e: {  	v37 =	vor.u32 v33, v37;
	[tilespmem:$0x103A0] =	vst v50  }
0x25f: {  	v36 =	vld.idx.msk [tilespmem:v48+s19+$0x0], $0xffff  }
0x260: {  	s30 =	simm.s32 $0x1  }
0x261: {  	v52 =	vor.u32 s30, v35;
	v39 =	vld.idx.msk [tilespmem:v51+s19+$0x0], $0xffff  }
0x262: {  	v53 =	vmov s30  }
0x263: {  	v40 =	vand.u32 $0x3F, v53;
	v54 =	vld.idx.msk [tilespmem:v37+s17+$0x0], $0xffff  }
0x264: {  	v55 =	vor.u32 v34, v40;
	v36 =	vand.u32 $0x7FFFFFFF, v36  }
0x265: {  	v36 =	vmax.f32 v36, $9.999999970e-07  }
0x266: {  	v56 =	vor.u32 v33, v40;
	v38 =	vld.idx.msk [tilespmem:v52+s19+$0x0], $0xffff;
	v57 =	vsub.f32 v39, v36  }
0x267: {  	v37 =	vld.idx.msk [tilespmem:v37+s18+$0x0], $0xffff  }
0x268: {  	s31 =	simm.s32 $0x2;
	v39 =	vadd.f32 v36, v39;
	v58 =	vsub.f32 v57, v54  }
0x269: {  	v59 =	vimm.f32 $0.0e+00;
	v60 =	vor.u32 s31, v35;
	v46 =	vmov s31;
	v42 =	vld.idx.msk [tilespmem:v55+s19+$0x0], $0xffff  }
0x26a: {  	v46 =	vand.u32 $0x3F, v46;
	v41 =	vsub.f32 v54, v39;
	v47 =	vmax.f32 v58, $0.0e+00  }
0x26b: {  	v48 =	vor.u32 v34, v46;
	v38 =	vand.u32 $0x7FFFFFFF, v38;
	v36 =	vld.idx.msk [tilespmem:v56+s17+$0x0], $0xffff;
	v44 =	vadd.f32 v47, v59  }
0x26c: {  	v61 =	vsub.f32 v57, v37;
	v39 =	vsub.f32 v37, v39;
	v41 =	vmax.f32 v41, $0.0e+00  }
0x26d: {  	v49 =	vmax.f32 v38, $9.999999970e-07;
	v62 =	vadd.f32 v44, v41;
	v44 =	vor.u32 v33, v46  }
0x26e: {  	s23 =	simm.s32 $0x3;
	v40 =	vld.idx.msk [tilespmem:v60+s19+$0x0], $0xffff;
	v63 =	vmax.f32 v61, $0.0e+00;
	v41 =	vsub.f32 v42, v49  }
0x26f: {  	v43 =	vor.u32 s23, v35;
	v37 =	vld.idx.msk [tilespmem:v56+s18+$0x0], $0xffff;
	v45 =	vadd.f32 v62, v63  }
0x270: {  	s24 =	simm.s32 $0x4;
	v38 =	vld.idx.msk [tilespmem:v48+s19+$0x0], $0xffff;
	v47 =	vmax.f32 v39, $0.0e+00;
	v42 =	vadd.f32 v49, v42;
	v39 =	vmovc v44;
	v46 =	vsub.f32 v41, v36  }
.LBB2_24:
0x271: {  	p0 =	sne.s32 s24, $0x3F;
	v48 =	vmov s23;
	v45 =	vadd.f32 v45, v47;
	s23 =	smov.u32 s24  }
0x272: {  	v47 =	vand.u32 $0x3F, v48;
	v46 =	vmax.f32 v46, $0.0e+00;
	v48 =	vsub.f32 v36, v42;
	v36 =	vld.idx.msk [tilespmem:v44+s17+$0x0], $0xffff  }
0x273: {  	v49 =	vor.u32 v34, v47;
	v45 =	vadd.f32 v46, v45  }
.Ltmp11:
0x274: {  	v46 =	vand.u32 $0x7FFFFFFF, v40;
	v50 =	vsub.f32 v41, v37;
	v48 =	vmax.f32 v48, $0.0e+00;
	(pc) =	sbr.rel @p0 .LBB2_24-.Ltmp11, $4  }
0x275: {  	v44 =	vor.u32 v33, v47;
	v46 =	vmax.f32 v46, $9.999999970e-07;
	v40 =	vld.idx.msk [tilespmem:v43+s19+$0x0], $0xffff;
	v45 =	vadd.f32 v45, v48  }
0x276: {  	v41 =	vsub.f32 v38, v46;
	v47 =	vmax.f32 v50, $0.0e+00;
	v48 =	vsub.f32 v37, v42;
	v37 =	vld.idx.msk [tilespmem:v39+s18+$0x0], $0xffff;
	v39 =	vmovc v44  }
0x277: {  	v43 =	vor.u32 s24, v35;
	v45 =	vadd.f32 v45, v47  }
0x278: {  	s24 =	sadd.s32 $0x1, s24;
	v42 =	vadd.f32 v46, v38;
	v46 =	vsub.f32 v41, v36;
	v47 =	vmax.f32 v48, $0.0e+00;
	v38 =	vld.idx.msk [tilespmem:v49+s19+$0x0], $0xffff  }
0x279: {  	_ =	sdelay $0x1  }
0x27a: {  	v45 =	vadd.f32 v45, v47  }
0x27b: {  	v48 =	vmov s23;
	v46 =	vmax.f32 v46, $0.0e+00;
	v36 =	vsub.f32 v36, v42  }
0x27c: {  	v44 =	vld.idx.msk [tilespmem:v44+s17+$0x0], $0xffff;
	v63 =	vand.u32 $0x3F, v48;
	v40 =	vand.u32 $0x7FFFFFFF, v40;
	v45 =	vadd.f32 v46, v45  }
0x27d: {  	v48 =	vor.u32 v34, v63;
	v41 =	vsub.f32 v41, v37;
	v36 =	vmax.f32 v36, $0.0e+00  }
0x27e: {  	v50 =	vor.u32 v33, v63;
	v40 =	vmax.f32 v40, $9.999999970e-07;
	v36 =	vadd.f32 v45, v36  }
0x27f: {  	v43 =	vld.idx.msk [tilespmem:v43+s19+$0x0], $0xffff;
	v52 =	vsub.f32 v37, v42;
	v51 =	vsub.f32 v38, v40;
	v41 =	vmax.f32 v41, $0.0e+00  }
0x280: {  	v39 =	vld.idx.msk [tilespmem:v39+s18+$0x0], $0xffff;
	v36 =	vadd.f32 v36, v41  }
0x281: {  	v53 =	vadd.f32 v40, v38;
	v37 =	vmax.f32 v52, $0.0e+00;
	v54 =	vsub.f32 v51, v44  }
0x282: {  	v55 =	vld.idx.msk [tilespmem:v48+s19+$0x0], $0xffff;
	v36 =	vadd.f32 v36, v37  }
0x283: {  	v57 =	vsub.f32 v44, v53;
	v56 =	vmax.f32 v54, $0.0e+00  }
0x284: {  	v58 =	vld.idx.msk [tilespmem:v50+s17+$0x0], $0xffff;
	v36 =	vadd.f32 v56, v36  }
0x285: {  	v59 =	vand.u32 $0x7FFFFFFF, v43;
	v60 =	vsub.f32 v51, v39;
	v40 =	vmax.f32 v57, $0.0e+00  }
0x286: {  	v37 =	vmax.f32 v59, $9.999999970e-07;
	v36 =	vadd.f32 v36, v40  }
0x287: {  	v38 =	vsub.f32 v39, v53;
	v43 =	vmax.f32 v60, $0.0e+00;
	v61 =	vsub.f32 v55, v37  }
0x288: {  	v62 =	vld.idx.msk [tilespmem:v50+s18+$0x0], $0xffff;
	v36 =	vadd.f32 v36, v43  }
0x289: {  	v38 =	vmax.f32 v38, $0.0e+00;
	v37 =	vadd.f32 v37, v55;
	v63 =	vsub.f32 v61, v58  }
0x28a: {  	v36 =	vadd.f32 v36, v38  }
0x28b: {  	v45 =	vsub.f32 v58, v37;
	v44 =	vmax.f32 v63, $0.0e+00  }
0x28c: {  	v36 =	vadd.f32 v44, v36  }
0x28d: {  	v40 =	vsub.f32 v61, v62;
	v46 =	vmax.f32 v45, $0.0e+00  }
0x28e: {  	v36 =	vadd.f32 v36, v46  }
0x28f: {  	v37 =	vsub.f32 v62, v37;
	v47 =	vmax.f32 v40, $0.0e+00  }
0x290: {  	v36 =	vadd.f32 v36, v47  }
0x291: {  	s29 =	simm.s32 $0x0;
	v37 =	vmax.f32 v37, $0.0e+00;
	v38 =	vor.u32 $0x6040, v0  }
0x292: {  	v49 =	vmov s29;
	v48 =	vor.u32 s29, v38;
	v36 =	vadd.f32 v36, v37  }
0x293: {  	v40 =	vand.u32 $0x3F, v49;
	v37 =	vor.u32 $0x6000, v0  }
0x294: {  	v51 =	vor.u32 v37, v40;
	v50 =	vsub.f32 $0.0e+00, v36  }
0x295: {  	v36 =	vor.u32 $0x3000, v1  }
0x296: {  	v40 =	vor.u32 v36, v40;
	[tilespmem:$0x103B0] =	vst v50  }
0x297: {  	v39 =	vld.idx.msk [tilespmem:v48+s19+$0x0], $0xffff  }
0x298: {  	s30 =	simm.s32 $0x1  }
0x299: {  	v52 =	vor.u32 s30, v38;
	v42 =	vld.idx.msk [tilespmem:v51+s19+$0x0], $0xffff  }
0x29a: {  	v53 =	vmov s30  }
0x29b: {  	v43 =	vand.u32 $0x3F, v53;
	v54 =	vld.idx.msk [tilespmem:v40+s17+$0x0], $0xffff  }
0x29c: {  	v55 =	vor.u32 v37, v43;
	v39 =	vand.u32 $0x7FFFFFFF, v39  }
0x29d: {  	v39 =	vmax.f32 v39, $9.999999970e-07  }
0x29e: {  	v56 =	vor.u32 v36, v43;
	v41 =	vld.idx.msk [tilespmem:v52+s19+$0x0], $0xffff;
	v57 =	vsub.f32 v42, v39  }
0x29f: {  	v40 =	vld.idx.msk [tilespmem:v40+s18+$0x0], $0xffff  }
0x2a0: {  	s31 =	simm.s32 $0x2;
	v42 =	vadd.f32 v39, v42;
	v58 =	vsub.f32 v57, v54  }
0x2a1: {  	v59 =	vimm.f32 $0.0e+00;
	v49 =	vmov s31;
	v60 =	vor.u32 s31, v38;
	v45 =	vld.idx.msk [tilespmem:v55+s19+$0x0], $0xffff  }
0x2a2: {  	v49 =	vand.u32 $0x3F, v49;
	v44 =	vsub.f32 v54, v42;
	v50 =	vmax.f32 v58, $0.0e+00  }
0x2a3: {  	v51 =	vor.u32 v37, v49;
	v41 =	vand.u32 $0x7FFFFFFF, v41;
	v39 =	vld.idx.msk [tilespmem:v56+s17+$0x0], $0xffff;
	v47 =	vadd.f32 v50, v59  }
0x2a4: {  	v61 =	vsub.f32 v57, v40;
	v42 =	vsub.f32 v40, v42;
	v44 =	vmax.f32 v44, $0.0e+00  }
0x2a5: {  	v52 =	vmax.f32 v41, $9.999999970e-07;
	v62 =	vadd.f32 v47, v44;
	v47 =	vor.u32 v36, v49  }
0x2a6: {  	s23 =	simm.s32 $0x3;
	v43 =	vld.idx.msk [tilespmem:v60+s19+$0x0], $0xffff;
	v63 =	vmax.f32 v61, $0.0e+00;
	v44 =	vsub.f32 v45, v52  }
0x2a7: {  	v46 =	vor.u32 s23, v38;
	v40 =	vld.idx.msk [tilespmem:v56+s18+$0x0], $0xffff;
	v48 =	vadd.f32 v62, v63  }
0x2a8: {  	s24 =	simm.s32 $0x4;
	v41 =	vld.idx.msk [tilespmem:v51+s19+$0x0], $0xffff;
	v50 =	vmax.f32 v42, $0.0e+00;
	v45 =	vadd.f32 v52, v45;
	v42 =	vmovc v47;
	v49 =	vsub.f32 v44, v39  }
.LBB2_26:
0x2a9: {  	p0 =	sne.s32 s24, $0x3F;
	v51 =	vmov s23;
	v48 =	vadd.f32 v48, v50;
	s23 =	smov.u32 s24  }
0x2aa: {  	v50 =	vand.u32 $0x3F, v51;
	v49 =	vmax.f32 v49, $0.0e+00;
	v51 =	vsub.f32 v39, v45;
	v39 =	vld.idx.msk [tilespmem:v47+s17+$0x0], $0xffff  }
0x2ab: {  	v52 =	vor.u32 v37, v50;
	v48 =	vadd.f32 v49, v48  }
.Ltmp12:
0x2ac: {  	v49 =	vand.u32 $0x7FFFFFFF, v43;
	v53 =	vsub.f32 v44, v40;
	v51 =	vmax.f32 v51, $0.0e+00;
	(pc) =	sbr.rel @p0 .LBB2_26-.Ltmp12, $4  }
0x2ad: {  	v47 =	vor.u32 v36, v50;
	v49 =	vmax.f32 v49, $9.999999970e-07;
	v43 =	vld.idx.msk [tilespmem:v46+s19+$0x0], $0xffff;
	v48 =	vadd.f32 v48, v51  }
0x2ae: {  	v44 =	vsub.f32 v41, v49;
	v50 =	vmax.f32 v53, $0.0e+00;
	v51 =	vsub.f32 v40, v45;
	v40 =	vld.idx.msk [tilespmem:v42+s18+$0x0], $0xffff;
	v42 =	vmovc v47  }
0x2af: {  	v46 =	vor.u32 s24, v38;
	v48 =	vadd.f32 v48, v50  }
0x2b0: {  	s24 =	sadd.s32 $0x1, s24;
	v45 =	vadd.f32 v49, v41;
	v49 =	vsub.f32 v44, v39;
	v50 =	vmax.f32 v51, $0.0e+00;
	v41 =	vld.idx.msk [tilespmem:v52+s19+$0x0], $0xffff  }
0x2b1: {  	_ =	sdelay $0x1  }
0x2b2: {  	v48 =	vadd.f32 v48, v50  }
0x2b3: {  	v51 =	vmov s23;
	v49 =	vmax.f32 v49, $0.0e+00;
	v39 =	vsub.f32 v39, v45  }
0x2b4: {  	v47 =	vld.idx.msk [tilespmem:v47+s17+$0x0], $0xffff;
	v63 =	vand.u32 $0x3F, v51;
	v43 =	vand.u32 $0x7FFFFFFF, v43;
	v48 =	vadd.f32 v49, v48  }
0x2b5: {  	v51 =	vor.u32 v37, v63;
	v44 =	vsub.f32 v44, v40;
	v39 =	vmax.f32 v39, $0.0e+00  }
0x2b6: {  	v54 =	vor.u32 v36, v63;
	v43 =	vmax.f32 v43, $9.999999970e-07;
	v39 =	vadd.f32 v48, v39  }
0x2b7: {  	v46 =	vld.idx.msk [tilespmem:v46+s19+$0x0], $0xffff;
	v56 =	vsub.f32 v40, v45;
	v55 =	vsub.f32 v41, v43;
	v44 =	vmax.f32 v44, $0.0e+00  }
0x2b8: {  	v42 =	vld.idx.msk [tilespmem:v42+s18+$0x0], $0xffff;
	v39 =	vadd.f32 v39, v44  }
0x2b9: {  	v57 =	vadd.f32 v43, v41;
	v40 =	vmax.f32 v56, $0.0e+00;
	v58 =	vsub.f32 v55, v47  }
0x2ba: {  	v59 =	vld.idx.msk [tilespmem:v51+s19+$0x0], $0xffff;
	v39 =	vadd.f32 v39, v40  }
0x2bb: {  	v61 =	vsub.f32 v47, v57;
	v60 =	vmax.f32 v58, $0.0e+00  }
0x2bc: {  	v62 =	vld.idx.msk [tilespmem:v54+s17+$0x0], $0xffff;
	v39 =	vadd.f32 v60, v39  }
0x2bd: {  	v63 =	vand.u32 $0x7FFFFFFF, v46;
	v48 =	vsub.f32 v55, v42;
	v43 =	vmax.f32 v61, $0.0e+00  }
0x2be: {  	v40 =	vmax.f32 v63, $9.999999970e-07;
	v39 =	vadd.f32 v39, v43  }
0x2bf: {  	v41 =	vsub.f32 v42, v57;
	v46 =	vmax.f32 v48, $0.0e+00;
	v50 =	vsub.f32 v59, v40  }
0x2c0: {  	v51 =	vld.idx.msk [tilespmem:v54+s18+$0x0], $0xffff;
	v39 =	vadd.f32 v39, v46  }
0x2c1: {  	v41 =	vmax.f32 v41, $0.0e+00;
	v40 =	vadd.f32 v40, v59;
	v52 =	vsub.f32 v50, v62  }
0x2c2: {  	v39 =	vadd.f32 v39, v41  }
0x2c3: {  	v54 =	vsub.f32 v62, v40;
	v53 =	vmax.f32 v52, $0.0e+00  }
0x2c4: {  	v39 =	vadd.f32 v53, v39  }
0x2c5: {  	v43 =	vsub.f32 v50, v51;
	v55 =	vmax.f32 v54, $0.0e+00  }
0x2c6: {  	v39 =	vadd.f32 v39, v55  }
0x2c7: {  	v40 =	vsub.f32 v51, v40;
	v56 =	vmax.f32 v43, $0.0e+00  }
0x2c8: {  	v39 =	vadd.f32 v39, v56  }
0x2c9: {  	s29 =	simm.s32 $0x0;
	v40 =	vmax.f32 v40, $0.0e+00;
	v41 =	vor.u32 $0x6840, v0  }
0x2ca: {  	v58 =	vmov s29;
	v57 =	vor.u32 s29, v41;
	v39 =	vadd.f32 v39, v40  }
0x2cb: {  	v43 =	vand.u32 $0x3F, v58;
	v40 =	vor.u32 $0x6800, v0  }
0x2cc: {  	v60 =	vor.u32 v40, v43;
	v59 =	vsub.f32 $0.0e+00, v39  }
0x2cd: {  	v39 =	vor.u32 $0x3400, v1  }
0x2ce: {  	v43 =	vor.u32 v39, v43;
	[tilespmem:$0x103C0] =	vst v59  }
0x2cf: {  	v42 =	vld.idx.msk [tilespmem:v57+s19+$0x0], $0xffff  }
0x2d0: {  	s30 =	simm.s32 $0x1  }
0x2d1: {  	v61 =	vor.u32 s30, v41;
	v45 =	vld.idx.msk [tilespmem:v60+s19+$0x0], $0xffff  }
0x2d2: {  	v62 =	vmov s30  }
0x2d3: {  	v46 =	vand.u32 $0x3F, v62;
	v63 =	vld.idx.msk [tilespmem:v43+s17+$0x0], $0xffff  }
0x2d4: {  	v56 =	vor.u32 v40, v46;
	v42 =	vand.u32 $0x7FFFFFFF, v42  }
0x2d5: {  	v42 =	vmax.f32 v42, $9.999999970e-07  }
0x2d6: {  	v49 =	vor.u32 v39, v46;
	v44 =	vld.idx.msk [tilespmem:v61+s19+$0x0], $0xffff;
	v57 =	vsub.f32 v45, v42  }
0x2d7: {  	s31 =	simm.s32 $0x2;
	v43 =	vld.idx.msk [tilespmem:v43+s18+$0x0], $0xffff  }
0x2d8: {  	v52 =	vmov s31;
	v45 =	vadd.f32 v42, v45;
	v58 =	vsub.f32 v57, v63  }
0x2d9: {  	v52 =	vand.u32 $0x3F, v52;
	v60 =	vor.u32 s31, v41;
	v48 =	vld.idx.msk [tilespmem:v56+s19+$0x0], $0xffff  }
0x2da: {  	v59 =	vimm.f32 $0.0e+00;
	v47 =	vsub.f32 v63, v45;
	v53 =	vmax.f32 v58, $0.0e+00  }
0x2db: {  	v54 =	vor.u32 v40, v52;
	v44 =	vand.u32 $0x7FFFFFFF, v44;
	v42 =	vld.idx.msk [tilespmem:v49+s17+$0x0], $0xffff;
	v50 =	vadd.f32 v53, v59  }
0x2dc: {  	v61 =	vsub.f32 v57, v43;
	v45 =	vsub.f32 v43, v45;
	v47 =	vmax.f32 v47, $0.0e+00  }
0x2dd: {  	v55 =	vmax.f32 v44, $9.999999970e-07;
	v62 =	vadd.f32 v50, v47;
	v50 =	vor.u32 v39, v52  }
0x2de: {  	s23 =	simm.s32 $0x3;
	v46 =	vld.idx.msk [tilespmem:v60+s19+$0x0], $0xffff;
	v63 =	vmax.f32 v61, $0.0e+00;
	v47 =	vsub.f32 v48, v55  }
0x2df: {  	v43 =	vld.idx.msk [tilespmem:v49+s18+$0x0], $0xffff;
	v49 =	vor.u32 s23, v41;
	v51 =	vadd.f32 v62, v63  }
0x2e0: {  	s24 =	simm.s32 $0x4;
	v44 =	vld.idx.msk [tilespmem:v54+s19+$0x0], $0xffff;
	v53 =	vmax.f32 v45, $0.0e+00;
	v48 =	vadd.f32 v55, v48;
	v45 =	vmovc v50;
	v52 =	vsub.f32 v47, v42  }
.LBB2_28:
0x2e1: {  	p0 =	sne.s32 s24, $0x3F;
	v54 =	vmov s23;
	v51 =	vadd.f32 v51, v53;
	s23 =	smov.u32 s24  }
0x2e2: {  	v53 =	vand.u32 $0x3F, v54;
	v52 =	vmax.f32 v52, $0.0e+00;
	v54 =	vsub.f32 v42, v48;
	v42 =	vld.idx.msk [tilespmem:v50+s17+$0x0], $0xffff  }
0x2e3: {  	v55 =	vor.u32 v40, v53;
	v51 =	vadd.f32 v52, v51  }
.Ltmp13:
0x2e4: {  	v52 =	vand.u32 $0x7FFFFFFF, v46;
	v56 =	vsub.f32 v47, v43;
	v54 =	vmax.f32 v54, $0.0e+00;
	(pc) =	sbr.rel @p0 .LBB2_28-.Ltmp13, $4  }
0x2e5: {  	v50 =	vor.u32 v39, v53;
	v52 =	vmax.f32 v52, $9.999999970e-07;
	v46 =	vld.idx.msk [tilespmem:v49+s19+$0x0], $0xffff;
	v51 =	vadd.f32 v51, v54  }
0x2e6: {  	v47 =	vsub.f32 v44, v52;
	v53 =	vmax.f32 v56, $0.0e+00;
	v54 =	vsub.f32 v43, v48;
	v43 =	vld.idx.msk [tilespmem:v45+s18+$0x0], $0xffff;
	v45 =	vmovc v50  }
0x2e7: {  	v49 =	vor.u32 s24, v41;
	v51 =	vadd.f32 v51, v53  }
0x2e8: {  	s24 =	sadd.s32 $0x1, s24;
	v48 =	vadd.f32 v52, v44;
	v52 =	vsub.f32 v47, v42;
	v53 =	vmax.f32 v54, $0.0e+00;
	v44 =	vld.idx.msk [tilespmem:v55+s19+$0x0], $0xffff  }
0x2e9: {  	_ =	sdelay $0x1  }
0x2ea: {  	v51 =	vadd.f32 v51, v53  }
0x2eb: {  	v54 =	vmov s23;
	v52 =	vmax.f32 v52, $0.0e+00;
	v42 =	vsub.f32 v42, v48  }
0x2ec: {  	v50 =	vld.idx.msk [tilespmem:v50+s17+$0x0], $0xffff;
	v60 =	vand.u32 $0x3F, v54;
	v46 =	vand.u32 $0x7FFFFFFF, v46;
	v51 =	vadd.f32 v52, v51  }
0x2ed: {  	v54 =	vor.u32 v40, v60;
	v47 =	vsub.f32 v47, v43;
	v42 =	vmax.f32 v42, $0.0e+00  }
0x2ee: {  	v52 =	vor.u32 v39, v60;
	v46 =	vmax.f32 v46, $9.999999970e-07;
	v42 =	vadd.f32 v51, v42  }
0x2ef: {  	v49 =	vld.idx.msk [tilespmem:v49+s19+$0x0], $0xffff;
	v62 =	vsub.f32 v43, v48;
	v61 =	vsub.f32 v44, v46;
	v47 =	vmax.f32 v47, $0.0e+00  }
0x2f0: {  	v45 =	vld.idx.msk [tilespmem:v45+s18+$0x0], $0xffff;
	v42 =	vadd.f32 v42, v47  }
0x2f1: {  	v63 =	vadd.f32 v46, v44;
	v43 =	vmax.f32 v62, $0.0e+00;
	v53 =	vsub.f32 v61, v50  }
0x2f2: {  	v55 =	vld.idx.msk [tilespmem:v54+s19+$0x0], $0xffff;
	v42 =	vadd.f32 v42, v43  }
0x2f3: {  	v57 =	vsub.f32 v50, v63;
	v56 =	vmax.f32 v53, $0.0e+00  }
0x2f4: {  	v58 =	vld.idx.msk [tilespmem:v52+s17+$0x0], $0xffff;
	v42 =	vadd.f32 v56, v42  }
0x2f5: {  	v59 =	vand.u32 $0x7FFFFFFF, v49;
	v60 =	vsub.f32 v61, v45;
	v46 =	vmax.f32 v57, $0.0e+00  }
0x2f6: {  	v43 =	vmax.f32 v59, $9.999999970e-07;
	v42 =	vadd.f32 v42, v46  }
0x2f7: {  	v44 =	vsub.f32 v45, v63;
	v49 =	vmax.f32 v60, $0.0e+00;
	v61 =	vsub.f32 v55, v43  }
0x2f8: {  	v62 =	vld.idx.msk [tilespmem:v52+s18+$0x0], $0xffff;
	v42 =	vadd.f32 v42, v49  }
0x2f9: {  	v44 =	vmax.f32 v44, $0.0e+00;
	v43 =	vadd.f32 v43, v55;
	v63 =	vsub.f32 v61, v58  }
0x2fa: {  	v42 =	vadd.f32 v42, v44  }
0x2fb: {  	v50 =	vsub.f32 v58, v43;
	v49 =	vmax.f32 v63, $0.0e+00  }
0x2fc: {  	v42 =	vadd.f32 v49, v42  }
0x2fd: {  	v46 =	vsub.f32 v61, v62;
	v51 =	vmax.f32 v50, $0.0e+00  }
0x2fe: {  	v42 =	vadd.f32 v42, v51  }
0x2ff: {  	v43 =	vsub.f32 v62, v43;
	v52 =	vmax.f32 v46, $0.0e+00  }
0x300: {  	v42 =	vadd.f32 v42, v52  }
0x301: {  	s29 =	simm.s32 $0x0;
	v43 =	vmax.f32 v43, $0.0e+00;
	v44 =	vor.u32 $0x7040, v0  }
0x302: {  	v54 =	vmov s29;
	v53 =	vor.u32 s29, v44;
	v42 =	vadd.f32 v42, v43  }
0x303: {  	v46 =	vand.u32 $0x3F, v54;
	v43 =	vor.u32 $0x7000, v0  }
0x304: {  	v56 =	vor.u32 v43, v46;
	v55 =	vsub.f32 $0.0e+00, v42  }
0x305: {  	v42 =	vor.u32 $0x3800, v1  }
0x306: {  	v46 =	vor.u32 v42, v46;
	[tilespmem:$0x103D0] =	vst v55  }
0x307: {  	v45 =	vld.idx.msk [tilespmem:v53+s19+$0x0], $0xffff  }
0x308: {  	s30 =	simm.s32 $0x1  }
0x309: {  	v57 =	vor.u32 s30, v44;
	v48 =	vld.idx.msk [tilespmem:v56+s19+$0x0], $0xffff  }
0x30a: {  	v58 =	vmov s30  }
0x30b: {  	v49 =	vand.u32 $0x3F, v58;
	v50 =	vld.idx.msk [tilespmem:v46+s17+$0x0], $0xffff  }
0x30c: {  	v59 =	vor.u32 v43, v49;
	v45 =	vand.u32 $0x7FFFFFFF, v45  }
0x30d: {  	v45 =	vmax.f32 v45, $9.999999970e-07  }
0x30e: {  	v52 =	vor.u32 v42, v49;
	v47 =	vld.idx.msk [tilespmem:v57+s19+$0x0], $0xffff;
	v61 =	vsub.f32 v48, v45  }
0x30f: {  	v46 =	vld.idx.msk [tilespmem:v46+s18+$0x0], $0xffff  }
0x310: {  	s31 =	simm.s32 $0x2;
	v48 =	vadd.f32 v45, v48;
	v62 =	vsub.f32 v61, v50  }
0x311: {  	v63 =	vimm.f32 $0.0e+00;
	v60 =	vor.u32 s31, v44;
	v55 =	vmov s31;
	v51 =	vld.idx.msk [tilespmem:v59+s19+$0x0], $0xffff  }
0x312: {  	v55 =	vand.u32 $0x3F, v55;
	v50 =	vsub.f32 v50, v48;
	v56 =	vmax.f32 v62, $0.0e+00  }
0x313: {  	v57 =	vor.u32 v43, v55;
	v47 =	vand.u32 $0x7FFFFFFF, v47;
	v45 =	vld.idx.msk [tilespmem:v52+s17+$0x0], $0xffff;
	v53 =	vadd.f32 v56, v63  }
0x314: {  	v61 =	vsub.f32 v61, v46;
	v48 =	vsub.f32 v46, v48;
	v50 =	vmax.f32 v50, $0.0e+00  }
0x315: {  	v58 =	vmax.f32 v47, $9.999999970e-07;
	v62 =	vadd.f32 v53, v50;
	v53 =	vor.u32 v42, v55  }
0x316: {  	s23 =	simm.s32 $0x3;
	v49 =	vld.idx.msk [tilespmem:v60+s19+$0x0], $0xffff;
	v63 =	vmax.f32 v61, $0.0e+00;
	v50 =	vsub.f32 v51, v58  }
0x317: {  	v46 =	vld.idx.msk [tilespmem:v52+s18+$0x0], $0xffff;
	v52 =	vor.u32 s23, v44;
	v54 =	vadd.f32 v62, v63  }
0x318: {  	s24 =	simm.s32 $0x4;
	v47 =	vld.idx.msk [tilespmem:v57+s19+$0x0], $0xffff;
	v56 =	vmax.f32 v48, $0.0e+00;
	v51 =	vadd.f32 v58, v51;
	v48 =	vmovc v53;
	v55 =	vsub.f32 v50, v45  }
.LBB2_30:
0x319: {  	p0 =	sne.s32 s24, $0x3F;
	v57 =	vmov s23;
	v54 =	vadd.f32 v54, v56;
	s23 =	smov.u32 s24  }
0x31a: {  	v56 =	vand.u32 $0x3F, v57;
	v55 =	vmax.f32 v55, $0.0e+00;
	v57 =	vsub.f32 v45, v51;
	v45 =	vld.idx.msk [tilespmem:v53+s17+$0x0], $0xffff  }
0x31b: {  	v58 =	vor.u32 v43, v56;
	v54 =	vadd.f32 v55, v54  }
.Ltmp14:
0x31c: {  	v55 =	vand.u32 $0x7FFFFFFF, v49;
	v59 =	vsub.f32 v50, v46;
	v57 =	vmax.f32 v57, $0.0e+00;
	(pc) =	sbr.rel @p0 .LBB2_30-.Ltmp14, $4  }
0x31d: {  	v53 =	vor.u32 v42, v56;
	v55 =	vmax.f32 v55, $9.999999970e-07;
	v49 =	vld.idx.msk [tilespmem:v52+s19+$0x0], $0xffff;
	v54 =	vadd.f32 v54, v57  }
0x31e: {  	v50 =	vsub.f32 v47, v55;
	v56 =	vmax.f32 v59, $0.0e+00;
	v57 =	vsub.f32 v46, v51;
	v46 =	vld.idx.msk [tilespmem:v48+s18+$0x0], $0xffff;
	v48 =	vmovc v53  }
0x31f: {  	v52 =	vor.u32 s24, v44;
	v54 =	vadd.f32 v54, v56  }
0x320: {  	s24 =	sadd.s32 $0x1, s24;
	v51 =	vadd.f32 v55, v47;
	v55 =	vsub.f32 v50, v45;
	v56 =	vmax.f32 v57, $0.0e+00;
	v47 =	vld.idx.msk [tilespmem:v58+s19+$0x0], $0xffff  }
0x321: {  	_ =	sdelay $0x1  }
0x322: {  	v54 =	vadd.f32 v54, v56  }
0x323: {  	v57 =	vmov s23;
	v55 =	vmax.f32 v55, $0.0e+00;
	v45 =	vsub.f32 v45, v51  }
0x324: {  	v53 =	vld.idx.msk [tilespmem:v53+s17+$0x0], $0xffff;
	v60 =	vand.u32 $0x3F, v57;
	v49 =	vand.u32 $0x7FFFFFFF, v49;
	v54 =	vadd.f32 v55, v54  }
0x325: {  	v57 =	vor.u32 v43, v60;
	v50 =	vsub.f32 v50, v46;
	v45 =	vmax.f32 v45, $0.0e+00  }
0x326: {  	v55 =	vor.u32 v42, v60;
	v49 =	vmax.f32 v49, $9.999999970e-07;
	v45 =	vadd.f32 v54, v45  }
0x327: {  	v52 =	vld.idx.msk [tilespmem:v52+s19+$0x0], $0xffff;
	v62 =	vsub.f32 v46, v51;
	v61 =	vsub.f32 v47, v49;
	v50 =	vmax.f32 v50, $0.0e+00  }
0x328: {  	v48 =	vld.idx.msk [tilespmem:v48+s18+$0x0], $0xffff;
	v45 =	vadd.f32 v45, v50  }
0x329: {  	v47 =	vadd.f32 v49, v47;
	v46 =	vmax.f32 v62, $0.0e+00;
	v63 =	vsub.f32 v61, v53  }
0x32a: {  	v56 =	vld.idx.msk [tilespmem:v57+s19+$0x0], $0xffff;
	v45 =	vadd.f32 v45, v46  }
0x32b: {  	v58 =	vsub.f32 v53, v47;
	v57 =	vmax.f32 v63, $0.0e+00  }
0x32c: {  	v59 =	vld.idx.msk [tilespmem:v55+s17+$0x0], $0xffff;
	v45 =	vadd.f32 v57, v45  }
0x32d: {  	v60 =	vand.u32 $0x7FFFFFFF, v52;
	v61 =	vsub.f32 v61, v48;
	v49 =	vmax.f32 v58, $0.0e+00  }
0x32e: {  	v46 =	vmax.f32 v60, $9.999999970e-07;
	v45 =	vadd.f32 v45, v49  }
0x32f: {  	v47 =	vsub.f32 v48, v47;
	v52 =	vmax.f32 v61, $0.0e+00;
	v62 =	vsub.f32 v56, v46  }
0x330: {  	v63 =	vld.idx.msk [tilespmem:v55+s18+$0x0], $0xffff;
	v45 =	vadd.f32 v45, v52  }
0x331: {  	v47 =	vmax.f32 v47, $0.0e+00;
	v46 =	vadd.f32 v46, v56;
	v52 =	vsub.f32 v62, v59  }
0x332: {  	v45 =	vadd.f32 v45, v47  }
0x333: {  	v54 =	vsub.f32 v59, v46;
	v53 =	vmax.f32 v52, $0.0e+00  }
0x334: {  	v45 =	vadd.f32 v53, v45  }
0x335: {  	v49 =	vsub.f32 v62, v63;
	v55 =	vmax.f32 v54, $0.0e+00  }
0x336: {  	v45 =	vadd.f32 v45, v55  }
0x337: {  	v46 =	vsub.f32 v63, v46;
	v56 =	vmax.f32 v49, $0.0e+00  }
0x338: {  	v45 =	vadd.f32 v45, v56  }
0x339: {  	s29 =	simm.s32 $0x0;
	v46 =	vmax.f32 v46, $0.0e+00;
	v47 =	vor.u32 $0x7840, v0  }
0x33a: {  	v58 =	vmov s29;
	v57 =	vor.u32 s29, v47;
	v45 =	vadd.f32 v45, v46  }
0x33b: {  	v49 =	vand.u32 $0x3F, v58;
	v46 =	vor.u32 $0x7800, v0  }
0x33c: {  	v60 =	vor.u32 v46, v49;
	v59 =	vsub.f32 $0.0e+00, v45  }
0x33d: {  	v45 =	vor.u32 $0x3C00, v1  }
0x33e: {  	v49 =	vor.u32 v45, v49;
	[tilespmem:$0x103E0] =	vst v59  }
0x33f: {  	v48 =	vld.idx.msk [tilespmem:v57+s19+$0x0], $0xffff  }
0x340: {  	s30 =	simm.s32 $0x1  }
0x341: {  	v61 =	vor.u32 s30, v47;
	v51 =	vld.idx.msk [tilespmem:v60+s19+$0x0], $0xffff  }
0x342: {  	v62 =	vmov s30  }
0x343: {  	v52 =	vand.u32 $0x3F, v62;
	v63 =	vld.idx.msk [tilespmem:v49+s17+$0x0], $0xffff  }
0x344: {  	v60 =	vor.u32 v46, v52;
	v48 =	vand.u32 $0x7FFFFFFF, v48  }
0x345: {  	v48 =	vmax.f32 v48, $9.999999970e-07  }
0x346: {  	v55 =	vor.u32 v45, v52;
	v50 =	vld.idx.msk [tilespmem:v61+s19+$0x0], $0xffff;
	v52 =	vsub.f32 v51, v48  }
0x347: {  	s31 =	simm.s32 $0x2;
	v49 =	vld.idx.msk [tilespmem:v49+s18+$0x0], $0xffff  }
0x348: {  	v58 =	vmov s31;
	v51 =	vadd.f32 v48, v51;
	v61 =	vsub.f32 v52, v63  }
0x349: {  	v58 =	vand.u32 $0x3F, v58;
	v57 =	vor.u32 s31, v47;
	v54 =	vld.idx.msk [tilespmem:v60+s19+$0x0], $0xffff  }
0x34a: {  	v56 =	vimm.f32 $0.0e+00;
	v53 =	vsub.f32 v63, v51;
	v59 =	vmax.f32 v61, $0.0e+00  }
0x34b: {  	v50 =	vand.u32 $0x7FFFFFFF, v50;
	v60 =	vor.u32 v46, v58;
	v48 =	vld.idx.msk [tilespmem:v55+s17+$0x0], $0xffff;
	v56 =	vadd.f32 v59, v56  }
0x34c: {  	v51 =	vsub.f32 v49, v51;
	v53 =	vmax.f32 v53, $0.0e+00;
	v59 =	vsub.f32 v52, v49  }
0x34d: {  	v61 =	vmax.f32 v50, $9.999999970e-07;
	v62 =	vadd.f32 v56, v53;
	v56 =	vor.u32 v45, v58  }
0x34e: {  	s23 =	simm.s32 $0x3;
	v52 =	vld.idx.msk [tilespmem:v57+s19+$0x0], $0xffff;
	v53 =	vsub.f32 v54, v61;
	v63 =	vmax.f32 v59, $0.0e+00  }
0x34f: {  	v49 =	vld.idx.msk [tilespmem:v55+s18+$0x0], $0xffff;
	v55 =	vor.u32 s23, v47;
	v57 =	vadd.f32 v62, v63  }
0x350: {  	s24 =	simm.s32 $0x4;
	v50 =	vld.idx.msk [tilespmem:v60+s19+$0x0], $0xffff;
	v54 =	vadd.f32 v61, v54;
	v59 =	vmax.f32 v51, $0.0e+00;
	v51 =	vmovc v56;
	v58 =	vsub.f32 v53, v48  }
.LBB2_32:
0x351: {  	p0 =	sne.s32 s24, $0x3F;
	v60 =	vmov s23;
	v57 =	vadd.f32 v57, v59;
	s23 =	smov.u32 s24  }
0x352: {  	v59 =	vand.u32 $0x3F, v60;
	v58 =	vmax.f32 v58, $0.0e+00;
	v60 =	vsub.f32 v48, v54;
	v48 =	vld.idx.msk [tilespmem:v56+s17+$0x0], $0xffff  }
0x353: {  	v61 =	vor.u32 v46, v59;
	v57 =	vadd.f32 v58, v57  }
.Ltmp15:
0x354: {  	v58 =	vand.u32 $0x7FFFFFFF, v52;
	v62 =	vsub.f32 v53, v49;
	v60 =	vmax.f32 v60, $0.0e+00;
	(pc) =	sbr.rel @p0 .LBB2_32-.Ltmp15, $4  }
0x355: {  	v56 =	vor.u32 v45, v59;
	v58 =	vmax.f32 v58, $9.999999970e-07;
	v52 =	vld.idx.msk [tilespmem:v55+s19+$0x0], $0xffff;
	v57 =	vadd.f32 v57, v60  }
0x356: {  	v53 =	vsub.f32 v50, v58;
	v59 =	vmax.f32 v62, $0.0e+00;
	v60 =	vsub.f32 v49, v54;
	v49 =	vld.idx.msk [tilespmem:v51+s18+$0x0], $0xffff;
	v51 =	vmovc v56  }
0x357: {  	v55 =	vor.u32 s24, v47;
	v57 =	vadd.f32 v57, v59  }
0x358: {  	s24 =	sadd.s32 $0x1, s24;
	v54 =	vadd.f32 v58, v50;
	v58 =	vsub.f32 v53, v48;
	v59 =	vmax.f32 v60, $0.0e+00;
	v50 =	vld.idx.msk [tilespmem:v61+s19+$0x0], $0xffff  }
0x359: {  	_ =	sdelay $0x1  }
0x35a: {  	v57 =	vadd.f32 v57, v59  }
0x35b: {  	v60 =	vmov s23;
	v58 =	vmax.f32 v58, $0.0e+00;
	v48 =	vsub.f32 v48, v54  }
0x35c: {  	v56 =	vld.idx.msk [tilespmem:v56+s17+$0x0], $0xffff;
	v59 =	vand.u32 $0x3F, v60;
	v52 =	vand.u32 $0x7FFFFFFF, v52;
	v57 =	vadd.f32 v58, v57  }
0x35d: {  	v60 =	vor.u32 v46, v59;
	v53 =	vsub.f32 v53, v49;
	v48 =	vmax.f32 v48, $0.0e+00  }
0x35e: {  	v58 =	vor.u32 v45, v59;
	v52 =	vmax.f32 v52, $9.999999970e-07;
	v48 =	vadd.f32 v57, v48  }
0x35f: {  	v55 =	vld.idx.msk [tilespmem:v55+s19+$0x0], $0xffff;
	v63 =	vsub.f32 v49, v54;
	v57 =	vsub.f32 v50, v52;
	v53 =	vmax.f32 v53, $0.0e+00  }
0x360: {  	v51 =	vld.idx.msk [tilespmem:v51+s18+$0x0], $0xffff;
	v48 =	vadd.f32 v48, v53  }
0x361: {  	v50 =	vadd.f32 v52, v50;
	v49 =	vmax.f32 v63, $0.0e+00;
	v59 =	vsub.f32 v57, v56  }
0x362: {  	v53 =	vld.idx.msk [tilespmem:v60+s19+$0x0], $0xffff;
	v48 =	vadd.f32 v48, v49  }
0x363: {  	v61 =	vsub.f32 v56, v50;
	v60 =	vmax.f32 v59, $0.0e+00  }
0x364: {  	v54 =	vld.idx.msk [tilespmem:v58+s17+$0x0], $0xffff;
	v48 =	vadd.f32 v60, v48  }
0x365: {  	v62 =	vand.u32 $0x7FFFFFFF, v55;
	v63 =	vsub.f32 v57, v51;
	v52 =	vmax.f32 v61, $0.0e+00  }
0x366: {  	v49 =	vmax.f32 v62, $9.999999970e-07;
	v48 =	vadd.f32 v48, v52  }
0x367: {  	v50 =	vsub.f32 v51, v50;
	v55 =	vmax.f32 v63, $0.0e+00;
	v57 =	vsub.f32 v53, v49  }
0x368: {  	v59 =	vld.idx.msk [tilespmem:v58+s18+$0x0], $0xffff;
	v48 =	vadd.f32 v48, v55  }
0x369: {  	v50 =	vmax.f32 v50, $0.0e+00;
	v49 =	vadd.f32 v49, v53;
	v60 =	vsub.f32 v57, v54  }
0x36a: {  	v48 =	vadd.f32 v48, v50  }
0x36b: {  	v62 =	vsub.f32 v54, v49;
	v61 =	vmax.f32 v60, $0.0e+00  }
0x36c: {  	v48 =	vadd.f32 v61, v48  }
0x36d: {  	v52 =	vsub.f32 v57, v59;
	v63 =	vmax.f32 v62, $0.0e+00  }
0x36e: {  	v48 =	vadd.f32 v48, v63  }
0x36f: {  	v49 =	vsub.f32 v59, v49;
	v56 =	vmax.f32 v52, $0.0e+00  }
0x370: {  	v48 =	vadd.f32 v48, v56  }
0x371: {  	v49 =	vmax.f32 v49, $0.0e+00  }
0x372: {  	v48 =	vadd.f32 v48, v49;
	_ =	sdelay $0x1  }
0x373: {  	v48 =	vsub.f32 $0.0e+00, v48;
	_ =	sdelay $0x1  }
0x374: {  	s29 =	simm.s32 $0x0;
	[tilespmem:$0x103F0] =	vst v48  }
0x375: {  	[hbm4b:s8+s29] =	stream.linear.scatter [tilespmem:s21], [sflag:$0x2], $0x100, $0x38;
	[tilespmem:$0x10400] =	vst v63  }
0x376: {  	_ =	swait.ge [sflag:s14], $0x100  }
0x377: {  	[sflag:s14] =	ssyncset.done $0x0  }
0x378: {  	[sflag:s14] =	ssyncadd.s32 $0xFFFFFF00  }
0x379: {  	[tilespmem:s29], [sflag:$0x2] =	stream.linear.gather [hbm4b:s9+s29], $0x100, $0x38;
	[tilespmem:$0x10400] =	vst v63  }
0x37a: {  	_ =	swait.ge [sflag:s14], $0x100  }
0x37b: {  	[sflag:s14] =	ssyncset.done $0x0  }
0x37c: {  	[sflag:s14] =	ssyncadd.s32 $0xFFFFFF00  }
0x37d: {  	[tilespmem:s15], [sflag:$0x2] =	stream.linear.gather [hbm4b:s10+s29], $0x100, $0x38;
	[tilespmem:$0x10400] =	vst v63  }
0x37e: {  	_ =	swait.ge [sflag:s14], $0x100  }
0x37f: {  	[sflag:s14] =	ssyncset.done $0x0  }
0x380: {  	[sflag:s14] =	ssyncadd.s32 $0xFFFFFF00  }
0x381: {  	[tilespmem:s16], [sflag:$0x2] =	stream.linear.gather [hbm4b:s11+s29], $0x100, $0x38;
	[tilespmem:$0x10400] =	vst v63  }
0x382: {  	_ =	swait.ge [sflag:s14], $0x100  }
0x383: {  	[sflag:s14] =	ssyncset.done $0x0  }
0x384: {  	[sflag:s14] =	ssyncadd.s32 $0xFFFFFF00  }
0x385: {  	[tilespmem:s17], [sflag:$0x1] =	stream.indirect.gather [hbm4b:s4+s15], $0x40, s29, s15, $0xb8;
	[tilespmem:$0x10400] =	vst v63  }
0x386: {  	_ = 	snop  }
0x387: {  	[tilespmem:s18], [sflag:$0x1] =	stream.indirect.gather [hbm4b:s4+s15], $0x40, s16, s15, $0xb8;
	[tilespmem:$0x10400] =	vst v63  }
0x388: {  	_ = 	snop  }
0x389: {  	[tilespmem:s19], [sflag:$0x1] =	stream.indirect.gather [hbm4b:s1+s15], $0x80, s15, s15, $0xb8;
	[tilespmem:$0x10400] =	vst v63  }
0x38a: {  	_ =	swait.ge [sflag:s20], $0x4000  }
0x38b: {  	[sflag:s20] =	ssyncset.done $0x0  }
0x38c: {  	[sflag:s20] =	ssyncadd.s32 $0xFFFFC000  }
0x38d: {  	_ =	swait.ge [sflag:s20], $0x4000  }
0x38e: {  	v58 =	vmov s29;
	v57 =	vor.u32 s29, v2;
	[sflag:s20] =	ssyncset.done $0x0  }
0x38f: {  	v49 =	vand.u32 $0x3F, v58;
	[sflag:s20] =	ssyncadd.s32 $0xFFFFC000  }
0x390: {  	v59 =	vor.u32 v0, v49;
	_ =	swait.ge [sflag:s20], $0x8000  }
0x391: {  	[sflag:s20] =	ssyncset.done $0x0  }
0x392: {  	v49 =	vor.u32 v1, v49;
	[sflag:s20] =	ssyncadd.s32 $0xFFFF8000  }
0x393: {  	v48 =	vld.idx.msk [tilespmem:v57+s19+$0x0], $0xffff  }
0x394: {  	s30 =	simm.s32 $0x1  }
0x395: {  	v51 =	vor.u32 s30, v2;
	v53 =	vld.idx.msk [tilespmem:v59+s19+$0x0], $0xffff  }
0x396: {  	v60 =	vmov s30  }
0x397: {  	v61 =	vand.u32 $0x3F, v60;
	v50 =	vld.idx.msk [tilespmem:v49+s17+$0x0], $0xffff  }
0x398: {  	v62 =	vor.u32 v0, v61;
	v48 =	vand.u32 $0x7FFFFFFF, v48  }
0x399: {  	v56 =	vor.u32 v1, v61;
	v63 =	vmax.f32 v48, $9.999999970e-07  }
0x39a: {  	v52 =	vld.idx.msk [tilespmem:v51+s19+$0x0], $0xffff;
	v54 =	vsub.f32 v53, v63  }
0x39b: {  	s31 =	simm.s32 $0x2;
	v49 =	vld.idx.msk [tilespmem:v49+s18+$0x0], $0xffff  }
0x39c: {  	v55 =	vor.u32 s31, v2;
	v53 =	vadd.f32 v63, v53;
	v58 =	vsub.f32 v54, v50  }
0x39d: {  	s23 =	simm.s32 $0x3;
	v57 =	vimm.f32 $0.0e+00;
	v59 =	vmov s31;
	v51 =	vmov v56;
	v48 =	vld.idx.msk [tilespmem:v62+s19+$0x0], $0xffff  }
.LBB2_34:
0x39e: {  	p0 =	sne.s32 s23, $0x3F;
	v59 =	vand.u32 $0x3F, v59;
	v58 =	vmax.f32 v58, $0.0e+00;
	v60 =	vsub.f32 v50, v53;
	v50 =	vld.idx.msk [tilespmem:v56+s17+$0x0], $0xffff  }
0x39f: {  	v61 =	vor.u32 v0, v59;
	v57 =	vadd.f32 v58, v57  }
0x3a0: {  	v58 =	vand.u32 $0x7FFFFFFF, v52;
	v62 =	vsub.f32 v54, v49;
	v60 =	vmax.f32 v60, $0.0e+00  }
.Ltmp16:
0x3a1: {  	v56 =	vor.u32 v1, v59;
	v58 =	vmax.f32 v58, $9.999999970e-07;
	v52 =	vld.idx.msk [tilespmem:v55+s19+$0x0], $0xffff;
	v57 =	vadd.f32 v57, v60;
	(pc) =	sbr.rel @p0 .LBB2_34-.Ltmp16, $4  }
0x3a2: {  	v54 =	vsub.f32 v48, v58;
	v59 =	vmax.f32 v62, $0.0e+00;
	v60 =	vsub.f32 v49, v53;
	v49 =	vld.idx.msk [tilespmem:v51+s18+$0x0], $0xffff;
	v51 =	vmovc v56  }
0x3a3: {  	v55 =	vor.u32 s23, v2;
	v57 =	vadd.f32 v57, v59  }
0x3a4: {  	v53 =	vadd.f32 v58, v48;
	v58 =	vsub.f32 v54, v50;
	v60 =	vmax.f32 v60, $0.0e+00;
	v48 =	vld.idx.msk [tilespmem:v61+s19+$0x0], $0xffff  }
0x3a5: {  	v59 =	vmov s23;
	s23 =	sadd.s32 $0x1, s23;
	v57 =	vadd.f32 v57, v60  }
0x3a6: {  	_ =	sdelay $0x2  }
0x3a7: {  	v58 =	vmax.f32 v58, $0.0e+00;
	v50 =	vsub.f32 v50, v53  }
0x3a8: {  	v59 =	vand.u32 $0x3F, v59;
	v56 =	vld.idx.msk [tilespmem:v56+s17+$0x0], $0xffff;
	v52 =	vand.u32 $0x7FFFFFFF, v52;
	v57 =	vadd.f32 v58, v57  }
0x3a9: {  	v60 =	vor.u32 v0, v59;
	v54 =	vsub.f32 v54, v49;
	v50 =	vmax.f32 v50, $0.0e+00  }
0x3aa: {  	v58 =	vor.u32 v1, v59;
	v52 =	vmax.f32 v52, $9.999999970e-07;
	v50 =	vadd.f32 v57, v50  }
0x3ab: {  	v55 =	vld.idx.msk [tilespmem:v55+s19+$0x0], $0xffff;
	v63 =	vsub.f32 v49, v53;
	v57 =	vsub.f32 v48, v52;
	v54 =	vmax.f32 v54, $0.0e+00  }
0x3ac: {  	v51 =	vld.idx.msk [tilespmem:v51+s18+$0x0], $0xffff;
	v50 =	vadd.f32 v50, v54  }
0x3ad: {  	v48 =	vadd.f32 v52, v48;
	v49 =	vmax.f32 v63, $0.0e+00;
	v59 =	vsub.f32 v57, v56  }
0x3ae: {  	v53 =	vld.idx.msk [tilespmem:v60+s19+$0x0], $0xffff;
	v49 =	vadd.f32 v50, v49  }
0x3af: {  	v61 =	vsub.f32 v56, v48;
	v60 =	vmax.f32 v59, $0.0e+00  }
0x3b0: {  	v54 =	vld.idx.msk [tilespmem:v58+s17+$0x0], $0xffff;
	v49 =	vadd.f32 v60, v49  }
0x3b1: {  	v62 =	vand.u32 $0x7FFFFFFF, v55;
	v63 =	vsub.f32 v57, v51;
	v52 =	vmax.f32 v61, $0.0e+00  }
0x3b2: {  	v50 =	vmax.f32 v62, $9.999999970e-07;
	v49 =	vadd.f32 v49, v52  }
0x3b3: {  	v48 =	vsub.f32 v51, v48;
	v55 =	vmax.f32 v63, $0.0e+00;
	v57 =	vsub.f32 v53, v50  }
0x3b4: {  	v59 =	vld.idx.msk [tilespmem:v58+s18+$0x0], $0xffff;
	v49 =	vadd.f32 v49, v55  }
0x3b5: {  	v48 =	vmax.f32 v48, $0.0e+00;
	v50 =	vadd.f32 v50, v53;
	v60 =	vsub.f32 v57, v54  }
0x3b6: {  	v48 =	vadd.f32 v49, v48  }
0x3b7: {  	v62 =	vsub.f32 v54, v50;
	v61 =	vmax.f32 v60, $0.0e+00  }
0x3b8: {  	v48 =	vadd.f32 v61, v48  }
0x3b9: {  	v52 =	vsub.f32 v57, v59;
	v63 =	vmax.f32 v62, $0.0e+00  }
0x3ba: {  	v48 =	vadd.f32 v48, v63  }
0x3bb: {  	v50 =	vsub.f32 v59, v50;
	v55 =	vmax.f32 v52, $0.0e+00  }
0x3bc: {  	v48 =	vadd.f32 v48, v55  }
0x3bd: {  	s23 =	simm.s32 $0x0;
	v56 =	vmax.f32 v50, $0.0e+00  }
0x3be: {  	v58 =	vmov s23;
	v57 =	vor.u32 s23, v4;
	v48 =	vadd.f32 v48, v56  }
0x3bf: {  	v50 =	vand.u32 $0x3F, v58  }
0x3c0: {  	v59 =	vor.u32 v3, v50;
	v48 =	vsub.f32 $0.0e+00, v48;
	_ =	sdelay $0x1  }
0x3c1: {  	[tilespmem:$0x10300] =	vst v48;
	v48 =	vor.u32 v5, v50  }
0x3c2: {  	v49 =	vld.idx.msk [tilespmem:v57+s19+$0x0], $0xffff  }
0x3c3: {  	s30 =	simm.s32 $0x1  }
0x3c4: {  	v52 =	vor.u32 s30, v4;
	v51 =	vld.idx.msk [tilespmem:v59+s19+$0x0], $0xffff  }
0x3c5: {  	v60 =	vmov s30  }
0x3c6: {  	v61 =	vand.u32 $0x3F, v60;
	v50 =	vld.idx.msk [tilespmem:v48+s17+$0x0], $0xffff  }
0x3c7: {  	v62 =	vor.u32 v3, v61;
	v49 =	vand.u32 $0x7FFFFFFF, v49  }
0x3c8: {  	v56 =	vor.u32 v5, v61;
	v63 =	vmax.f32 v49, $9.999999970e-07  }
0x3c9: {  	v52 =	vld.idx.msk [tilespmem:v52+s19+$0x0], $0xffff;
	v54 =	vsub.f32 v51, v63  }
0x3ca: {  	s31 =	simm.s32 $0x2;
	v49 =	vld.idx.msk [tilespmem:v48+s18+$0x0], $0xffff  }
0x3cb: {  	v55 =	vor.u32 s31, v4;
	v53 =	vadd.f32 v63, v51;
	v58 =	vsub.f32 v54, v50  }
0x3cc: {  	s23 =	simm.s32 $0x3;
	v57 =	vimm.f32 $0.0e+00;
	v59 =	vmov s31;
	v48 =	vld.idx.msk [tilespmem:v62+s19+$0x0], $0xffff;
	v51 =	vmov v56  }
.LBB2_36:
0x3cd: {  	p0 =	sne.s32 s23, $0x3F;
	v59 =	vand.u32 $0x3F, v59;
	v58 =	vmax.f32 v58, $0.0e+00;
	v60 =	vsub.f32 v50, v53;
	v50 =	vld.idx.msk [tilespmem:v56+s17+$0x0], $0xffff  }
0x3ce: {  	v61 =	vor.u32 v3, v59;
	v57 =	vadd.f32 v58, v57  }
0x3cf: {  	v58 =	vand.u32 $0x7FFFFFFF, v52;
	v62 =	vsub.f32 v54, v49;
	v60 =	vmax.f32 v60, $0.0e+00  }
.Ltmp17:
0x3d0: {  	v56 =	vor.u32 v5, v59;
	v58 =	vmax.f32 v58, $9.999999970e-07;
	v52 =	vld.idx.msk [tilespmem:v55+s19+$0x0], $0xffff;
	v57 =	vadd.f32 v57, v60;
	(pc) =	sbr.rel @p0 .LBB2_36-.Ltmp17, $4  }
0x3d1: {  	v54 =	vsub.f32 v48, v58;
	v59 =	vmax.f32 v62, $0.0e+00;
	v60 =	vsub.f32 v49, v53;
	v49 =	vld.idx.msk [tilespmem:v51+s18+$0x0], $0xffff;
	v51 =	vmovc v56  }
0x3d2: {  	v55 =	vor.u32 s23, v4;
	v57 =	vadd.f32 v57, v59  }
0x3d3: {  	v53 =	vadd.f32 v58, v48;
	v58 =	vsub.f32 v54, v50;
	v60 =	vmax.f32 v60, $0.0e+00;
	v48 =	vld.idx.msk [tilespmem:v61+s19+$0x0], $0xffff  }
0x3d4: {  	v59 =	vmov s23;
	s23 =	sadd.s32 $0x1, s23;
	v57 =	vadd.f32 v57, v60  }
0x3d5: {  	_ =	sdelay $0x2  }
0x3d6: {  	v58 =	vmax.f32 v58, $0.0e+00;
	v50 =	vsub.f32 v50, v53  }
0x3d7: {  	v59 =	vand.u32 $0x3F, v59;
	v56 =	vld.idx.msk [tilespmem:v56+s17+$0x0], $0xffff;
	v52 =	vand.u32 $0x7FFFFFFF, v52;
	v57 =	vadd.f32 v58, v57  }
0x3d8: {  	v60 =	vor.u32 v3, v59;
	v54 =	vsub.f32 v54, v49;
	v50 =	vmax.f32 v50, $0.0e+00  }
0x3d9: {  	v58 =	vor.u32 v5, v59;
	v52 =	vmax.f32 v52, $9.999999970e-07;
	v50 =	vadd.f32 v57, v50  }
0x3da: {  	v55 =	vld.idx.msk [tilespmem:v55+s19+$0x0], $0xffff;
	v63 =	vsub.f32 v49, v53;
	v57 =	vsub.f32 v48, v52;
	v54 =	vmax.f32 v54, $0.0e+00  }
0x3db: {  	v51 =	vld.idx.msk [tilespmem:v51+s18+$0x0], $0xffff;
	v50 =	vadd.f32 v50, v54  }
0x3dc: {  	v48 =	vadd.f32 v52, v48;
	v49 =	vmax.f32 v63, $0.0e+00;
	v59 =	vsub.f32 v57, v56  }
0x3dd: {  	v53 =	vld.idx.msk [tilespmem:v60+s19+$0x0], $0xffff;
	v49 =	vadd.f32 v50, v49  }
0x3de: {  	v61 =	vsub.f32 v56, v48;
	v60 =	vmax.f32 v59, $0.0e+00  }
0x3df: {  	v54 =	vld.idx.msk [tilespmem:v58+s17+$0x0], $0xffff;
	v49 =	vadd.f32 v60, v49  }
0x3e0: {  	v62 =	vand.u32 $0x7FFFFFFF, v55;
	v63 =	vsub.f32 v57, v51;
	v52 =	vmax.f32 v61, $0.0e+00  }
0x3e1: {  	v50 =	vmax.f32 v62, $9.999999970e-07;
	v49 =	vadd.f32 v49, v52  }
0x3e2: {  	v48 =	vsub.f32 v51, v48;
	v55 =	vmax.f32 v63, $0.0e+00;
	v57 =	vsub.f32 v53, v50  }
0x3e3: {  	v59 =	vld.idx.msk [tilespmem:v58+s18+$0x0], $0xffff;
	v49 =	vadd.f32 v49, v55  }
0x3e4: {  	v48 =	vmax.f32 v48, $0.0e+00;
	v50 =	vadd.f32 v50, v53;
	v60 =	vsub.f32 v57, v54  }
0x3e5: {  	v48 =	vadd.f32 v49, v48  }
0x3e6: {  	v62 =	vsub.f32 v54, v50;
	v61 =	vmax.f32 v60, $0.0e+00  }
0x3e7: {  	v48 =	vadd.f32 v61, v48  }
0x3e8: {  	v52 =	vsub.f32 v57, v59;
	v63 =	vmax.f32 v62, $0.0e+00  }
0x3e9: {  	v48 =	vadd.f32 v48, v63  }
0x3ea: {  	v50 =	vsub.f32 v59, v50;
	v55 =	vmax.f32 v52, $0.0e+00  }
0x3eb: {  	v48 =	vadd.f32 v48, v55  }
0x3ec: {  	s23 =	simm.s32 $0x0;
	v56 =	vmax.f32 v50, $0.0e+00  }
0x3ed: {  	v58 =	vmov s23;
	v57 =	vor.u32 s23, v7;
	v48 =	vadd.f32 v48, v56  }
0x3ee: {  	v50 =	vand.u32 $0x3F, v58  }
0x3ef: {  	v59 =	vor.u32 v6, v50;
	v48 =	vsub.f32 $0.0e+00, v48;
	_ =	sdelay $0x1  }
0x3f0: {  	[tilespmem:$0x10310] =	vst v48;
	v48 =	vor.u32 v8, v50  }
0x3f1: {  	v49 =	vld.idx.msk [tilespmem:v57+s19+$0x0], $0xffff  }
0x3f2: {  	s30 =	simm.s32 $0x1  }
0x3f3: {  	v52 =	vor.u32 s30, v7;
	v51 =	vld.idx.msk [tilespmem:v59+s19+$0x0], $0xffff  }
0x3f4: {  	v60 =	vmov s30  }
0x3f5: {  	v61 =	vand.u32 $0x3F, v60;
	v50 =	vld.idx.msk [tilespmem:v48+s17+$0x0], $0xffff  }
0x3f6: {  	v62 =	vor.u32 v6, v61;
	v49 =	vand.u32 $0x7FFFFFFF, v49  }
0x3f7: {  	v56 =	vor.u32 v8, v61;
	v63 =	vmax.f32 v49, $9.999999970e-07  }
0x3f8: {  	v52 =	vld.idx.msk [tilespmem:v52+s19+$0x0], $0xffff;
	v54 =	vsub.f32 v51, v63  }
0x3f9: {  	s31 =	simm.s32 $0x2;
	v49 =	vld.idx.msk [tilespmem:v48+s18+$0x0], $0xffff  }
0x3fa: {  	v55 =	vor.u32 s31, v7;
	v53 =	vadd.f32 v63, v51;
	v58 =	vsub.f32 v54, v50  }
0x3fb: {  	s23 =	simm.s32 $0x3;
	v57 =	vimm.f32 $0.0e+00;
	v59 =	vmov s31;
	v48 =	vld.idx.msk [tilespmem:v62+s19+$0x0], $0xffff;
	v51 =	vmov v56  }
.LBB2_38:
0x3fc: {  	p0 =	sne.s32 s23, $0x3F;
	v59 =	vand.u32 $0x3F, v59;
	v58 =	vmax.f32 v58, $0.0e+00;
	v60 =	vsub.f32 v50, v53;
	v50 =	vld.idx.msk [tilespmem:v56+s17+$0x0], $0xffff  }
0x3fd: {  	v61 =	vor.u32 v6, v59;
	v57 =	vadd.f32 v58, v57  }
0x3fe: {  	v58 =	vand.u32 $0x7FFFFFFF, v52;
	v62 =	vsub.f32 v54, v49;
	v60 =	vmax.f32 v60, $0.0e+00  }
.Ltmp18:
0x3ff: {  	v56 =	vor.u32 v8, v59;
	v58 =	vmax.f32 v58, $9.999999970e-07;
	v52 =	vld.idx.msk [tilespmem:v55+s19+$0x0], $0xffff;
	v57 =	vadd.f32 v57, v60;
	(pc) =	sbr.rel @p0 .LBB2_38-.Ltmp18, $4  }
0x400: {  	v54 =	vsub.f32 v48, v58;
	v59 =	vmax.f32 v62, $0.0e+00;
	v60 =	vsub.f32 v49, v53;
	v49 =	vld.idx.msk [tilespmem:v51+s18+$0x0], $0xffff;
	v51 =	vmovc v56  }
0x401: {  	v55 =	vor.u32 s23, v7;
	v57 =	vadd.f32 v57, v59  }
0x402: {  	v53 =	vadd.f32 v58, v48;
	v58 =	vsub.f32 v54, v50;
	v60 =	vmax.f32 v60, $0.0e+00;
	v48 =	vld.idx.msk [tilespmem:v61+s19+$0x0], $0xffff  }
0x403: {  	v59 =	vmov s23;
	s23 =	sadd.s32 $0x1, s23;
	v57 =	vadd.f32 v57, v60  }
0x404: {  	_ =	sdelay $0x2  }
0x405: {  	v58 =	vmax.f32 v58, $0.0e+00;
	v50 =	vsub.f32 v50, v53  }
0x406: {  	v59 =	vand.u32 $0x3F, v59;
	v56 =	vld.idx.msk [tilespmem:v56+s17+$0x0], $0xffff;
	v52 =	vand.u32 $0x7FFFFFFF, v52;
	v57 =	vadd.f32 v58, v57  }
0x407: {  	v60 =	vor.u32 v6, v59;
	v54 =	vsub.f32 v54, v49;
	v50 =	vmax.f32 v50, $0.0e+00  }
0x408: {  	v58 =	vor.u32 v8, v59;
	v52 =	vmax.f32 v52, $9.999999970e-07;
	v50 =	vadd.f32 v57, v50  }
0x409: {  	v55 =	vld.idx.msk [tilespmem:v55+s19+$0x0], $0xffff;
	v63 =	vsub.f32 v49, v53;
	v57 =	vsub.f32 v48, v52;
	v54 =	vmax.f32 v54, $0.0e+00  }
0x40a: {  	v51 =	vld.idx.msk [tilespmem:v51+s18+$0x0], $0xffff;
	v50 =	vadd.f32 v50, v54  }
0x40b: {  	v48 =	vadd.f32 v52, v48;
	v49 =	vmax.f32 v63, $0.0e+00;
	v59 =	vsub.f32 v57, v56  }
0x40c: {  	v53 =	vld.idx.msk [tilespmem:v60+s19+$0x0], $0xffff;
	v49 =	vadd.f32 v50, v49  }
0x40d: {  	v61 =	vsub.f32 v56, v48;
	v60 =	vmax.f32 v59, $0.0e+00  }
0x40e: {  	v54 =	vld.idx.msk [tilespmem:v58+s17+$0x0], $0xffff;
	v49 =	vadd.f32 v60, v49  }
0x40f: {  	v62 =	vand.u32 $0x7FFFFFFF, v55;
	v63 =	vsub.f32 v57, v51;
	v52 =	vmax.f32 v61, $0.0e+00  }
0x410: {  	v50 =	vmax.f32 v62, $9.999999970e-07;
	v49 =	vadd.f32 v49, v52  }
0x411: {  	v48 =	vsub.f32 v51, v48;
	v55 =	vmax.f32 v63, $0.0e+00;
	v57 =	vsub.f32 v53, v50  }
0x412: {  	v59 =	vld.idx.msk [tilespmem:v58+s18+$0x0], $0xffff;
	v49 =	vadd.f32 v49, v55  }
0x413: {  	v48 =	vmax.f32 v48, $0.0e+00;
	v50 =	vadd.f32 v50, v53;
	v60 =	vsub.f32 v57, v54  }
0x414: {  	v48 =	vadd.f32 v49, v48  }
0x415: {  	v62 =	vsub.f32 v54, v50;
	v61 =	vmax.f32 v60, $0.0e+00  }
0x416: {  	v48 =	vadd.f32 v61, v48  }
0x417: {  	v52 =	vsub.f32 v57, v59;
	v63 =	vmax.f32 v62, $0.0e+00  }
0x418: {  	v48 =	vadd.f32 v48, v63  }
0x419: {  	v50 =	vsub.f32 v59, v50;
	v55 =	vmax.f32 v52, $0.0e+00  }
0x41a: {  	v48 =	vadd.f32 v48, v55  }
0x41b: {  	s23 =	simm.s32 $0x0;
	v56 =	vmax.f32 v50, $0.0e+00  }
0x41c: {  	v58 =	vmov s23;
	v57 =	vor.u32 s23, v10;
	v48 =	vadd.f32 v48, v56  }
0x41d: {  	v50 =	vand.u32 $0x3F, v58  }
0x41e: {  	v59 =	vor.u32 v9, v50;
	v48 =	vsub.f32 $0.0e+00, v48;
	_ =	sdelay $0x1  }
0x41f: {  	[tilespmem:$0x10320] =	vst v48;
	v48 =	vor.u32 v11, v50  }
0x420: {  	v49 =	vld.idx.msk [tilespmem:v57+s19+$0x0], $0xffff  }
0x421: {  	s30 =	simm.s32 $0x1  }
0x422: {  	v52 =	vor.u32 s30, v10;
	v51 =	vld.idx.msk [tilespmem:v59+s19+$0x0], $0xffff  }
0x423: {  	v60 =	vmov s30  }
0x424: {  	v61 =	vand.u32 $0x3F, v60;
	v50 =	vld.idx.msk [tilespmem:v48+s17+$0x0], $0xffff  }
0x425: {  	v62 =	vor.u32 v9, v61;
	v49 =	vand.u32 $0x7FFFFFFF, v49  }
0x426: {  	v56 =	vor.u32 v11, v61;
	v63 =	vmax.f32 v49, $9.999999970e-07  }
0x427: {  	v52 =	vld.idx.msk [tilespmem:v52+s19+$0x0], $0xffff;
	v54 =	vsub.f32 v51, v63  }
0x428: {  	s31 =	simm.s32 $0x2;
	v49 =	vld.idx.msk [tilespmem:v48+s18+$0x0], $0xffff  }
0x429: {  	v55 =	vor.u32 s31, v10;
	v53 =	vadd.f32 v63, v51;
	v58 =	vsub.f32 v54, v50  }
0x42a: {  	s23 =	simm.s32 $0x3;
	v57 =	vimm.f32 $0.0e+00;
	v59 =	vmov s31;
	v48 =	vld.idx.msk [tilespmem:v62+s19+$0x0], $0xffff;
	v51 =	vmov v56  }
.LBB2_40:
0x42b: {  	p0 =	sne.s32 s23, $0x3F;
	v59 =	vand.u32 $0x3F, v59;
	v58 =	vmax.f32 v58, $0.0e+00;
	v60 =	vsub.f32 v50, v53;
	v50 =	vld.idx.msk [tilespmem:v56+s17+$0x0], $0xffff  }
0x42c: {  	v61 =	vor.u32 v9, v59;
	v57 =	vadd.f32 v58, v57  }
0x42d: {  	v58 =	vand.u32 $0x7FFFFFFF, v52;
	v62 =	vsub.f32 v54, v49;
	v60 =	vmax.f32 v60, $0.0e+00  }
.Ltmp19:
0x42e: {  	v56 =	vor.u32 v11, v59;
	v58 =	vmax.f32 v58, $9.999999970e-07;
	v52 =	vld.idx.msk [tilespmem:v55+s19+$0x0], $0xffff;
	v57 =	vadd.f32 v57, v60;
	(pc) =	sbr.rel @p0 .LBB2_40-.Ltmp19, $4  }
0x42f: {  	v54 =	vsub.f32 v48, v58;
	v59 =	vmax.f32 v62, $0.0e+00;
	v60 =	vsub.f32 v49, v53;
	v49 =	vld.idx.msk [tilespmem:v51+s18+$0x0], $0xffff;
	v51 =	vmovc v56  }
0x430: {  	v55 =	vor.u32 s23, v10;
	v57 =	vadd.f32 v57, v59  }
0x431: {  	v53 =	vadd.f32 v58, v48;
	v58 =	vsub.f32 v54, v50;
	v60 =	vmax.f32 v60, $0.0e+00;
	v48 =	vld.idx.msk [tilespmem:v61+s19+$0x0], $0xffff  }
0x432: {  	v59 =	vmov s23;
	s23 =	sadd.s32 $0x1, s23;
	v57 =	vadd.f32 v57, v60  }
0x433: {  	_ =	sdelay $0x2  }
0x434: {  	v58 =	vmax.f32 v58, $0.0e+00;
	v50 =	vsub.f32 v50, v53  }
0x435: {  	v59 =	vand.u32 $0x3F, v59;
	v56 =	vld.idx.msk [tilespmem:v56+s17+$0x0], $0xffff;
	v52 =	vand.u32 $0x7FFFFFFF, v52;
	v57 =	vadd.f32 v58, v57  }
0x436: {  	v60 =	vor.u32 v9, v59;
	v54 =	vsub.f32 v54, v49;
	v50 =	vmax.f32 v50, $0.0e+00  }
0x437: {  	v58 =	vor.u32 v11, v59;
	v52 =	vmax.f32 v52, $9.999999970e-07;
	v50 =	vadd.f32 v57, v50  }
0x438: {  	v55 =	vld.idx.msk [tilespmem:v55+s19+$0x0], $0xffff;
	v63 =	vsub.f32 v49, v53;
	v57 =	vsub.f32 v48, v52;
	v54 =	vmax.f32 v54, $0.0e+00  }
0x439: {  	v51 =	vld.idx.msk [tilespmem:v51+s18+$0x0], $0xffff;
	v50 =	vadd.f32 v50, v54  }
0x43a: {  	v48 =	vadd.f32 v52, v48;
	v49 =	vmax.f32 v63, $0.0e+00;
	v59 =	vsub.f32 v57, v56  }
0x43b: {  	v53 =	vld.idx.msk [tilespmem:v60+s19+$0x0], $0xffff;
	v49 =	vadd.f32 v50, v49  }
0x43c: {  	v61 =	vsub.f32 v56, v48;
	v60 =	vmax.f32 v59, $0.0e+00  }
0x43d: {  	v54 =	vld.idx.msk [tilespmem:v58+s17+$0x0], $0xffff;
	v49 =	vadd.f32 v60, v49  }
0x43e: {  	v62 =	vand.u32 $0x7FFFFFFF, v55;
	v63 =	vsub.f32 v57, v51;
	v52 =	vmax.f32 v61, $0.0e+00  }
0x43f: {  	v50 =	vmax.f32 v62, $9.999999970e-07;
	v49 =	vadd.f32 v49, v52  }
0x440: {  	v48 =	vsub.f32 v51, v48;
	v55 =	vmax.f32 v63, $0.0e+00;
	v57 =	vsub.f32 v53, v50  }
0x441: {  	v59 =	vld.idx.msk [tilespmem:v58+s18+$0x0], $0xffff;
	v49 =	vadd.f32 v49, v55  }
0x442: {  	v48 =	vmax.f32 v48, $0.0e+00;
	v50 =	vadd.f32 v50, v53;
	v60 =	vsub.f32 v57, v54  }
0x443: {  	v48 =	vadd.f32 v49, v48  }
0x444: {  	v62 =	vsub.f32 v54, v50;
	v61 =	vmax.f32 v60, $0.0e+00  }
0x445: {  	v48 =	vadd.f32 v61, v48  }
0x446: {  	v52 =	vsub.f32 v57, v59;
	v63 =	vmax.f32 v62, $0.0e+00  }
0x447: {  	v48 =	vadd.f32 v48, v63  }
0x448: {  	v50 =	vsub.f32 v59, v50;
	v55 =	vmax.f32 v52, $0.0e+00  }
0x449: {  	v48 =	vadd.f32 v48, v55  }
0x44a: {  	s23 =	simm.s32 $0x0;
	v56 =	vmax.f32 v50, $0.0e+00  }
0x44b: {  	v58 =	vmov s23;
	v57 =	vor.u32 s23, v13;
	v48 =	vadd.f32 v48, v56  }
0x44c: {  	v50 =	vand.u32 $0x3F, v58  }
0x44d: {  	v59 =	vor.u32 v12, v50;
	v48 =	vsub.f32 $0.0e+00, v48;
	_ =	sdelay $0x1  }
0x44e: {  	[tilespmem:$0x10330] =	vst v48;
	v48 =	vor.u32 v14, v50  }
0x44f: {  	v49 =	vld.idx.msk [tilespmem:v57+s19+$0x0], $0xffff  }
0x450: {  	s30 =	simm.s32 $0x1  }
0x451: {  	v52 =	vor.u32 s30, v13;
	v51 =	vld.idx.msk [tilespmem:v59+s19+$0x0], $0xffff  }
0x452: {  	v60 =	vmov s30  }
0x453: {  	v61 =	vand.u32 $0x3F, v60;
	v50 =	vld.idx.msk [tilespmem:v48+s17+$0x0], $0xffff  }
0x454: {  	v62 =	vor.u32 v12, v61;
	v49 =	vand.u32 $0x7FFFFFFF, v49  }
0x455: {  	v56 =	vor.u32 v14, v61;
	v63 =	vmax.f32 v49, $9.999999970e-07  }
0x456: {  	v52 =	vld.idx.msk [tilespmem:v52+s19+$0x0], $0xffff;
	v54 =	vsub.f32 v51, v63  }
0x457: {  	s31 =	simm.s32 $0x2;
	v49 =	vld.idx.msk [tilespmem:v48+s18+$0x0], $0xffff  }
0x458: {  	v55 =	vor.u32 s31, v13;
	v53 =	vadd.f32 v63, v51;
	v58 =	vsub.f32 v54, v50  }
0x459: {  	s23 =	simm.s32 $0x3;
	v57 =	vimm.f32 $0.0e+00;
	v59 =	vmov s31;
	v48 =	vld.idx.msk [tilespmem:v62+s19+$0x0], $0xffff;
	v51 =	vmov v56  }
.LBB2_42:
0x45a: {  	p0 =	sne.s32 s23, $0x3F;
	v59 =	vand.u32 $0x3F, v59;
	v58 =	vmax.f32 v58, $0.0e+00;
	v60 =	vsub.f32 v50, v53;
	v50 =	vld.idx.msk [tilespmem:v56+s17+$0x0], $0xffff  }
0x45b: {  	v61 =	vor.u32 v12, v59;
	v57 =	vadd.f32 v58, v57  }
0x45c: {  	v58 =	vand.u32 $0x7FFFFFFF, v52;
	v62 =	vsub.f32 v54, v49;
	v60 =	vmax.f32 v60, $0.0e+00  }
.Ltmp20:
0x45d: {  	v56 =	vor.u32 v14, v59;
	v58 =	vmax.f32 v58, $9.999999970e-07;
	v52 =	vld.idx.msk [tilespmem:v55+s19+$0x0], $0xffff;
	v57 =	vadd.f32 v57, v60;
	(pc) =	sbr.rel @p0 .LBB2_42-.Ltmp20, $4  }
0x45e: {  	v54 =	vsub.f32 v48, v58;
	v59 =	vmax.f32 v62, $0.0e+00;
	v60 =	vsub.f32 v49, v53;
	v49 =	vld.idx.msk [tilespmem:v51+s18+$0x0], $0xffff;
	v51 =	vmovc v56  }
0x45f: {  	v55 =	vor.u32 s23, v13;
	v57 =	vadd.f32 v57, v59  }
0x460: {  	v53 =	vadd.f32 v58, v48;
	v58 =	vsub.f32 v54, v50;
	v60 =	vmax.f32 v60, $0.0e+00;
	v48 =	vld.idx.msk [tilespmem:v61+s19+$0x0], $0xffff  }
0x461: {  	v59 =	vmov s23;
	s23 =	sadd.s32 $0x1, s23;
	v57 =	vadd.f32 v57, v60  }
0x462: {  	_ =	sdelay $0x2  }
0x463: {  	v58 =	vmax.f32 v58, $0.0e+00;
	v50 =	vsub.f32 v50, v53  }
0x464: {  	v59 =	vand.u32 $0x3F, v59;
	v56 =	vld.idx.msk [tilespmem:v56+s17+$0x0], $0xffff;
	v52 =	vand.u32 $0x7FFFFFFF, v52;
	v57 =	vadd.f32 v58, v57  }
0x465: {  	v60 =	vor.u32 v12, v59;
	v54 =	vsub.f32 v54, v49;
	v50 =	vmax.f32 v50, $0.0e+00  }
0x466: {  	v58 =	vor.u32 v14, v59;
	v52 =	vmax.f32 v52, $9.999999970e-07;
	v50 =	vadd.f32 v57, v50  }
0x467: {  	v55 =	vld.idx.msk [tilespmem:v55+s19+$0x0], $0xffff;
	v63 =	vsub.f32 v49, v53;
	v57 =	vsub.f32 v48, v52;
	v54 =	vmax.f32 v54, $0.0e+00  }
0x468: {  	v51 =	vld.idx.msk [tilespmem:v51+s18+$0x0], $0xffff;
	v50 =	vadd.f32 v50, v54  }
0x469: {  	v48 =	vadd.f32 v52, v48;
	v49 =	vmax.f32 v63, $0.0e+00;
	v59 =	vsub.f32 v57, v56  }
0x46a: {  	v53 =	vld.idx.msk [tilespmem:v60+s19+$0x0], $0xffff;
	v49 =	vadd.f32 v50, v49  }
0x46b: {  	v61 =	vsub.f32 v56, v48;
	v60 =	vmax.f32 v59, $0.0e+00  }
0x46c: {  	v54 =	vld.idx.msk [tilespmem:v58+s17+$0x0], $0xffff;
	v49 =	vadd.f32 v60, v49  }
0x46d: {  	v62 =	vand.u32 $0x7FFFFFFF, v55;
	v63 =	vsub.f32 v57, v51;
	v52 =	vmax.f32 v61, $0.0e+00  }
0x46e: {  	v50 =	vmax.f32 v62, $9.999999970e-07;
	v49 =	vadd.f32 v49, v52  }
0x46f: {  	v48 =	vsub.f32 v51, v48;
	v55 =	vmax.f32 v63, $0.0e+00;
	v57 =	vsub.f32 v53, v50  }
0x470: {  	v59 =	vld.idx.msk [tilespmem:v58+s18+$0x0], $0xffff;
	v49 =	vadd.f32 v49, v55  }
0x471: {  	v48 =	vmax.f32 v48, $0.0e+00;
	v50 =	vadd.f32 v50, v53;
	v60 =	vsub.f32 v57, v54  }
0x472: {  	v48 =	vadd.f32 v49, v48  }
0x473: {  	v62 =	vsub.f32 v54, v50;
	v61 =	vmax.f32 v60, $0.0e+00  }
0x474: {  	v48 =	vadd.f32 v61, v48  }
0x475: {  	v52 =	vsub.f32 v57, v59;
	v63 =	vmax.f32 v62, $0.0e+00  }
0x476: {  	v48 =	vadd.f32 v48, v63  }
0x477: {  	v50 =	vsub.f32 v59, v50;
	v55 =	vmax.f32 v52, $0.0e+00  }
0x478: {  	v48 =	vadd.f32 v48, v55  }
0x479: {  	s23 =	simm.s32 $0x0;
	v56 =	vmax.f32 v50, $0.0e+00  }
0x47a: {  	v58 =	vmov s23;
	v57 =	vor.u32 s23, v16;
	v48 =	vadd.f32 v48, v56  }
0x47b: {  	v50 =	vand.u32 $0x3F, v58  }
0x47c: {  	v59 =	vor.u32 v15, v50;
	v48 =	vsub.f32 $0.0e+00, v48;
	_ =	sdelay $0x1  }
0x47d: {  	[tilespmem:$0x10340] =	vst v48;
	v48 =	vor.u32 v17, v50  }
0x47e: {  	v49 =	vld.idx.msk [tilespmem:v57+s19+$0x0], $0xffff  }
0x47f: {  	s30 =	simm.s32 $0x1  }
0x480: {  	v52 =	vor.u32 s30, v16;
	v51 =	vld.idx.msk [tilespmem:v59+s19+$0x0], $0xffff  }
0x481: {  	v60 =	vmov s30  }
0x482: {  	v61 =	vand.u32 $0x3F, v60;
	v50 =	vld.idx.msk [tilespmem:v48+s17+$0x0], $0xffff  }
0x483: {  	v62 =	vor.u32 v15, v61;
	v49 =	vand.u32 $0x7FFFFFFF, v49  }
0x484: {  	v56 =	vor.u32 v17, v61;
	v63 =	vmax.f32 v49, $9.999999970e-07  }
0x485: {  	v52 =	vld.idx.msk [tilespmem:v52+s19+$0x0], $0xffff;
	v54 =	vsub.f32 v51, v63  }
0x486: {  	s31 =	simm.s32 $0x2;
	v49 =	vld.idx.msk [tilespmem:v48+s18+$0x0], $0xffff  }
0x487: {  	v55 =	vor.u32 s31, v16;
	v53 =	vadd.f32 v63, v51;
	v58 =	vsub.f32 v54, v50  }
0x488: {  	s23 =	simm.s32 $0x3;
	v57 =	vimm.f32 $0.0e+00;
	v59 =	vmov s31;
	v48 =	vld.idx.msk [tilespmem:v62+s19+$0x0], $0xffff;
	v51 =	vmov v56  }
.LBB2_44:
0x489: {  	p0 =	sne.s32 s23, $0x3F;
	v59 =	vand.u32 $0x3F, v59;
	v58 =	vmax.f32 v58, $0.0e+00;
	v60 =	vsub.f32 v50, v53;
	v50 =	vld.idx.msk [tilespmem:v56+s17+$0x0], $0xffff  }
0x48a: {  	v61 =	vor.u32 v15, v59;
	v57 =	vadd.f32 v58, v57  }
0x48b: {  	v58 =	vand.u32 $0x7FFFFFFF, v52;
	v62 =	vsub.f32 v54, v49;
	v60 =	vmax.f32 v60, $0.0e+00  }
.Ltmp21:
0x48c: {  	v56 =	vor.u32 v17, v59;
	v58 =	vmax.f32 v58, $9.999999970e-07;
	v52 =	vld.idx.msk [tilespmem:v55+s19+$0x0], $0xffff;
	v57 =	vadd.f32 v57, v60;
	(pc) =	sbr.rel @p0 .LBB2_44-.Ltmp21, $4  }
0x48d: {  	v54 =	vsub.f32 v48, v58;
	v59 =	vmax.f32 v62, $0.0e+00;
	v60 =	vsub.f32 v49, v53;
	v49 =	vld.idx.msk [tilespmem:v51+s18+$0x0], $0xffff;
	v51 =	vmovc v56  }
0x48e: {  	v55 =	vor.u32 s23, v16;
	v57 =	vadd.f32 v57, v59  }
0x48f: {  	v53 =	vadd.f32 v58, v48;
	v58 =	vsub.f32 v54, v50;
	v60 =	vmax.f32 v60, $0.0e+00;
	v48 =	vld.idx.msk [tilespmem:v61+s19+$0x0], $0xffff  }
0x490: {  	v59 =	vmov s23;
	s23 =	sadd.s32 $0x1, s23;
	v57 =	vadd.f32 v57, v60  }
0x491: {  	_ =	sdelay $0x2  }
0x492: {  	v58 =	vmax.f32 v58, $0.0e+00;
	v50 =	vsub.f32 v50, v53  }
0x493: {  	v59 =	vand.u32 $0x3F, v59;
	v56 =	vld.idx.msk [tilespmem:v56+s17+$0x0], $0xffff;
	v52 =	vand.u32 $0x7FFFFFFF, v52;
	v57 =	vadd.f32 v58, v57  }
0x494: {  	v60 =	vor.u32 v15, v59;
	v54 =	vsub.f32 v54, v49;
	v50 =	vmax.f32 v50, $0.0e+00  }
0x495: {  	v58 =	vor.u32 v17, v59;
	v52 =	vmax.f32 v52, $9.999999970e-07;
	v50 =	vadd.f32 v57, v50  }
0x496: {  	v55 =	vld.idx.msk [tilespmem:v55+s19+$0x0], $0xffff;
	v63 =	vsub.f32 v49, v53;
	v57 =	vsub.f32 v48, v52;
	v54 =	vmax.f32 v54, $0.0e+00  }
0x497: {  	v51 =	vld.idx.msk [tilespmem:v51+s18+$0x0], $0xffff;
	v50 =	vadd.f32 v50, v54  }
0x498: {  	v48 =	vadd.f32 v52, v48;
	v49 =	vmax.f32 v63, $0.0e+00;
	v59 =	vsub.f32 v57, v56  }
0x499: {  	v53 =	vld.idx.msk [tilespmem:v60+s19+$0x0], $0xffff;
	v49 =	vadd.f32 v50, v49  }
0x49a: {  	v61 =	vsub.f32 v56, v48;
	v60 =	vmax.f32 v59, $0.0e+00  }
0x49b: {  	v54 =	vld.idx.msk [tilespmem:v58+s17+$0x0], $0xffff;
	v49 =	vadd.f32 v60, v49  }
0x49c: {  	v62 =	vand.u32 $0x7FFFFFFF, v55;
	v63 =	vsub.f32 v57, v51;
	v52 =	vmax.f32 v61, $0.0e+00  }
0x49d: {  	v50 =	vmax.f32 v62, $9.999999970e-07;
	v49 =	vadd.f32 v49, v52  }
0x49e: {  	v48 =	vsub.f32 v51, v48;
	v55 =	vmax.f32 v63, $0.0e+00;
	v57 =	vsub.f32 v53, v50  }
0x49f: {  	v59 =	vld.idx.msk [tilespmem:v58+s18+$0x0], $0xffff;
	v49 =	vadd.f32 v49, v55  }
0x4a0: {  	v48 =	vmax.f32 v48, $0.0e+00;
	v50 =	vadd.f32 v50, v53;
	v60 =	vsub.f32 v57, v54  }
0x4a1: {  	v48 =	vadd.f32 v49, v48  }
0x4a2: {  	v62 =	vsub.f32 v54, v50;
	v61 =	vmax.f32 v60, $0.0e+00  }
0x4a3: {  	v48 =	vadd.f32 v61, v48  }
0x4a4: {  	v52 =	vsub.f32 v57, v59;
	v63 =	vmax.f32 v62, $0.0e+00  }
0x4a5: {  	v48 =	vadd.f32 v48, v63  }
0x4a6: {  	v50 =	vsub.f32 v59, v50;
	v55 =	vmax.f32 v52, $0.0e+00  }
0x4a7: {  	v48 =	vadd.f32 v48, v55  }
0x4a8: {  	s23 =	simm.s32 $0x0;
	v56 =	vmax.f32 v50, $0.0e+00  }
0x4a9: {  	v58 =	vmov s23;
	v57 =	vor.u32 s23, v20;
	v48 =	vadd.f32 v48, v56  }
0x4aa: {  	v50 =	vand.u32 $0x3F, v58  }
0x4ab: {  	v59 =	vor.u32 v18, v50;
	v48 =	vsub.f32 $0.0e+00, v48;
	_ =	sdelay $0x1  }
0x4ac: {  	[tilespmem:$0x10350] =	vst v48;
	v48 =	vor.u32 v19, v50  }
0x4ad: {  	v49 =	vld.idx.msk [tilespmem:v57+s19+$0x0], $0xffff  }
0x4ae: {  	s30 =	simm.s32 $0x1  }
0x4af: {  	v52 =	vor.u32 s30, v20;
	v51 =	vld.idx.msk [tilespmem:v59+s19+$0x0], $0xffff  }
0x4b0: {  	v60 =	vmov s30  }
0x4b1: {  	v61 =	vand.u32 $0x3F, v60;
	v50 =	vld.idx.msk [tilespmem:v48+s17+$0x0], $0xffff  }
0x4b2: {  	v62 =	vor.u32 v18, v61;
	v49 =	vand.u32 $0x7FFFFFFF, v49  }
0x4b3: {  	v56 =	vor.u32 v19, v61;
	v63 =	vmax.f32 v49, $9.999999970e-07  }
0x4b4: {  	v52 =	vld.idx.msk [tilespmem:v52+s19+$0x0], $0xffff;
	v54 =	vsub.f32 v51, v63  }
0x4b5: {  	s31 =	simm.s32 $0x2;
	v49 =	vld.idx.msk [tilespmem:v48+s18+$0x0], $0xffff  }
0x4b6: {  	v55 =	vor.u32 s31, v20;
	v53 =	vadd.f32 v63, v51;
	v58 =	vsub.f32 v54, v50  }
0x4b7: {  	s23 =	simm.s32 $0x3;
	v57 =	vimm.f32 $0.0e+00;
	v59 =	vmov s31;
	v48 =	vld.idx.msk [tilespmem:v62+s19+$0x0], $0xffff;
	v51 =	vmov v56  }
.LBB2_46:
0x4b8: {  	p0 =	sne.s32 s23, $0x3F;
	v59 =	vand.u32 $0x3F, v59;
	v58 =	vmax.f32 v58, $0.0e+00;
	v60 =	vsub.f32 v50, v53;
	v50 =	vld.idx.msk [tilespmem:v56+s17+$0x0], $0xffff  }
0x4b9: {  	v61 =	vor.u32 v18, v59;
	v57 =	vadd.f32 v58, v57  }
0x4ba: {  	v58 =	vand.u32 $0x7FFFFFFF, v52;
	v62 =	vsub.f32 v54, v49;
	v60 =	vmax.f32 v60, $0.0e+00  }
.Ltmp22:
0x4bb: {  	v56 =	vor.u32 v19, v59;
	v58 =	vmax.f32 v58, $9.999999970e-07;
	v52 =	vld.idx.msk [tilespmem:v55+s19+$0x0], $0xffff;
	v57 =	vadd.f32 v57, v60;
	(pc) =	sbr.rel @p0 .LBB2_46-.Ltmp22, $4  }
0x4bc: {  	v54 =	vsub.f32 v48, v58;
	v59 =	vmax.f32 v62, $0.0e+00;
	v60 =	vsub.f32 v49, v53;
	v49 =	vld.idx.msk [tilespmem:v51+s18+$0x0], $0xffff;
	v51 =	vmovc v56  }
0x4bd: {  	v55 =	vor.u32 s23, v20;
	v57 =	vadd.f32 v57, v59  }
0x4be: {  	v53 =	vadd.f32 v58, v48;
	v58 =	vsub.f32 v54, v50;
	v60 =	vmax.f32 v60, $0.0e+00;
	v48 =	vld.idx.msk [tilespmem:v61+s19+$0x0], $0xffff  }
0x4bf: {  	v59 =	vmov s23;
	s23 =	sadd.s32 $0x1, s23;
	v57 =	vadd.f32 v57, v60  }
0x4c0: {  	_ =	sdelay $0x2  }
0x4c1: {  	v58 =	vmax.f32 v58, $0.0e+00;
	v50 =	vsub.f32 v50, v53  }
0x4c2: {  	v20 =	vand.u32 $0x3F, v59;
	v56 =	vld.idx.msk [tilespmem:v56+s17+$0x0], $0xffff;
	v52 =	vand.u32 $0x7FFFFFFF, v52;
	v57 =	vadd.f32 v58, v57  }
0x4c3: {  	v59 =	vor.u32 v18, v20;
	v54 =	vsub.f32 v54, v49;
	v50 =	vmax.f32 v50, $0.0e+00  }
0x4c4: {  	v19 =	vor.u32 v19, v20;
	v20 =	vmax.f32 v52, $9.999999970e-07;
	v50 =	vadd.f32 v57, v50  }
0x4c5: {  	v51 =	vld.idx.msk [tilespmem:v51+s18+$0x0], $0xffff;
	v61 =	vsub.f32 v49, v53;
	v60 =	vsub.f32 v48, v20;
	v54 =	vmax.f32 v54, $0.0e+00  }
0x4c6: {  	v52 =	vld.idx.msk [tilespmem:v55+s19+$0x0], $0xffff;
	v50 =	vadd.f32 v50, v54  }
0x4c7: {  	v20 =	vadd.f32 v20, v48;
	v49 =	vmax.f32 v61, $0.0e+00;
	v62 =	vsub.f32 v60, v56  }
0x4c8: {  	v63 =	vld.idx.msk [tilespmem:v59+s19+$0x0], $0xffff;
	v49 =	vadd.f32 v50, v49  }
0x4c9: {  	v57 =	vsub.f32 v56, v20;
	v48 =	vmax.f32 v62, $0.0e+00  }
0x4ca: {  	v58 =	vld.idx.msk [tilespmem:v19+s17+$0x0], $0xffff;
	v48 =	vadd.f32 v48, v49  }
0x4cb: {  	v60 =	vsub.f32 v60, v51;
	v59 =	vand.u32 $0x7FFFFFFF, v52;
	v50 =	vmax.f32 v57, $0.0e+00  }
0x4cc: {  	v49 =	vmax.f32 v59, $9.999999970e-07;
	v48 =	vadd.f32 v48, v50  }
0x4cd: {  	v20 =	vsub.f32 v51, v20;
	v52 =	vmax.f32 v60, $0.0e+00;
	v61 =	vsub.f32 v63, v49  }
0x4ce: {  	v19 =	vld.idx.msk [tilespmem:v19+s18+$0x0], $0xffff;
	v48 =	vadd.f32 v48, v52  }
0x4cf: {  	v20 =	vmax.f32 v20, $0.0e+00;
	v49 =	vadd.f32 v49, v63;
	v62 =	vsub.f32 v61, v58  }
0x4d0: {  	v20 =	vadd.f32 v48, v20  }
0x4d1: {  	v55 =	vsub.f32 v58, v49;
	v63 =	vmax.f32 v62, $0.0e+00  }
0x4d2: {  	v20 =	vadd.f32 v63, v20  }
0x4d3: {  	v50 =	vsub.f32 v61, v19;
	v56 =	vmax.f32 v55, $0.0e+00  }
0x4d4: {  	v20 =	vadd.f32 v20, v56  }
0x4d5: {  	v19 =	vsub.f32 v19, v49;
	v57 =	vmax.f32 v50, $0.0e+00  }
0x4d6: {  	v20 =	vadd.f32 v20, v57  }
0x4d7: {  	s23 =	simm.s32 $0x0;
	v19 =	vmax.f32 v19, $0.0e+00  }
0x4d8: {  	v58 =	vmov s23;
	v19 =	vadd.f32 v20, v19;
	v20 =	vor.u32 s23, v23  }
0x4d9: {  	v48 =	vand.u32 $0x3F, v58  }
0x4da: {  	v59 =	vor.u32 v22, v48;
	v19 =	vsub.f32 $0.0e+00, v19;
	_ =	sdelay $0x1  }
0x4db: {  	[tilespmem:$0x10360] =	vst v19;
	v19 =	vor.u32 v21, v48  }
0x4dc: {  	v20 =	vld.idx.msk [tilespmem:v20+s19+$0x0], $0xffff  }
0x4dd: {  	s30 =	simm.s32 $0x1  }
0x4de: {  	v50 =	vor.u32 s30, v23;
	v49 =	vld.idx.msk [tilespmem:v59+s19+$0x0], $0xffff  }
0x4df: {  	v60 =	vmov s30  }
0x4e0: {  	v61 =	vand.u32 $0x3F, v60;
	v48 =	vld.idx.msk [tilespmem:v19+s17+$0x0], $0xffff  }
0x4e1: {  	v62 =	vor.u32 v22, v61;
	v20 =	vand.u32 $0x7FFFFFFF, v20  }
0x4e2: {  	v54 =	vor.u32 v21, v61;
	v63 =	vmax.f32 v20, $9.999999970e-07  }
0x4e3: {  	v50 =	vld.idx.msk [tilespmem:v50+s19+$0x0], $0xffff;
	v52 =	vsub.f32 v49, v63  }
0x4e4: {  	s31 =	simm.s32 $0x2;
	v20 =	vld.idx.msk [tilespmem:v19+s18+$0x0], $0xffff  }
0x4e5: {  	v53 =	vor.u32 s31, v23;
	v51 =	vadd.f32 v63, v49;
	v56 =	vsub.f32 v52, v48  }
0x4e6: {  	v55 =	vimm.f32 $0.0e+00;
	v57 =	vmov s31;
	s23 =	simm.s32 $0x3;
	v19 =	vld.idx.msk [tilespmem:v62+s19+$0x0], $0xffff;
	v49 =	vmov v54  }
.LBB2_48:
0x4e7: {  	p0 =	sne.s32 s23, $0x3F;
	v57 =	vand.u32 $0x3F, v57;
	v56 =	vmax.f32 v56, $0.0e+00;
	v58 =	vsub.f32 v48, v51;
	v48 =	vld.idx.msk [tilespmem:v54+s17+$0x0], $0xffff  }
0x4e8: {  	v59 =	vor.u32 v22, v57;
	v55 =	vadd.f32 v56, v55  }
0x4e9: {  	v56 =	vand.u32 $0x7FFFFFFF, v50;
	v60 =	vsub.f32 v52, v20;
	v58 =	vmax.f32 v58, $0.0e+00  }
.Ltmp23:
0x4ea: {  	v54 =	vor.u32 v21, v57;
	v56 =	vmax.f32 v56, $9.999999970e-07;
	v50 =	vld.idx.msk [tilespmem:v53+s19+$0x0], $0xffff;
	v55 =	vadd.f32 v55, v58;
	(pc) =	sbr.rel @p0 .LBB2_48-.Ltmp23, $4  }
0x4eb: {  	v52 =	vsub.f32 v19, v56;
	v57 =	vmax.f32 v60, $0.0e+00;
	v58 =	vsub.f32 v20, v51;
	v20 =	vld.idx.msk [tilespmem:v49+s18+$0x0], $0xffff;
	v49 =	vmovc v54  }
0x4ec: {  	v53 =	vor.u32 s23, v23;
	v55 =	vadd.f32 v55, v57  }
0x4ed: {  	v51 =	vadd.f32 v56, v19;
	v56 =	vsub.f32 v52, v48;
	v58 =	vmax.f32 v58, $0.0e+00;
	v19 =	vld.idx.msk [tilespmem:v59+s19+$0x0], $0xffff  }
0x4ee: {  	v57 =	vmov s23;
	s23 =	sadd.s32 $0x1, s23;
	v55 =	vadd.f32 v55, v58  }
0x4ef: {  	_ =	sdelay $0x2  }
0x4f0: {  	v56 =	vmax.f32 v56, $0.0e+00;
	v48 =	vsub.f32 v48, v51  }
0x4f1: {  	v23 =	vand.u32 $0x3F, v57;
	v54 =	vld.idx.msk [tilespmem:v54+s17+$0x0], $0xffff;
	v50 =	vand.u32 $0x7FFFFFFF, v50;
	v55 =	vadd.f32 v56, v55  }
0x4f2: {  	v22 =	vor.u32 v22, v23;
	v52 =	vsub.f32 v52, v20;
	v48 =	vmax.f32 v48, $0.0e+00  }
0x4f3: {  	v21 =	vor.u32 v21, v23;
	v23 =	vmax.f32 v50, $9.999999970e-07;
	v48 =	vadd.f32 v55, v48  }
0x4f4: {  	v63 =	vld.idx.msk [tilespmem:v53+s19+$0x0], $0xffff;
	v20 =	vsub.f32 v20, v51;
	v56 =	vsub.f32 v19, v23;
	v52 =	vmax.f32 v52, $0.0e+00  }
0x4f5: {  	v49 =	vld.idx.msk [tilespmem:v49+s18+$0x0], $0xffff;
	v48 =	vadd.f32 v48, v52  }
0x4f6: {  	v19 =	vadd.f32 v23, v19;
	v20 =	vmax.f32 v20, $0.0e+00;
	v23 =	vsub.f32 v56, v54  }
0x4f7: {  	v22 =	vld.idx.msk [tilespmem:v22+s19+$0x0], $0xffff;
	v20 =	vadd.f32 v48, v20  }
0x4f8: {  	v57 =	vsub.f32 v54, v19;
	v23 =	vmax.f32 v23, $0.0e+00  }
0x4f9: {  	v58 =	vld.idx.msk [tilespmem:v21+s17+$0x0], $0xffff;
	v20 =	vadd.f32 v23, v20  }
0x4fa: {  	v59 =	vsub.f32 v56, v49;
	v48 =	vmax.f32 v57, $0.0e+00;
	v23 =	vand.u32 $0x7FFFFFFF, v63  }
0x4fb: {  	v23 =	vmax.f32 v23, $9.999999970e-07;
	v20 =	vadd.f32 v20, v48  }
0x4fc: {  	v19 =	vsub.f32 v49, v19;
	v50 =	vmax.f32 v59, $0.0e+00;
	v60 =	vsub.f32 v22, v23  }
0x4fd: {  	v21 =	vld.idx.msk [tilespmem:v21+s18+$0x0], $0xffff;
	v20 =	vadd.f32 v20, v50  }
0x4fe: {  	v19 =	vmax.f32 v19, $0.0e+00;
	v22 =	vadd.f32 v23, v22;
	v23 =	vsub.f32 v60, v58  }
0x4ff: {  	v19 =	vadd.f32 v20, v19  }
0x500: {  	v20 =	vmax.f32 v23, $0.0e+00;
	v23 =	vsub.f32 v58, v22  }
0x501: {  	v19 =	vadd.f32 v20, v19  }
0x502: {  	v20 =	vmax.f32 v23, $0.0e+00;
	v23 =	vsub.f32 v60, v21  }
0x503: {  	v19 =	vadd.f32 v19, v20  }
0x504: {  	v21 =	vsub.f32 v21, v22;
	v20 =	vmax.f32 v23, $0.0e+00  }
0x505: {  	v19 =	vadd.f32 v19, v20  }
0x506: {  	s23 =	simm.s32 $0x0;
	v20 =	vmax.f32 v21, $0.0e+00  }
0x507: {  	v21 =	vmov s23;
	v19 =	vadd.f32 v19, v20;
	v20 =	vor.u32 s23, v26  }
0x508: {  	v21 =	vand.u32 $0x3F, v21  }
0x509: {  	v22 =	vor.u32 v25, v21;
	v19 =	vsub.f32 $0.0e+00, v19;
	_ =	sdelay $0x1  }
0x50a: {  	[tilespmem:$0x10370] =	vst v19;
	v19 =	vor.u32 v24, v21  }
0x50b: {  	v20 =	vld.idx.msk [tilespmem:v20+s19+$0x0], $0xffff  }
0x50c: {  	s30 =	simm.s32 $0x1  }
0x50d: {  	v23 =	vor.u32 s30, v26;
	v22 =	vld.idx.msk [tilespmem:v22+s19+$0x0], $0xffff  }
0x50e: {  	v21 =	vmov s30  }
0x50f: {  	v61 =	vand.u32 $0x3F, v21;
	v21 =	vld.idx.msk [tilespmem:v19+s17+$0x0], $0xffff  }
0x510: {  	v62 =	vor.u32 v25, v61;
	v20 =	vand.u32 $0x7FFFFFFF, v20  }
0x511: {  	v51 =	vor.u32 v24, v61;
	v63 =	vmax.f32 v20, $9.999999970e-07  }
0x512: {  	v23 =	vld.idx.msk [tilespmem:v23+s19+$0x0], $0xffff;
	v49 =	vsub.f32 v22, v63  }
0x513: {  	s31 =	simm.s32 $0x2;
	v20 =	vld.idx.msk [tilespmem:v19+s18+$0x0], $0xffff  }
0x514: {  	v50 =	vor.u32 s31, v26;
	v48 =	vadd.f32 v63, v22;
	v53 =	vsub.f32 v49, v21  }
0x515: {  	v52 =	vimm.f32 $0.0e+00;
	v54 =	vmov s31;
	s23 =	simm.s32 $0x3;
	v19 =	vld.idx.msk [tilespmem:v62+s19+$0x0], $0xffff;
	v22 =	vmov v51  }
.LBB2_50:
0x516: {  	p0 =	sne.s32 s23, $0x3F;
	v54 =	vand.u32 $0x3F, v54;
	v53 =	vmax.f32 v53, $0.0e+00;
	v55 =	vsub.f32 v21, v48;
	v21 =	vld.idx.msk [tilespmem:v51+s17+$0x0], $0xffff  }
0x517: {  	v56 =	vor.u32 v25, v54;
	v52 =	vadd.f32 v53, v52  }
0x518: {  	v53 =	vand.u32 $0x7FFFFFFF, v23;
	v57 =	vsub.f32 v49, v20;
	v55 =	vmax.f32 v55, $0.0e+00  }
.Ltmp24:
0x519: {  	v51 =	vor.u32 v24, v54;
	v53 =	vmax.f32 v53, $9.999999970e-07;
	v23 =	vld.idx.msk [tilespmem:v50+s19+$0x0], $0xffff;
	v52 =	vadd.f32 v52, v55;
	(pc) =	sbr.rel @p0 .LBB2_50-.Ltmp24, $4  }
0x51a: {  	v49 =	vsub.f32 v19, v53;
	v54 =	vmax.f32 v57, $0.0e+00;
	v55 =	vsub.f32 v20, v48;
	v20 =	vld.idx.msk [tilespmem:v22+s18+$0x0], $0xffff;
	v22 =	vmovc v51  }
0x51b: {  	v50 =	vor.u32 s23, v26;
	v52 =	vadd.f32 v52, v54  }
0x51c: {  	v48 =	vadd.f32 v53, v19;
	v53 =	vsub.f32 v49, v21;
	v55 =	vmax.f32 v55, $0.0e+00;
	v19 =	vld.idx.msk [tilespmem:v56+s19+$0x0], $0xffff  }
0x51d: {  	v54 =	vmov s23;
	s23 =	sadd.s32 $0x1, s23;
	v52 =	vadd.f32 v52, v55  }
0x51e: {  	_ =	sdelay $0x2  }
0x51f: {  	v53 =	vmax.f32 v53, $0.0e+00;
	v21 =	vsub.f32 v21, v48  }
0x520: {  	v26 =	vand.u32 $0x3F, v54;
	v51 =	vld.idx.msk [tilespmem:v51+s17+$0x0], $0xffff;
	v23 =	vand.u32 $0x7FFFFFFF, v23;
	v52 =	vadd.f32 v53, v52  }
0x521: {  	v25 =	vor.u32 v25, v26;
	v49 =	vsub.f32 v49, v20;
	v21 =	vmax.f32 v21, $0.0e+00  }
0x522: {  	v24 =	vor.u32 v24, v26;
	v23 =	vmax.f32 v23, $9.999999970e-07;
	v21 =	vadd.f32 v52, v21  }
0x523: {  	v22 =	vld.idx.msk [tilespmem:v22+s18+$0x0], $0xffff;
	v20 =	vsub.f32 v20, v48;
	v60 =	vsub.f32 v19, v23;
	v49 =	vmax.f32 v49, $0.0e+00  }
0x524: {  	v26 =	vld.idx.msk [tilespmem:v50+s19+$0x0], $0xffff;
	v21 =	vadd.f32 v21, v49  }
0x525: {  	v19 =	vadd.f32 v23, v19;
	v20 =	vmax.f32 v20, $0.0e+00;
	v23 =	vsub.f32 v60, v51  }
0x526: {  	v25 =	vld.idx.msk [tilespmem:v25+s19+$0x0], $0xffff;
	v20 =	vadd.f32 v21, v20  }
0x527: {  	v21 =	vmax.f32 v23, $0.0e+00;
	v23 =	vsub.f32 v51, v19  }
0x528: {  	v61 =	vld.idx.msk [tilespmem:v24+s17+$0x0], $0xffff;
	v20 =	vadd.f32 v21, v20  }
0x529: {  	v21 =	vand.u32 $0x7FFFFFFF, v26;
	v23 =	vmax.f32 v23, $0.0e+00;
	v26 =	vsub.f32 v60, v22  }
0x52a: {  	v21 =	vmax.f32 v21, $9.999999970e-07;
	v20 =	vadd.f32 v20, v23  }
0x52b: {  	v19 =	vsub.f32 v22, v19;
	v23 =	vsub.f32 v25, v21;
	v26 =	vmax.f32 v26, $0.0e+00  }
0x52c: {  	v22 =	vld.idx.msk [tilespmem:v24+s18+$0x0], $0xffff;
	v20 =	vadd.f32 v20, v26  }
0x52d: {  	v19 =	vmax.f32 v19, $0.0e+00;
	v21 =	vadd.f32 v21, v25;
	v24 =	vsub.f32 v23, v61  }
0x52e: {  	v19 =	vadd.f32 v20, v19  }
0x52f: {  	v20 =	vmax.f32 v24, $0.0e+00;
	v24 =	vsub.f32 v61, v21  }
0x530: {  	v19 =	vadd.f32 v20, v19  }
0x531: {  	v23 =	vsub.f32 v23, v22;
	v20 =	vmax.f32 v24, $0.0e+00  }
0x532: {  	v19 =	vadd.f32 v19, v20  }
0x533: {  	v21 =	vsub.f32 v22, v21;
	v20 =	vmax.f32 v23, $0.0e+00  }
0x534: {  	v19 =	vadd.f32 v19, v20  }
0x535: {  	s23 =	simm.s32 $0x0;
	v20 =	vmax.f32 v21, $0.0e+00  }
0x536: {  	v21 =	vmov s23;
	v19 =	vadd.f32 v19, v20;
	v20 =	vor.u32 s23, v29  }
0x537: {  	v21 =	vand.u32 $0x3F, v21  }
0x538: {  	v22 =	vor.u32 v28, v21;
	v19 =	vsub.f32 $0.0e+00, v19;
	_ =	sdelay $0x1  }
0x539: {  	[tilespmem:$0x10380] =	vst v19;
	v19 =	vor.u32 v27, v21  }
0x53a: {  	v20 =	vld.idx.msk [tilespmem:v20+s19+$0x0], $0xffff  }
0x53b: {  	s30 =	simm.s32 $0x1  }
0x53c: {  	v23 =	vor.u32 s30, v29;
	v22 =	vld.idx.msk [tilespmem:v22+s19+$0x0], $0xffff  }
0x53d: {  	v21 =	vmov s30  }
0x53e: {  	v24 =	vand.u32 $0x3F, v21;
	v21 =	vld.idx.msk [tilespmem:v19+s17+$0x0], $0xffff  }
0x53f: {  	v62 =	vor.u32 v28, v24;
	v20 =	vand.u32 $0x7FFFFFFF, v20  }
0x540: {  	v48 =	vor.u32 v27, v24;
	v63 =	vmax.f32 v20, $9.999999970e-07  }
0x541: {  	v23 =	vld.idx.msk [tilespmem:v23+s19+$0x0], $0xffff;
	v25 =	vsub.f32 v22, v63  }
0x542: {  	s31 =	simm.s32 $0x2;
	v20 =	vld.idx.msk [tilespmem:v19+s18+$0x0], $0xffff  }
0x543: {  	v26 =	vor.u32 s31, v29;
	v24 =	vadd.f32 v63, v22;
	v50 =	vsub.f32 v25, v21  }
0x544: {  	v49 =	vimm.f32 $0.0e+00;
	v51 =	vmov s31;
	s23 =	simm.s32 $0x3;
	v19 =	vld.idx.msk [tilespmem:v62+s19+$0x0], $0xffff;
	v22 =	vmov v48  }
.LBB2_52:
0x545: {  	p0 =	sne.s32 s23, $0x3F;
	v51 =	vand.u32 $0x3F, v51;
	v50 =	vmax.f32 v50, $0.0e+00;
	v52 =	vsub.f32 v21, v24;
	v21 =	vld.idx.msk [tilespmem:v48+s17+$0x0], $0xffff  }
0x546: {  	v53 =	vor.u32 v28, v51;
	v49 =	vadd.f32 v50, v49  }
0x547: {  	v50 =	vand.u32 $0x7FFFFFFF, v23;
	v54 =	vsub.f32 v25, v20;
	v52 =	vmax.f32 v52, $0.0e+00  }
.Ltmp25:
0x548: {  	v48 =	vor.u32 v27, v51;
	v50 =	vmax.f32 v50, $9.999999970e-07;
	v23 =	vld.idx.msk [tilespmem:v26+s19+$0x0], $0xffff;
	v49 =	vadd.f32 v49, v52;
	(pc) =	sbr.rel @p0 .LBB2_52-.Ltmp25, $4  }
0x549: {  	v25 =	vsub.f32 v19, v50;
	v51 =	vmax.f32 v54, $0.0e+00;
	v52 =	vsub.f32 v20, v24;
	v20 =	vld.idx.msk [tilespmem:v22+s18+$0x0], $0xffff;
	v22 =	vmovc v48  }
0x54a: {  	v26 =	vor.u32 s23, v29;
	v49 =	vadd.f32 v49, v51  }
0x54b: {  	v24 =	vadd.f32 v50, v19;
	v50 =	vsub.f32 v25, v21;
	v52 =	vmax.f32 v52, $0.0e+00;
	v19 =	vld.idx.msk [tilespmem:v53+s19+$0x0], $0xffff  }
0x54c: {  	v51 =	vmov s23;
	s23 =	sadd.s32 $0x1, s23;
	v49 =	vadd.f32 v49, v52  }
0x54d: {  	_ =	sdelay $0x2  }
0x54e: {  	v50 =	vmax.f32 v50, $0.0e+00;
	v21 =	vsub.f32 v21, v24  }
0x54f: {  	v29 =	vand.u32 $0x3F, v51;
	v48 =	vld.idx.msk [tilespmem:v48+s17+$0x0], $0xffff;
	v23 =	vand.u32 $0x7FFFFFFF, v23;
	v49 =	vadd.f32 v50, v49  }
0x550: {  	v28 =	vor.u32 v28, v29;
	v25 =	vsub.f32 v25, v20;
	v21 =	vmax.f32 v21, $0.0e+00  }
0x551: {  	v27 =	vor.u32 v27, v29;
	v23 =	vmax.f32 v23, $9.999999970e-07;
	v21 =	vadd.f32 v49, v21  }
0x552: {  	v26 =	vld.idx.msk [tilespmem:v26+s19+$0x0], $0xffff;
	v20 =	vsub.f32 v20, v24;
	v29 =	vsub.f32 v19, v23;
	v25 =	vmax.f32 v25, $0.0e+00  }
0x553: {  	v22 =	vld.idx.msk [tilespmem:v22+s18+$0x0], $0xffff;
	v21 =	vadd.f32 v21, v25  }
0x554: {  	v19 =	vadd.f32 v23, v19;
	v20 =	vmax.f32 v20, $0.0e+00;
	v23 =	vsub.f32 v29, v48  }
0x555: {  	v24 =	vld.idx.msk [tilespmem:v28+s19+$0x0], $0xffff;
	v20 =	vadd.f32 v21, v20  }
0x556: {  	v21 =	vmax.f32 v23, $0.0e+00;
	v23 =	vsub.f32 v48, v19  }
0x557: {  	v25 =	vld.idx.msk [tilespmem:v27+s17+$0x0], $0xffff;
	v20 =	vadd.f32 v21, v20  }
0x558: {  	v21 =	vand.u32 $0x7FFFFFFF, v26;
	v23 =	vmax.f32 v23, $0.0e+00;
	v26 =	vsub.f32 v29, v22  }
0x559: {  	v21 =	vmax.f32 v21, $9.999999970e-07;
	v20 =	vadd.f32 v20, v23  }
0x55a: {  	v19 =	vsub.f32 v22, v19;
	v23 =	vsub.f32 v24, v21;
	v26 =	vmax.f32 v26, $0.0e+00  }
0x55b: {  	v22 =	vld.idx.msk [tilespmem:v27+s18+$0x0], $0xffff;
	v20 =	vadd.f32 v20, v26  }
0x55c: {  	v19 =	vmax.f32 v19, $0.0e+00;
	v21 =	vadd.f32 v21, v24;
	v24 =	vsub.f32 v23, v25  }
0x55d: {  	v19 =	vadd.f32 v20, v19  }
0x55e: {  	v20 =	vmax.f32 v24, $0.0e+00;
	v24 =	vsub.f32 v25, v21  }
0x55f: {  	v19 =	vadd.f32 v20, v19  }
0x560: {  	v23 =	vsub.f32 v23, v22;
	v20 =	vmax.f32 v24, $0.0e+00  }
0x561: {  	v19 =	vadd.f32 v19, v20  }
0x562: {  	v21 =	vsub.f32 v22, v21;
	v20 =	vmax.f32 v23, $0.0e+00  }
0x563: {  	v19 =	vadd.f32 v19, v20  }
0x564: {  	s23 =	simm.s32 $0x0;
	v20 =	vmax.f32 v21, $0.0e+00  }
0x565: {  	v21 =	vmov s23;
	v19 =	vadd.f32 v19, v20;
	v20 =	vor.u32 s23, v32  }
0x566: {  	v21 =	vand.u32 $0x3F, v21  }
0x567: {  	v22 =	vor.u32 v31, v21;
	v19 =	vsub.f32 $0.0e+00, v19;
	_ =	sdelay $0x1  }
0x568: {  	[tilespmem:$0x10390] =	vst v19;
	v19 =	vor.u32 v30, v21  }
0x569: {  	v20 =	vld.idx.msk [tilespmem:v20+s19+$0x0], $0xffff  }
0x56a: {  	s30 =	simm.s32 $0x1  }
0x56b: {  	v23 =	vor.u32 s30, v32;
	v21 =	vmov s30;
	v22 =	vld.idx.msk [tilespmem:v22+s19+$0x0], $0xffff  }
0x56c: {  	v24 =	vand.u32 $0x3F, v21  }
0x56d: {  	v29 =	vor.u32 v31, v24;
	v21 =	vld.idx.msk [tilespmem:v19+s17+$0x0], $0xffff  }
0x56e: {  	v20 =	vand.u32 $0x7FFFFFFF, v20  }
0x56f: {  	v27 =	vor.u32 v30, v24;
	v63 =	vmax.f32 v20, $9.999999970e-07  }
0x570: {  	v23 =	vld.idx.msk [tilespmem:v23+s19+$0x0], $0xffff;
	v25 =	vsub.f32 v22, v63  }
0x571: {  	s31 =	simm.s32 $0x2;
	v20 =	vld.idx.msk [tilespmem:v19+s18+$0x0], $0xffff  }
0x572: {  	v26 =	vor.u32 s31, v32;
	v19 =	vld.idx.msk [tilespmem:v29+s19+$0x0], $0xffff;
	v24 =	vadd.f32 v63, v22;
	v29 =	vsub.f32 v25, v21  }
0x573: {  	v28 =	vimm.f32 $0.0e+00;
	v48 =	vmov s31;
	s23 =	simm.s32 $0x3;
	v22 =	vmov v27  }
.LBB2_54:
0x574: {  	p0 =	sne.s32 s23, $0x3F;
	v48 =	vand.u32 $0x3F, v48;
	v29 =	vmax.f32 v29, $0.0e+00;
	v49 =	vsub.f32 v21, v24;
	v21 =	vld.idx.msk [tilespmem:v27+s17+$0x0], $0xffff  }
0x575: {  	v50 =	vor.u32 v31, v48;
	v28 =	vadd.f32 v29, v28  }
0x576: {  	v29 =	vand.u32 $0x7FFFFFFF, v23;
	v51 =	vsub.f32 v25, v20;
	v49 =	vmax.f32 v49, $0.0e+00  }
.Ltmp26:
0x577: {  	v27 =	vor.u32 v30, v48;
	v29 =	vmax.f32 v29, $9.999999970e-07;
	v23 =	vld.idx.msk [tilespmem:v26+s19+$0x0], $0xffff;
	v28 =	vadd.f32 v28, v49;
	(pc) =	sbr.rel @p0 .LBB2_54-.Ltmp26, $4  }
0x578: {  	v25 =	vsub.f32 v19, v29;
	v48 =	vmax.f32 v51, $0.0e+00;
	v49 =	vsub.f32 v20, v24;
	v20 =	vld.idx.msk [tilespmem:v22+s18+$0x0], $0xffff;
	v22 =	vmovc v27  }
0x579: {  	v26 =	vor.u32 s23, v32;
	v28 =	vadd.f32 v28, v48  }
0x57a: {  	v24 =	vadd.f32 v29, v19;
	v29 =	vsub.f32 v25, v21;
	v49 =	vmax.f32 v49, $0.0e+00;
	v19 =	vld.idx.msk [tilespmem:v50+s19+$0x0], $0xffff  }
0x57b: {  	v48 =	vmov s23;
	s23 =	sadd.s32 $0x1, s23;
	v28 =	vadd.f32 v28, v49  }
0x57c: {  	_ =	sdelay $0x2  }
0x57d: {  	v29 =	vmax.f32 v29, $0.0e+00;
	v21 =	vsub.f32 v21, v24  }
0x57e: {  	v32 =	vand.u32 $0x3F, v48;
	v27 =	vld.idx.msk [tilespmem:v27+s17+$0x0], $0xffff;
	v23 =	vand.u32 $0x7FFFFFFF, v23;
	v28 =	vadd.f32 v29, v28  }
0x57f: {  	v31 =	vor.u32 v31, v32;
	v25 =	vsub.f32 v25, v20;
	v21 =	vmax.f32 v21, $0.0e+00  }
0x580: {  	v29 =	vor.u32 v30, v32;
	v23 =	vmax.f32 v23, $9.999999970e-07;
	v21 =	vadd.f32 v28, v21  }
0x581: {  	v26 =	vld.idx.msk [tilespmem:v26+s19+$0x0], $0xffff;
	v20 =	vsub.f32 v20, v24;
	v28 =	vsub.f32 v19, v23;
	v25 =	vmax.f32 v25, $0.0e+00  }
0x582: {  	v22 =	vld.idx.msk [tilespmem:v22+s18+$0x0], $0xffff;
	v21 =	vadd.f32 v21, v25  }
0x583: {  	v19 =	vadd.f32 v23, v19;
	v20 =	vmax.f32 v20, $0.0e+00;
	v23 =	vsub.f32 v28, v27  }
0x584: {  	v24 =	vld.idx.msk [tilespmem:v31+s19+$0x0], $0xffff;
	v20 =	vadd.f32 v21, v20  }
0x585: {  	v21 =	vmax.f32 v23, $0.0e+00;
	v23 =	vsub.f32 v27, v19  }
0x586: {  	v25 =	vld.idx.msk [tilespmem:v29+s17+$0x0], $0xffff;
	v20 =	vadd.f32 v21, v20  }
0x587: {  	v21 =	vand.u32 $0x7FFFFFFF, v26;
	v23 =	vmax.f32 v23, $0.0e+00;
	v26 =	vsub.f32 v28, v22  }
0x588: {  	v21 =	vmax.f32 v21, $9.999999970e-07;
	v20 =	vadd.f32 v20, v23  }
0x589: {  	v19 =	vsub.f32 v22, v19;
	v23 =	vsub.f32 v24, v21;
	v26 =	vmax.f32 v26, $0.0e+00  }
0x58a: {  	v22 =	vld.idx.msk [tilespmem:v29+s18+$0x0], $0xffff;
	v20 =	vadd.f32 v20, v26  }
0x58b: {  	v19 =	vmax.f32 v19, $0.0e+00;
	v21 =	vadd.f32 v21, v24;
	v24 =	vsub.f32 v23, v25  }
0x58c: {  	v19 =	vadd.f32 v20, v19  }
0x58d: {  	v20 =	vmax.f32 v24, $0.0e+00;
	v24 =	vsub.f32 v25, v21  }
0x58e: {  	v19 =	vadd.f32 v20, v19  }
0x58f: {  	v23 =	vsub.f32 v23, v22;
	v20 =	vmax.f32 v24, $0.0e+00  }
0x590: {  	v19 =	vadd.f32 v19, v20  }
0x591: {  	v21 =	vsub.f32 v22, v21;
	v20 =	vmax.f32 v23, $0.0e+00  }
0x592: {  	v19 =	vadd.f32 v19, v20  }
0x593: {  	s23 =	simm.s32 $0x0;
	v20 =	vmax.f32 v21, $0.0e+00  }
0x594: {  	v21 =	vmov s23;
	v19 =	vadd.f32 v19, v20;
	v20 =	vor.u32 s23, v35  }
0x595: {  	v21 =	vand.u32 $0x3F, v21  }
0x596: {  	v22 =	vor.u32 v34, v21;
	v19 =	vsub.f32 $0.0e+00, v19;
	_ =	sdelay $0x1  }
0x597: {  	[tilespmem:$0x103A0] =	vst v19;
	v19 =	vor.u32 v33, v21  }
0x598: {  	v20 =	vld.idx.msk [tilespmem:v20+s19+$0x0], $0xffff  }
0x599: {  	s30 =	simm.s32 $0x1  }
0x59a: {  	v23 =	vor.u32 s30, v35;
	v21 =	vmov s30;
	v22 =	vld.idx.msk [tilespmem:v22+s19+$0x0], $0xffff  }
0x59b: {  	v24 =	vand.u32 $0x3F, v21  }
0x59c: {  	v29 =	vor.u32 v34, v24;
	v21 =	vld.idx.msk [tilespmem:v19+s17+$0x0], $0xffff  }
0x59d: {  	v20 =	vand.u32 $0x7FFFFFFF, v20  }
0x59e: {  	v27 =	vor.u32 v33, v24;
	v30 =	vmax.f32 v20, $9.999999970e-07  }
0x59f: {  	v23 =	vld.idx.msk [tilespmem:v23+s19+$0x0], $0xffff;
	v25 =	vsub.f32 v22, v30  }
0x5a0: {  	s31 =	simm.s32 $0x2;
	v20 =	vld.idx.msk [tilespmem:v19+s18+$0x0], $0xffff  }
0x5a1: {  	v26 =	vor.u32 s31, v35;
	v19 =	vld.idx.msk [tilespmem:v29+s19+$0x0], $0xffff;
	v24 =	vadd.f32 v30, v22;
	v29 =	vsub.f32 v25, v21  }
0x5a2: {  	v28 =	vimm.f32 $0.0e+00;
	s23 =	simm.s32 $0x3;
	v30 =	vmov s31;
	v22 =	vmov v27  }
.LBB2_56:
0x5a3: {  	p0 =	sne.s32 s23, $0x3F;
	v30 =	vand.u32 $0x3F, v30;
	v29 =	vmax.f32 v29, $0.0e+00;
	v31 =	vsub.f32 v21, v24;
	v21 =	vld.idx.msk [tilespmem:v27+s17+$0x0], $0xffff  }
0x5a4: {  	v32 =	vor.u32 v34, v30;
	v28 =	vadd.f32 v29, v28  }
0x5a5: {  	v29 =	vand.u32 $0x7FFFFFFF, v23;
	v48 =	vsub.f32 v25, v20;
	v31 =	vmax.f32 v31, $0.0e+00  }
.Ltmp27:
0x5a6: {  	v27 =	vor.u32 v33, v30;
	v29 =	vmax.f32 v29, $9.999999970e-07;
	v23 =	vld.idx.msk [tilespmem:v26+s19+$0x0], $0xffff;
	v28 =	vadd.f32 v28, v31;
	(pc) =	sbr.rel @p0 .LBB2_56-.Ltmp27, $4  }
0x5a7: {  	v25 =	vsub.f32 v19, v29;
	v30 =	vmax.f32 v48, $0.0e+00;
	v31 =	vsub.f32 v20, v24;
	v20 =	vld.idx.msk [tilespmem:v22+s18+$0x0], $0xffff;
	v22 =	vmovc v27  }
0x5a8: {  	v26 =	vor.u32 s23, v35;
	v28 =	vadd.f32 v28, v30  }
0x5a9: {  	v24 =	vadd.f32 v29, v19;
	v29 =	vsub.f32 v25, v21;
	v31 =	vmax.f32 v31, $0.0e+00;
	v19 =	vld.idx.msk [tilespmem:v32+s19+$0x0], $0xffff  }
0x5aa: {  	v30 =	vmov s23;
	s23 =	sadd.s32 $0x1, s23;
	v28 =	vadd.f32 v28, v31  }
0x5ab: {  	_ =	sdelay $0x2  }
0x5ac: {  	v29 =	vmax.f32 v29, $0.0e+00;
	v21 =	vsub.f32 v21, v24  }
0x5ad: {  	v30 =	vand.u32 $0x3F, v30;
	v27 =	vld.idx.msk [tilespmem:v27+s17+$0x0], $0xffff;
	v23 =	vand.u32 $0x7FFFFFFF, v23;
	v28 =	vadd.f32 v29, v28  }
0x5ae: {  	v31 =	vor.u32 v34, v30;
	v25 =	vsub.f32 v25, v20;
	v21 =	vmax.f32 v21, $0.0e+00  }
0x5af: {  	v29 =	vor.u32 v33, v30;
	v23 =	vmax.f32 v23, $9.999999970e-07;
	v21 =	vadd.f32 v28, v21  }
0x5b0: {  	v26 =	vld.idx.msk [tilespmem:v26+s19+$0x0], $0xffff;
	v20 =	vsub.f32 v20, v24;
	v28 =	vsub.f32 v19, v23;
	v25 =	vmax.f32 v25, $0.0e+00  }
0x5b1: {  	v22 =	vld.idx.msk [tilespmem:v22+s18+$0x0], $0xffff;
	v21 =	vadd.f32 v21, v25  }
0x5b2: {  	v19 =	vadd.f32 v23, v19;
	v20 =	vmax.f32 v20, $0.0e+00;
	v23 =	vsub.f32 v28, v27  }
0x5b3: {  	v24 =	vld.idx.msk [tilespmem:v31+s19+$0x0], $0xffff;
	v20 =	vadd.f32 v21, v20  }
0x5b4: {  	v21 =	vmax.f32 v23, $0.0e+00;
	v23 =	vsub.f32 v27, v19  }
0x5b5: {  	v25 =	vld.idx.msk [tilespmem:v29+s17+$0x0], $0xffff;
	v20 =	vadd.f32 v21, v20  }
0x5b6: {  	v21 =	vand.u32 $0x7FFFFFFF, v26;
	v23 =	vmax.f32 v23, $0.0e+00;
	v26 =	vsub.f32 v28, v22  }
0x5b7: {  	v21 =	vmax.f32 v21, $9.999999970e-07;
	v20 =	vadd.f32 v20, v23  }
0x5b8: {  	v19 =	vsub.f32 v22, v19;
	v23 =	vsub.f32 v24, v21;
	v26 =	vmax.f32 v26, $0.0e+00  }
0x5b9: {  	v22 =	vld.idx.msk [tilespmem:v29+s18+$0x0], $0xffff;
	v20 =	vadd.f32 v20, v26  }
0x5ba: {  	v19 =	vmax.f32 v19, $0.0e+00;
	v21 =	vadd.f32 v21, v24;
	v24 =	vsub.f32 v23, v25  }
0x5bb: {  	v19 =	vadd.f32 v20, v19  }
0x5bc: {  	v20 =	vmax.f32 v24, $0.0e+00;
	v24 =	vsub.f32 v25, v21  }
0x5bd: {  	v19 =	vadd.f32 v20, v19  }
0x5be: {  	v23 =	vsub.f32 v23, v22;
	v20 =	vmax.f32 v24, $0.0e+00  }
0x5bf: {  	v19 =	vadd.f32 v19, v20  }
0x5c0: {  	v21 =	vsub.f32 v22, v21;
	v20 =	vmax.f32 v23, $0.0e+00  }
0x5c1: {  	v19 =	vadd.f32 v19, v20  }
0x5c2: {  	s23 =	simm.s32 $0x0;
	v20 =	vmax.f32 v21, $0.0e+00  }
0x5c3: {  	v21 =	vmov s23;
	v19 =	vadd.f32 v19, v20;
	v20 =	vor.u32 s23, v38  }
0x5c4: {  	v21 =	vand.u32 $0x3F, v21  }
0x5c5: {  	v22 =	vor.u32 v37, v21;
	v19 =	vsub.f32 $0.0e+00, v19;
	_ =	sdelay $0x1  }
0x5c6: {  	[tilespmem:$0x103B0] =	vst v19;
	v19 =	vor.u32 v36, v21  }
0x5c7: {  	v20 =	vld.idx.msk [tilespmem:v20+s19+$0x0], $0xffff  }
0x5c8: {  	s30 =	simm.s32 $0x1  }
0x5c9: {  	v23 =	vor.u32 s30, v38;
	v21 =	vmov s30;
	v22 =	vld.idx.msk [tilespmem:v22+s19+$0x0], $0xffff  }
0x5ca: {  	v24 =	vand.u32 $0x3F, v21  }
0x5cb: {  	v29 =	vor.u32 v37, v24;
	v21 =	vld.idx.msk [tilespmem:v19+s17+$0x0], $0xffff  }
0x5cc: {  	v20 =	vand.u32 $0x7FFFFFFF, v20  }
0x5cd: {  	v27 =	vor.u32 v36, v24;
	v30 =	vmax.f32 v20, $9.999999970e-07  }
0x5ce: {  	v23 =	vld.idx.msk [tilespmem:v23+s19+$0x0], $0xffff;
	v25 =	vsub.f32 v22, v30  }
0x5cf: {  	s31 =	simm.s32 $0x2;
	v20 =	vld.idx.msk [tilespmem:v19+s18+$0x0], $0xffff  }
0x5d0: {  	v26 =	vor.u32 s31, v38;
	v19 =	vld.idx.msk [tilespmem:v29+s19+$0x0], $0xffff;
	v24 =	vadd.f32 v30, v22;
	v29 =	vsub.f32 v25, v21  }
0x5d1: {  	v28 =	vimm.f32 $0.0e+00;
	s23 =	simm.s32 $0x3;
	v30 =	vmov s31;
	v22 =	vmov v27  }
.LBB2_58:
0x5d2: {  	p0 =	sne.s32 s23, $0x3F;
	v30 =	vand.u32 $0x3F, v30;
	v29 =	vmax.f32 v29, $0.0e+00;
	v31 =	vsub.f32 v21, v24;
	v21 =	vld.idx.msk [tilespmem:v27+s17+$0x0], $0xffff  }
0x5d3: {  	v32 =	vor.u32 v37, v30;
	v28 =	vadd.f32 v29, v28  }
0x5d4: {  	v29 =	vand.u32 $0x7FFFFFFF, v23;
	v33 =	vsub.f32 v25, v20;
	v31 =	vmax.f32 v31, $0.0e+00  }
.Ltmp28:
0x5d5: {  	v27 =	vor.u32 v36, v30;
	v29 =	vmax.f32 v29, $9.999999970e-07;
	v23 =	vld.idx.msk [tilespmem:v26+s19+$0x0], $0xffff;
	v28 =	vadd.f32 v28, v31;
	(pc) =	sbr.rel @p0 .LBB2_58-.Ltmp28, $4  }
0x5d6: {  	v25 =	vsub.f32 v19, v29;
	v30 =	vmax.f32 v33, $0.0e+00;
	v31 =	vsub.f32 v20, v24;
	v20 =	vld.idx.msk [tilespmem:v22+s18+$0x0], $0xffff;
	v22 =	vmovc v27  }
0x5d7: {  	v26 =	vor.u32 s23, v38;
	v28 =	vadd.f32 v28, v30  }
0x5d8: {  	v24 =	vadd.f32 v29, v19;
	v29 =	vsub.f32 v25, v21;
	v31 =	vmax.f32 v31, $0.0e+00;
	v19 =	vld.idx.msk [tilespmem:v32+s19+$0x0], $0xffff  }
0x5d9: {  	v30 =	vmov s23;
	s23 =	sadd.s32 $0x1, s23;
	v28 =	vadd.f32 v28, v31  }
0x5da: {  	_ =	sdelay $0x2  }
0x5db: {  	v29 =	vmax.f32 v29, $0.0e+00;
	v21 =	vsub.f32 v21, v24  }
0x5dc: {  	v30 =	vand.u32 $0x3F, v30;
	v27 =	vld.idx.msk [tilespmem:v27+s17+$0x0], $0xffff;
	v23 =	vand.u32 $0x7FFFFFFF, v23;
	v28 =	vadd.f32 v29, v28  }
0x5dd: {  	v31 =	vor.u32 v37, v30;
	v25 =	vsub.f32 v25, v20;
	v21 =	vmax.f32 v21, $0.0e+00  }
0x5de: {  	v29 =	vor.u32 v36, v30;
	v23 =	vmax.f32 v23, $9.999999970e-07;
	v21 =	vadd.f32 v28, v21  }
0x5df: {  	v26 =	vld.idx.msk [tilespmem:v26+s19+$0x0], $0xffff;
	v20 =	vsub.f32 v20, v24;
	v28 =	vsub.f32 v19, v23;
	v25 =	vmax.f32 v25, $0.0e+00  }
0x5e0: {  	v22 =	vld.idx.msk [tilespmem:v22+s18+$0x0], $0xffff;
	v21 =	vadd.f32 v21, v25  }
0x5e1: {  	v19 =	vadd.f32 v23, v19;
	v20 =	vmax.f32 v20, $0.0e+00;
	v23 =	vsub.f32 v28, v27  }
0x5e2: {  	v24 =	vld.idx.msk [tilespmem:v31+s19+$0x0], $0xffff;
	v20 =	vadd.f32 v21, v20  }
0x5e3: {  	v21 =	vmax.f32 v23, $0.0e+00;
	v23 =	vsub.f32 v27, v19  }
0x5e4: {  	v25 =	vld.idx.msk [tilespmem:v29+s17+$0x0], $0xffff;
	v20 =	vadd.f32 v21, v20  }
0x5e5: {  	v21 =	vand.u32 $0x7FFFFFFF, v26;
	v23 =	vmax.f32 v23, $0.0e+00;
	v26 =	vsub.f32 v28, v22  }
0x5e6: {  	v21 =	vmax.f32 v21, $9.999999970e-07;
	v20 =	vadd.f32 v20, v23  }
0x5e7: {  	v19 =	vsub.f32 v22, v19;
	v23 =	vsub.f32 v24, v21;
	v26 =	vmax.f32 v26, $0.0e+00  }
0x5e8: {  	v22 =	vld.idx.msk [tilespmem:v29+s18+$0x0], $0xffff;
	v20 =	vadd.f32 v20, v26  }
0x5e9: {  	v19 =	vmax.f32 v19, $0.0e+00;
	v21 =	vadd.f32 v21, v24;
	v24 =	vsub.f32 v23, v25  }
0x5ea: {  	v19 =	vadd.f32 v20, v19  }
0x5eb: {  	v20 =	vmax.f32 v24, $0.0e+00;
	v24 =	vsub.f32 v25, v21  }
0x5ec: {  	v19 =	vadd.f32 v20, v19  }
0x5ed: {  	v23 =	vsub.f32 v23, v22;
	v20 =	vmax.f32 v24, $0.0e+00  }
0x5ee: {  	v19 =	vadd.f32 v19, v20  }
0x5ef: {  	v21 =	vsub.f32 v22, v21;
	v20 =	vmax.f32 v23, $0.0e+00  }
0x5f0: {  	v19 =	vadd.f32 v19, v20  }
0x5f1: {  	s23 =	simm.s32 $0x0;
	v20 =	vmax.f32 v21, $0.0e+00  }
0x5f2: {  	v21 =	vmov s23;
	v19 =	vadd.f32 v19, v20;
	v20 =	vor.u32 s23, v41  }
0x5f3: {  	v21 =	vand.u32 $0x3F, v21  }
0x5f4: {  	v22 =	vor.u32 v40, v21;
	v19 =	vsub.f32 $0.0e+00, v19;
	_ =	sdelay $0x1  }
0x5f5: {  	[tilespmem:$0x103C0] =	vst v19;
	v19 =	vor.u32 v39, v21  }
0x5f6: {  	v20 =	vld.idx.msk [tilespmem:v20+s19+$0x0], $0xffff  }
0x5f7: {  	s30 =	simm.s32 $0x1  }
0x5f8: {  	v23 =	vor.u32 s30, v41;
	v21 =	vmov s30;
	v22 =	vld.idx.msk [tilespmem:v22+s19+$0x0], $0xffff  }
0x5f9: {  	v24 =	vand.u32 $0x3F, v21  }
0x5fa: {  	v29 =	vor.u32 v40, v24;
	v21 =	vld.idx.msk [tilespmem:v19+s17+$0x0], $0xffff  }
0x5fb: {  	v20 =	vand.u32 $0x7FFFFFFF, v20  }
0x5fc: {  	v27 =	vor.u32 v39, v24;
	v30 =	vmax.f32 v20, $9.999999970e-07  }
0x5fd: {  	v23 =	vld.idx.msk [tilespmem:v23+s19+$0x0], $0xffff;
	v25 =	vsub.f32 v22, v30  }
0x5fe: {  	s31 =	simm.s32 $0x2;
	v20 =	vld.idx.msk [tilespmem:v19+s18+$0x0], $0xffff  }
0x5ff: {  	v26 =	vor.u32 s31, v41;
	v19 =	vld.idx.msk [tilespmem:v29+s19+$0x0], $0xffff;
	v24 =	vadd.f32 v30, v22;
	v29 =	vsub.f32 v25, v21  }
0x600: {  	v28 =	vimm.f32 $0.0e+00;
	s23 =	simm.s32 $0x3;
	v30 =	vmov s31;
	v22 =	vmov v27  }
.LBB2_60:
0x601: {  	p0 =	sne.s32 s23, $0x3F;
	v30 =	vand.u32 $0x3F, v30;
	v29 =	vmax.f32 v29, $0.0e+00;
	v31 =	vsub.f32 v21, v24;
	v21 =	vld.idx.msk [tilespmem:v27+s17+$0x0], $0xffff  }
0x602: {  	v32 =	vor.u32 v40, v30;
	v28 =	vadd.f32 v29, v28  }
0x603: {  	v29 =	vand.u32 $0x7FFFFFFF, v23;
	v33 =	vsub.f32 v25, v20;
	v31 =	vmax.f32 v31, $0.0e+00  }
.Ltmp29:
0x604: {  	v27 =	vor.u32 v39, v30;
	v29 =	vmax.f32 v29, $9.999999970e-07;
	v23 =	vld.idx.msk [tilespmem:v26+s19+$0x0], $0xffff;
	v28 =	vadd.f32 v28, v31;
	(pc) =	sbr.rel @p0 .LBB2_60-.Ltmp29, $4  }
0x605: {  	v25 =	vsub.f32 v19, v29;
	v30 =	vmax.f32 v33, $0.0e+00;
	v31 =	vsub.f32 v20, v24;
	v20 =	vld.idx.msk [tilespmem:v22+s18+$0x0], $0xffff;
	v22 =	vmovc v27  }
0x606: {  	v26 =	vor.u32 s23, v41;
	v28 =	vadd.f32 v28, v30  }
0x607: {  	v24 =	vadd.f32 v29, v19;
	v29 =	vsub.f32 v25, v21;
	v31 =	vmax.f32 v31, $0.0e+00;
	v19 =	vld.idx.msk [tilespmem:v32+s19+$0x0], $0xffff  }
0x608: {  	v30 =	vmov s23;
	s23 =	sadd.s32 $0x1, s23;
	v28 =	vadd.f32 v28, v31  }
0x609: {  	_ =	sdelay $0x2  }
0x60a: {  	v29 =	vmax.f32 v29, $0.0e+00;
	v21 =	vsub.f32 v21, v24  }
0x60b: {  	v30 =	vand.u32 $0x3F, v30;
	v27 =	vld.idx.msk [tilespmem:v27+s17+$0x0], $0xffff;
	v23 =	vand.u32 $0x7FFFFFFF, v23;
	v28 =	vadd.f32 v29, v28  }
0x60c: {  	v31 =	vor.u32 v40, v30;
	v25 =	vsub.f32 v25, v20;
	v21 =	vmax.f32 v21, $0.0e+00  }
0x60d: {  	v29 =	vor.u32 v39, v30;
	v23 =	vmax.f32 v23, $9.999999970e-07;
	v21 =	vadd.f32 v28, v21  }
0x60e: {  	v26 =	vld.idx.msk [tilespmem:v26+s19+$0x0], $0xffff;
	v20 =	vsub.f32 v20, v24;
	v28 =	vsub.f32 v19, v23;
	v25 =	vmax.f32 v25, $0.0e+00  }
0x60f: {  	v22 =	vld.idx.msk [tilespmem:v22+s18+$0x0], $0xffff;
	v21 =	vadd.f32 v21, v25  }
0x610: {  	v19 =	vadd.f32 v23, v19;
	v20 =	vmax.f32 v20, $0.0e+00;
	v23 =	vsub.f32 v28, v27  }
0x611: {  	v24 =	vld.idx.msk [tilespmem:v31+s19+$0x0], $0xffff;
	v20 =	vadd.f32 v21, v20  }
0x612: {  	v21 =	vmax.f32 v23, $0.0e+00;
	v23 =	vsub.f32 v27, v19  }
0x613: {  	v25 =	vld.idx.msk [tilespmem:v29+s17+$0x0], $0xffff;
	v20 =	vadd.f32 v21, v20  }
0x614: {  	v21 =	vand.u32 $0x7FFFFFFF, v26;
	v23 =	vmax.f32 v23, $0.0e+00;
	v26 =	vsub.f32 v28, v22  }
0x615: {  	v21 =	vmax.f32 v21, $9.999999970e-07;
	v20 =	vadd.f32 v20, v23  }
0x616: {  	v19 =	vsub.f32 v22, v19;
	v23 =	vsub.f32 v24, v21;
	v26 =	vmax.f32 v26, $0.0e+00  }
0x617: {  	v22 =	vld.idx.msk [tilespmem:v29+s18+$0x0], $0xffff;
	v20 =	vadd.f32 v20, v26  }
0x618: {  	v19 =	vmax.f32 v19, $0.0e+00;
	v21 =	vadd.f32 v21, v24;
	v24 =	vsub.f32 v23, v25  }
0x619: {  	v19 =	vadd.f32 v20, v19  }
0x61a: {  	v20 =	vmax.f32 v24, $0.0e+00;
	v24 =	vsub.f32 v25, v21  }
0x61b: {  	v19 =	vadd.f32 v20, v19  }
0x61c: {  	v23 =	vsub.f32 v23, v22;
	v20 =	vmax.f32 v24, $0.0e+00  }
0x61d: {  	v19 =	vadd.f32 v19, v20  }
0x61e: {  	v21 =	vsub.f32 v22, v21;
	v20 =	vmax.f32 v23, $0.0e+00  }
0x61f: {  	v19 =	vadd.f32 v19, v20  }
0x620: {  	s23 =	simm.s32 $0x0;
	v20 =	vmax.f32 v21, $0.0e+00  }
0x621: {  	v21 =	vmov s23;
	v19 =	vadd.f32 v19, v20;
	v20 =	vor.u32 s23, v44  }
0x622: {  	v21 =	vand.u32 $0x3F, v21  }
0x623: {  	v22 =	vor.u32 v43, v21;
	v19 =	vsub.f32 $0.0e+00, v19;
	_ =	sdelay $0x1  }
0x624: {  	[tilespmem:$0x103D0] =	vst v19;
	v19 =	vor.u32 v42, v21  }
0x625: {  	v20 =	vld.idx.msk [tilespmem:v20+s19+$0x0], $0xffff  }
0x626: {  	s30 =	simm.s32 $0x1  }
0x627: {  	v23 =	vor.u32 s30, v44;
	v21 =	vmov s30;
	v22 =	vld.idx.msk [tilespmem:v22+s19+$0x0], $0xffff  }
0x628: {  	v24 =	vand.u32 $0x3F, v21  }
0x629: {  	v29 =	vor.u32 v43, v24;
	v21 =	vld.idx.msk [tilespmem:v19+s17+$0x0], $0xffff  }
0x62a: {  	v20 =	vand.u32 $0x7FFFFFFF, v20  }
0x62b: {  	v27 =	vor.u32 v42, v24;
	v30 =	vmax.f32 v20, $9.999999970e-07  }
0x62c: {  	v23 =	vld.idx.msk [tilespmem:v23+s19+$0x0], $0xffff;
	v25 =	vsub.f32 v22, v30  }
0x62d: {  	s31 =	simm.s32 $0x2;
	v20 =	vld.idx.msk [tilespmem:v19+s18+$0x0], $0xffff  }
0x62e: {  	v26 =	vor.u32 s31, v44;
	v19 =	vld.idx.msk [tilespmem:v29+s19+$0x0], $0xffff;
	v24 =	vadd.f32 v30, v22;
	v29 =	vsub.f32 v25, v21  }
0x62f: {  	v28 =	vimm.f32 $0.0e+00;
	s23 =	simm.s32 $0x3;
	v30 =	vmov s31;
	v22 =	vmov v27  }
.LBB2_62:
0x630: {  	p0 =	sne.s32 s23, $0x3F;
	v30 =	vand.u32 $0x3F, v30;
	v29 =	vmax.f32 v29, $0.0e+00;
	v31 =	vsub.f32 v21, v24;
	v21 =	vld.idx.msk [tilespmem:v27+s17+$0x0], $0xffff  }
0x631: {  	v32 =	vor.u32 v43, v30;
	v28 =	vadd.f32 v29, v28  }
0x632: {  	v29 =	vand.u32 $0x7FFFFFFF, v23;
	v33 =	vsub.f32 v25, v20;
	v31 =	vmax.f32 v31, $0.0e+00  }
.Ltmp30:
0x633: {  	v27 =	vor.u32 v42, v30;
	v29 =	vmax.f32 v29, $9.999999970e-07;
	v23 =	vld.idx.msk [tilespmem:v26+s19+$0x0], $0xffff;
	v28 =	vadd.f32 v28, v31;
	(pc) =	sbr.rel @p0 .LBB2_62-.Ltmp30, $4  }
0x634: {  	v25 =	vsub.f32 v19, v29;
	v30 =	vmax.f32 v33, $0.0e+00;
	v31 =	vsub.f32 v20, v24;
	v20 =	vld.idx.msk [tilespmem:v22+s18+$0x0], $0xffff;
	v22 =	vmovc v27  }
0x635: {  	v26 =	vor.u32 s23, v44;
	v28 =	vadd.f32 v28, v30  }
0x636: {  	v24 =	vadd.f32 v29, v19;
	v29 =	vsub.f32 v25, v21;
	v31 =	vmax.f32 v31, $0.0e+00;
	v19 =	vld.idx.msk [tilespmem:v32+s19+$0x0], $0xffff  }
0x637: {  	v30 =	vmov s23;
	s23 =	sadd.s32 $0x1, s23;
	v28 =	vadd.f32 v28, v31  }
0x638: {  	_ =	sdelay $0x2  }
0x639: {  	v29 =	vmax.f32 v29, $0.0e+00;
	v21 =	vsub.f32 v21, v24  }
0x63a: {  	v30 =	vand.u32 $0x3F, v30;
	v27 =	vld.idx.msk [tilespmem:v27+s17+$0x0], $0xffff;
	v23 =	vand.u32 $0x7FFFFFFF, v23;
	v28 =	vadd.f32 v29, v28  }
0x63b: {  	v31 =	vor.u32 v43, v30;
	v25 =	vsub.f32 v25, v20;
	v21 =	vmax.f32 v21, $0.0e+00  }
0x63c: {  	v29 =	vor.u32 v42, v30;
	v23 =	vmax.f32 v23, $9.999999970e-07;
	v21 =	vadd.f32 v28, v21  }
0x63d: {  	v26 =	vld.idx.msk [tilespmem:v26+s19+$0x0], $0xffff;
	v20 =	vsub.f32 v20, v24;
	v28 =	vsub.f32 v19, v23;
	v25 =	vmax.f32 v25, $0.0e+00  }
0x63e: {  	v22 =	vld.idx.msk [tilespmem:v22+s18+$0x0], $0xffff;
	v21 =	vadd.f32 v21, v25  }
0x63f: {  	v19 =	vadd.f32 v23, v19;
	v20 =	vmax.f32 v20, $0.0e+00;
	v23 =	vsub.f32 v28, v27  }
0x640: {  	v24 =	vld.idx.msk [tilespmem:v31+s19+$0x0], $0xffff;
	v20 =	vadd.f32 v21, v20  }
0x641: {  	v21 =	vmax.f32 v23, $0.0e+00;
	v23 =	vsub.f32 v27, v19  }
0x642: {  	v25 =	vld.idx.msk [tilespmem:v29+s17+$0x0], $0xffff;
	v20 =	vadd.f32 v21, v20  }
0x643: {  	v21 =	vand.u32 $0x7FFFFFFF, v26;
	v23 =	vmax.f32 v23, $0.0e+00;
	v26 =	vsub.f32 v28, v22  }
0x644: {  	v21 =	vmax.f32 v21, $9.999999970e-07;
	v20 =	vadd.f32 v20, v23  }
0x645: {  	v19 =	vsub.f32 v22, v19;
	v23 =	vsub.f32 v24, v21;
	v26 =	vmax.f32 v26, $0.0e+00  }
0x646: {  	v22 =	vld.idx.msk [tilespmem:v29+s18+$0x0], $0xffff;
	v20 =	vadd.f32 v20, v26  }
0x647: {  	v19 =	vmax.f32 v19, $0.0e+00;
	v21 =	vadd.f32 v21, v24;
	v24 =	vsub.f32 v23, v25  }
0x648: {  	v19 =	vadd.f32 v20, v19  }
0x649: {  	v20 =	vmax.f32 v24, $0.0e+00;
	v24 =	vsub.f32 v25, v21  }
0x64a: {  	v19 =	vadd.f32 v20, v19  }
0x64b: {  	v23 =	vsub.f32 v23, v22;
	v20 =	vmax.f32 v24, $0.0e+00  }
0x64c: {  	v19 =	vadd.f32 v19, v20  }
0x64d: {  	v21 =	vsub.f32 v22, v21;
	v20 =	vmax.f32 v23, $0.0e+00  }
0x64e: {  	v19 =	vadd.f32 v19, v20  }
0x64f: {  	s23 =	simm.s32 $0x0;
	v20 =	vmax.f32 v21, $0.0e+00  }
0x650: {  	v21 =	vmov s23;
	v19 =	vadd.f32 v19, v20;
	v20 =	vor.u32 s23, v47  }
0x651: {  	v21 =	vand.u32 $0x3F, v21  }
0x652: {  	v22 =	vor.u32 v46, v21;
	v19 =	vsub.f32 $0.0e+00, v19;
	_ =	sdelay $0x1  }
0x653: {  	[tilespmem:$0x103E0] =	vst v19;
	v19 =	vor.u32 v45, v21  }
0x654: {  	v20 =	vld.idx.msk [tilespmem:v20+s19+$0x0], $0xffff  }
0x655: {  	s30 =	simm.s32 $0x1  }
0x656: {  	v23 =	vor.u32 s30, v47;
	v21 =	vmov s30;
	v22 =	vld.idx.msk [tilespmem:v22+s19+$0x0], $0xffff  }
0x657: {  	v24 =	vand.u32 $0x3F, v21  }
0x658: {  	v29 =	vor.u32 v46, v24;
	v21 =	vld.idx.msk [tilespmem:v19+s17+$0x0], $0xffff  }
0x659: {  	v20 =	vand.u32 $0x7FFFFFFF, v20  }
0x65a: {  	v27 =	vor.u32 v45, v24;
	v30 =	vmax.f32 v20, $9.999999970e-07  }
0x65b: {  	v23 =	vld.idx.msk [tilespmem:v23+s19+$0x0], $0xffff;
	v25 =	vsub.f32 v22, v30  }
0x65c: {  	s31 =	simm.s32 $0x2;
	v20 =	vld.idx.msk [tilespmem:v19+s18+$0x0], $0xffff  }
0x65d: {  	v26 =	vor.u32 s31, v47;
	v19 =	vld.idx.msk [tilespmem:v29+s19+$0x0], $0xffff;
	v24 =	vadd.f32 v30, v22;
	v29 =	vsub.f32 v25, v21  }
0x65e: {  	v28 =	vimm.f32 $0.0e+00;
	s23 =	simm.s32 $0x3;
	v30 =	vmov s31;
	v22 =	vmov v27  }
.LBB2_64:
0x65f: {  	p0 =	sne.s32 s23, $0x3F;
	v30 =	vand.u32 $0x3F, v30;
	v29 =	vmax.f32 v29, $0.0e+00;
	v31 =	vsub.f32 v21, v24;
	v21 =	vld.idx.msk [tilespmem:v27+s17+$0x0], $0xffff  }
0x660: {  	v32 =	vor.u32 v46, v30;
	v28 =	vadd.f32 v29, v28  }
0x661: {  	v29 =	vand.u32 $0x7FFFFFFF, v23;
	v33 =	vsub.f32 v25, v20;
	v31 =	vmax.f32 v31, $0.0e+00  }
.Ltmp31:
0x662: {  	v27 =	vor.u32 v45, v30;
	v29 =	vmax.f32 v29, $9.999999970e-07;
	v23 =	vld.idx.msk [tilespmem:v26+s19+$0x0], $0xffff;
	v28 =	vadd.f32 v28, v31;
	(pc) =	sbr.rel @p0 .LBB2_64-.Ltmp31, $4  }
0x663: {  	v25 =	vsub.f32 v19, v29;
	v30 =	vmax.f32 v33, $0.0e+00;
	v31 =	vsub.f32 v20, v24;
	v20 =	vld.idx.msk [tilespmem:v22+s18+$0x0], $0xffff;
	v22 =	vmovc v27  }
0x664: {  	v26 =	vor.u32 s23, v47;
	v28 =	vadd.f32 v28, v30  }
0x665: {  	v24 =	vadd.f32 v29, v19;
	v29 =	vsub.f32 v25, v21;
	v31 =	vmax.f32 v31, $0.0e+00;
	v19 =	vld.idx.msk [tilespmem:v32+s19+$0x0], $0xffff  }
0x666: {  	v30 =	vmov s23;
	s23 =	sadd.s32 $0x1, s23;
	v28 =	vadd.f32 v28, v31  }
0x667: {  	_ =	sdelay $0x2  }
0x668: {  	v29 =	vmax.f32 v29, $0.0e+00;
	v21 =	vsub.f32 v21, v24  }
0x669: {  	v30 =	vand.u32 $0x3F, v30;
	v27 =	vld.idx.msk [tilespmem:v27+s17+$0x0], $0xffff;
	v23 =	vand.u32 $0x7FFFFFFF, v23;
	v28 =	vadd.f32 v29, v28  }
0x66a: {  	v31 =	vor.u32 v46, v30;
	v25 =	vsub.f32 v25, v20;
	v21 =	vmax.f32 v21, $0.0e+00  }
0x66b: {  	v51 =	vor.u32 v45, v30;
	v23 =	vmax.f32 v23, $9.999999970e-07;
	v21 =	vadd.f32 v28, v21  }
0x66c: {  	v26 =	vld.idx.msk [tilespmem:v26+s19+$0x0], $0xffff;
	v20 =	vsub.f32 v20, v24;
	v52 =	vsub.f32 v19, v23;
	v25 =	vmax.f32 v25, $0.0e+00  }
0x66d: {  	v22 =	vld.idx.msk [tilespmem:v22+s18+$0x0], $0xffff;
	v21 =	vadd.f32 v21, v25  }
0x66e: {  	v19 =	vadd.f32 v23, v19;
	v20 =	vmax.f32 v20, $0.0e+00;
	v53 =	vsub.f32 v52, v27  }
0x66f: {  	v54 =	vld.idx.msk [tilespmem:v31+s19+$0x0], $0xffff;
	v20 =	vadd.f32 v21, v20  }
0x670: {  	v56 =	vsub.f32 v27, v19;
	v55 =	vmax.f32 v53, $0.0e+00  }
0x671: {  	v57 =	vld.idx.msk [tilespmem:v51+s17+$0x0], $0xffff;
	v20 =	vadd.f32 v55, v20  }
0x672: {  	v58 =	vand.u32 $0x7FFFFFFF, v26;
	v59 =	vsub.f32 v52, v22;
	v23 =	vmax.f32 v56, $0.0e+00  }
0x673: {  	v21 =	vmax.f32 v58, $9.999999970e-07;
	v20 =	vadd.f32 v20, v23  }
0x674: {  	v19 =	vsub.f32 v22, v19;
	v26 =	vmax.f32 v59, $0.0e+00;
	v60 =	vsub.f32 v54, v21  }
0x675: {  	v61 =	vld.idx.msk [tilespmem:v51+s18+$0x0], $0xffff;
	v20 =	vadd.f32 v20, v26  }
0x676: {  	v19 =	vmax.f32 v19, $0.0e+00;
	v21 =	vadd.f32 v21, v54;
	v62 =	vsub.f32 v60, v57  }
0x677: {  	v19 =	vadd.f32 v20, v19  }
0x678: {  	v63 =	vsub.f32 v57, v21;
	v20 =	vmax.f32 v62, $0.0e+00  }
0x679: {  	v19 =	vadd.f32 v20, v19  }
0x67a: {  	v23 =	vsub.f32 v60, v61;
	v20 =	vmax.f32 v63, $0.0e+00  }
0x67b: {  	v19 =	vadd.f32 v19, v20  }
0x67c: {  	v21 =	vsub.f32 v61, v21;
	v20 =	vmax.f32 v23, $0.0e+00  }
0x67d: {  	v19 =	vadd.f32 v19, v20  }
0x67e: {  	v20 =	vmax.f32 v21, $0.0e+00  }
0x67f: {  	v19 =	vadd.f32 v19, v20;
	_ =	sdelay $0x1  }
0x680: {  	s22 =	sadd.s32 $0x1, s22;
	v19 =	vsub.f32 $0.0e+00, v19  }
0x681: {  	p0 =	sne.s32 s22, s13  }
.Ltmp32:
0x682: {  	[tilespmem:$0x103F0] =	vst v19;
	(pc) =	sbr.rel @p0 .LBB2_1-.Ltmp32, $4  }
0x683: {  	[hbm4b:s12+s3] =	stream.linear.scatter [tilespmem:s21], [sflag:$0x2], $0x100, $0x38;
	[tilespmem:$0x10400] =	vst v63  }
0x684: {  	_ =	swait.ge [sflag:s14], $0x100  }
0x685: {  	[sflag:s14] =	ssyncset.done $0x0  }
0x686: {  	[sflag:s14] =	ssyncadd.s32 $0xFFFFFF00  }
0x687: {  	_ =	sfence.sel $0x180000  }
0x688: {  	[bflag:$0x0] =	sbarrier.arrive $0xFFFF  }
0x689: {  	p0 =	sne.s32 s2, $0x0;
	_ =	strace $0x90000047  }
0x68a: {  	s0 =	sadd.s32 @!p0 $0x100000, s0;
	[bflag:$0x2] =	sbarrier.arrive $0xFFFF  }
0x68b: {  	[sflag:s0] =	ssyncadd.tile.s32 @!p0 $0x1;
	_ =	shalt  }
.Lfunc_end2:
_tile_overlayer_lowered:
.L_overlay_start_2:
0x68c: {  	(tag) =	ssettag $0x2  }
0x68d: {  	s0 =	rddreg [dreg:$0x0];
	s2 =	stileid.u32  }
0x68e: {  	s1 =	rddreg [dreg:$0x1];
	p0 =	sne.s32 s2, $0x0  }
0x68f: {  	s3 =	rddreg [dreg:$0x2];
	[bflag:$0x3] =	sbarrier.arrive $0xFFFF;
	s2 =	simm.s32 @!p0 $0x1C02  }
0x690: {  	[timem:s3], [sflag:s2] =	dma.local @!p0 [hbm:s0], s1  }
0x691: {  	s0 =	simm.s32 @!p0 $0x2  }
0x692: {  	_ =	swait.ge @!p0 [sflag:s0], s1  }
0x693: {  	s1 =	ssub.s32 @!p0 $0x0, s1;
	[sflag:s0] =	ssyncset.done @!p0 $0x0  }
0x694: {  	[sflag:s0] =	ssyncadd.s32 @!p0 s1  }
0x695: {  	[bflag:$0x3] =	sbarrier.arrive $0xFFFF  }
0x696: {  	_ =	shalt  }

</sc_bundles>
